<compile_context>
chip_gen: v7x
topology: tpu7x:2x2x1
jax: 0.10.2.dev20260603
libtpu: 0.0.44.dev20260713+nightly
codegen_flags: <defaults>
</compile_context>

<pallas_src>
import functools

import jax
import jax.numpy as jnp
from jax import lax
from jax.experimental import pallas as pl
from jax.experimental.pallas import tpu as pltpu
from jax.experimental.pallas import tpu_sc as plsc

N_NODES = 10000
N_EDGES = 320000
IN_FEATS = 128
H_FEATS = 128
NUM_CLASSES = 64

NPAD = 10240
NC = 2
NS = 16
NW = NC * NS
CH = 128
NCH = 79
EPAD = NW * NCH * CH
ROWS_PER_TILE = NPAD // NS
HF = 64
DEG_W = 16

_mesh = plsc.VectorSubcoreMesh(core_axis_name="c", subcore_axis_name="s")
_sc_params = pltpu.CompilerParams(use_tc_tiling_on_sc=False)


def _zero_fill(ref, nrows, width):
    zv = jnp.zeros((16,), jnp.float32)

    def body(i, _):
        for k in range(width // 16):
            ref[i, pl.ds(k * 16, 16)] = zv
        return 0

    lax.fori_loop(0, nrows, body, 0, unroll=False)


def _ones_fill(ref, nrows, width):
    ov = jnp.ones((16,), jnp.float32)

    def body(i, _):
        for k in range(width // 16):
            ref[i, pl.ds(k * 16, 16)] = ov
        return 0

    lax.fori_loop(0, nrows, body, 0, unroll=False)


@functools.partial(
    pl.kernel,
    out_type=(
        jax.ShapeDtypeStruct((NC, NPAD, DEG_W), jnp.float32),
        jax.ShapeDtypeStruct((NC, NPAD, DEG_W), jnp.float32),
    ),
    mesh=_mesh,
    compiler_params=_sc_params,
    scratch_types=[
        pltpu.VMEM((NCH, CH), jnp.int32),
        pltpu.VMEM((NCH, CH), jnp.int32),
        pltpu.VMEM((CH, DEG_W), jnp.float32),
        pltpu.VMEM_SHARED((NPAD, DEG_W), jnp.float32),
        pltpu.VMEM_SHARED((NPAD, DEG_W), jnp.float32),
        pltpu.SemaphoreType.DMA,
        pltpu.SemaphoreType.DMA,
    ],
)
def _deg_kernel(src_hbm, dst_hbm, outs_hbm, outd_hbm, sidx, didx, buf, accs,
                accd, sems, semd):
    c = lax.axis_index("c")
    s = lax.axis_index("s")
    w = s * NC + c
    base = s * ROWS_PER_TILE
    _zero_fill(buf, CH, DEG_W)
    for r in range(ROWS_PER_TILE // CH):
        pltpu.sync_copy(buf, accs.at[pl.ds(base + r * CH, CH)])
        pltpu.sync_copy(buf, accd.at[pl.ds(base + r * CH, CH)])
    _ones_fill(buf, CH, DEG_W)
    plsc.subcore_barrier()

    pltpu.sync_copy(src_hbm.at[w], sidx)
    pltpu.sync_copy(dst_hbm.at[w], didx)

    pltpu.async_copy(buf, accs.at[sidx.at[0]], sems, add=True)
    pltpu.async_copy(buf, accd.at[didx.at[0]], semd, add=True)

    def body(j, _):
        pltpu.make_async_copy(buf, accs.at[sidx.at[j - 1]], sems).wait()
        pltpu.make_async_copy(buf, accd.at[didx.at[j - 1]], semd).wait()
        pltpu.async_copy(buf, accs.at[sidx.at[j]], sems, add=True)
        pltpu.async_copy(buf, accd.at[didx.at[j]], semd, add=True)
        return 0

    lax.fori_loop(1, NCH, body, 0, unroll=False)
    pltpu.make_async_copy(buf, accs.at[sidx.at[NCH - 1]], sems).wait()
    pltpu.make_async_copy(buf, accd.at[didx.at[NCH - 1]], semd).wait()
    plsc.subcore_barrier()

    pltpu.sync_copy(accs.at[pl.ds(base, ROWS_PER_TILE)],
                    outs_hbm.at[c, pl.ds(base, ROWS_PER_TILE)])
    pltpu.sync_copy(accd.at[pl.ds(base, ROWS_PER_TILE)],
                    outd_hbm.at[c, pl.ds(base, ROWS_PER_TILE)])


def _zero_acc(zbuf, acc, base, zsem):
    _zero_fill(zbuf, CH, HF)
    ds = [pltpu.async_copy(zbuf, acc.at[pl.ds(base + r * CH, CH)], zsem)
          for r in range(ROWS_PER_TILE // CH)]
    for d in ds:
        d.wait()


_D = 6
_LOOK = 3


def _ring_loop(h_hbm, acc, sidx, didx, rows, gsems, ssems, nch):
    for k in range(_LOOK):
        pltpu.async_copy(h_hbm.at[sidx.at[k]], rows[k], gsems[k])

    def group(q, _):
        for k in range(_D):
            j = q * _D + k

            @pl.when(j < nch)
            def _():
                pltpu.make_async_copy(h_hbm.at[sidx.at[j]], rows[k],
                                      gsems[k]).wait()
                pltpu.async_copy(rows[k], acc.at[didx.at[j]], ssems[k],
                                 add=True)

                @pl.when(j + _LOOK < nch)
                def _():
                    k2 = (k + _LOOK) % _D

                    @pl.when(j >= _D - _LOOK)
                    def _():
                        pltpu.make_async_copy(rows[k2], acc.at[didx.at[0]],
                                              ssems[k2]).wait()

                    pltpu.async_copy(h_hbm.at[sidx.at[j + _LOOK]], rows[k2],
                                     gsems[k2])
        return 0

    lax.fori_loop(0, (nch + _D - 1) // _D, group, 0, unroll=False)
    for k in range(_D):
        pltpu.make_async_copy(rows[k], acc.at[didx.at[0]], ssems[k]).wait()


_PROP_SCRATCH = (
    [pltpu.VMEM((NCH, CH), jnp.int32), pltpu.VMEM((NCH, CH), jnp.int32)]
    + [pltpu.VMEM((CH, HF), jnp.float32)] * _D
    + [pltpu.VMEM_SHARED((NPAD, HF), jnp.float32)]
    + [pltpu.SemaphoreType.DMA] * (2 * _D)
)


@functools.partial(
    pl.kernel,
    out_type=jax.ShapeDtypeStruct((NC, NPAD, HF), jnp.float32),
    mesh=_mesh,
    compiler_params=_sc_params,
    scratch_types=_PROP_SCRATCH,
)
def _prop(h_hbm, src_hbm, dst_hbm, out_hbm, sidx, didx, *rest):
    rows, acc, gsems, ssems = rest[:_D], rest[_D], rest[_D+1:2*_D+1], rest[2*_D+1:]
    c = lax.axis_index("c")
    s = lax.axis_index("s")
    w = s * NC + c
    base = s * ROWS_PER_TILE

    cs = pltpu.async_copy(src_hbm.at[w], sidx, gsems[1])
    cd = pltpu.async_copy(dst_hbm.at[w], didx, gsems[2])
    _zero_acc(rows[0], acc, base, gsems[0])
    cs.wait()
    cd.wait()
    plsc.subcore_barrier()

    _ring_loop(h_hbm, acc, sidx, didx, rows, gsems, ssems, NCH)
    plsc.subcore_barrier()

    pltpu.sync_copy(acc.at[pl.ds(base, ROWS_PER_TILE)],
                    out_hbm.at[c, pl.ds(base, ROWS_PER_TILE)])


NCH2 = NCH * 2

_PROP2_SCRATCH = (
    [pltpu.VMEM((NCH2, CH), jnp.int32), pltpu.VMEM((NCH2, CH), jnp.int32)]
    + [pltpu.VMEM((CH, HF), jnp.float32)] * _D
    + [pltpu.VMEM_SHARED((NPAD, HF), jnp.float32)]
    + [pltpu.SemaphoreType.DMA] * (2 * _D)
)


@functools.partial(
    pl.kernel,
    out_type=jax.ShapeDtypeStruct((NC, NPAD, HF), jnp.float32),
    mesh=_mesh,
    compiler_params=_sc_params,
    scratch_types=_PROP2_SCRATCH,
)
def _prop_dual(h_hbm, src_hbm, dst_hbm, out_hbm, sidx, didx, *rest):
    rows, acc, gsems, ssems = rest[:_D], rest[_D], rest[_D+1:2*_D+1], rest[2*_D+1:]
    c = lax.axis_index("c")
    s = lax.axis_index("s")
    base = s * ROWS_PER_TILE

    cs = pltpu.async_copy(src_hbm.at[s], sidx, gsems[1])
    cd = pltpu.async_copy(dst_hbm.at[s], didx, gsems[2])
    _zero_acc(rows[0], acc, base, gsems[0])
    cs.wait()
    cd.wait()

    off = jnp.zeros((16,), jnp.int32) + c * NPAD

    def adj_body(r, _):
        for k in range(CH // 16):
            sl = pl.ds(k * 16, 16)
            sidx[r, sl] = sidx[r, sl] + off
        return 0

    lax.fori_loop(0, NCH2, adj_body, 0, unroll=False)
    plsc.subcore_barrier()

    _ring_loop(h_hbm, acc, sidx, didx, rows, gsems, ssems, NCH2)
    plsc.subcore_barrier()

    pltpu.sync_copy(acc.at[pl.ds(base, ROWS_PER_TILE)],
                    out_hbm.at[c, pl.ds(base, ROWS_PER_TILE)])


def _norm_from(deg_ref):
    d = deg_ref[0, :, 0:1] + deg_ref[1, :, 0:1]
    return lax.rsqrt(jnp.maximum(d, 1.0))


def _mm(a, w):
    return jnp.dot(a, w, preferred_element_type=jnp.float32,
                   precision=lax.Precision.HIGHEST)


def _tc_pre_body(x_ref, degs_ref, o_ref):
    h = x_ref[...] * _norm_from(degs_ref)
    o_ref[0] = h[:, :HF]
    o_ref[1] = h[:, HF:]


def _tc_layer1_body(agg_ref, degd_ref, degs_ref, w_ref, b_ref, o_ref):
    nd = _norm_from(degd_ref)
    y = (_mm(agg_ref[0] * nd, w_ref[:HF, :])
         + _mm(agg_ref[1] * nd, w_ref[HF:, :]) + b_ref[...])
    y = jnp.maximum(y, 0.0) * _norm_from(degs_ref)
    o_ref[0] = y[:, :HF]
    o_ref[1] = y[:, HF:]


def _tc_layer2_body(agg_ref, degd_ref, degs_ref, w_ref, b_ref, w3_ref, o_ref):
    nd = _norm_from(degd_ref)
    y = (_mm(agg_ref[0] * nd, w_ref[:HF, :])
         + _mm(agg_ref[1] * nd, w_ref[HF:, :]) + b_ref[...])
    y = jnp.maximum(y, 0.0)
    o_ref[...] = _mm(y, w3_ref[...]) * _norm_from(degs_ref)


def _tc_fin_body(agg_ref, degd_ref, b_ref, o_ref):
    a = agg_ref[0] + agg_ref[1]
    o_ref[...] = a * _norm_from(degd_ref) + b_ref[...]


_R = 1024
_GRID = NPAD // _R


def _deg_spec():
    return pl.BlockSpec((NC, _R, DEG_W), lambda i: (0, i, 0))


def _agg_spec():
    return pl.BlockSpec((NC, _R, HF), lambda i: (0, i, 0))


def _full_spec(r, c):
    return pl.BlockSpec((r, c), lambda i: (0, 0))


def _row_spec(c):
    return pl.BlockSpec((_R, c), lambda i: (i, 0))


_stacked_out = jax.ShapeDtypeStruct((NC, NPAD, HF), jnp.float32)

_RN = 2000
_GRIDN = N_NODES // _RN

_tc_pre = pl.pallas_call(
    _tc_pre_body,
    grid=(_GRIDN,),
    in_specs=[pl.BlockSpec((_RN, IN_FEATS), lambda i: (i, 0)),
              pl.BlockSpec((NC, _RN, DEG_W), lambda i: (0, i, 0))],
    out_specs=pl.BlockSpec((NC, _RN, HF), lambda i: (0, i, 0)),
    out_shape=_stacked_out,
)

_tc_layer1 = pl.pallas_call(
    _tc_layer1_body,
    grid=(_GRID,),
    in_specs=[
        _agg_spec(), _deg_spec(), _deg_spec(),
        _full_spec(IN_FEATS, H_FEATS), _full_spec(1, H_FEATS),
    ],
    out_specs=_agg_spec(),
    out_shape=_stacked_out,
)

_tc_layer2 = pl.pallas_call(
    _tc_layer2_body,
    grid=(_GRID,),
    in_specs=[
        _agg_spec(), _deg_spec(), _deg_spec(),
        _full_spec(H_FEATS, H_FEATS), _full_spec(1, H_FEATS),
        _full_spec(H_FEATS, NUM_CLASSES),
    ],
    out_specs=_row_spec(NUM_CLASSES),
    out_shape=jax.ShapeDtypeStruct((NPAD, NUM_CLASSES), jnp.float32),
)

_tc_fin = pl.pallas_call(
    _tc_fin_body,
    grid=(_GRIDN,),
    in_specs=[
        pl.BlockSpec((NC, _RN, NUM_CLASSES), lambda i: (0, i, 0)),
        pl.BlockSpec((NC, _RN, DEG_W), lambda i: (0, i, 0)),
        _full_spec(1, NUM_CLASSES),
    ],
    out_specs=pl.BlockSpec((_RN, NUM_CLASSES), lambda i: (i, 0)),
    out_shape=jax.ShapeDtypeStruct((N_NODES, NUM_CLASSES), jnp.float32),
)


def kernel(in_feat, edge_index, W1, b1, W2, b2, W3, b3):
    src = edge_index[0].astype(jnp.int32)
    dst = edge_index[1].astype(jnp.int32)
    pad = N_NODES + (jnp.arange(EPAD - N_EDGES, dtype=jnp.int32)
                     % (NPAD - N_NODES))
    srcf = jnp.concatenate([src, pad])
    dstf = jnp.concatenate([dst, pad])
    src32 = srcf.reshape(NW, NCH, CH)
    dst32 = dstf.reshape(NW, NCH, CH)
    src16 = srcf.reshape(NS, NCH2, CH)
    dst16 = dstf.reshape(NS, NCH2, CH)
    degs, degd = _deg_kernel(src32, dst32)

    h0 = _tc_pre(in_feat, degs).reshape(NC * NPAD, HF)
    a1 = _prop_dual(h0, src16, dst16)
    h1 = _tc_layer1(a1, degd, degs, W1, b1.reshape(1, -1)).reshape(NC * NPAD, HF)
    a2 = _prop_dual(h1, src16, dst16)
    t2 = _tc_layer2(a2, degd, degs, W2, b2.reshape(1, -1), W3)
    a3 = _prop(t2, src32, dst32)
    return _tc_fin(a3, degd, b3.reshape(1, -1))

# --- scband reference (transcript-rebuilt; emitter-appended) ---
"""Pipeline reference for scband-gcn-79972291051707 (READ-ONLY COPY).

The authoritative reference and input builder live on the scoring server;
editing this copy changes nothing except your own understanding.
"""

import jax, jax.numpy as jnp
import numpy as np

N_NODES = 10000
N_EDGES = 320000
IN_FEATS = 128
H_FEATS = 128
NUM_CLASSES = 64


def setup_inputs(seed: int = 0) -> dict:
    key = jax.random.key(seed)
    ks = jax.random.split(key, 8)
    x = jax.random.normal(ks[0], (N_NODES, IN_FEATS), dtype=jnp.float32)
    edge_index = jax.random.randint(ks[1], (2, N_EDGES), 0, N_NODES, dtype=jnp.int64)
    # Glorot-ish init for weights (DGL GraphConv uses xavier uniform)
    def glorot(k, fan_in, fan_out):
        lim = np.sqrt(6.0 / (fan_in + fan_out))
        return jax.random.uniform(k, (fan_in, fan_out), dtype=jnp.float32, minval=-lim, maxval=lim)
    W1 = glorot(ks[2], IN_FEATS, H_FEATS)
    b1 = jnp.zeros((H_FEATS,), dtype=jnp.float32)
    W2 = glorot(ks[3], H_FEATS, H_FEATS)
    b2 = jnp.zeros((H_FEATS,), dtype=jnp.float32)
    W3 = glorot(ks[4], H_FEATS, NUM_CLASSES)
    b3 = jnp.zeros((NUM_CLASSES,), dtype=jnp.float32)
    return {"in_feat": x, "edge_index": edge_index, "W1": W1, "b1": b1, "W2": W2, "b2": b2, "W3": W3, "b3": b3}


def _graph_conv(x, src, dst, W, b, n_nodes):
    # DGL GraphConv with norm='both': h = D_in^{-1/2} A D_out^{-1/2} x W + b
    ones = jnp.ones(src.shape[0], dtype=x.dtype)
    deg_out = jax.ops.segment_sum(ones, src, num_segments=n_nodes)
    deg_in = jax.ops.segment_sum(ones, dst, num_segments=n_nodes)
    norm_src = jnp.clip(deg_out, 1.0, None) ** -0.5
    norm_dst = jnp.clip(deg_in, 1.0, None) ** -0.5
    h = x * norm_src[:, None]
    msg = jnp.take(h, src, axis=0)
    agg = jax.ops.segment_sum(msg, dst, num_segments=n_nodes)
    h = agg * norm_dst[:, None]
    return h @ W + b


def reference(in_feat, edge_index, W1, b1, W2, b2, W3, b3):
    src = edge_index[0]
    dst = edge_index[1]
    n = in_feat.shape[0]
    h = _graph_conv(in_feat, src, dst, W1, b1, n)
    h = jax.nn.relu(h)
    # dropout p=0.0 -> identity
    h = _graph_conv(h, src, dst, W2, b2, n)
    h = jax.nn.relu(h)
    h = _graph_conv(h, src, dst, W3, b3, n)
    return h

if __name__ == "__main__":
    import jax
    _d = setup_inputs()
    print(jax.jit(kernel)(*tuple(_d.values())))

</pallas_src>

<mosaic_0001>
#map = affine_map<(d0, d1) -> (0, 0)>
#map1 = affine_map<(d0, d1) -> (0, 0, 0)>
module attributes {stable_mosaic.version = 14 : i64} {
  func.func @_prop_dual(%arg0: i32, %arg1: i32, %arg2: memref<20480x64xf32, #tpu.memory_space<hbm>>, %arg3: memref<16x158x128xi32, #tpu.memory_space<hbm>>, %arg4: memref<16x158x128xi32, #tpu.memory_space<hbm>>, %arg5: memref<2x10240x64xf32, #tpu.memory_space<hbm>>, %arg6: memref<158x128xi32, #tpu.memory_space<vmem>>, %arg7: memref<158x128xi32, #tpu.memory_space<vmem>>, %arg8: memref<128x64xf32, #tpu.memory_space<vmem>>, %arg9: memref<128x64xf32, #tpu.memory_space<vmem>>, %arg10: memref<128x64xf32, #tpu.memory_space<vmem>>, %arg11: memref<128x64xf32, #tpu.memory_space<vmem>>, %arg12: memref<128x64xf32, #tpu.memory_space<vmem>>, %arg13: memref<128x64xf32, #tpu.memory_space<vmem>>, %arg14: memref<10240x64xf32, #tpu.memory_space<vmem_shared>>, %arg15: memref<!tpu.dma_semaphore, #tpu.memory_space<semaphore_mem>>, %arg16: memref<!tpu.dma_semaphore, #tpu.memory_space<semaphore_mem>>, %arg17: memref<!tpu.dma_semaphore, #tpu.memory_space<semaphore_mem>>, %arg18: memref<!tpu.dma_semaphore, #tpu.memory_space<semaphore_mem>>, %arg19: memref<!tpu.dma_semaphore, #tpu.memory_space<semaphore_mem>>, %arg20: memref<!tpu.dma_semaphore, #tpu.memory_space<semaphore_mem>>, %arg21: memref<!tpu.dma_semaphore, #tpu.memory_space<semaphore_mem>>, %arg22: memref<!tpu.dma_semaphore, #tpu.memory_space<semaphore_mem>>, %arg23: memref<!tpu.dma_semaphore, #tpu.memory_space<semaphore_mem>>, %arg24: memref<!tpu.dma_semaphore, #tpu.memory_space<semaphore_mem>>, %arg25: memref<!tpu.dma_semaphore, #tpu.memory_space<semaphore_mem>>, %arg26: memref<!tpu.dma_semaphore, #tpu.memory_space<semaphore_mem>>) attributes {dimension_semantics = [#tpu.dimension_semantics<core_parallel>, #tpu.dimension_semantics<subcore_parallel>], iteration_bounds = array<i64: 2, 16>, scalar_prefetch = 0 : i64, scratch_operands = 21 : i64, tpu.core_type = #tpu.core_type<sc_vector_subcore>, window_params = [{transform_indices = #map}, {transform_indices = #map1}, {transform_indices = #map1}, {transform_indices = #map1}]} {
    %mul3A = arith.constant 640 : i32
    %mul3A_0 = arith.muli %arg1, %mul3A : i32
    %dma_start3A = arith.constant 0 : i32
    %dma_start3A_1 = arith.constant 0 : i32
    %dma_start3A_2 = tpu.memref_slice %arg3[%arg1, %dma_start3A, %dma_start3A_1] : memref<16x158x128xi32, #tpu.memory_space<hbm>> -> memref<1x158x128xi32, #tpu.memory_space<hbm>>
    %dma_start3A_3 = tpu.memref_squeeze %dma_start3A_2 : memref<1x158x128xi32, #tpu.memory_space<hbm>> -> memref<158x128xi32, #tpu.memory_space<hbm>>
    %dma_start3A_4 = arith.constant 0 : i32
    %dma_start3A_5 = arith.constant 0 : i32
    %dma_start3A_6 = tpu.memref_slice %arg3[%arg1, %dma_start3A_4, %dma_start3A_5] : memref<16x158x128xi32, #tpu.memory_space<hbm>> -> memref<1x158x128xi32, #tpu.memory_space<hbm>>
    %dma_start3A_7 = tpu.memref_squeeze %dma_start3A_6 : memref<1x158x128xi32, #tpu.memory_space<hbm>> -> memref<158x128xi32, #tpu.memory_space<hbm>>
    tpu.enqueue_dma source(%dma_start3A_7 : memref<158x128xi32, #tpu.memory_space<hbm>>) target(%arg6 : memref<158x128xi32, #tpu.memory_space<vmem>>) target_semaphore(%arg16 : memref<!tpu.dma_semaphore, #tpu.memory_space<semaphore_mem>>)
    %dma_start3A_8 = arith.constant 0 : i32
    %dma_start3A_9 = arith.constant 0 : i32
    %dma_start3A_10 = tpu.memref_slice %arg4[%arg1, %dma_start3A_8, %dma_start3A_9] : memref<16x158x128xi32, #tpu.memory_space<hbm>> -> memref<1x158x128xi32, #tpu.memory_space<hbm>>
    %dma_start3A_11 = tpu.memref_squeeze %dma_start3A_10 : memref<1x158x128xi32, #tpu.memory_space<hbm>> -> memref<158x128xi32, #tpu.memory_space<hbm>>
    %dma_start3A_12 = arith.constant 0 : i32
    %dma_start3A_13 = arith.constant 0 : i32
    %dma_start3A_14 = tpu.memref_slice %arg4[%arg1, %dma_start3A_12, %dma_start3A_13] : memref<16x158x128xi32, #tpu.memory_space<hbm>> -> memref<1x158x128xi32, #tpu.memory_space<hbm>>
    %dma_start3A_15 = tpu.memref_squeeze %dma_start3A_14 : memref<1x158x128xi32, #tpu.memory_space<hbm>> -> memref<158x128xi32, #tpu.memory_space<hbm>>
    tpu.enqueue_dma source(%dma_start3A_15 : memref<158x128xi32, #tpu.memory_space<hbm>>) target(%arg7 : memref<158x128xi32, #tpu.memory_space<vmem>>) target_semaphore(%arg17 : memref<!tpu.dma_semaphore, #tpu.memory_space<semaphore_mem>>)
    %broadcast_in_dim3A = arith.constant 0.000000e+00 : f32
    %broadcast_in_dim3A_16 = vector.broadcast %broadcast_in_dim3A : f32 to vector<16xf32>
    %scan3A = arith.constant 0 : i32
    %scan3A_17 = arith.constant 0 : i32
    %scan3A_18 = arith.constant 128 : i32
    %scan3A_19 = arith.addi %scan3A_17, %scan3A_18 : i32
    %scan3A_20 = arith.constant 1 : i32
    %scan3A_21 = scf.for %scan3A_171 = %scan3A_17 to %scan3A_19 step %scan3A_20 iter_args(%scan3A_172 = %scan3A) -> (i32)  : i32 {
      %swap3A = arith.index_cast %scan3A_171 : i32 to index
      %swap3A_173 = arith.constant 0 : index
      %swap3A_174 = tpu.vector_load %arg8[%swap3A, %swap3A_173] {strides = array<i32>} : memref<128x64xf32, #tpu.memory_space<vmem>>, vector<1x16xf32>,
      %swap3A_175 = vector.shape_cast %swap3A_174 : vector<1x16xf32> to vector<16xf32>
      %swap3A_176 = vector.shape_cast %broadcast_in_dim3A_16 : vector<16xf32> to vector<1x16xf32>
      tpu.vector_store %arg8[%swap3A, %swap3A_173], %swap3A_176 {strides = array<i32>} : memref<128x64xf32, #tpu.memory_space<vmem>>, vector<1x16xf32>,
      %swap3A_177 = arith.index_cast %scan3A_171 : i32 to index
      %swap3A_178 = arith.constant 16 : index
      %swap3A_179 = tpu.vector_load %arg8[%swap3A_177, %swap3A_178] {strides = array<i32>} : memref<128x64xf32, #tpu.memory_space<vmem>>, vector<1x16xf32>,
      %swap3A_180 = vector.shape_cast %swap3A_179 : vector<1x16xf32> to vector<16xf32>
      %swap3A_181 = vector.shape_cast %broadcast_in_dim3A_16 : vector<16xf32> to vector<1x16xf32>
      tpu.vector_store %arg8[%swap3A_177, %swap3A_178], %swap3A_181 {strides = array<i32>} : memref<128x64xf32, #tpu.memory_space<vmem>>, vector<1x16xf32>,
      %swap3A_182 = arith.index_cast %scan3A_171 : i32 to index
      %swap3A_183 = arith.constant 32 : index
      %swap3A_184 = tpu.vector_load %arg8[%swap3A_182, %swap3A_183] {strides = array<i32>} : memref<128x64xf32, #tpu.memory_space<vmem>>, vector<1x16xf32>,
      %swap3A_185 = vector.shape_cast %swap3A_184 : vector<1x16xf32> to vector<16xf32>
      %swap3A_186 = vector.shape_cast %broadcast_in_dim3A_16 : vector<16xf32> to vector<1x16xf32>
      tpu.vector_store %arg8[%swap3A_182, %swap3A_183], %swap3A_186 {strides = array<i32>} : memref<128x64xf32, #tpu.memory_space<vmem>>, vector<1x16xf32>,
      %swap3A_187 = arith.index_cast %scan3A_171 : i32 to index
      %swap3A_188 = arith.constant 48 : index
      %swap3A_189 = tpu.vector_load %arg8[%swap3A_187, %swap3A_188] {strides = array<i32>} : memref<128x64xf32, #tpu.memory_space<vmem>>, vector<1x16xf32>,
      %swap3A_190 = vector.shape_cast %swap3A_189 : vector<1x16xf32> to vector<16xf32>
      %swap3A_191 = vector.shape_cast %broadcast_in_dim3A_16 : vector<16xf32> to vector<1x16xf32>
      tpu.vector_store %arg8[%swap3A_187, %swap3A_188], %swap3A_191 {strides = array<i32>} : memref<128x64xf32, #tpu.memory_space<vmem>>, vector<1x16xf32>,
      %scan3A_192 = arith.constant 0 : i32
      scf.yield %scan3A_192 : i32
    }
    %scan3A_22 = arith.constant 128 : i32
    %add3A = arith.constant 0 : i32
    %add3A_23 = arith.addi %mul3A_0, %add3A : i32
    %dma_start3A_24 = arith.constant 0 : i32
    %dma_start3A_25 = tpu.memref_slice %arg14[%add3A_23, %dma_start3A_24] : memref<10240x64xf32, #tpu.memory_space<vmem_shared>> -> memref<128x64xf32, #tpu.memory_space<vmem_shared>>
    %dma_start3A_26 = arith.constant 0 : i32
    %dma_start3A_27 = tpu.memref_slice %arg14[%add3A_23, %dma_start3A_26] : memref<10240x64xf32, #tpu.memory_space<vmem_shared>> -> memref<128x64xf32, #tpu.memory_space<vmem_shared>>
    tpu.enqueue_dma source(%arg8 : memref<128x64xf32, #tpu.memory_space<vmem>>) target(%dma_start3A_27 : memref<128x64xf32, #tpu.memory_space<vmem_shared>>) target_semaphore(%arg15 : memref<!tpu.dma_semaphore, #tpu.memory_space<semaphore_mem>>)
    %add3A_28 = arith.constant 128 : i32
    %add3A_29 = arith.addi %mul3A_0, %add3A_28 : i32
    %dma_start3A_30 = arith.constant 0 : i32
    %dma_start3A_31 = tpu.memref_slice %arg14[%add3A_29, %dma_start3A_30] : memref<10240x64xf32, #tpu.memory_space<vmem_shared>> -> memref<128x64xf32, #tpu.memory_space<vmem_shared>>
    %dma_start3A_32 = arith.constant 0 : i32
    %dma_start3A_33 = tpu.memref_slice %arg14[%add3A_29, %dma_start3A_32] : memref<10240x64xf32, #tpu.memory_space<vmem_shared>> -> memref<128x64xf32, #tpu.memory_space<vmem_shared>>
    tpu.enqueue_dma source(%arg8 : memref<128x64xf32, #tpu.memory_space<vmem>>) target(%dma_start3A_33 : memref<128x64xf32, #tpu.memory_space<vmem_shared>>) target_semaphore(%arg15 : memref<!tpu.dma_semaphore, #tpu.memory_space<semaphore_mem>>)
    %add3A_34 = arith.constant 256 : i32
    %add3A_35 = arith.addi %mul3A_0, %add3A_34 : i32
    %dma_start3A_36 = arith.constant 0 : i32
    %dma_start3A_37 = tpu.memref_slice %arg14[%add3A_35, %dma_start3A_36] : memref<10240x64xf32, #tpu.memory_space<vmem_shared>> -> memref<128x64xf32, #tpu.memory_space<vmem_shared>>
    %dma_start3A_38 = arith.constant 0 : i32
    %dma_start3A_39 = tpu.memref_slice %arg14[%add3A_35, %dma_start3A_38] : memref<10240x64xf32, #tpu.memory_space<vmem_shared>> -> memref<128x64xf32, #tpu.memory_space<vmem_shared>>
    tpu.enqueue_dma source(%arg8 : memref<128x64xf32, #tpu.memory_space<vmem>>) target(%dma_start3A_39 : memref<128x64xf32, #tpu.memory_space<vmem_shared>>) target_semaphore(%arg15 : memref<!tpu.dma_semaphore, #tpu.memory_space<semaphore_mem>>)
    %add3A_40 = arith.constant 384 : i32
    %add3A_41 = arith.addi %mul3A_0, %add3A_40 : i32
    %dma_start3A_42 = arith.constant 0 : i32
    %dma_start3A_43 = tpu.memref_slice %arg14[%add3A_41, %dma_start3A_42] : memref<10240x64xf32, #tpu.memory_space<vmem_shared>> -> memref<128x64xf32, #tpu.memory_space<vmem_shared>>
    %dma_start3A_44 = arith.constant 0 : i32
    %dma_start3A_45 = tpu.memref_slice %arg14[%add3A_41, %dma_start3A_44] : memref<10240x64xf32, #tpu.memory_space<vmem_shared>> -> memref<128x64xf32, #tpu.memory_space<vmem_shared>>
    tpu.enqueue_dma source(%arg8 : memref<128x64xf32, #tpu.memory_space<vmem>>) target(%dma_start3A_45 : memref<128x64xf32, #tpu.memory_space<vmem_shared>>) target_semaphore(%arg15 : memref<!tpu.dma_semaphore, #tpu.memory_space<semaphore_mem>>)
    %add3A_46 = arith.constant 512 : i32
    %add3A_47 = arith.addi %mul3A_0, %add3A_46 : i32
    %dma_start3A_48 = arith.constant 0 : i32
    %dma_start3A_49 = tpu.memref_slice %arg14[%add3A_47, %dma_start3A_48] : memref<10240x64xf32, #tpu.memory_space<vmem_shared>> -> memref<128x64xf32, #tpu.memory_space<vmem_shared>>
    %dma_start3A_50 = arith.constant 0 : i32
    %dma_start3A_51 = tpu.memref_slice %arg14[%add3A_47, %dma_start3A_50] : memref<10240x64xf32, #tpu.memory_space<vmem_shared>> -> memref<128x64xf32, #tpu.memory_space<vmem_shared>>
    tpu.enqueue_dma source(%arg8 : memref<128x64xf32, #tpu.memory_space<vmem>>) target(%dma_start3A_51 : memref<128x64xf32, #tpu.memory_space<vmem_shared>>) target_semaphore(%arg15 : memref<!tpu.dma_semaphore, #tpu.memory_space<semaphore_mem>>)
    %dma_wait3A = arith.constant 0 : i32
    %dma_wait3A_52 = tpu.memref_slice %arg14[%add3A_23, %dma_wait3A] : memref<10240x64xf32, #tpu.memory_space<vmem_shared>> -> memref<128x64xf32, #tpu.memory_space<vmem_shared>>
    %dma_wait3A_53 = arith.constant 0 : i32
    %dma_wait3A_54 = tpu.memref_slice %arg14[%add3A_23, %dma_wait3A_53] : memref<10240x64xf32, #tpu.memory_space<vmem_shared>> -> memref<128x64xf32, #tpu.memory_space<vmem_shared>>
    tpu.wait_dma2 semaphore(%arg15 : memref<!tpu.dma_semaphore, #tpu.memory_space<semaphore_mem>>) src(%arg8 : memref<128x64xf32, #tpu.memory_space<vmem>>) dst(%dma_wait3A_54 : memref<128x64xf32, #tpu.memory_space<vmem_shared>>)
    %dma_wait3A_55 = arith.constant 0 : i32
    %dma_wait3A_56 = tpu.memref_slice %arg14[%add3A_29, %dma_wait3A_55] : memref<10240x64xf32, #tpu.memory_space<vmem_shared>> -> memref<128x64xf32, #tpu.memory_space<vmem_shared>>
    %dma_wait3A_57 = arith.constant 0 : i32
    %dma_wait3A_58 = tpu.memref_slice %arg14[%add3A_29, %dma_wait3A_57] : memref<10240x64xf32, #tpu.memory_space<vmem_shared>> -> memref<128x64xf32, #tpu.memory_space<vmem_shared>>
    tpu.wait_dma2 semaphore(%arg15 : memref<!tpu.dma_semaphore, #tpu.memory_space<semaphore_mem>>) src(%arg8 : memref<128x64xf32, #tpu.memory_space<vmem>>) dst(%dma_wait3A_58 : memref<128x64xf32, #tpu.memory_space<vmem_shared>>)
    %dma_wait3A_59 = arith.constant 0 : i32
    %dma_wait3A_60 = tpu.memref_slice %arg14[%add3A_35, %dma_wait3A_59] : memref<10240x64xf32, #tpu.memory_space<vmem_shared>> -> memref<128x64xf32, #tpu.memory_space<vmem_shared>>
    %dma_wait3A_61 = arith.constant 0 : i32
    %dma_wait3A_62 = tpu.memref_slice %arg14[%add3A_35, %dma_wait3A_61] : memref<10240x64xf32, #tpu.memory_space<vmem_shared>> -> memref<128x64xf32, #tpu.memory_space<vmem_shared>>
    tpu.wait_dma2 semaphore(%arg15 : memref<!tpu.dma_semaphore, #tpu.memory_space<semaphore_mem>>) src(%arg8 : memref<128x64xf32, #tpu.memory_space<vmem>>) dst(%dma_wait3A_62 : memref<128x64xf32, #tpu.memory_space<vmem_shared>>)
    %dma_wait3A_63 = arith.constant 0 : i32
    %dma_wait3A_64 = tpu.memref_slice %arg14[%add3A_41, %dma_wait3A_63] : memref<10240x64xf32, #tpu.memory_space<vmem_shared>> -> memref<128x64xf32, #tpu.memory_space<vmem_shared>>
    %dma_wait3A_65 = arith.constant 0 : i32
    %dma_wait3A_66 = tpu.memref_slice %arg14[%add3A_41, %dma_wait3A_65] : memref<10240x64xf32, #tpu.memory_space<vmem_shared>> -> memref<128x64xf32, #tpu.memory_space<vmem_shared>>
    tpu.wait_dma2 semaphore(%arg15 : memref<!tpu.dma_semaphore, #tpu.memory_space<semaphore_mem>>) src(%arg8 : memref<128x64xf32, #tpu.memory_space<vmem>>) dst(%dma_wait3A_66 : memref<128x64xf32, #tpu.memory_space<vmem_shared>>)
    %dma_wait3A_67 = arith.constant 0 : i32
    %dma_wait3A_68 = tpu.memref_slice %arg14[%add3A_47, %dma_wait3A_67] : memref<10240x64xf32, #tpu.memory_space<vmem_shared>> -> memref<128x64xf32, #tpu.memory_space<vmem_shared>>
    %dma_wait3A_69 = arith.constant 0 : i32
    %dma_wait3A_70 = tpu.memref_slice %arg14[%add3A_47, %dma_wait3A_69] : memref<10240x64xf32, #tpu.memory_space<vmem_shared>> -> memref<128x64xf32, #tpu.memory_space<vmem_shared>>
    tpu.wait_dma2 semaphore(%arg15 : memref<!tpu.dma_semaphore, #tpu.memory_space<semaphore_mem>>) src(%arg8 : memref<128x64xf32, #tpu.memory_space<vmem>>) dst(%dma_wait3A_70 : memref<128x64xf32, #tpu.memory_space<vmem_shared>>)
    %dma_wait3A_71 = arith.constant 0 : i32
    %dma_wait3A_72 = arith.constant 0 : i32
    %dma_wait3A_73 = tpu.memref_slice %arg3[%arg1, %dma_wait3A_71, %dma_wait3A_72] : memref<16x158x128xi32, #tpu.memory_space<hbm>> -> memref<1x158x128xi32, #tpu.memory_space<hbm>>
    %dma_wait3A_74 = tpu.memref_squeeze %dma_wait3A_73 : memref<1x158x128xi32, #tpu.memory_space<hbm>> -> memref<158x128xi32, #tpu.memory_space<hbm>>
    %dma_wait3A_75 = arith.constant 0 : i32
    %dma_wait3A_76 = arith.constant 0 : i32
    %dma_wait3A_77 = tpu.memref_slice %arg3[%arg1, %dma_wait3A_75, %dma_wait3A_76] : memref<16x158x128xi32, #tpu.memory_space<hbm>> -> memref<1x158x128xi32, #tpu.memory_space<hbm>>
    %dma_wait3A_78 = tpu.memref_squeeze %dma_wait3A_77 : memref<1x158x128xi32, #tpu.memory_space<hbm>> -> memref<158x128xi32, #tpu.memory_space<hbm>>
    tpu.wait_dma2 semaphore(%arg16 : memref<!tpu.dma_semaphore, #tpu.memory_space<semaphore_mem>>) src(%dma_wait3A_78 : memref<158x128xi32, #tpu.memory_space<hbm>>) dst(%arg6 : memref<158x128xi32, #tpu.memory_space<vmem>>)
    %dma_wait3A_79 = arith.constant 0 : i32
    %dma_wait3A_80 = arith.constant 0 : i32
    %dma_wait3A_81 = tpu.memref_slice %arg4[%arg1, %dma_wait3A_79, %dma_wait3A_80] : memref<16x158x128xi32, #tpu.memory_space<hbm>> -> memref<1x158x128xi32, #tpu.memory_space<hbm>>
    %dma_wait3A_82 = tpu.memref_squeeze %dma_wait3A_81 : memref<1x158x128xi32, #tpu.memory_space<hbm>> -> memref<158x128xi32, #tpu.memory_space<hbm>>
    %dma_wait3A_83 = arith.constant 0 : i32
    %dma_wait3A_84 = arith.constant 0 : i32
    %dma_wait3A_85 = tpu.memref_slice %arg4[%arg1, %dma_wait3A_83, %dma_wait3A_84] : memref<16x158x128xi32, #tpu.memory_space<hbm>> -> memref<1x158x128xi32, #tpu.memory_space<hbm>>
    %dma_wait3A_86 = tpu.memref_squeeze %dma_wait3A_85 : memref<1x158x128xi32, #tpu.memory_space<hbm>> -> memref<158x128xi32, #tpu.memory_space<hbm>>
    tpu.wait_dma2 semaphore(%arg17 : memref<!tpu.dma_semaphore, #tpu.memory_space<semaphore_mem>>) src(%dma_wait3A_86 : memref<158x128xi32, #tpu.memory_space<hbm>>) dst(%arg7 : memref<158x128xi32, #tpu.memory_space<vmem>>)
    %broadcast_in_dim3A_87 = arith.constant 0 : i32
    %broadcast_in_dim3A_88 = vector.broadcast %broadcast_in_dim3A_87 : i32 to vector<16xi32>
    %mul3A_89 = arith.constant 10240 : i32
    %mul3A_90 = arith.muli %arg0, %mul3A_89 : i32
    %add3A_91 = vector.broadcast %mul3A_90 : i32 to vector<16xi32>
    %add3A_92 = arith.addi %broadcast_in_dim3A_88, %add3A_91 : vector<16xi32>
    %scan3A_93 = arith.constant 0 : i32
    %scan3A_94 = arith.constant 0 : i32
    %scan3A_95 = arith.constant 158 : i32
    %scan3A_96 = arith.addi %scan3A_94, %scan3A_95 : i32
    %scan3A_97 = arith.constant 1 : i32
    %scan3A_98 = scf.for %scan3A_171 = %scan3A_94 to %scan3A_96 step %scan3A_97 iter_args(%scan3A_172 = %scan3A_93) -> (i32)  : i32 {
      %get3A = arith.index_cast %scan3A_171 : i32 to index
      %get3A_173 = arith.constant 0 : index
      %get3A_174 = tpu.vector_load %arg6[%get3A, %get3A_173] {strides = array<i32>} : memref<158x128xi32, #tpu.memory_space<vmem>>, vector<1x16xi32>,
      %get3A_175 = vector.shape_cast %get3A_174 : vector<1x16xi32> to vector<16xi32>
      %add3A_176 = arith.addi %get3A_175, %add3A_92 : vector<16xi32>
      %swap3A = arith.index_cast %scan3A_171 : i32 to index
      %swap3A_177 = arith.constant 0 : index
      %swap3A_178 = tpu.vector_load %arg6[%swap3A, %swap3A_177] {strides = array<i32>} : memref<158x128xi32, #tpu.memory_space<vmem>>, vector<1x16xi32>,
      %swap3A_179 = vector.shape_cast %swap3A_178 : vector<1x16xi32> to vector<16xi32>
      %swap3A_180 = vector.shape_cast %add3A_176 : vector<16xi32> to vector<1x16xi32>
      tpu.vector_store %arg6[%swap3A, %swap3A_177], %swap3A_180 {strides = array<i32>} : memref<158x128xi32, #tpu.memory_space<vmem>>, vector<1x16xi32>,
      %get3A_181 = arith.index_cast %scan3A_171 : i32 to index
      %get3A_182 = arith.constant 16 : index
      %get3A_183 = tpu.vector_load %arg6[%get3A_181, %get3A_182] {strides = array<i32>} : memref<158x128xi32, #tpu.memory_space<vmem>>, vector<1x16xi32>,
      %get3A_184 = vector.shape_cast %get3A_183 : vector<1x16xi32> to vector<16xi32>
      %add3A_185 = arith.addi %get3A_184, %add3A_92 : vector<16xi32>
      %swap3A_186 = arith.index_cast %scan3A_171 : i32 to index
      %swap3A_187 = arith.constant 16 : index
      %swap3A_188 = tpu.vector_load %arg6[%swap3A_186, %swap3A_187] {strides = array<i32>} : memref<158x128xi32, #tpu.memory_space<vmem>>, vector<1x16xi32>,
      %swap3A_189 = vector.shape_cast %swap3A_188 : vector<1x16xi32> to vector<16xi32>
      %swap3A_190 = vector.shape_cast %add3A_185 : vector<16xi32> to vector<1x16xi32>
      tpu.vector_store %arg6[%swap3A_186, %swap3A_187], %swap3A_190 {strides = array<i32>} : memref<158x128xi32, #tpu.memory_space<vmem>>, vector<1x16xi32>,
      %get3A_191 = arith.index_cast %scan3A_171 : i32 to index
      %get3A_192 = arith.constant 32 : index
      %get3A_193 = tpu.vector_load %arg6[%get3A_191, %get3A_192] {strides = array<i32>} : memref<158x128xi32, #tpu.memory_space<vmem>>, vector<1x16xi32>,
      %get3A_194 = vector.shape_cast %get3A_193 : vector<1x16xi32> to vector<16xi32>
      %add3A_195 = arith.addi %get3A_194, %add3A_92 : vector<16xi32>
      %swap3A_196 = arith.index_cast %scan3A_171 : i32 to index
      %swap3A_197 = arith.constant 32 : index
      %swap3A_198 = tpu.vector_load %arg6[%swap3A_196, %swap3A_197] {strides = array<i32>} : memref<158x128xi32, #tpu.memory_space<vmem>>, vector<1x16xi32>,
      %swap3A_199 = vector.shape_cast %swap3A_198 : vector<1x16xi32> to vector<16xi32>
      %swap3A_200 = vector.shape_cast %add3A_195 : vector<16xi32> to vector<1x16xi32>
      tpu.vector_store %arg6[%swap3A_196, %swap3A_197], %swap3A_200 {strides = array<i32>} : memref<158x128xi32, #tpu.memory_space<vmem>>, vector<1x16xi32>,
      %get3A_201 = arith.index_cast %scan3A_171 : i32 to index
      %get3A_202 = arith.constant 48 : index
      %get3A_203 = tpu.vector_load %arg6[%get3A_201, %get3A_202] {strides = array<i32>} : memref<158x128xi32, #tpu.memory_space<vmem>>, vector<1x16xi32>,
      %get3A_204 = vector.shape_cast %get3A_203 : vector<1x16xi32> to vector<16xi32>
      %add3A_205 = arith.addi %get3A_204, %add3A_92 : vector<16xi32>
      %swap3A_206 = arith.index_cast %scan3A_171 : i32 to index
      %swap3A_207 = arith.constant 48 : index
      %swap3A_208 = tpu.vector_load %arg6[%swap3A_206, %swap3A_207] {strides = array<i32>} : memref<158x128xi32, #tpu.memory_space<vmem>>, vector<1x16xi32>,
      %swap3A_209 = vector.shape_cast %swap3A_208 : vector<1x16xi32> to vector<16xi32>
      %swap3A_210 = vector.shape_cast %add3A_205 : vector<16xi32> to vector<1x16xi32>
      tpu.vector_store %arg6[%swap3A_206, %swap3A_207], %swap3A_210 {strides = array<i32>} : memref<158x128xi32, #tpu.memory_space<vmem>>, vector<1x16xi32>,
      %get3A_211 = arith.index_cast %scan3A_171 : i32 to index
      %get3A_212 = arith.constant 64 : index
      %get3A_213 = tpu.vector_load %arg6[%get3A_211, %get3A_212] {strides = array<i32>} : memref<158x128xi32, #tpu.memory_space<vmem>>, vector<1x16xi32>,
      %get3A_214 = vector.shape_cast %get3A_213 : vector<1x16xi32> to vector<16xi32>
      %add3A_215 = arith.addi %get3A_214, %add3A_92 : vector<16xi32>
      %swap3A_216 = arith.index_cast %scan3A_171 : i32 to index
      %swap3A_217 = arith.constant 64 : index
      %swap3A_218 = tpu.vector_load %arg6[%swap3A_216, %swap3A_217] {strides = array<i32>} : memref<158x128xi32, #tpu.memory_space<vmem>>, vector<1x16xi32>,
      %swap3A_219 = vector.shape_cast %swap3A_218 : vector<1x16xi32> to vector<16xi32>
      %swap3A_220 = vector.shape_cast %add3A_215 : vector<16xi32> to vector<1x16xi32>
      tpu.vector_store %arg6[%swap3A_216, %swap3A_217], %swap3A_220 {strides = array<i32>} : memref<158x128xi32, #tpu.memory_space<vmem>>, vector<1x16xi32>,
      %get3A_221 = arith.index_cast %scan3A_171 : i32 to index
      %get3A_222 = arith.constant 80 : index
      %get3A_223 = tpu.vector_load %arg6[%get3A_221, %get3A_222] {strides = array<i32>} : memref<158x128xi32, #tpu.memory_space<vmem>>, vector<1x16xi32>,
      %get3A_224 = vector.shape_cast %get3A_223 : vector<1x16xi32> to vector<16xi32>
      %add3A_225 = arith.addi %get3A_224, %add3A_92 : vector<16xi32>
      %swap3A_226 = arith.index_cast %scan3A_171 : i32 to index
      %swap3A_227 = arith.constant 80 : index
      %swap3A_228 = tpu.vector_load %arg6[%swap3A_226, %swap3A_227] {strides = array<i32>} : memref<158x128xi32, #tpu.memory_space<vmem>>, vector<1x16xi32>,
      %swap3A_229 = vector.shape_cast %swap3A_228 : vector<1x16xi32> to vector<16xi32>
      %swap3A_230 = vector.shape_cast %add3A_225 : vector<16xi32> to vector<1x16xi32>
      tpu.vector_store %arg6[%swap3A_226, %swap3A_227], %swap3A_230 {strides = array<i32>} : memref<158x128xi32, #tpu.memory_space<vmem>>, vector<1x16xi32>,
      %get3A_231 = arith.index_cast %scan3A_171 : i32 to index
      %get3A_232 = arith.constant 96 : index
      %get3A_233 = tpu.vector_load %arg6[%get3A_231, %get3A_232] {strides = array<i32>} : memref<158x128xi32, #tpu.memory_space<vmem>>, vector<1x16xi32>,
      %get3A_234 = vector.shape_cast %get3A_233 : vector<1x16xi32> to vector<16xi32>
      %add3A_235 = arith.addi %get3A_234, %add3A_92 : vector<16xi32>
      %swap3A_236 = arith.index_cast %scan3A_171 : i32 to index
      %swap3A_237 = arith.constant 96 : index
      %swap3A_238 = tpu.vector_load %arg6[%swap3A_236, %swap3A_237] {strides = array<i32>} : memref<158x128xi32, #tpu.memory_space<vmem>>, vector<1x16xi32>,
      %swap3A_239 = vector.shape_cast %swap3A_238 : vector<1x16xi32> to vector<16xi32>
      %swap3A_240 = vector.shape_cast %add3A_235 : vector<16xi32> to vector<1x16xi32>
      tpu.vector_store %arg6[%swap3A_236, %swap3A_237], %swap3A_240 {strides = array<i32>} : memref<158x128xi32, #tpu.memory_space<vmem>>, vector<1x16xi32>,
      %get3A_241 = arith.index_cast %scan3A_171 : i32 to index
      %get3A_242 = arith.constant 112 : index
      %get3A_243 = tpu.vector_load %arg6[%get3A_241, %get3A_242] {strides = array<i32>} : memref<158x128xi32, #tpu.memory_space<vmem>>, vector<1x16xi32>,
      %get3A_244 = vector.shape_cast %get3A_243 : vector<1x16xi32> to vector<16xi32>
      %add3A_245 = arith.addi %get3A_244, %add3A_92 : vector<16xi32>
      %swap3A_246 = arith.index_cast %scan3A_171 : i32 to index
      %swap3A_247 = arith.constant 112 : index
      %swap3A_248 = tpu.vector_load %arg6[%swap3A_246, %swap3A_247] {strides = array<i32>} : memref<158x128xi32, #tpu.memory_space<vmem>>, vector<1x16xi32>,
      %swap3A_249 = vector.shape_cast %swap3A_248 : vector<1x16xi32> to vector<16xi32>
      %swap3A_250 = vector.shape_cast %add3A_245 : vector<16xi32> to vector<1x16xi32>
      tpu.vector_store %arg6[%swap3A_246, %swap3A_247], %swap3A_250 {strides = array<i32>} : memref<158x128xi32, #tpu.memory_space<vmem>>, vector<1x16xi32>,
      %scan3A_251 = arith.constant 0 : i32
      scf.yield %scan3A_251 : i32
    }
    %scan3A_99 = arith.constant 158 : i32
    %barrier3A = arith.constant 0 : index
    tpu.barrier barrier_id(%barrier3A)
    %dma_start3A_100 = arith.constant 0 : i32
    %dma_start3A_101 = arith.constant 0 : i32
    %dma_start3A_102 = tpu.memref_slice %arg6[%dma_start3A_100, %dma_start3A_101] : memref<158x128xi32, #tpu.memory_space<vmem>> -> memref<1x128xi32, #tpu.memory_space<vmem>>
    %dma_start3A_103 = tpu.memref_squeeze %dma_start3A_102 : memref<1x128xi32, #tpu.memory_space<vmem>> -> memref<128xi32, #tpu.memory_space<vmem>>
    %dma_start3A_104 = arith.constant 0 : i32
    %dma_start3A_105 = arith.constant 0 : i32
    %dma_start3A_106 = tpu.memref_slice %arg2[%dma_start3A_104, %dma_start3A_105] : memref<20480x64xf32, #tpu.memory_space<hbm>> -> memref<20480x64xf32, #tpu.memory_space<hbm>>
    tpu.enqueue_indirect_dma source(%dma_start3A_106 : memref<20480x64xf32, #tpu.memory_space<hbm>>) target(%arg8 : memref<128x64xf32, #tpu.memory_space<vmem>>) offsets(%dma_start3A_103 : memref<128xi32, #tpu.memory_space<vmem>>) semaphore(%arg15 : memref<!tpu.dma_semaphore, #tpu.memory_space<semaphore_mem>>)
    %dma_start3A_107 = arith.constant 1 : i32
    %dma_start3A_108 = arith.constant 0 : i32
    %dma_start3A_109 = tpu.memref_slice %arg6[%dma_start3A_107, %dma_start3A_108] : memref<158x128xi32, #tpu.memory_space<vmem>> -> memref<1x128xi32, #tpu.memory_space<vmem>>
    %dma_start3A_110 = tpu.memref_squeeze %dma_start3A_109 : memref<1x128xi32, #tpu.memory_space<vmem>> -> memref<128xi32, #tpu.memory_space<vmem>>
    %dma_start3A_111 = arith.constant 0 : i32
    %dma_start3A_112 = arith.constant 0 : i32
    %dma_start3A_113 = tpu.memref_slice %arg2[%dma_start3A_111, %dma_start3A_112] : memref<20480x64xf32, #tpu.memory_space<hbm>> -> memref<20480x64xf32, #tpu.memory_space<hbm>>
    tpu.enqueue_indirect_dma source(%dma_start3A_113 : memref<20480x64xf32, #tpu.memory_space<hbm>>) target(%arg9 : memref<128x64xf32, #tpu.memory_space<vmem>>) offsets(%dma_start3A_110 : memref<128xi32, #tpu.memory_space<vmem>>) semaphore(%arg16 : memref<!tpu.dma_semaphore, #tpu.memory_space<semaphore_mem>>)
    %dma_start3A_114 = arith.constant 2 : i32
    %dma_start3A_115 = arith.constant 0 : i32
    %dma_start3A_116 = tpu.memref_slice %arg6[%dma_start3A_114, %dma_start3A_115] : memref<158x128xi32, #tpu.memory_space<vmem>> -> memref<1x128xi32, #tpu.memory_space<vmem>>
    %dma_start3A_117 = tpu.memref_squeeze %dma_start3A_116 : memref<1x128xi32, #tpu.memory_space<vmem>> -> memref<128xi32, #tpu.memory_space<vmem>>
    %dma_start3A_118 = arith.constant 0 : i32
    %dma_start3A_119 = arith.constant 0 : i32
    %dma_start3A_120 = tpu.memref_slice %arg2[%dma_start3A_118, %dma_start3A_119] : memref<20480x64xf32, #tpu.memory_space<hbm>> -> memref<20480x64xf32, #tpu.memory_space<hbm>>
    tpu.enqueue_indirect_dma source(%dma_start3A_120 : memref<20480x64xf32, #tpu.memory_space<hbm>>) target(%arg10 : memref<128x64xf32, #tpu.memory_space<vmem>>) offsets(%dma_start3A_117 : memref<128xi32, #tpu.memory_space<vmem>>) semaphore(%arg17 : memref<!tpu.dma_semaphore, #tpu.memory_space<semaphore_mem>>)
    %scan3A_121 = arith.constant 0 : i32
    %scan3A_122 = arith.constant 0 : i32
    %scan3A_123 = arith.constant 27 : i32
    %scan3A_124 = arith.addi %scan3A_122, %scan3A_123 : i32
    %scan3A_125 = arith.constant 1 : i32
    %scan3A_126 = scf.for %scan3A_171 = %scan3A_122 to %scan3A_124 step %scan3A_125 iter_args(%scan3A_172 = %scan3A_121) -> (i32)  : i32 {
      %mul3A_173 = arith.constant 6 : i32
      %mul3A_174 = arith.muli %scan3A_171, %mul3A_173 : i32
      %add3A_175 = arith.constant 0 : i32
      %add3A_176 = arith.addi %mul3A_174, %add3A_175 : i32
      %lt3A = arith.constant 158 : i32
      %lt3A_177 = arith.cmpi slt, %add3A_176, %lt3A : i32
      %convert_element_type3A = arith.extui %lt3A_177 : i1 to i32
      %cond3A = arith.constant 0 : i32
      %cond3A_178 = arith.cmpi ne, %convert_element_type3A, %cond3A : i32
      scf.if %cond3A_178 {
        %dma_wait3A_225 = arith.constant 0 : i32
        %dma_wait3A_226 = tpu.memref_slice %arg6[%add3A_176, %dma_wait3A_225] : memref<158x128xi32, #tpu.memory_space<vmem>> -> memref<1x128xi32, #tpu.memory_space<vmem>>
        %dma_wait3A_227 = tpu.memref_squeeze %dma_wait3A_226 : memref<1x128xi32, #tpu.memory_space<vmem>> -> memref<128xi32, #tpu.memory_space<vmem>>
        %dma_wait3A_228 = arith.constant 0 : i32
        %dma_wait3A_229 = arith.constant 0 : i32
        %dma_wait3A_230 = tpu.memref_slice %arg2[%dma_wait3A_228, %dma_wait3A_229] : memref<20480x64xf32, #tpu.memory_space<hbm>> -> memref<20480x64xf32, #tpu.memory_space<hbm>>
        tpu.wait_indirect_dma semaphore(%arg15 : memref<!tpu.dma_semaphore, #tpu.memory_space<semaphore_mem>>) src(%dma_wait3A_230 : memref<20480x64xf32, #tpu.memory_space<hbm>>) dst(%arg8 : memref<128x64xf32, #tpu.memory_space<vmem>>)
        %dma_start3A_231 = arith.constant 0 : i32
        %dma_start3A_232 = tpu.memref_slice %arg7[%add3A_176, %dma_start3A_231] : memref<158x128xi32, #tpu.memory_space<vmem>> -> memref<1x128xi32, #tpu.memory_space<vmem>>
        %dma_start3A_233 = tpu.memref_squeeze %dma_start3A_232 : memref<1x128xi32, #tpu.memory_space<vmem>> -> memref<128xi32, #tpu.memory_space<vmem>>
        %dma_start3A_234 = arith.constant 0 : i32
        %dma_start3A_235 = arith.constant 0 : i32
        %dma_start3A_236 = tpu.memref_slice %arg14[%dma_start3A_234, %dma_start3A_235] : memref<10240x64xf32, #tpu.memory_space<vmem_shared>> -> memref<10240x64xf32, #tpu.memory_space<vmem_shared>>
        tpu.enqueue_indirect_dma source(%arg8 : memref<128x64xf32, #tpu.memory_space<vmem>>) target(%dma_start3A_236 : memref<10240x64xf32, #tpu.memory_space<vmem_shared>>) offsets(%dma_start3A_233 : memref<128xi32, #tpu.memory_space<vmem>>) semaphore(%arg21 : memref<!tpu.dma_semaphore, #tpu.memory_space<semaphore_mem>>) {add = true}
        %add3A_237 = arith.constant 3 : i32
        %add3A_238 = arith.addi %add3A_176, %add3A_237 : i32
        %lt3A_239 = arith.constant 158 : i32
        %lt3A_240 = arith.cmpi slt, %add3A_238, %lt3A_239 : i32
        %convert_element_type3A_241 = arith.extui %lt3A_240 : i1 to i32
        %cond3A_242 = arith.constant 0 : i32
        %cond3A_243 = arith.cmpi ne, %convert_element_type3A_241, %cond3A_242 : i32
        scf.if %cond3A_243 {
          %ge3A = arith.constant 3 : i32
          %ge3A_244 = arith.cmpi sge, %add3A_176, %ge3A : i32
          %convert_element_type3A_245 = arith.extui %ge3A_244 : i1 to i32
          %cond3A_246 = arith.constant 0 : i32
          %cond3A_247 = arith.cmpi ne, %convert_element_type3A_245, %cond3A_246 : i32
          scf.if %cond3A_247 {
            %dma_wait3A_256 = arith.constant 0 : i32
            %dma_wait3A_257 = arith.constant 0 : i32
            %dma_wait3A_258 = tpu.memref_slice %arg7[%dma_wait3A_256, %dma_wait3A_257] : memref<158x128xi32, #tpu.memory_space<vmem>> -> memref<1x128xi32, #tpu.memory_space<vmem>>
            %dma_wait3A_259 = tpu.memref_squeeze %dma_wait3A_258 : memref<1x128xi32, #tpu.memory_space<vmem>> -> memref<128xi32, #tpu.memory_space<vmem>>
            %dma_wait3A_260 = arith.constant 0 : i32
            %dma_wait3A_261 = arith.constant 0 : i32
            %dma_wait3A_262 = tpu.memref_slice %arg14[%dma_wait3A_260, %dma_wait3A_261] : memref<10240x64xf32, #tpu.memory_space<vmem_shared>> -> memref<10240x64xf32, #tpu.memory_space<vmem_shared>>
            tpu.wait_indirect_dma semaphore(%arg24 : memref<!tpu.dma_semaphore, #tpu.memory_space<semaphore_mem>>) src(%arg11 : memref<128x64xf32, #tpu.memory_space<vmem>>) dst(%dma_wait3A_262 : memref<10240x64xf32, #tpu.memory_space<vmem_shared>>)
          } else {
          }
          %add3A_248 = arith.constant 3 : i32
          %add3A_249 = arith.addi %add3A_176, %add3A_248 : i32
          %dma_start3A_250 = arith.constant 0 : i32
          %dma_start3A_251 = tpu.memref_slice %arg6[%add3A_249, %dma_start3A_250] : memref<158x128xi32, #tpu.memory_space<vmem>> -> memref<1x128xi32, #tpu.memory_space<vmem>>
          %dma_start3A_252 = tpu.memref_squeeze %dma_start3A_251 : memref<1x128xi32, #tpu.memory_space<vmem>> -> memref<128xi32, #tpu.memory_space<vmem>>
          %dma_start3A_253 = arith.constant 0 : i32
          %dma_start3A_254 = arith.constant 0 : i32
          %dma_start3A_255 = tpu.memref_slice %arg2[%dma_start3A_253, %dma_start3A_254] : memref<20480x64xf32, #tpu.memory_space<hbm>> -> memref<20480x64xf32, #tpu.memory_space<hbm>>
          tpu.enqueue_indirect_dma source(%dma_start3A_255 : memref<20480x64xf32, #tpu.memory_space<hbm>>) target(%arg11 : memref<128x64xf32, #tpu.memory_space<vmem>>) offsets(%dma_start3A_252 : memref<128xi32, #tpu.memory_space<vmem>>) semaphore(%arg18 : memref<!tpu.dma_semaphore, #tpu.memory_space<semaphore_mem>>)
        } else {
        }
      } else {
      }
      %mul3A_179 = arith.constant 6 : i32
      %mul3A_180 = arith.muli %scan3A_171, %mul3A_179 : i32
      %add3A_181 = arith.constant 1 : i32
      %add3A_182 = arith.addi %mul3A_180, %add3A_181 : i32
      %lt3A_183 = arith.constant 158 : i32
      %lt3A_184 = arith.cmpi slt, %add3A_182, %lt3A_183 : i32
      %convert_element_type3A_185 = arith.extui %lt3A_184 : i1 to i32
      %cond3A_186 = arith.constant 0 : i32
      %cond3A_187 = arith.cmpi ne, %convert_element_type3A_185, %cond3A_186 : i32
      scf.if %cond3A_187 {
        %dma_wait3A_225 = arith.constant 0 : i32
        %dma_wait3A_226 = tpu.memref_slice %arg6[%add3A_182, %dma_wait3A_225] : memref<158x128xi32, #tpu.memory_space<vmem>> -> memref<1x128xi32, #tpu.memory_space<vmem>>
        %dma_wait3A_227 = tpu.memref_squeeze %dma_wait3A_226 : memref<1x128xi32, #tpu.memory_space<vmem>> -> memref<128xi32, #tpu.memory_space<vmem>>
        %dma_wait3A_228 = arith.constant 0 : i32
        %dma_wait3A_229 = arith.constant 0 : i32
        %dma_wait3A_230 = tpu.memref_slice %arg2[%dma_wait3A_228, %dma_wait3A_229] : memref<20480x64xf32, #tpu.memory_space<hbm>> -> memref<20480x64xf32, #tpu.memory_space<hbm>>
        tpu.wait_indirect_dma semaphore(%arg16 : memref<!tpu.dma_semaphore, #tpu.memory_space<semaphore_mem>>) src(%dma_wait3A_230 : memref<20480x64xf32, #tpu.memory_space<hbm>>) dst(%arg9 : memref<128x64xf32, #tpu.memory_space<vmem>>)
        %dma_start3A_231 = arith.constant 0 : i32
        %dma_start3A_232 = tpu.memref_slice %arg7[%add3A_182, %dma_start3A_231] : memref<158x128xi32, #tpu.memory_space<vmem>> -> memref<1x128xi32, #tpu.memory_space<vmem>>
        %dma_start3A_233 = tpu.memref_squeeze %dma_start3A_232 : memref<1x128xi32, #tpu.memory_space<vmem>> -> memref<128xi32, #tpu.memory_space<vmem>>
        %dma_start3A_234 = arith.constant 0 : i32
        %dma_start3A_235 = arith.constant 0 : i32
        %dma_start3A_236 = tpu.memref_slice %arg14[%dma_start3A_234, %dma_start3A_235] : memref<10240x64xf32, #tpu.memory_space<vmem_shared>> -> memref<10240x64xf32, #tpu.memory_space<vmem_shared>>
        tpu.enqueue_indirect_dma source(%arg9 : memref<128x64xf32, #tpu.memory_space<vmem>>) target(%dma_start3A_236 : memref<10240x64xf32, #tpu.memory_space<vmem_shared>>) offsets(%dma_start3A_233 : memref<128xi32, #tpu.memory_space<vmem>>) semaphore(%arg22 : memref<!tpu.dma_semaphore, #tpu.memory_space<semaphore_mem>>) {add = true}
        %add3A_237 = arith.constant 3 : i32
        %add3A_238 = arith.addi %add3A_182, %add3A_237 : i32
        %lt3A_239 = arith.constant 158 : i32
        %lt3A_240 = arith.cmpi slt, %add3A_238, %lt3A_239 : i32
        %convert_element_type3A_241 = arith.extui %lt3A_240 : i1 to i32
        %cond3A_242 = arith.constant 0 : i32
        %cond3A_243 = arith.cmpi ne, %convert_element_type3A_241, %cond3A_242 : i32
        scf.if %cond3A_243 {
          %ge3A = arith.constant 3 : i32
          %ge3A_244 = arith.cmpi sge, %add3A_182, %ge3A : i32
          %convert_element_type3A_245 = arith.extui %ge3A_244 : i1 to i32
          %cond3A_246 = arith.constant 0 : i32
          %cond3A_247 = arith.cmpi ne, %convert_element_type3A_245, %cond3A_246 : i32
          scf.if %cond3A_247 {
            %dma_wait3A_256 = arith.constant 0 : i32
            %dma_wait3A_257 = arith.constant 0 : i32
            %dma_wait3A_258 = tpu.memref_slice %arg7[%dma_wait3A_256, %dma_wait3A_257] : memref<158x128xi32, #tpu.memory_space<vmem>> -> memref<1x128xi32, #tpu.memory_space<vmem>>
            %dma_wait3A_259 = tpu.memref_squeeze %dma_wait3A_258 : memref<1x128xi32, #tpu.memory_space<vmem>> -> memref<128xi32, #tpu.memory_space<vmem>>
            %dma_wait3A_260 = arith.constant 0 : i32
            %dma_wait3A_261 = arith.constant 0 : i32
            %dma_wait3A_262 = tpu.memref_slice %arg14[%dma_wait3A_260, %dma_wait3A_261] : memref<10240x64xf32, #tpu.memory_space<vmem_shared>> -> memref<10240x64xf32, #tpu.memory_space<vmem_shared>>
            tpu.wait_indirect_dma semaphore(%arg25 : memref<!tpu.dma_semaphore, #tpu.memory_space<semaphore_mem>>) src(%arg12 : memref<128x64xf32, #tpu.memory_space<vmem>>) dst(%dma_wait3A_262 : memref<10240x64xf32, #tpu.memory_space<vmem_shared>>)
          } else {
          }
          %add3A_248 = arith.constant 3 : i32
          %add3A_249 = arith.addi %add3A_182, %add3A_248 : i32
          %dma_start3A_250 = arith.constant 0 : i32
          %dma_start3A_251 = tpu.memref_slice %arg6[%add3A_249, %dma_start3A_250] : memref<158x128xi32, #tpu.memory_space<vmem>> -> memref<1x128xi32, #tpu.memory_space<vmem>>
          %dma_start3A_252 = tpu.memref_squeeze %dma_start3A_251 : memref<1x128xi32, #tpu.memory_space<vmem>> -> memref<128xi32, #tpu.memory_space<vmem>>
          %dma_start3A_253 = arith.constant 0 : i32
          %dma_start3A_254 = arith.constant 0 : i32
          %dma_start3A_255 = tpu.memref_slice %arg2[%dma_start3A_253, %dma_start3A_254] : memref<20480x64xf32, #tpu.memory_space<hbm>> -> memref<20480x64xf32, #tpu.memory_space<hbm>>
          tpu.enqueue_indirect_dma source(%dma_start3A_255 : memref<20480x64xf32, #tpu.memory_space<hbm>>) target(%arg12 : memref<128x64xf32, #tpu.memory_space<vmem>>) offsets(%dma_start3A_252 : memref<128xi32, #tpu.memory_space<vmem>>) semaphore(%arg19 : memref<!tpu.dma_semaphore, #tpu.memory_space<semaphore_mem>>)
        } else {
        }
      } else {
      }
      %mul3A_188 = arith.constant 6 : i32
      %mul3A_189 = arith.muli %scan3A_171, %mul3A_188 : i32
      %add3A_190 = arith.constant 2 : i32
      %add3A_191 = arith.addi %mul3A_189, %add3A_190 : i32
      %lt3A_192 = arith.constant 158 : i32
      %lt3A_193 = arith.cmpi slt, %add3A_191, %lt3A_192 : i32
      %convert_element_type3A_194 = arith.extui %lt3A_193 : i1 to i32
      %cond3A_195 = arith.constant 0 : i32
      %cond3A_196 = arith.cmpi ne, %convert_element_type3A_194, %cond3A_195 : i32
      scf.if %cond3A_196 {
        %dma_wait3A_225 = arith.constant 0 : i32
        %dma_wait3A_226 = tpu.memref_slice %arg6[%add3A_191, %dma_wait3A_225] : memref<158x128xi32, #tpu.memory_space<vmem>> -> memref<1x128xi32, #tpu.memory_space<vmem>>
        %dma_wait3A_227 = tpu.memref_squeeze %dma_wait3A_226 : memref<1x128xi32, #tpu.memory_space<vmem>> -> memref<128xi32, #tpu.memory_space<vmem>>
        %dma_wait3A_228 = arith.constant 0 : i32
        %dma_wait3A_229 = arith.constant 0 : i32
        %dma_wait3A_230 = tpu.memref_slice %arg2[%dma_wait3A_228, %dma_wait3A_229] : memref<20480x64xf32, #tpu.memory_space<hbm>> -> memref<20480x64xf32, #tpu.memory_space<hbm>>
        tpu.wait_indirect_dma semaphore(%arg17 : memref<!tpu.dma_semaphore, #tpu.memory_space<semaphore_mem>>) src(%dma_wait3A_230 : memref<20480x64xf32, #tpu.memory_space<hbm>>) dst(%arg10 : memref<128x64xf32, #tpu.memory_space<vmem>>)
        %dma_start3A_231 = arith.constant 0 : i32
        %dma_start3A_232 = tpu.memref_slice %arg7[%add3A_191, %dma_start3A_231] : memref<158x128xi32, #tpu.memory_space<vmem>> -> memref<1x128xi32, #tpu.memory_space<vmem>>
        %dma_start3A_233 = tpu.memref_squeeze %dma_start3A_232 : memref<1x128xi32, #tpu.memory_space<vmem>> -> memref<128xi32, #tpu.memory_space<vmem>>
        %dma_start3A_234 = arith.constant 0 : i32
        %dma_start3A_235 = arith.constant 0 : i32
        %dma_start3A_236 = tpu.memref_slice %arg14[%dma_start3A_234, %dma_start3A_235] : memref<10240x64xf32, #tpu.memory_space<vmem_shared>> -> memref<10240x64xf32, #tpu.memory_space<vmem_shared>>
        tpu.enqueue_indirect_dma source(%arg10 : memref<128x64xf32, #tpu.memory_space<vmem>>) target(%dma_start3A_236 : memref<10240x64xf32, #tpu.memory_space<vmem_shared>>) offsets(%dma_start3A_233 : memref<128xi32, #tpu.memory_space<vmem>>) semaphore(%arg23 : memref<!tpu.dma_semaphore, #tpu.memory_space<semaphore_mem>>) {add = true}
        %add3A_237 = arith.constant 3 : i32
        %add3A_238 = arith.addi %add3A_191, %add3A_237 : i32
        %lt3A_239 = arith.constant 158 : i32
        %lt3A_240 = arith.cmpi slt, %add3A_238, %lt3A_239 : i32
        %convert_element_type3A_241 = arith.extui %lt3A_240 : i1 to i32
        %cond3A_242 = arith.constant 0 : i32
        %cond3A_243 = arith.cmpi ne, %convert_element_type3A_241, %cond3A_242 : i32
        scf.if %cond3A_243 {
          %ge3A = arith.constant 3 : i32
          %ge3A_244 = arith.cmpi sge, %add3A_191, %ge3A : i32
          %convert_element_type3A_245 = arith.extui %ge3A_244 : i1 to i32
          %cond3A_246 = arith.constant 0 : i32
          %cond3A_247 = arith.cmpi ne, %convert_element_type3A_245, %cond3A_246 : i32
          scf.if %cond3A_247 {
            %dma_wait3A_256 = arith.constant 0 : i32
            %dma_wait3A_257 = arith.constant 0 : i32
            %dma_wait3A_258 = tpu.memref_slice %arg7[%dma_wait3A_256, %dma_wait3A_257] : memref<158x128xi32, #tpu.memory_space<vmem>> -> memref<1x128xi32, #tpu.memory_space<vmem>>
            %dma_wait3A_259 = tpu.memref_squeeze %dma_wait3A_258 : memref<1x128xi32, #tpu.memory_space<vmem>> -> memref<128xi32, #tpu.memory_space<vmem>>
            %dma_wait3A_260 = arith.constant 0 : i32
            %dma_wait3A_261 = arith.constant 0 : i32
            %dma_wait3A_262 = tpu.memref_slice %arg14[%dma_wait3A_260, %dma_wait3A_261] : memref<10240x64xf32, #tpu.memory_space<vmem_shared>> -> memref<10240x64xf32, #tpu.memory_space<vmem_shared>>
            tpu.wait_indirect_dma semaphore(%arg26 : memref<!tpu.dma_semaphore, #tpu.memory_space<semaphore_mem>>) src(%arg13 : memref<128x64xf32, #tpu.memory_space<vmem>>) dst(%dma_wait3A_262 : memref<10240x64xf32, #tpu.memory_space<vmem_shared>>)
          } else {
          }
          %add3A_248 = arith.constant 3 : i32
          %add3A_249 = arith.addi %add3A_191, %add3A_248 : i32
          %dma_start3A_250 = arith.constant 0 : i32
          %dma_start3A_251 = tpu.memref_slice %arg6[%add3A_249, %dma_start3A_250] : memref<158x128xi32, #tpu.memory_space<vmem>> -> memref<1x128xi32, #tpu.memory_space<vmem>>
          %dma_start3A_252 = tpu.memref_squeeze %dma_start3A_251 : memref<1x128xi32, #tpu.memory_space<vmem>> -> memref<128xi32, #tpu.memory_space<vmem>>
          %dma_start3A_253 = arith.constant 0 : i32
          %dma_start3A_254 = arith.constant 0 : i32
          %dma_start3A_255 = tpu.memref_slice %arg2[%dma_start3A_253, %dma_start3A_254] : memref<20480x64xf32, #tpu.memory_space<hbm>> -> memref<20480x64xf32, #tpu.memory_space<hbm>>
          tpu.enqueue_indirect_dma source(%dma_start3A_255 : memref<20480x64xf32, #tpu.memory_space<hbm>>) target(%arg13 : memref<128x64xf32, #tpu.memory_space<vmem>>) offsets(%dma_start3A_252 : memref<128xi32, #tpu.memory_space<vmem>>) semaphore(%arg20 : memref<!tpu.dma_semaphore, #tpu.memory_space<semaphore_mem>>)
        } else {
        }
      } else {
      }
      %mul3A_197 = arith.constant 6 : i32
      %mul3A_198 = arith.muli %scan3A_171, %mul3A_197 : i32
      %add3A_199 = arith.constant 3 : i32
      %add3A_200 = arith.addi %mul3A_198, %add3A_199 : i32
      %lt3A_201 = arith.constant 158 : i32
      %lt3A_202 = arith.cmpi slt, %add3A_200, %lt3A_201 : i32
      %convert_element_type3A_203 = arith.extui %lt3A_202 : i1 to i32
      %cond3A_204 = arith.constant 0 : i32
      %cond3A_205 = arith.cmpi ne, %convert_element_type3A_203, %cond3A_204 : i32
      scf.if %cond3A_205 {
        %dma_wait3A_225 = arith.constant 0 : i32
        %dma_wait3A_226 = tpu.memref_slice %arg6[%add3A_200, %dma_wait3A_225] : memref<158x128xi32, #tpu.memory_space<vmem>> -> memref<1x128xi32, #tpu.memory_space<vmem>>
        %dma_wait3A_227 = tpu.memref_squeeze %dma_wait3A_226 : memref<1x128xi32, #tpu.memory_space<vmem>> -> memref<128xi32, #tpu.memory_space<vmem>>
        %dma_wait3A_228 = arith.constant 0 : i32
        %dma_wait3A_229 = arith.constant 0 : i32
        %dma_wait3A_230 = tpu.memref_slice %arg2[%dma_wait3A_228, %dma_wait3A_229] : memref<20480x64xf32, #tpu.memory_space<hbm>> -> memref<20480x64xf32, #tpu.memory_space<hbm>>
        tpu.wait_indirect_dma semaphore(%arg18 : memref<!tpu.dma_semaphore, #tpu.memory_space<semaphore_mem>>) src(%dma_wait3A_230 : memref<20480x64xf32, #tpu.memory_space<hbm>>) dst(%arg11 : memref<128x64xf32, #tpu.memory_space<vmem>>)
        %dma_start3A_231 = arith.constant 0 : i32
        %dma_start3A_232 = tpu.memref_slice %arg7[%add3A_200, %dma_start3A_231] : memref<158x128xi32, #tpu.memory_space<vmem>> -> memref<1x128xi32, #tpu.memory_space<vmem>>
        %dma_start3A_233 = tpu.memref_squeeze %dma_start3A_232 : memref<1x128xi32, #tpu.memory_space<vmem>> -> memref<128xi32, #tpu.memory_space<vmem>>
        %dma_start3A_234 = arith.constant 0 : i32
        %dma_start3A_235 = arith.constant 0 : i32
        %dma_start3A_236 = tpu.memref_slice %arg14[%dma_start3A_234, %dma_start3A_235] : memref<10240x64xf32, #tpu.memory_space<vmem_shared>> -> memref<10240x64xf32, #tpu.memory_space<vmem_shared>>
        tpu.enqueue_indirect_dma source(%arg11 : memref<128x64xf32, #tpu.memory_space<vmem>>) target(%dma_start3A_236 : memref<10240x64xf32, #tpu.memory_space<vmem_shared>>) offsets(%dma_start3A_233 : memref<128xi32, #tpu.memory_space<vmem>>) semaphore(%arg24 : memref<!tpu.dma_semaphore, #tpu.memory_space<semaphore_mem>>) {add = true}
        %add3A_237 = arith.constant 3 : i32
        %add3A_238 = arith.addi %add3A_200, %add3A_237 : i32
        %lt3A_239 = arith.constant 158 : i32
        %lt3A_240 = arith.cmpi slt, %add3A_238, %lt3A_239 : i32
        %convert_element_type3A_241 = arith.extui %lt3A_240 : i1 to i32
        %cond3A_242 = arith.constant 0 : i32
        %cond3A_243 = arith.cmpi ne, %convert_element_type3A_241, %cond3A_242 : i32
        scf.if %cond3A_243 {
          %ge3A = arith.constant 3 : i32
          %ge3A_244 = arith.cmpi sge, %add3A_200, %ge3A : i32
          %convert_element_type3A_245 = arith.extui %ge3A_244 : i1 to i32
          %cond3A_246 = arith.constant 0 : i32
          %cond3A_247 = arith.cmpi ne, %convert_element_type3A_245, %cond3A_246 : i32
          scf.if %cond3A_247 {
            %dma_wait3A_256 = arith.constant 0 : i32
            %dma_wait3A_257 = arith.constant 0 : i32
            %dma_wait3A_258 = tpu.memref_slice %arg7[%dma_wait3A_256, %dma_wait3A_257] : memref<158x128xi32, #tpu.memory_space<vmem>> -> memref<1x128xi32, #tpu.memory_space<vmem>>
            %dma_wait3A_259 = tpu.memref_squeeze %dma_wait3A_258 : memref<1x128xi32, #tpu.memory_space<vmem>> -> memref<128xi32, #tpu.memory_space<vmem>>
            %dma_wait3A_260 = arith.constant 0 : i32
            %dma_wait3A_261 = arith.constant 0 : i32
            %dma_wait3A_262 = tpu.memref_slice %arg14[%dma_wait3A_260, %dma_wait3A_261] : memref<10240x64xf32, #tpu.memory_space<vmem_shared>> -> memref<10240x64xf32, #tpu.memory_space<vmem_shared>>
            tpu.wait_indirect_dma semaphore(%arg21 : memref<!tpu.dma_semaphore, #tpu.memory_space<semaphore_mem>>) src(%arg8 : memref<128x64xf32, #tpu.memory_space<vmem>>) dst(%dma_wait3A_262 : memref<10240x64xf32, #tpu.memory_space<vmem_shared>>)
          } else {
          }
          %add3A_248 = arith.constant 3 : i32
          %add3A_249 = arith.addi %add3A_200, %add3A_248 : i32
          %dma_start3A_250 = arith.constant 0 : i32
          %dma_start3A_251 = tpu.memref_slice %arg6[%add3A_249, %dma_start3A_250] : memref<158x128xi32, #tpu.memory_space<vmem>> -> memref<1x128xi32, #tpu.memory_space<vmem>>
          %dma_start3A_252 = tpu.memref_squeeze %dma_start3A_251 : memref<1x128xi32, #tpu.memory_space<vmem>> -> memref<128xi32, #tpu.memory_space<vmem>>
          %dma_start3A_253 = arith.constant 0 : i32
          %dma_start3A_254 = arith.constant 0 : i32
          %dma_start3A_255 = tpu.memref_slice %arg2[%dma_start3A_253, %dma_start3A_254] : memref<20480x64xf32, #tpu.memory_space<hbm>> -> memref<20480x64xf32, #tpu.memory_space<hbm>>
          tpu.enqueue_indirect_dma source(%dma_start3A_255 : memref<20480x64xf32, #tpu.memory_space<hbm>>) target(%arg8 : memref<128x64xf32, #tpu.memory_space<vmem>>) offsets(%dma_start3A_252 : memref<128xi32, #tpu.memory_space<vmem>>) semaphore(%arg15 : memref<!tpu.dma_semaphore, #tpu.memory_space<semaphore_mem>>)
        } else {
        }
      } else {
      }
      %mul3A_206 = arith.constant 6 : i32
      %mul3A_207 = arith.muli %scan3A_171, %mul3A_206 : i32
      %add3A_208 = arith.constant 4 : i32
      %add3A_209 = arith.addi %mul3A_207, %add3A_208 : i32
      %lt3A_210 = arith.constant 158 : i32
      %lt3A_211 = arith.cmpi slt, %add3A_209, %lt3A_210 : i32
      %convert_element_type3A_212 = arith.extui %lt3A_211 : i1 to i32
      %cond3A_213 = arith.constant 0 : i32
      %cond3A_214 = arith.cmpi ne, %convert_element_type3A_212, %cond3A_213 : i32
      scf.if %cond3A_214 {
        %dma_wait3A_225 = arith.constant 0 : i32
        %dma_wait3A_226 = tpu.memref_slice %arg6[%add3A_209, %dma_wait3A_225] : memref<158x128xi32, #tpu.memory_space<vmem>> -> memref<1x128xi32, #tpu.memory_space<vmem>>
        %dma_wait3A_227 = tpu.memref_squeeze %dma_wait3A_226 : memref<1x128xi32, #tpu.memory_space<vmem>> -> memref<128xi32, #tpu.memory_space<vmem>>
        %dma_wait3A_228 = arith.constant 0 : i32
        %dma_wait3A_229 = arith.constant 0 : i32
        %dma_wait3A_230 = tpu.memref_slice %arg2[%dma_wait3A_228, %dma_wait3A_229] : memref<20480x64xf32, #tpu.memory_space<hbm>> -> memref<20480x64xf32, #tpu.memory_space<hbm>>
        tpu.wait_indirect_dma semaphore(%arg19 : memref<!tpu.dma_semaphore, #tpu.memory_space<semaphore_mem>>) src(%dma_wait3A_230 : memref<20480x64xf32, #tpu.memory_space<hbm>>) dst(%arg12 : memref<128x64xf32, #tpu.memory_space<vmem>>)
        %dma_start3A_231 = arith.constant 0 : i32
        %dma_start3A_232 = tpu.memref_slice %arg7[%add3A_209, %dma_start3A_231] : memref<158x128xi32, #tpu.memory_space<vmem>> -> memref<1x128xi32, #tpu.memory_space<vmem>>
        %dma_start3A_233 = tpu.memref_squeeze %dma_start3A_232 : memref<1x128xi32, #tpu.memory_space<vmem>> -> memref<128xi32, #tpu.memory_space<vmem>>
        %dma_start3A_234 = arith.constant 0 : i32
        %dma_start3A_235 = arith.constant 0 : i32
        %dma_start3A_236 = tpu.memref_slice %arg14[%dma_start3A_234, %dma_start3A_235] : memref<10240x64xf32, #tpu.memory_space<vmem_shared>> -> memref<10240x64xf32, #tpu.memory_space<vmem_shared>>
        tpu.enqueue_indirect_dma source(%arg12 : memref<128x64xf32, #tpu.memory_space<vmem>>) target(%dma_start3A_236 : memref<10240x64xf32, #tpu.memory_space<vmem_shared>>) offsets(%dma_start3A_233 : memref<128xi32, #tpu.memory_space<vmem>>) semaphore(%arg25 : memref<!tpu.dma_semaphore, #tpu.memory_space<semaphore_mem>>) {add = true}
        %add3A_237 = arith.constant 3 : i32
        %add3A_238 = arith.addi %add3A_209, %add3A_237 : i32
        %lt3A_239 = arith.constant 158 : i32
        %lt3A_240 = arith.cmpi slt, %add3A_238, %lt3A_239 : i32
        %convert_element_type3A_241 = arith.extui %lt3A_240 : i1 to i32
        %cond3A_242 = arith.constant 0 : i32
        %cond3A_243 = arith.cmpi ne, %convert_element_type3A_241, %cond3A_242 : i32
        scf.if %cond3A_243 {
          %ge3A = arith.constant 3 : i32
          %ge3A_244 = arith.cmpi sge, %add3A_209, %ge3A : i32
          %convert_element_type3A_245 = arith.extui %ge3A_244 : i1 to i32
          %cond3A_246 = arith.constant 0 : i32
          %cond3A_247 = arith.cmpi ne, %convert_element_type3A_245, %cond3A_246 : i32
          scf.if %cond3A_247 {
            %dma_wait3A_256 = arith.constant 0 : i32
            %dma_wait3A_257 = arith.constant 0 : i32
            %dma_wait3A_258 = tpu.memref_slice %arg7[%dma_wait3A_256, %dma_wait3A_257] : memref<158x128xi32, #tpu.memory_space<vmem>> -> memref<1x128xi32, #tpu.memory_space<vmem>>
            %dma_wait3A_259 = tpu.memref_squeeze %dma_wait3A_258 : memref<1x128xi32, #tpu.memory_space<vmem>> -> memref<128xi32, #tpu.memory_space<vmem>>
            %dma_wait3A_260 = arith.constant 0 : i32
            %dma_wait3A_261 = arith.constant 0 : i32
            %dma_wait3A_262 = tpu.memref_slice %arg14[%dma_wait3A_260, %dma_wait3A_261] : memref<10240x64xf32, #tpu.memory_space<vmem_shared>> -> memref<10240x64xf32, #tpu.memory_space<vmem_shared>>
            tpu.wait_indirect_dma semaphore(%arg22 : memref<!tpu.dma_semaphore, #tpu.memory_space<semaphore_mem>>) src(%arg9 : memref<128x64xf32, #tpu.memory_space<vmem>>) dst(%dma_wait3A_262 : memref<10240x64xf32, #tpu.memory_space<vmem_shared>>)
          } else {
          }
          %add3A_248 = arith.constant 3 : i32
          %add3A_249 = arith.addi %add3A_209, %add3A_248 : i32
          %dma_start3A_250 = arith.constant 0 : i32
          %dma_start3A_251 = tpu.memref_slice %arg6[%add3A_249, %dma_start3A_250] : memref<158x128xi32, #tpu.memory_space<vmem>> -> memref<1x128xi32, #tpu.memory_space<vmem>>
          %dma_start3A_252 = tpu.memref_squeeze %dma_start3A_251 : memref<1x128xi32, #tpu.memory_space<vmem>> -> memref<128xi32, #tpu.memory_space<vmem>>
          %dma_start3A_253 = arith.constant 0 : i32
          %dma_start3A_254 = arith.constant 0 : i32
          %dma_start3A_255 = tpu.memref_slice %arg2[%dma_start3A_253, %dma_start3A_254] : memref<20480x64xf32, #tpu.memory_space<hbm>> -> memref<20480x64xf32, #tpu.memory_space<hbm>>
          tpu.enqueue_indirect_dma source(%dma_start3A_255 : memref<20480x64xf32, #tpu.memory_space<hbm>>) target(%arg9 : memref<128x64xf32, #tpu.memory_space<vmem>>) offsets(%dma_start3A_252 : memref<128xi32, #tpu.memory_space<vmem>>) semaphore(%arg16 : memref<!tpu.dma_semaphore, #tpu.memory_space<semaphore_mem>>)
        } else {
        }
      } else {
      }
      %mul3A_215 = arith.constant 6 : i32
      %mul3A_216 = arith.muli %scan3A_171, %mul3A_215 : i32
      %add3A_217 = arith.constant 5 : i32
      %add3A_218 = arith.addi %mul3A_216, %add3A_217 : i32
      %lt3A_219 = arith.constant 158 : i32
      %lt3A_220 = arith.cmpi slt, %add3A_218, %lt3A_219 : i32
      %convert_element_type3A_221 = arith.extui %lt3A_220 : i1 to i32
      %cond3A_222 = arith.constant 0 : i32
      %cond3A_223 = arith.cmpi ne, %convert_element_type3A_221, %cond3A_222 : i32
      scf.if %cond3A_223 {
        %dma_wait3A_225 = arith.constant 0 : i32
        %dma_wait3A_226 = tpu.memref_slice %arg6[%add3A_218, %dma_wait3A_225] : memref<158x128xi32, #tpu.memory_space<vmem>> -> memref<1x128xi32, #tpu.memory_space<vmem>>
        %dma_wait3A_227 = tpu.memref_squeeze %dma_wait3A_226 : memref<1x128xi32, #tpu.memory_space<vmem>> -> memref<128xi32, #tpu.memory_space<vmem>>
        %dma_wait3A_228 = arith.constant 0 : i32
        %dma_wait3A_229 = arith.constant 0 : i32
        %dma_wait3A_230 = tpu.memref_slice %arg2[%dma_wait3A_228, %dma_wait3A_229] : memref<20480x64xf32, #tpu.memory_space<hbm>> -> memref<20480x64xf32, #tpu.memory_space<hbm>>
        tpu.wait_indirect_dma semaphore(%arg20 : memref<!tpu.dma_semaphore, #tpu.memory_space<semaphore_mem>>) src(%dma_wait3A_230 : memref<20480x64xf32, #tpu.memory_space<hbm>>) dst(%arg13 : memref<128x64xf32, #tpu.memory_space<vmem>>)
        %dma_start3A_231 = arith.constant 0 : i32
        %dma_start3A_232 = tpu.memref_slice %arg7[%add3A_218, %dma_start3A_231] : memref<158x128xi32, #tpu.memory_space<vmem>> -> memref<1x128xi32, #tpu.memory_space<vmem>>
        %dma_start3A_233 = tpu.memref_squeeze %dma_start3A_232 : memref<1x128xi32, #tpu.memory_space<vmem>> -> memref<128xi32, #tpu.memory_space<vmem>>
        %dma_start3A_234 = arith.constant 0 : i32
        %dma_start3A_235 = arith.constant 0 : i32
        %dma_start3A_236 = tpu.memref_slice %arg14[%dma_start3A_234, %dma_start3A_235] : memref<10240x64xf32, #tpu.memory_space<vmem_shared>> -> memref<10240x64xf32, #tpu.memory_space<vmem_shared>>
        tpu.enqueue_indirect_dma source(%arg13 : memref<128x64xf32, #tpu.memory_space<vmem>>) target(%dma_start3A_236 : memref<10240x64xf32, #tpu.memory_space<vmem_shared>>) offsets(%dma_start3A_233 : memref<128xi32, #tpu.memory_space<vmem>>) semaphore(%arg26 : memref<!tpu.dma_semaphore, #tpu.memory_space<semaphore_mem>>) {add = true}
        %add3A_237 = arith.constant 3 : i32
        %add3A_238 = arith.addi %add3A_218, %add3A_237 : i32
        %lt3A_239 = arith.constant 158 : i32
        %lt3A_240 = arith.cmpi slt, %add3A_238, %lt3A_239 : i32
        %convert_element_type3A_241 = arith.extui %lt3A_240 : i1 to i32
        %cond3A_242 = arith.constant 0 : i32
        %cond3A_243 = arith.cmpi ne, %convert_element_type3A_241, %cond3A_242 : i32
        scf.if %cond3A_243 {
          %ge3A = arith.constant 3 : i32
          %ge3A_244 = arith.cmpi sge, %add3A_218, %ge3A : i32
          %convert_element_type3A_245 = arith.extui %ge3A_244 : i1 to i32
          %cond3A_246 = arith.constant 0 : i32
          %cond3A_247 = arith.cmpi ne, %convert_element_type3A_245, %cond3A_246 : i32
          scf.if %cond3A_247 {
            %dma_wait3A_256 = arith.constant 0 : i32
            %dma_wait3A_257 = arith.constant 0 : i32
            %dma_wait3A_258 = tpu.memref_slice %arg7[%dma_wait3A_256, %dma_wait3A_257] : memref<158x128xi32, #tpu.memory_space<vmem>> -> memref<1x128xi32, #tpu.memory_space<vmem>>
            %dma_wait3A_259 = tpu.memref_squeeze %dma_wait3A_258 : memref<1x128xi32, #tpu.memory_space<vmem>> -> memref<128xi32, #tpu.memory_space<vmem>>
            %dma_wait3A_260 = arith.constant 0 : i32
            %dma_wait3A_261 = arith.constant 0 : i32
            %dma_wait3A_262 = tpu.memref_slice %arg14[%dma_wait3A_260, %dma_wait3A_261] : memref<10240x64xf32, #tpu.memory_space<vmem_shared>> -> memref<10240x64xf32, #tpu.memory_space<vmem_shared>>
            tpu.wait_indirect_dma semaphore(%arg23 : memref<!tpu.dma_semaphore, #tpu.memory_space<semaphore_mem>>) src(%arg10 : memref<128x64xf32, #tpu.memory_space<vmem>>) dst(%dma_wait3A_262 : memref<10240x64xf32, #tpu.memory_space<vmem_shared>>)
          } else {
          }
          %add3A_248 = arith.constant 3 : i32
          %add3A_249 = arith.addi %add3A_218, %add3A_248 : i32
          %dma_start3A_250 = arith.constant 0 : i32
          %dma_start3A_251 = tpu.memref_slice %arg6[%add3A_249, %dma_start3A_250] : memref<158x128xi32, #tpu.memory_space<vmem>> -> memref<1x128xi32, #tpu.memory_space<vmem>>
          %dma_start3A_252 = tpu.memref_squeeze %dma_start3A_251 : memref<1x128xi32, #tpu.memory_space<vmem>> -> memref<128xi32, #tpu.memory_space<vmem>>
          %dma_start3A_253 = arith.constant 0 : i32
          %dma_start3A_254 = arith.constant 0 : i32
          %dma_start3A_255 = tpu.memref_slice %arg2[%dma_start3A_253, %dma_start3A_254] : memref<20480x64xf32, #tpu.memory_space<hbm>> -> memref<20480x64xf32, #tpu.memory_space<hbm>>
          tpu.enqueue_indirect_dma source(%dma_start3A_255 : memref<20480x64xf32, #tpu.memory_space<hbm>>) target(%arg10 : memref<128x64xf32, #tpu.memory_space<vmem>>) offsets(%dma_start3A_252 : memref<128xi32, #tpu.memory_space<vmem>>) semaphore(%arg17 : memref<!tpu.dma_semaphore, #tpu.memory_space<semaphore_mem>>)
        } else {
        }
      } else {
      }
      %scan3A_224 = arith.constant 0 : i32
      scf.yield %scan3A_224 : i32
    }
    %scan3A_127 = arith.constant 27 : i32
    %dma_wait3A_128 = arith.constant 0 : i32
    %dma_wait3A_129 = arith.constant 0 : i32
    %dma_wait3A_130 = tpu.memref_slice %arg7[%dma_wait3A_128, %dma_wait3A_129] : memref<158x128xi32, #tpu.memory_space<vmem>> -> memref<1x128xi32, #tpu.memory_space<vmem>>
    %dma_wait3A_131 = tpu.memref_squeeze %dma_wait3A_130 : memref<1x128xi32, #tpu.memory_space<vmem>> -> memref<128xi32, #tpu.memory_space<vmem>>
    %dma_wait3A_132 = arith.constant 0 : i32
    %dma_wait3A_133 = arith.constant 0 : i32
    %dma_wait3A_134 = tpu.memref_slice %arg14[%dma_wait3A_132, %dma_wait3A_133] : memref<10240x64xf32, #tpu.memory_space<vmem_shared>> -> memref<10240x64xf32, #tpu.memory_space<vmem_shared>>
    tpu.wait_indirect_dma semaphore(%arg21 : memref<!tpu.dma_semaphore, #tpu.memory_space<semaphore_mem>>) src(%arg8 : memref<128x64xf32, #tpu.memory_space<vmem>>) dst(%dma_wait3A_134 : memref<10240x64xf32, #tpu.memory_space<vmem_shared>>)
    %dma_wait3A_135 = arith.constant 0 : i32
    %dma_wait3A_136 = arith.constant 0 : i32
    %dma_wait3A_137 = tpu.memref_slice %arg7[%dma_wait3A_135, %dma_wait3A_136] : memref<158x128xi32, #tpu.memory_space<vmem>> -> memref<1x128xi32, #tpu.memory_space<vmem>>
    %dma_wait3A_138 = tpu.memref_squeeze %dma_wait3A_137 : memref<1x128xi32, #tpu.memory_space<vmem>> -> memref<128xi32, #tpu.memory_space<vmem>>
    %dma_wait3A_139 = arith.constant 0 : i32
    %dma_wait3A_140 = arith.constant 0 : i32
    %dma_wait3A_141 = tpu.memref_slice %arg14[%dma_wait3A_139, %dma_wait3A_140] : memref<10240x64xf32, #tpu.memory_space<vmem_shared>> -> memref<10240x64xf32, #tpu.memory_space<vmem_shared>>
    tpu.wait_indirect_dma semaphore(%arg22 : memref<!tpu.dma_semaphore, #tpu.memory_space<semaphore_mem>>) src(%arg9 : memref<128x64xf32, #tpu.memory_space<vmem>>) dst(%dma_wait3A_141 : memref<10240x64xf32, #tpu.memory_space<vmem_shared>>)
    %dma_wait3A_142 = arith.constant 0 : i32
    %dma_wait3A_143 = arith.constant 0 : i32
    %dma_wait3A_144 = tpu.memref_slice %arg7[%dma_wait3A_142, %dma_wait3A_143] : memref<158x128xi32, #tpu.memory_space<vmem>> -> memref<1x128xi32, #tpu.memory_space<vmem>>
    %dma_wait3A_145 = tpu.memref_squeeze %dma_wait3A_144 : memref<1x128xi32, #tpu.memory_space<vmem>> -> memref<128xi32, #tpu.memory_space<vmem>>
    %dma_wait3A_146 = arith.constant 0 : i32
    %dma_wait3A_147 = arith.constant 0 : i32
    %dma_wait3A_148 = tpu.memref_slice %arg14[%dma_wait3A_146, %dma_wait3A_147] : memref<10240x64xf32, #tpu.memory_space<vmem_shared>> -> memref<10240x64xf32, #tpu.memory_space<vmem_shared>>
    tpu.wait_indirect_dma semaphore(%arg23 : memref<!tpu.dma_semaphore, #tpu.memory_space<semaphore_mem>>) src(%arg10 : memref<128x64xf32, #tpu.memory_space<vmem>>) dst(%dma_wait3A_148 : memref<10240x64xf32, #tpu.memory_space<vmem_shared>>)
    %dma_wait3A_149 = arith.constant 0 : i32
    %dma_wait3A_150 = arith.constant 0 : i32
    %dma_wait3A_151 = tpu.memref_slice %arg7[%dma_wait3A_149, %dma_wait3A_150] : memref<158x128xi32, #tpu.memory_space<vmem>> -> memref<1x128xi32, #tpu.memory_space<vmem>>
    %dma_wait3A_152 = tpu.memref_squeeze %dma_wait3A_151 : memref<1x128xi32, #tpu.memory_space<vmem>> -> memref<128xi32, #tpu.memory_space<vmem>>
    %dma_wait3A_153 = arith.constant 0 : i32
    %dma_wait3A_154 = arith.constant 0 : i32
    %dma_wait3A_155 = tpu.memref_slice %arg14[%dma_wait3A_153, %dma_wait3A_154] : memref<10240x64xf32, #tpu.memory_space<vmem_shared>> -> memref<10240x64xf32, #tpu.memory_space<vmem_shared>>
    tpu.wait_indirect_dma semaphore(%arg24 : memref<!tpu.dma_semaphore, #tpu.memory_space<semaphore_mem>>) src(%arg11 : memref<128x64xf32, #tpu.memory_space<vmem>>) dst(%dma_wait3A_155 : memref<10240x64xf32, #tpu.memory_space<vmem_shared>>)
    %dma_wait3A_156 = arith.constant 0 : i32
    %dma_wait3A_157 = arith.constant 0 : i32
    %dma_wait3A_158 = tpu.memref_slice %arg7[%dma_wait3A_156, %dma_wait3A_157] : memref<158x128xi32, #tpu.memory_space<vmem>> -> memref<1x128xi32, #tpu.memory_space<vmem>>
    %dma_wait3A_159 = tpu.memref_squeeze %dma_wait3A_158 : memref<1x128xi32, #tpu.memory_space<vmem>> -> memref<128xi32, #tpu.memory_space<vmem>>
    %dma_wait3A_160 = arith.constant 0 : i32
    %dma_wait3A_161 = arith.constant 0 : i32
    %dma_wait3A_162 = tpu.memref_slice %arg14[%dma_wait3A_160, %dma_wait3A_161] : memref<10240x64xf32, #tpu.memory_space<vmem_shared>> -> memref<10240x64xf32, #tpu.memory_space<vmem_shared>>
    tpu.wait_indirect_dma semaphore(%arg25 : memref<!tpu.dma_semaphore, #tpu.memory_space<semaphore_mem>>) src(%arg12 : memref<128x64xf32, #tpu.memory_space<vmem>>) dst(%dma_wait3A_162 : memref<10240x64xf32, #tpu.memory_space<vmem_shared>>)
    %dma_wait3A_163 = arith.constant 0 : i32
    %dma_wait3A_164 = arith.constant 0 : i32
    %dma_wait3A_165 = tpu.memref_slice %arg7[%dma_wait3A_163, %dma_wait3A_164] : memref<158x128xi32, #tpu.memory_space<vmem>> -> memref<1x128xi32, #tpu.memory_space<vmem>>
    %dma_wait3A_166 = tpu.memref_squeeze %dma_wait3A_165 : memref<1x128xi32, #tpu.memory_space<vmem>> -> memref<128xi32, #tpu.memory_space<vmem>>
    %dma_wait3A_167 = arith.constant 0 : i32
    %dma_wait3A_168 = arith.constant 0 : i32
    %dma_wait3A_169 = tpu.memref_slice %arg14[%dma_wait3A_167, %dma_wait3A_168] : memref<10240x64xf32, #tpu.memory_space<vmem_shared>> -> memref<10240x64xf32, #tpu.memory_space<vmem_shared>>
    tpu.wait_indirect_dma semaphore(%arg26 : memref<!tpu.dma_semaphore, #tpu.memory_space<semaphore_mem>>) src(%arg13 : memref<128x64xf32, #tpu.memory_space<vmem>>) dst(%dma_wait3A_169 : memref<10240x64xf32, #tpu.memory_space<vmem_shared>>)
    %barrier3A_170 = arith.constant 0 : index
    tpu.barrier barrier_id(%barrier3A_170)
    "tpu.region"() ({
      %run_scoped3A = tpu.sem_alloc : memref<!tpu.dma_semaphore, #tpu.memory_space<semaphore_mem>>
      %dma_start3A_171 = arith.constant 0 : i32
      %dma_start3A_172 = tpu.memref_slice %arg5[%arg0, %mul3A_0, %dma_start3A_171] : memref<2x10240x64xf32, #tpu.memory_space<hbm>> -> memref<1x640x64xf32, #tpu.memory_space<hbm>>
      %dma_start3A_173 = tpu.memref_squeeze %dma_start3A_172 : memref<1x640x64xf32, #tpu.memory_space<hbm>> -> memref<640x64xf32, #tpu.memory_space<hbm>>
      %dma_start3A_174 = arith.constant 0 : i32
      %dma_start3A_175 = tpu.memref_slice %arg14[%mul3A_0, %dma_start3A_174] : memref<10240x64xf32, #tpu.memory_space<vmem_shared>> -> memref<640x64xf32, #tpu.memory_space<vmem_shared>>
      tpu.enqueue_dma source(%dma_start3A_175 : memref<640x64xf32, #tpu.memory_space<vmem_shared>>) target(%dma_start3A_173 : memref<640x64xf32, #tpu.memory_space<hbm>>) target_semaphore(%run_scoped3A : memref<!tpu.dma_semaphore, #tpu.memory_space<semaphore_mem>>)
      %dma_wait3A_176 = arith.constant 0 : i32
      %dma_wait3A_177 = tpu.memref_slice %arg5[%arg0, %mul3A_0, %dma_wait3A_176] : memref<2x10240x64xf32, #tpu.memory_space<hbm>> -> memref<1x640x64xf32, #tpu.memory_space<hbm>>
      %dma_wait3A_178 = tpu.memref_squeeze %dma_wait3A_177 : memref<1x640x64xf32, #tpu.memory_space<hbm>> -> memref<640x64xf32, #tpu.memory_space<hbm>>
      %dma_wait3A_179 = arith.constant 0 : i32
      %dma_wait3A_180 = tpu.memref_slice %arg14[%mul3A_0, %dma_wait3A_179] : memref<10240x64xf32, #tpu.memory_space<vmem_shared>> -> memref<640x64xf32, #tpu.memory_space<vmem_shared>>
      tpu.wait_dma2 semaphore(%run_scoped3A : memref<!tpu.dma_semaphore, #tpu.memory_space<semaphore_mem>>) src(%dma_wait3A_180 : memref<640x64xf32, #tpu.memory_space<vmem_shared>>) dst(%dma_wait3A_178 : memref<640x64xf32, #tpu.memory_space<hbm>>)
      tpu.yield
    }) : () -> ()
    return
  }
}

#map = affine_map<(d0, d1) -> (0, 0, 0)>
module attributes {stable_mosaic.version = 14 : i64} {
  func.func @_deg_kernel(%arg0: i32, %arg1: i32, %arg2: memref<32x79x128xi32, #tpu.memory_space<hbm>>, %arg3: memref<32x79x128xi32, #tpu.memory_space<hbm>>, %arg4: memref<2x10240x16xf32, #tpu.memory_space<hbm>>, %arg5: memref<2x10240x16xf32, #tpu.memory_space<hbm>>, %arg6: memref<79x128xi32, #tpu.memory_space<vmem>>, %arg7: memref<79x128xi32, #tpu.memory_space<vmem>>, %arg8: memref<128x16xf32, #tpu.memory_space<vmem>>, %arg9: memref<10240x16xf32, #tpu.memory_space<vmem_shared>>, %arg10: memref<10240x16xf32, #tpu.memory_space<vmem_shared>>, %arg11: memref<!tpu.dma_semaphore, #tpu.memory_space<semaphore_mem>>, %arg12: memref<!tpu.dma_semaphore, #tpu.memory_space<semaphore_mem>>) attributes {dimension_semantics = [#tpu.dimension_semantics<core_parallel>, #tpu.dimension_semantics<subcore_parallel>], iteration_bounds = array<i64: 2, 16>, scalar_prefetch = 0 : i64, scratch_operands = 7 : i64, tpu.core_type = #tpu.core_type<sc_vector_subcore>, window_params = [{transform_indices = #map}, {transform_indices = #map}, {transform_indices = #map}, {transform_indices = #map}]} {
    %mul3A = arith.constant 2 : i32
    %mul3A_0 = arith.muli %arg1, %mul3A : i32
    %add3A = arith.addi %mul3A_0, %arg0 : i32
    %mul3A_1 = arith.constant 640 : i32
    %mul3A_2 = arith.muli %arg1, %mul3A_1 : i32
    %broadcast_in_dim3A = arith.constant 0.000000e+00 : f32
    %broadcast_in_dim3A_3 = vector.broadcast %broadcast_in_dim3A : f32 to vector<16xf32>
    %scan3A = arith.constant 0 : i32
    %scan3A_4 = arith.constant 0 : i32
    %scan3A_5 = arith.constant 128 : i32
    %scan3A_6 = arith.addi %scan3A_4, %scan3A_5 : i32
    %scan3A_7 = arith.constant 1 : i32
    %scan3A_8 = scf.for %scan3A_73 = %scan3A_4 to %scan3A_6 step %scan3A_7 iter_args(%scan3A_74 = %scan3A) -> (i32)  : i32 {
      %swap3A = arith.index_cast %scan3A_73 : i32 to index
      %swap3A_75 = arith.constant 0 : index
      %swap3A_76 = tpu.vector_load %arg8[%swap3A, %swap3A_75] {strides = array<i32>} : memref<128x16xf32, #tpu.memory_space<vmem>>, vector<1x16xf32>,
      %swap3A_77 = vector.shape_cast %swap3A_76 : vector<1x16xf32> to vector<16xf32>
      %swap3A_78 = vector.shape_cast %broadcast_in_dim3A_3 : vector<16xf32> to vector<1x16xf32>
      tpu.vector_store %arg8[%swap3A, %swap3A_75], %swap3A_78 {strides = array<i32>} : memref<128x16xf32, #tpu.memory_space<vmem>>, vector<1x16xf32>,
      %scan3A_79 = arith.constant 0 : i32
      scf.yield %scan3A_79 : i32
    }
    %scan3A_9 = arith.constant 128 : i32
    %add3A_10 = arith.constant 0 : i32
    %add3A_11 = arith.addi %mul3A_2, %add3A_10 : i32
    "tpu.region"() ({
      %run_scoped3A = tpu.sem_alloc : memref<!tpu.dma_semaphore, #tpu.memory_space<semaphore_mem>>
      %dma_start3A_73 = arith.constant 0 : i32
      %dma_start3A_74 = tpu.memref_slice %arg9[%add3A_11, %dma_start3A_73] : memref<10240x16xf32, #tpu.memory_space<vmem_shared>> -> memref<128x16xf32, #tpu.memory_space<vmem_shared>>
      %dma_start3A_75 = arith.constant 0 : i32
      %dma_start3A_76 = tpu.memref_slice %arg9[%add3A_11, %dma_start3A_75] : memref<10240x16xf32, #tpu.memory_space<vmem_shared>> -> memref<128x16xf32, #tpu.memory_space<vmem_shared>>
      tpu.enqueue_dma source(%arg8 : memref<128x16xf32, #tpu.memory_space<vmem>>) target(%dma_start3A_76 : memref<128x16xf32, #tpu.memory_space<vmem_shared>>) target_semaphore(%run_scoped3A : memref<!tpu.dma_semaphore, #tpu.memory_space<semaphore_mem>>)
      %dma_wait3A_77 = arith.constant 0 : i32
      %dma_wait3A_78 = tpu.memref_slice %arg9[%add3A_11, %dma_wait3A_77] : memref<10240x16xf32, #tpu.memory_space<vmem_shared>> -> memref<128x16xf32, #tpu.memory_space<vmem_shared>>
      %dma_wait3A_79 = arith.constant 0 : i32
      %dma_wait3A_80 = tpu.memref_slice %arg9[%add3A_11, %dma_wait3A_79] : memref<10240x16xf32, #tpu.memory_space<vmem_shared>> -> memref<128x16xf32, #tpu.memory_space<vmem_shared>>
      tpu.wait_dma2 semaphore(%run_scoped3A : memref<!tpu.dma_semaphore, #tpu.memory_space<semaphore_mem>>) src(%arg8 : memref<128x16xf32, #tpu.memory_space<vmem>>) dst(%dma_wait3A_80 : memref<128x16xf32, #tpu.memory_space<vmem_shared>>)
      tpu.yield
    }) : () -> ()
    %add3A_12 = arith.constant 0 : i32
    %add3A_13 = arith.addi %mul3A_2, %add3A_12 : i32
    "tpu.region"() ({
      %run_scoped3A = tpu.sem_alloc : memref<!tpu.dma_semaphore, #tpu.memory_space<semaphore_mem>>
      %dma_start3A_73 = arith.constant 0 : i32
      %dma_start3A_74 = tpu.memref_slice %arg10[%add3A_13, %dma_start3A_73] : memref<10240x16xf32, #tpu.memory_space<vmem_shared>> -> memref<128x16xf32, #tpu.memory_space<vmem_shared>>
      %dma_start3A_75 = arith.constant 0 : i32
      %dma_start3A_76 = tpu.memref_slice %arg10[%add3A_13, %dma_start3A_75] : memref<10240x16xf32, #tpu.memory_space<vmem_shared>> -> memref<128x16xf32, #tpu.memory_space<vmem_shared>>
      tpu.enqueue_dma source(%arg8 : memref<128x16xf32, #tpu.memory_space<vmem>>) target(%dma_start3A_76 : memref<128x16xf32, #tpu.memory_space<vmem_shared>>) target_semaphore(%run_scoped3A : memref<!tpu.dma_semaphore, #tpu.memory_space<semaphore_mem>>)
      %dma_wait3A_77 = arith.constant 0 : i32
      %dma_wait3A_78 = tpu.memref_slice %arg10[%add3A_13, %dma_wait3A_77] : memref<10240x16xf32, #tpu.memory_space<vmem_shared>> -> memref<128x16xf32, #tpu.memory_space<vmem_shared>>
      %dma_wait3A_79 = arith.constant 0 : i32
      %dma_wait3A_80 = tpu.memref_slice %arg10[%add3A_13, %dma_wait3A_79] : memref<10240x16xf32, #tpu.memory_space<vmem_shared>> -> memref<128x16xf32, #tpu.memory_space<vmem_shared>>
      tpu.wait_dma2 semaphore(%run_scoped3A : memref<!tpu.dma_semaphore, #tpu.memory_space<semaphore_mem>>) src(%arg8 : memref<128x16xf32, #tpu.memory_space<vmem>>) dst(%dma_wait3A_80 : memref<128x16xf32, #tpu.memory_space<vmem_shared>>)
      tpu.yield
    }) : () -> ()
    %add3A_14 = arith.constant 128 : i32
    %add3A_15 = arith.addi %mul3A_2, %add3A_14 : i32
    "tpu.region"() ({
      %run_scoped3A = tpu.sem_alloc : memref<!tpu.dma_semaphore, #tpu.memory_space<semaphore_mem>>
      %dma_start3A_73 = arith.constant 0 : i32
      %dma_start3A_74 = tpu.memref_slice %arg9[%add3A_15, %dma_start3A_73] : memref<10240x16xf32, #tpu.memory_space<vmem_shared>> -> memref<128x16xf32, #tpu.memory_space<vmem_shared>>
      %dma_start3A_75 = arith.constant 0 : i32
      %dma_start3A_76 = tpu.memref_slice %arg9[%add3A_15, %dma_start3A_75] : memref<10240x16xf32, #tpu.memory_space<vmem_shared>> -> memref<128x16xf32, #tpu.memory_space<vmem_shared>>
      tpu.enqueue_dma source(%arg8 : memref<128x16xf32, #tpu.memory_space<vmem>>) target(%dma_start3A_76 : memref<128x16xf32, #tpu.memory_space<vmem_shared>>) target_semaphore(%run_scoped3A : memref<!tpu.dma_semaphore, #tpu.memory_space<semaphore_mem>>)
      %dma_wait3A_77 = arith.constant 0 : i32
      %dma_wait3A_78 = tpu.memref_slice %arg9[%add3A_15, %dma_wait3A_77] : memref<10240x16xf32, #tpu.memory_space<vmem_shared>> -> memref<128x16xf32, #tpu.memory_space<vmem_shared>>
      %dma_wait3A_79 = arith.constant 0 : i32
      %dma_wait3A_80 = tpu.memref_slice %arg9[%add3A_15, %dma_wait3A_79] : memref<10240x16xf32, #tpu.memory_space<vmem_shared>> -> memref<128x16xf32, #tpu.memory_space<vmem_shared>>
      tpu.wait_dma2 semaphore(%run_scoped3A : memref<!tpu.dma_semaphore, #tpu.memory_space<semaphore_mem>>) src(%arg8 : memref<128x16xf32, #tpu.memory_space<vmem>>) dst(%dma_wait3A_80 : memref<128x16xf32, #tpu.memory_space<vmem_shared>>)
      tpu.yield
    }) : () -> ()
    %add3A_16 = arith.constant 128 : i32
    %add3A_17 = arith.addi %mul3A_2, %add3A_16 : i32
    "tpu.region"() ({
      %run_scoped3A = tpu.sem_alloc : memref<!tpu.dma_semaphore, #tpu.memory_space<semaphore_mem>>
      %dma_start3A_73 = arith.constant 0 : i32
      %dma_start3A_74 = tpu.memref_slice %arg10[%add3A_17, %dma_start3A_73] : memref<10240x16xf32, #tpu.memory_space<vmem_shared>> -> memref<128x16xf32, #tpu.memory_space<vmem_shared>>
      %dma_start3A_75 = arith.constant 0 : i32
      %dma_start3A_76 = tpu.memref_slice %arg10[%add3A_17, %dma_start3A_75] : memref<10240x16xf32, #tpu.memory_space<vmem_shared>> -> memref<128x16xf32, #tpu.memory_space<vmem_shared>>
      tpu.enqueue_dma source(%arg8 : memref<128x16xf32, #tpu.memory_space<vmem>>) target(%dma_start3A_76 : memref<128x16xf32, #tpu.memory_space<vmem_shared>>) target_semaphore(%run_scoped3A : memref<!tpu.dma_semaphore, #tpu.memory_space<semaphore_mem>>)
      %dma_wait3A_77 = arith.constant 0 : i32
      %dma_wait3A_78 = tpu.memref_slice %arg10[%add3A_17, %dma_wait3A_77] : memref<10240x16xf32, #tpu.memory_space<vmem_shared>> -> memref<128x16xf32, #tpu.memory_space<vmem_shared>>
      %dma_wait3A_79 = arith.constant 0 : i32
      %dma_wait3A_80 = tpu.memref_slice %arg10[%add3A_17, %dma_wait3A_79] : memref<10240x16xf32, #tpu.memory_space<vmem_shared>> -> memref<128x16xf32, #tpu.memory_space<vmem_shared>>
      tpu.wait_dma2 semaphore(%run_scoped3A : memref<!tpu.dma_semaphore, #tpu.memory_space<semaphore_mem>>) src(%arg8 : memref<128x16xf32, #tpu.memory_space<vmem>>) dst(%dma_wait3A_80 : memref<128x16xf32, #tpu.memory_space<vmem_shared>>)
      tpu.yield
    }) : () -> ()
    %add3A_18 = arith.constant 256 : i32
    %add3A_19 = arith.addi %mul3A_2, %add3A_18 : i32
    "tpu.region"() ({
      %run_scoped3A = tpu.sem_alloc : memref<!tpu.dma_semaphore, #tpu.memory_space<semaphore_mem>>
      %dma_start3A_73 = arith.constant 0 : i32
      %dma_start3A_74 = tpu.memref_slice %arg9[%add3A_19, %dma_start3A_73] : memref<10240x16xf32, #tpu.memory_space<vmem_shared>> -> memref<128x16xf32, #tpu.memory_space<vmem_shared>>
      %dma_start3A_75 = arith.constant 0 : i32
      %dma_start3A_76 = tpu.memref_slice %arg9[%add3A_19, %dma_start3A_75] : memref<10240x16xf32, #tpu.memory_space<vmem_shared>> -> memref<128x16xf32, #tpu.memory_space<vmem_shared>>
      tpu.enqueue_dma source(%arg8 : memref<128x16xf32, #tpu.memory_space<vmem>>) target(%dma_start3A_76 : memref<128x16xf32, #tpu.memory_space<vmem_shared>>) target_semaphore(%run_scoped3A : memref<!tpu.dma_semaphore, #tpu.memory_space<semaphore_mem>>)
      %dma_wait3A_77 = arith.constant 0 : i32
      %dma_wait3A_78 = tpu.memref_slice %arg9[%add3A_19, %dma_wait3A_77] : memref<10240x16xf32, #tpu.memory_space<vmem_shared>> -> memref<128x16xf32, #tpu.memory_space<vmem_shared>>
      %dma_wait3A_79 = arith.constant 0 : i32
      %dma_wait3A_80 = tpu.memref_slice %arg9[%add3A_19, %dma_wait3A_79] : memref<10240x16xf32, #tpu.memory_space<vmem_shared>> -> memref<128x16xf32, #tpu.memory_space<vmem_shared>>
      tpu.wait_dma2 semaphore(%run_scoped3A : memref<!tpu.dma_semaphore, #tpu.memory_space<semaphore_mem>>) src(%arg8 : memref<128x16xf32, #tpu.memory_space<vmem>>) dst(%dma_wait3A_80 : memref<128x16xf32, #tpu.memory_space<vmem_shared>>)
      tpu.yield
    }) : () -> ()
    %add3A_20 = arith.constant 256 : i32
    %add3A_21 = arith.addi %mul3A_2, %add3A_20 : i32
    "tpu.region"() ({
      %run_scoped3A = tpu.sem_alloc : memref<!tpu.dma_semaphore, #tpu.memory_space<semaphore_mem>>
      %dma_start3A_73 = arith.constant 0 : i32
      %dma_start3A_74 = tpu.memref_slice %arg10[%add3A_21, %dma_start3A_73] : memref<10240x16xf32, #tpu.memory_space<vmem_shared>> -> memref<128x16xf32, #tpu.memory_space<vmem_shared>>
      %dma_start3A_75 = arith.constant 0 : i32
      %dma_start3A_76 = tpu.memref_slice %arg10[%add3A_21, %dma_start3A_75] : memref<10240x16xf32, #tpu.memory_space<vmem_shared>> -> memref<128x16xf32, #tpu.memory_space<vmem_shared>>
      tpu.enqueue_dma source(%arg8 : memref<128x16xf32, #tpu.memory_space<vmem>>) target(%dma_start3A_76 : memref<128x16xf32, #tpu.memory_space<vmem_shared>>) target_semaphore(%run_scoped3A : memref<!tpu.dma_semaphore, #tpu.memory_space<semaphore_mem>>)
      %dma_wait3A_77 = arith.constant 0 : i32
      %dma_wait3A_78 = tpu.memref_slice %arg10[%add3A_21, %dma_wait3A_77] : memref<10240x16xf32, #tpu.memory_space<vmem_shared>> -> memref<128x16xf32, #tpu.memory_space<vmem_shared>>
      %dma_wait3A_79 = arith.constant 0 : i32
      %dma_wait3A_80 = tpu.memref_slice %arg10[%add3A_21, %dma_wait3A_79] : memref<10240x16xf32, #tpu.memory_space<vmem_shared>> -> memref<128x16xf32, #tpu.memory_space<vmem_shared>>
      tpu.wait_dma2 semaphore(%run_scoped3A : memref<!tpu.dma_semaphore, #tpu.memory_space<semaphore_mem>>) src(%arg8 : memref<128x16xf32, #tpu.memory_space<vmem>>) dst(%dma_wait3A_80 : memref<128x16xf32, #tpu.memory_space<vmem_shared>>)
      tpu.yield
    }) : () -> ()
    %add3A_22 = arith.constant 384 : i32
    %add3A_23 = arith.addi %mul3A_2, %add3A_22 : i32
    "tpu.region"() ({
      %run_scoped3A = tpu.sem_alloc : memref<!tpu.dma_semaphore, #tpu.memory_space<semaphore_mem>>
      %dma_start3A_73 = arith.constant 0 : i32
      %dma_start3A_74 = tpu.memref_slice %arg9[%add3A_23, %dma_start3A_73] : memref<10240x16xf32, #tpu.memory_space<vmem_shared>> -> memref<128x16xf32, #tpu.memory_space<vmem_shared>>
      %dma_start3A_75 = arith.constant 0 : i32
      %dma_start3A_76 = tpu.memref_slice %arg9[%add3A_23, %dma_start3A_75] : memref<10240x16xf32, #tpu.memory_space<vmem_shared>> -> memref<128x16xf32, #tpu.memory_space<vmem_shared>>
      tpu.enqueue_dma source(%arg8 : memref<128x16xf32, #tpu.memory_space<vmem>>) target(%dma_start3A_76 : memref<128x16xf32, #tpu.memory_space<vmem_shared>>) target_semaphore(%run_scoped3A : memref<!tpu.dma_semaphore, #tpu.memory_space<semaphore_mem>>)
      %dma_wait3A_77 = arith.constant 0 : i32
      %dma_wait3A_78 = tpu.memref_slice %arg9[%add3A_23, %dma_wait3A_77] : memref<10240x16xf32, #tpu.memory_space<vmem_shared>> -> memref<128x16xf32, #tpu.memory_space<vmem_shared>>
      %dma_wait3A_79 = arith.constant 0 : i32
      %dma_wait3A_80 = tpu.memref_slice %arg9[%add3A_23, %dma_wait3A_79] : memref<10240x16xf32, #tpu.memory_space<vmem_shared>> -> memref<128x16xf32, #tpu.memory_space<vmem_shared>>
      tpu.wait_dma2 semaphore(%run_scoped3A : memref<!tpu.dma_semaphore, #tpu.memory_space<semaphore_mem>>) src(%arg8 : memref<128x16xf32, #tpu.memory_space<vmem>>) dst(%dma_wait3A_80 : memref<128x16xf32, #tpu.memory_space<vmem_shared>>)
      tpu.yield
    }) : () -> ()
    %add3A_24 = arith.constant 384 : i32
    %add3A_25 = arith.addi %mul3A_2, %add3A_24 : i32
    "tpu.region"() ({
      %run_scoped3A = tpu.sem_alloc : memref<!tpu.dma_semaphore, #tpu.memory_space<semaphore_mem>>
      %dma_start3A_73 = arith.constant 0 : i32
      %dma_start3A_74 = tpu.memref_slice %arg10[%add3A_25, %dma_start3A_73] : memref<10240x16xf32, #tpu.memory_space<vmem_shared>> -> memref<128x16xf32, #tpu.memory_space<vmem_shared>>
      %dma_start3A_75 = arith.constant 0 : i32
      %dma_start3A_76 = tpu.memref_slice %arg10[%add3A_25, %dma_start3A_75] : memref<10240x16xf32, #tpu.memory_space<vmem_shared>> -> memref<128x16xf32, #tpu.memory_space<vmem_shared>>
      tpu.enqueue_dma source(%arg8 : memref<128x16xf32, #tpu.memory_space<vmem>>) target(%dma_start3A_76 : memref<128x16xf32, #tpu.memory_space<vmem_shared>>) target_semaphore(%run_scoped3A : memref<!tpu.dma_semaphore, #tpu.memory_space<semaphore_mem>>)
      %dma_wait3A_77 = arith.constant 0 : i32
      %dma_wait3A_78 = tpu.memref_slice %arg10[%add3A_25, %dma_wait3A_77] : memref<10240x16xf32, #tpu.memory_space<vmem_shared>> -> memref<128x16xf32, #tpu.memory_space<vmem_shared>>
      %dma_wait3A_79 = arith.constant 0 : i32
      %dma_wait3A_80 = tpu.memref_slice %arg10[%add3A_25, %dma_wait3A_79] : memref<10240x16xf32, #tpu.memory_space<vmem_shared>> -> memref<128x16xf32, #tpu.memory_space<vmem_shared>>
      tpu.wait_dma2 semaphore(%run_scoped3A : memref<!tpu.dma_semaphore, #tpu.memory_space<semaphore_mem>>) src(%arg8 : memref<128x16xf32, #tpu.memory_space<vmem>>) dst(%dma_wait3A_80 : memref<128x16xf32, #tpu.memory_space<vmem_shared>>)
      tpu.yield
    }) : () -> ()
    %add3A_26 = arith.constant 512 : i32
    %add3A_27 = arith.addi %mul3A_2, %add3A_26 : i32
    "tpu.region"() ({
      %run_scoped3A = tpu.sem_alloc : memref<!tpu.dma_semaphore, #tpu.memory_space<semaphore_mem>>
      %dma_start3A_73 = arith.constant 0 : i32
      %dma_start3A_74 = tpu.memref_slice %arg9[%add3A_27, %dma_start3A_73] : memref<10240x16xf32, #tpu.memory_space<vmem_shared>> -> memref<128x16xf32, #tpu.memory_space<vmem_shared>>
      %dma_start3A_75 = arith.constant 0 : i32
      %dma_start3A_76 = tpu.memref_slice %arg9[%add3A_27, %dma_start3A_75] : memref<10240x16xf32, #tpu.memory_space<vmem_shared>> -> memref<128x16xf32, #tpu.memory_space<vmem_shared>>
      tpu.enqueue_dma source(%arg8 : memref<128x16xf32, #tpu.memory_space<vmem>>) target(%dma_start3A_76 : memref<128x16xf32, #tpu.memory_space<vmem_shared>>) target_semaphore(%run_scoped3A : memref<!tpu.dma_semaphore, #tpu.memory_space<semaphore_mem>>)
      %dma_wait3A_77 = arith.constant 0 : i32
      %dma_wait3A_78 = tpu.memref_slice %arg9[%add3A_27, %dma_wait3A_77] : memref<10240x16xf32, #tpu.memory_space<vmem_shared>> -> memref<128x16xf32, #tpu.memory_space<vmem_shared>>
      %dma_wait3A_79 = arith.constant 0 : i32
      %dma_wait3A_80 = tpu.memref_slice %arg9[%add3A_27, %dma_wait3A_79] : memref<10240x16xf32, #tpu.memory_space<vmem_shared>> -> memref<128x16xf32, #tpu.memory_space<vmem_shared>>
      tpu.wait_dma2 semaphore(%run_scoped3A : memref<!tpu.dma_semaphore, #tpu.memory_space<semaphore_mem>>) src(%arg8 : memref<128x16xf32, #tpu.memory_space<vmem>>) dst(%dma_wait3A_80 : memref<128x16xf32, #tpu.memory_space<vmem_shared>>)
      tpu.yield
    }) : () -> ()
    %add3A_28 = arith.constant 512 : i32
    %add3A_29 = arith.addi %mul3A_2, %add3A_28 : i32
    "tpu.region"() ({
      %run_scoped3A = tpu.sem_alloc : memref<!tpu.dma_semaphore, #tpu.memory_space<semaphore_mem>>
      %dma_start3A_73 = arith.constant 0 : i32
      %dma_start3A_74 = tpu.memref_slice %arg10[%add3A_29, %dma_start3A_73] : memref<10240x16xf32, #tpu.memory_space<vmem_shared>> -> memref<128x16xf32, #tpu.memory_space<vmem_shared>>
      %dma_start3A_75 = arith.constant 0 : i32
      %dma_start3A_76 = tpu.memref_slice %arg10[%add3A_29, %dma_start3A_75] : memref<10240x16xf32, #tpu.memory_space<vmem_shared>> -> memref<128x16xf32, #tpu.memory_space<vmem_shared>>
      tpu.enqueue_dma source(%arg8 : memref<128x16xf32, #tpu.memory_space<vmem>>) target(%dma_start3A_76 : memref<128x16xf32, #tpu.memory_space<vmem_shared>>) target_semaphore(%run_scoped3A : memref<!tpu.dma_semaphore, #tpu.memory_space<semaphore_mem>>)
      %dma_wait3A_77 = arith.constant 0 : i32
      %dma_wait3A_78 = tpu.memref_slice %arg10[%add3A_29, %dma_wait3A_77] : memref<10240x16xf32, #tpu.memory_space<vmem_shared>> -> memref<128x16xf32, #tpu.memory_space<vmem_shared>>
      %dma_wait3A_79 = arith.constant 0 : i32
      %dma_wait3A_80 = tpu.memref_slice %arg10[%add3A_29, %dma_wait3A_79] : memref<10240x16xf32, #tpu.memory_space<vmem_shared>> -> memref<128x16xf32, #tpu.memory_space<vmem_shared>>
      tpu.wait_dma2 semaphore(%run_scoped3A : memref<!tpu.dma_semaphore, #tpu.memory_space<semaphore_mem>>) src(%arg8 : memref<128x16xf32, #tpu.memory_space<vmem>>) dst(%dma_wait3A_80 : memref<128x16xf32, #tpu.memory_space<vmem_shared>>)
      tpu.yield
    }) : () -> ()
    %broadcast_in_dim3A_30 = arith.constant 1.000000e+00 : f32
    %broadcast_in_dim3A_31 = vector.broadcast %broadcast_in_dim3A_30 : f32 to vector<16xf32>
    %scan3A_32 = arith.constant 0 : i32
    %scan3A_33 = arith.constant 0 : i32
    %scan3A_34 = arith.constant 128 : i32
    %scan3A_35 = arith.addi %scan3A_33, %scan3A_34 : i32
    %scan3A_36 = arith.constant 1 : i32
    %scan3A_37 = scf.for %scan3A_73 = %scan3A_33 to %scan3A_35 step %scan3A_36 iter_args(%scan3A_74 = %scan3A_32) -> (i32)  : i32 {
      %swap3A = arith.index_cast %scan3A_73 : i32 to index
      %swap3A_75 = arith.constant 0 : index
      %swap3A_76 = tpu.vector_load %arg8[%swap3A, %swap3A_75] {strides = array<i32>} : memref<128x16xf32, #tpu.memory_space<vmem>>, vector<1x16xf32>,
      %swap3A_77 = vector.shape_cast %swap3A_76 : vector<1x16xf32> to vector<16xf32>
      %swap3A_78 = vector.shape_cast %broadcast_in_dim3A_31 : vector<16xf32> to vector<1x16xf32>
      tpu.vector_store %arg8[%swap3A, %swap3A_75], %swap3A_78 {strides = array<i32>} : memref<128x16xf32, #tpu.memory_space<vmem>>, vector<1x16xf32>,
      %scan3A_79 = arith.constant 0 : i32
      scf.yield %scan3A_79 : i32
    }
    %scan3A_38 = arith.constant 128 : i32
    %barrier3A = arith.constant 0 : index
    tpu.barrier barrier_id(%barrier3A)
    "tpu.region"() ({
      %run_scoped3A = tpu.sem_alloc : memref<!tpu.dma_semaphore, #tpu.memory_space<semaphore_mem>>
      %dma_start3A_73 = arith.constant 0 : i32
      %dma_start3A_74 = arith.constant 0 : i32
      %dma_start3A_75 = tpu.memref_slice %arg2[%add3A, %dma_start3A_73, %dma_start3A_74] : memref<32x79x128xi32, #tpu.memory_space<hbm>> -> memref<1x79x128xi32, #tpu.memory_space<hbm>>
      %dma_start3A_76 = tpu.memref_squeeze %dma_start3A_75 : memref<1x79x128xi32, #tpu.memory_space<hbm>> -> memref<79x128xi32, #tpu.memory_space<hbm>>
      %dma_start3A_77 = arith.constant 0 : i32
      %dma_start3A_78 = arith.constant 0 : i32
      %dma_start3A_79 = tpu.memref_slice %arg2[%add3A, %dma_start3A_77, %dma_start3A_78] : memref<32x79x128xi32, #tpu.memory_space<hbm>> -> memref<1x79x128xi32, #tpu.memory_space<hbm>>
      %dma_start3A_80 = tpu.memref_squeeze %dma_start3A_79 : memref<1x79x128xi32, #tpu.memory_space<hbm>> -> memref<79x128xi32, #tpu.memory_space<hbm>>
      tpu.enqueue_dma source(%dma_start3A_80 : memref<79x128xi32, #tpu.memory_space<hbm>>) target(%arg6 : memref<79x128xi32, #tpu.memory_space<vmem>>) target_semaphore(%run_scoped3A : memref<!tpu.dma_semaphore, #tpu.memory_space<semaphore_mem>>)
      %dma_wait3A_81 = arith.constant 0 : i32
      %dma_wait3A_82 = arith.constant 0 : i32
      %dma_wait3A_83 = tpu.memref_slice %arg2[%add3A, %dma_wait3A_81, %dma_wait3A_82] : memref<32x79x128xi32, #tpu.memory_space<hbm>> -> memref<1x79x128xi32, #tpu.memory_space<hbm>>
      %dma_wait3A_84 = tpu.memref_squeeze %dma_wait3A_83 : memref<1x79x128xi32, #tpu.memory_space<hbm>> -> memref<79x128xi32, #tpu.memory_space<hbm>>
      %dma_wait3A_85 = arith.constant 0 : i32
      %dma_wait3A_86 = arith.constant 0 : i32
      %dma_wait3A_87 = tpu.memref_slice %arg2[%add3A, %dma_wait3A_85, %dma_wait3A_86] : memref<32x79x128xi32, #tpu.memory_space<hbm>> -> memref<1x79x128xi32, #tpu.memory_space<hbm>>
      %dma_wait3A_88 = tpu.memref_squeeze %dma_wait3A_87 : memref<1x79x128xi32, #tpu.memory_space<hbm>> -> memref<79x128xi32, #tpu.memory_space<hbm>>
      tpu.wait_dma2 semaphore(%run_scoped3A : memref<!tpu.dma_semaphore, #tpu.memory_space<semaphore_mem>>) src(%dma_wait3A_88 : memref<79x128xi32, #tpu.memory_space<hbm>>) dst(%arg6 : memref<79x128xi32, #tpu.memory_space<vmem>>)
      tpu.yield
    }) : () -> ()
    "tpu.region"() ({
      %run_scoped3A = tpu.sem_alloc : memref<!tpu.dma_semaphore, #tpu.memory_space<semaphore_mem>>
      %dma_start3A_73 = arith.constant 0 : i32
      %dma_start3A_74 = arith.constant 0 : i32
      %dma_start3A_75 = tpu.memref_slice %arg3[%add3A, %dma_start3A_73, %dma_start3A_74] : memref<32x79x128xi32, #tpu.memory_space<hbm>> -> memref<1x79x128xi32, #tpu.memory_space<hbm>>
      %dma_start3A_76 = tpu.memref_squeeze %dma_start3A_75 : memref<1x79x128xi32, #tpu.memory_space<hbm>> -> memref<79x128xi32, #tpu.memory_space<hbm>>
      %dma_start3A_77 = arith.constant 0 : i32
      %dma_start3A_78 = arith.constant 0 : i32
      %dma_start3A_79 = tpu.memref_slice %arg3[%add3A, %dma_start3A_77, %dma_start3A_78] : memref<32x79x128xi32, #tpu.memory_space<hbm>> -> memref<1x79x128xi32, #tpu.memory_space<hbm>>
      %dma_start3A_80 = tpu.memref_squeeze %dma_start3A_79 : memref<1x79x128xi32, #tpu.memory_space<hbm>> -> memref<79x128xi32, #tpu.memory_space<hbm>>
      tpu.enqueue_dma source(%dma_start3A_80 : memref<79x128xi32, #tpu.memory_space<hbm>>) target(%arg7 : memref<79x128xi32, #tpu.memory_space<vmem>>) target_semaphore(%run_scoped3A : memref<!tpu.dma_semaphore, #tpu.memory_space<semaphore_mem>>)
      %dma_wait3A_81 = arith.constant 0 : i32
      %dma_wait3A_82 = arith.constant 0 : i32
      %dma_wait3A_83 = tpu.memref_slice %arg3[%add3A, %dma_wait3A_81, %dma_wait3A_82] : memref<32x79x128xi32, #tpu.memory_space<hbm>> -> memref<1x79x128xi32, #tpu.memory_space<hbm>>
      %dma_wait3A_84 = tpu.memref_squeeze %dma_wait3A_83 : memref<1x79x128xi32, #tpu.memory_space<hbm>> -> memref<79x128xi32, #tpu.memory_space<hbm>>
      %dma_wait3A_85 = arith.constant 0 : i32
      %dma_wait3A_86 = arith.constant 0 : i32
      %dma_wait3A_87 = tpu.memref_slice %arg3[%add3A, %dma_wait3A_85, %dma_wait3A_86] : memref<32x79x128xi32, #tpu.memory_space<hbm>> -> memref<1x79x128xi32, #tpu.memory_space<hbm>>
      %dma_wait3A_88 = tpu.memref_squeeze %dma_wait3A_87 : memref<1x79x128xi32, #tpu.memory_space<hbm>> -> memref<79x128xi32, #tpu.memory_space<hbm>>
      tpu.wait_dma2 semaphore(%run_scoped3A : memref<!tpu.dma_semaphore, #tpu.memory_space<semaphore_mem>>) src(%dma_wait3A_88 : memref<79x128xi32, #tpu.memory_space<hbm>>) dst(%arg7 : memref<79x128xi32, #tpu.memory_space<vmem>>)
      tpu.yield
    }) : () -> ()
    %dma_start3A = arith.constant 0 : i32
    %dma_start3A_39 = arith.constant 0 : i32
    %dma_start3A_40 = tpu.memref_slice %arg6[%dma_start3A, %dma_start3A_39] : memref<79x128xi32, #tpu.memory_space<vmem>> -> memref<1x128xi32, #tpu.memory_space<vmem>>
    %dma_start3A_41 = tpu.memref_squeeze %dma_start3A_40 : memref<1x128xi32, #tpu.memory_space<vmem>> -> memref<128xi32, #tpu.memory_space<vmem>>
    %dma_start3A_42 = arith.constant 0 : i32
    %dma_start3A_43 = arith.constant 0 : i32
    %dma_start3A_44 = tpu.memref_slice %arg9[%dma_start3A_42, %dma_start3A_43] : memref<10240x16xf32, #tpu.memory_space<vmem_shared>> -> memref<10240x16xf32, #tpu.memory_space<vmem_shared>>
    tpu.enqueue_indirect_dma source(%arg8 : memref<128x16xf32, #tpu.memory_space<vmem>>) target(%dma_start3A_44 : memref<10240x16xf32, #tpu.memory_space<vmem_shared>>) offsets(%dma_start3A_41 : memref<128xi32, #tpu.memory_space<vmem>>) semaphore(%arg11 : memref<!tpu.dma_semaphore, #tpu.memory_space<semaphore_mem>>) {add = true}
    %dma_start3A_45 = arith.constant 0 : i32
    %dma_start3A_46 = arith.constant 0 : i32
    %dma_start3A_47 = tpu.memref_slice %arg7[%dma_start3A_45, %dma_start3A_46] : memref<79x128xi32, #tpu.memory_space<vmem>> -> memref<1x128xi32, #tpu.memory_space<vmem>>
    %dma_start3A_48 = tpu.memref_squeeze %dma_start3A_47 : memref<1x128xi32, #tpu.memory_space<vmem>> -> memref<128xi32, #tpu.memory_space<vmem>>
    %dma_start3A_49 = arith.constant 0 : i32
    %dma_start3A_50 = arith.constant 0 : i32
    %dma_start3A_51 = tpu.memref_slice %arg10[%dma_start3A_49, %dma_start3A_50] : memref<10240x16xf32, #tpu.memory_space<vmem_shared>> -> memref<10240x16xf32, #tpu.memory_space<vmem_shared>>
    tpu.enqueue_indirect_dma source(%arg8 : memref<128x16xf32, #tpu.memory_space<vmem>>) target(%dma_start3A_51 : memref<10240x16xf32, #tpu.memory_space<vmem_shared>>) offsets(%dma_start3A_48 : memref<128xi32, #tpu.memory_space<vmem>>) semaphore(%arg12 : memref<!tpu.dma_semaphore, #tpu.memory_space<semaphore_mem>>) {add = true}
    %scan3A_52 = arith.constant 0 : i32
    %scan3A_53 = arith.constant 1 : i32
    %scan3A_54 = arith.constant 78 : i32
    %scan3A_55 = arith.addi %scan3A_53, %scan3A_54 : i32
    %scan3A_56 = arith.constant 1 : i32
    %scan3A_57 = scf.for %scan3A_73 = %scan3A_53 to %scan3A_55 step %scan3A_56 iter_args(%scan3A_74 = %scan3A_52) -> (i32)  : i32 {
      %sub3A = arith.constant 1 : i32
      %sub3A_75 = arith.subi %scan3A_73, %sub3A : i32
      %dma_wait3A_76 = arith.constant 0 : i32
      %dma_wait3A_77 = tpu.memref_slice %arg6[%sub3A_75, %dma_wait3A_76] : memref<79x128xi32, #tpu.memory_space<vmem>> -> memref<1x128xi32, #tpu.memory_space<vmem>>
      %dma_wait3A_78 = tpu.memref_squeeze %dma_wait3A_77 : memref<1x128xi32, #tpu.memory_space<vmem>> -> memref<128xi32, #tpu.memory_space<vmem>>
      %dma_wait3A_79 = arith.constant 0 : i32
      %dma_wait3A_80 = arith.constant 0 : i32
      %dma_wait3A_81 = tpu.memref_slice %arg9[%dma_wait3A_79, %dma_wait3A_80] : memref<10240x16xf32, #tpu.memory_space<vmem_shared>> -> memref<10240x16xf32, #tpu.memory_space<vmem_shared>>
      tpu.wait_indirect_dma semaphore(%arg11 : memref<!tpu.dma_semaphore, #tpu.memory_space<semaphore_mem>>) src(%arg8 : memref<128x16xf32, #tpu.memory_space<vmem>>) dst(%dma_wait3A_81 : memref<10240x16xf32, #tpu.memory_space<vmem_shared>>)
      %sub3A_82 = arith.constant 1 : i32
      %sub3A_83 = arith.subi %scan3A_73, %sub3A_82 : i32
      %dma_wait3A_84 = arith.constant 0 : i32
      %dma_wait3A_85 = tpu.memref_slice %arg7[%sub3A_83, %dma_wait3A_84] : memref<79x128xi32, #tpu.memory_space<vmem>> -> memref<1x128xi32, #tpu.memory_space<vmem>>
      %dma_wait3A_86 = tpu.memref_squeeze %dma_wait3A_85 : memref<1x128xi32, #tpu.memory_space<vmem>> -> memref<128xi32, #tpu.memory_space<vmem>>
      %dma_wait3A_87 = arith.constant 0 : i32
      %dma_wait3A_88 = arith.constant 0 : i32
      %dma_wait3A_89 = tpu.memref_slice %arg10[%dma_wait3A_87, %dma_wait3A_88] : memref<10240x16xf32, #tpu.memory_space<vmem_shared>> -> memref<10240x16xf32, #tpu.memory_space<vmem_shared>>
      tpu.wait_indirect_dma semaphore(%arg12 : memref<!tpu.dma_semaphore, #tpu.memory_space<semaphore_mem>>) src(%arg8 : memref<128x16xf32, #tpu.memory_space<vmem>>) dst(%dma_wait3A_89 : memref<10240x16xf32, #tpu.memory_space<vmem_shared>>)
      %dma_start3A_90 = arith.constant 0 : i32
      %dma_start3A_91 = tpu.memref_slice %arg6[%scan3A_73, %dma_start3A_90] : memref<79x128xi32, #tpu.memory_space<vmem>> -> memref<1x128xi32, #tpu.memory_space<vmem>>
      %dma_start3A_92 = tpu.memref_squeeze %dma_start3A_91 : memref<1x128xi32, #tpu.memory_space<vmem>> -> memref<128xi32, #tpu.memory_space<vmem>>
      %dma_start3A_93 = arith.constant 0 : i32
      %dma_start3A_94 = arith.constant 0 : i32
      %dma_start3A_95 = tpu.memref_slice %arg9[%dma_start3A_93, %dma_start3A_94] : memref<10240x16xf32, #tpu.memory_space<vmem_shared>> -> memref<10240x16xf32, #tpu.memory_space<vmem_shared>>
      tpu.enqueue_indirect_dma source(%arg8 : memref<128x16xf32, #tpu.memory_space<vmem>>) target(%dma_start3A_95 : memref<10240x16xf32, #tpu.memory_space<vmem_shared>>) offsets(%dma_start3A_92 : memref<128xi32, #tpu.memory_space<vmem>>) semaphore(%arg11 : memref<!tpu.dma_semaphore, #tpu.memory_space<semaphore_mem>>) {add = true}
      %dma_start3A_96 = arith.constant 0 : i32
      %dma_start3A_97 = tpu.memref_slice %arg7[%scan3A_73, %dma_start3A_96] : memref<79x128xi32, #tpu.memory_space<vmem>> -> memref<1x128xi32, #tpu.memory_space<vmem>>
      %dma_start3A_98 = tpu.memref_squeeze %dma_start3A_97 : memref<1x128xi32, #tpu.memory_space<vmem>> -> memref<128xi32, #tpu.memory_space<vmem>>
      %dma_start3A_99 = arith.constant 0 : i32
      %dma_start3A_100 = arith.constant 0 : i32
      %dma_start3A_101 = tpu.memref_slice %arg10[%dma_start3A_99, %dma_start3A_100] : memref<10240x16xf32, #tpu.memory_space<vmem_shared>> -> memref<10240x16xf32, #tpu.memory_space<vmem_shared>>
      tpu.enqueue_indirect_dma source(%arg8 : memref<128x16xf32, #tpu.memory_space<vmem>>) target(%dma_start3A_101 : memref<10240x16xf32, #tpu.memory_space<vmem_shared>>) offsets(%dma_start3A_98 : memref<128xi32, #tpu.memory_space<vmem>>) semaphore(%arg12 : memref<!tpu.dma_semaphore, #tpu.memory_space<semaphore_mem>>) {add = true}
      %scan3A_102 = arith.constant 0 : i32
      scf.yield %scan3A_102 : i32
    }
    %scan3A_58 = arith.constant 78 : i32
    %dma_wait3A = arith.constant 78 : i32
    %dma_wait3A_59 = arith.constant 0 : i32
    %dma_wait3A_60 = tpu.memref_slice %arg6[%dma_wait3A, %dma_wait3A_59] : memref<79x128xi32, #tpu.memory_space<vmem>> -> memref<1x128xi32, #tpu.memory_space<vmem>>
    %dma_wait3A_61 = tpu.memref_squeeze %dma_wait3A_60 : memref<1x128xi32, #tpu.memory_space<vmem>> -> memref<128xi32, #tpu.memory_space<vmem>>
    %dma_wait3A_62 = arith.constant 0 : i32
    %dma_wait3A_63 = arith.constant 0 : i32
    %dma_wait3A_64 = tpu.memref_slice %arg9[%dma_wait3A_62, %dma_wait3A_63] : memref<10240x16xf32, #tpu.memory_space<vmem_shared>> -> memref<10240x16xf32, #tpu.memory_space<vmem_shared>>
    tpu.wait_indirect_dma semaphore(%arg11 : memref<!tpu.dma_semaphore, #tpu.memory_space<semaphore_mem>>) src(%arg8 : memref<128x16xf32, #tpu.memory_space<vmem>>) dst(%dma_wait3A_64 : memref<10240x16xf32, #tpu.memory_space<vmem_shared>>)
    %dma_wait3A_65 = arith.constant 78 : i32
    %dma_wait3A_66 = arith.constant 0 : i32
    %dma_wait3A_67 = tpu.memref_slice %arg7[%dma_wait3A_65, %dma_wait3A_66] : memref<79x128xi32, #tpu.memory_space<vmem>> -> memref<1x128xi32, #tpu.memory_space<vmem>>
    %dma_wait3A_68 = tpu.memref_squeeze %dma_wait3A_67 : memref<1x128xi32, #tpu.memory_space<vmem>> -> memref<128xi32, #tpu.memory_space<vmem>>
    %dma_wait3A_69 = arith.constant 0 : i32
    %dma_wait3A_70 = arith.constant 0 : i32
    %dma_wait3A_71 = tpu.memref_slice %arg10[%dma_wait3A_69, %dma_wait3A_70] : memref<10240x16xf32, #tpu.memory_space<vmem_shared>> -> memref<10240x16xf32, #tpu.memory_space<vmem_shared>>
    tpu.wait_indirect_dma semaphore(%arg12 : memref<!tpu.dma_semaphore, #tpu.memory_space<semaphore_mem>>) src(%arg8 : memref<128x16xf32, #tpu.memory_space<vmem>>) dst(%dma_wait3A_71 : memref<10240x16xf32, #tpu.memory_space<vmem_shared>>)
    %barrier3A_72 = arith.constant 0 : index
    tpu.barrier barrier_id(%barrier3A_72)
    "tpu.region"() ({
      %run_scoped3A = tpu.sem_alloc : memref<!tpu.dma_semaphore, #tpu.memory_space<semaphore_mem>>
      %dma_start3A_73 = arith.constant 0 : i32
      %dma_start3A_74 = tpu.memref_slice %arg4[%arg0, %mul3A_2, %dma_start3A_73] : memref<2x10240x16xf32, #tpu.memory_space<hbm>> -> memref<1x640x16xf32, #tpu.memory_space<hbm>>
      %dma_start3A_75 = tpu.memref_squeeze %dma_start3A_74 : memref<1x640x16xf32, #tpu.memory_space<hbm>> -> memref<640x16xf32, #tpu.memory_space<hbm>>
      %dma_start3A_76 = arith.constant 0 : i32
      %dma_start3A_77 = tpu.memref_slice %arg9[%mul3A_2, %dma_start3A_76] : memref<10240x16xf32, #tpu.memory_space<vmem_shared>> -> memref<640x16xf32, #tpu.memory_space<vmem_shared>>
      tpu.enqueue_dma source(%dma_start3A_77 : memref<640x16xf32, #tpu.memory_space<vmem_shared>>) target(%dma_start3A_75 : memref<640x16xf32, #tpu.memory_space<hbm>>) target_semaphore(%run_scoped3A : memref<!tpu.dma_semaphore, #tpu.memory_space<semaphore_mem>>)
      %dma_wait3A_78 = arith.constant 0 : i32
      %dma_wait3A_79 = tpu.memref_slice %arg4[%arg0, %mul3A_2, %dma_wait3A_78] : memref<2x10240x16xf32, #tpu.memory_space<hbm>> -> memref<1x640x16xf32, #tpu.memory_space<hbm>>
      %dma_wait3A_80 = tpu.memref_squeeze %dma_wait3A_79 : memref<1x640x16xf32, #tpu.memory_space<hbm>> -> memref<640x16xf32, #tpu.memory_space<hbm>>
      %dma_wait3A_81 = arith.constant 0 : i32
      %dma_wait3A_82 = tpu.memref_slice %arg9[%mul3A_2, %dma_wait3A_81] : memref<10240x16xf32, #tpu.memory_space<vmem_shared>> -> memref<640x16xf32, #tpu.memory_space<vmem_shared>>
      tpu.wait_dma2 semaphore(%run_scoped3A : memref<!tpu.dma_semaphore, #tpu.memory_space<semaphore_mem>>) src(%dma_wait3A_82 : memref<640x16xf32, #tpu.memory_space<vmem_shared>>) dst(%dma_wait3A_80 : memref<640x16xf32, #tpu.memory_space<hbm>>)
      tpu.yield
    }) : () -> ()
    "tpu.region"() ({
      %run_scoped3A = tpu.sem_alloc : memref<!tpu.dma_semaphore, #tpu.memory_space<semaphore_mem>>
      %dma_start3A_73 = arith.constant 0 : i32
      %dma_start3A_74 = tpu.memref_slice %arg5[%arg0, %mul3A_2, %dma_start3A_73] : memref<2x10240x16xf32, #tpu.memory_space<hbm>> -> memref<1x640x16xf32, #tpu.memory_space<hbm>>
      %dma_start3A_75 = tpu.memref_squeeze %dma_start3A_74 : memref<1x640x16xf32, #tpu.memory_space<hbm>> -> memref<640x16xf32, #tpu.memory_space<hbm>>
      %dma_start3A_76 = arith.constant 0 : i32
      %dma_start3A_77 = tpu.memref_slice %arg10[%mul3A_2, %dma_start3A_76] : memref<10240x16xf32, #tpu.memory_space<vmem_shared>> -> memref<640x16xf32, #tpu.memory_space<vmem_shared>>
      tpu.enqueue_dma source(%dma_start3A_77 : memref<640x16xf32, #tpu.memory_space<vmem_shared>>) target(%dma_start3A_75 : memref<640x16xf32, #tpu.memory_space<hbm>>) target_semaphore(%run_scoped3A : memref<!tpu.dma_semaphore, #tpu.memory_space<semaphore_mem>>)
      %dma_wait3A_78 = arith.constant 0 : i32
      %dma_wait3A_79 = tpu.memref_slice %arg5[%arg0, %mul3A_2, %dma_wait3A_78] : memref<2x10240x16xf32, #tpu.memory_space<hbm>> -> memref<1x640x16xf32, #tpu.memory_space<hbm>>
      %dma_wait3A_80 = tpu.memref_squeeze %dma_wait3A_79 : memref<1x640x16xf32, #tpu.memory_space<hbm>> -> memref<640x16xf32, #tpu.memory_space<hbm>>
      %dma_wait3A_81 = arith.constant 0 : i32
      %dma_wait3A_82 = tpu.memref_slice %arg10[%mul3A_2, %dma_wait3A_81] : memref<10240x16xf32, #tpu.memory_space<vmem_shared>> -> memref<640x16xf32, #tpu.memory_space<vmem_shared>>
      tpu.wait_dma2 semaphore(%run_scoped3A : memref<!tpu.dma_semaphore, #tpu.memory_space<semaphore_mem>>) src(%dma_wait3A_82 : memref<640x16xf32, #tpu.memory_space<vmem_shared>>) dst(%dma_wait3A_80 : memref<640x16xf32, #tpu.memory_space<hbm>>)
      tpu.yield
    }) : () -> ()
    return
  }
}

#map = affine_map<(d0, d1) -> (0, 0)>
#map1 = affine_map<(d0, d1) -> (0, 0, 0)>
module attributes {stable_mosaic.version = 14 : i64} {
  func.func @_prop_dual(%arg0: i32, %arg1: i32, %arg2: memref<20480x64xf32, #tpu.memory_space<hbm>>, %arg3: memref<16x158x128xi32, #tpu.memory_space<hbm>>, %arg4: memref<16x158x128xi32, #tpu.memory_space<hbm>>, %arg5: memref<2x10240x64xf32, #tpu.memory_space<hbm>>, %arg6: memref<158x128xi32, #tpu.memory_space<vmem>>, %arg7: memref<158x128xi32, #tpu.memory_space<vmem>>, %arg8: memref<128x64xf32, #tpu.memory_space<vmem>>, %arg9: memref<128x64xf32, #tpu.memory_space<vmem>>, %arg10: memref<128x64xf32, #tpu.memory_space<vmem>>, %arg11: memref<128x64xf32, #tpu.memory_space<vmem>>, %arg12: memref<128x64xf32, #tpu.memory_space<vmem>>, %arg13: memref<128x64xf32, #tpu.memory_space<vmem>>, %arg14: memref<10240x64xf32, #tpu.memory_space<vmem_shared>>, %arg15: memref<!tpu.dma_semaphore, #tpu.memory_space<semaphore_mem>>, %arg16: memref<!tpu.dma_semaphore, #tpu.memory_space<semaphore_mem>>, %arg17: memref<!tpu.dma_semaphore, #tpu.memory_space<semaphore_mem>>, %arg18: memref<!tpu.dma_semaphore, #tpu.memory_space<semaphore_mem>>, %arg19: memref<!tpu.dma_semaphore, #tpu.memory_space<semaphore_mem>>, %arg20: memref<!tpu.dma_semaphore, #tpu.memory_space<semaphore_mem>>, %arg21: memref<!tpu.dma_semaphore, #tpu.memory_space<semaphore_mem>>, %arg22: memref<!tpu.dma_semaphore, #tpu.memory_space<semaphore_mem>>, %arg23: memref<!tpu.dma_semaphore, #tpu.memory_space<semaphore_mem>>, %arg24: memref<!tpu.dma_semaphore, #tpu.memory_space<semaphore_mem>>, %arg25: memref<!tpu.dma_semaphore, #tpu.memory_space<semaphore_mem>>, %arg26: memref<!tpu.dma_semaphore, #tpu.memory_space<semaphore_mem>>) attributes {dimension_semantics = [#tpu.dimension_semantics<core_parallel>, #tpu.dimension_semantics<subcore_parallel>], iteration_bounds = array<i64: 2, 16>, scalar_prefetch = 0 : i64, scratch_operands = 21 : i64, tpu.core_type = #tpu.core_type<sc_vector_subcore>, window_params = [{transform_indices = #map}, {transform_indices = #map1}, {transform_indices = #map1}, {transform_indices = #map1}]} {
    %mul3A = arith.constant 640 : i32
    %mul3A_0 = arith.muli %arg1, %mul3A : i32
    %dma_start3A = arith.constant 0 : i32
    %dma_start3A_1 = arith.constant 0 : i32
    %dma_start3A_2 = tpu.memref_slice %arg3[%arg1, %dma_start3A, %dma_start3A_1] : memref<16x158x128xi32, #tpu.memory_space<hbm>> -> memref<1x158x128xi32, #tpu.memory_space<hbm>>
    %dma_start3A_3 = tpu.memref_squeeze %dma_start3A_2 : memref<1x158x128xi32, #tpu.memory_space<hbm>> -> memref<158x128xi32, #tpu.memory_space<hbm>>
    %dma_start3A_4 = arith.constant 0 : i32
    %dma_start3A_5 = arith.constant 0 : i32
    %dma_start3A_6 = tpu.memref_slice %arg3[%arg1, %dma_start3A_4, %dma_start3A_5] : memref<16x158x128xi32, #tpu.memory_space<hbm>> -> memref<1x158x128xi32, #tpu.memory_space<hbm>>
    %dma_start3A_7 = tpu.memref_squeeze %dma_start3A_6 : memref<1x158x128xi32, #tpu.memory_space<hbm>> -> memref<158x128xi32, #tpu.memory_space<hbm>>
    tpu.enqueue_dma source(%dma_start3A_7 : memref<158x128xi32, #tpu.memory_space<hbm>>) target(%arg6 : memref<158x128xi32, #tpu.memory_space<vmem>>) target_semaphore(%arg16 : memref<!tpu.dma_semaphore, #tpu.memory_space<semaphore_mem>>)
    %dma_start3A_8 = arith.constant 0 : i32
    %dma_start3A_9 = arith.constant 0 : i32
    %dma_start3A_10 = tpu.memref_slice %arg4[%arg1, %dma_start3A_8, %dma_start3A_9] : memref<16x158x128xi32, #tpu.memory_space<hbm>> -> memref<1x158x128xi32, #tpu.memory_space<hbm>>
    %dma_start3A_11 = tpu.memref_squeeze %dma_start3A_10 : memref<1x158x128xi32, #tpu.memory_space<hbm>> -> memref<158x128xi32, #tpu.memory_space<hbm>>
    %dma_start3A_12 = arith.constant 0 : i32
    %dma_start3A_13 = arith.constant 0 : i32
    %dma_start3A_14 = tpu.memref_slice %arg4[%arg1, %dma_start3A_12, %dma_start3A_13] : memref<16x158x128xi32, #tpu.memory_space<hbm>> -> memref<1x158x128xi32, #tpu.memory_space<hbm>>
    %dma_start3A_15 = tpu.memref_squeeze %dma_start3A_14 : memref<1x158x128xi32, #tpu.memory_space<hbm>> -> memref<158x128xi32, #tpu.memory_space<hbm>>
    tpu.enqueue_dma source(%dma_start3A_15 : memref<158x128xi32, #tpu.memory_space<hbm>>) target(%arg7 : memref<158x128xi32, #tpu.memory_space<vmem>>) target_semaphore(%arg17 : memref<!tpu.dma_semaphore, #tpu.memory_space<semaphore_mem>>)
    %broadcast_in_dim3A = arith.constant 0.000000e+00 : f32
    %broadcast_in_dim3A_16 = vector.broadcast %broadcast_in_dim3A : f32 to vector<16xf32>
    %scan3A = arith.constant 0 : i32
    %scan3A_17 = arith.constant 0 : i32
    %scan3A_18 = arith.constant 128 : i32
    %scan3A_19 = arith.addi %scan3A_17, %scan3A_18 : i32
    %scan3A_20 = arith.constant 1 : i32
    %scan3A_21 = scf.for %scan3A_171 = %scan3A_17 to %scan3A_19 step %scan3A_20 iter_args(%scan3A_172 = %scan3A) -> (i32)  : i32 {
      %swap3A = arith.index_cast %scan3A_171 : i32 to index
      %swap3A_173 = arith.constant 0 : index
      %swap3A_174 = tpu.vector_load %arg8[%swap3A, %swap3A_173] {strides = array<i32>} : memref<128x64xf32, #tpu.memory_space<vmem>>, vector<1x16xf32>,
      %swap3A_175 = vector.shape_cast %swap3A_174 : vector<1x16xf32> to vector<16xf32>
      %swap3A_176 = vector.shape_cast %broadcast_in_dim3A_16 : vector<16xf32> to vector<1x16xf32>
      tpu.vector_store %arg8[%swap3A, %swap3A_173], %swap3A_176 {strides = array<i32>} : memref<128x64xf32, #tpu.memory_space<vmem>>, vector<1x16xf32>,
      %swap3A_177 = arith.index_cast %scan3A_171 : i32 to index
      %swap3A_178 = arith.constant 16 : index
      %swap3A_179 = tpu.vector_load %arg8[%swap3A_177, %swap3A_178] {strides = array<i32>} : memref<128x64xf32, #tpu.memory_space<vmem>>, vector<1x16xf32>,
      %swap3A_180 = vector.shape_cast %swap3A_179 : vector<1x16xf32> to vector<16xf32>
      %swap3A_181 = vector.shape_cast %broadcast_in_dim3A_16 : vector<16xf32> to vector<1x16xf32>
      tpu.vector_store %arg8[%swap3A_177, %swap3A_178], %swap3A_181 {strides = array<i32>} : memref<128x64xf32, #tpu.memory_space<vmem>>, vector<1x16xf32>,
      %swap3A_182 = arith.index_cast %scan3A_171 : i32 to index
      %swap3A_183 = arith.constant 32 : index
      %swap3A_184 = tpu.vector_load %arg8[%swap3A_182, %swap3A_183] {strides = array<i32>} : memref<128x64xf32, #tpu.memory_space<vmem>>, vector<1x16xf32>,
      %swap3A_185 = vector.shape_cast %swap3A_184 : vector<1x16xf32> to vector<16xf32>
      %swap3A_186 = vector.shape_cast %broadcast_in_dim3A_16 : vector<16xf32> to vector<1x16xf32>
      tpu.vector_store %arg8[%swap3A_182, %swap3A_183], %swap3A_186 {strides = array<i32>} : memref<128x64xf32, #tpu.memory_space<vmem>>, vector<1x16xf32>,
      %swap3A_187 = arith.index_cast %scan3A_171 : i32 to index
      %swap3A_188 = arith.constant 48 : index
      %swap3A_189 = tpu.vector_load %arg8[%swap3A_187, %swap3A_188] {strides = array<i32>} : memref<128x64xf32, #tpu.memory_space<vmem>>, vector<1x16xf32>,
      %swap3A_190 = vector.shape_cast %swap3A_189 : vector<1x16xf32> to vector<16xf32>
      %swap3A_191 = vector.shape_cast %broadcast_in_dim3A_16 : vector<16xf32> to vector<1x16xf32>
      tpu.vector_store %arg8[%swap3A_187, %swap3A_188], %swap3A_191 {strides = array<i32>} : memref<128x64xf32, #tpu.memory_space<vmem>>, vector<1x16xf32>,
      %scan3A_192 = arith.constant 0 : i32
      scf.yield %scan3A_192 : i32
    }
    %scan3A_22 = arith.constant 128 : i32
    %add3A = arith.constant 0 : i32
    %add3A_23 = arith.addi %mul3A_0, %add3A : i32
    %dma_start3A_24 = arith.constant 0 : i32
    %dma_start3A_25 = tpu.memref_slice %arg14[%add3A_23, %dma_start3A_24] : memref<10240x64xf32, #tpu.memory_space<vmem_shared>> -> memref<128x64xf32, #tpu.memory_space<vmem_shared>>
    %dma_start3A_26 = arith.constant 0 : i32
    %dma_start3A_27 = tpu.memref_slice %arg14[%add3A_23, %dma_start3A_26] : memref<10240x64xf32, #tpu.memory_space<vmem_shared>> -> memref<128x64xf32, #tpu.memory_space<vmem_shared>>
    tpu.enqueue_dma source(%arg8 : memref<128x64xf32, #tpu.memory_space<vmem>>) target(%dma_start3A_27 : memref<128x64xf32, #tpu.memory_space<vmem_shared>>) target_semaphore(%arg15 : memref<!tpu.dma_semaphore, #tpu.memory_space<semaphore_mem>>)
    %add3A_28 = arith.constant 128 : i32
    %add3A_29 = arith.addi %mul3A_0, %add3A_28 : i32
    %dma_start3A_30 = arith.constant 0 : i32
    %dma_start3A_31 = tpu.memref_slice %arg14[%add3A_29, %dma_start3A_30] : memref<10240x64xf32, #tpu.memory_space<vmem_shared>> -> memref<128x64xf32, #tpu.memory_space<vmem_shared>>
    %dma_start3A_32 = arith.constant 0 : i32
    %dma_start3A_33 = tpu.memref_slice %arg14[%add3A_29, %dma_start3A_32] : memref<10240x64xf32, #tpu.memory_space<vmem_shared>> -> memref<128x64xf32, #tpu.memory_space<vmem_shared>>
    tpu.enqueue_dma source(%arg8 : memref<128x64xf32, #tpu.memory_space<vmem>>) target(%dma_start3A_33 : memref<128x64xf32, #tpu.memory_space<vmem_shared>>) target_semaphore(%arg15 : memref<!tpu.dma_semaphore, #tpu.memory_space<semaphore_mem>>)
    %add3A_34 = arith.constant 256 : i32
    %add3A_35 = arith.addi %mul3A_0, %add3A_34 : i32
    %dma_start3A_36 = arith.constant 0 : i32
    %dma_start3A_37 = tpu.memref_slice %arg14[%add3A_35, %dma_start3A_36] : memref<10240x64xf32, #tpu.memory_space<vmem_shared>> -> memref<128x64xf32, #tpu.memory_space<vmem_shared>>
    %dma_start3A_38 = arith.constant 0 : i32
    %dma_start3A_39 = tpu.memref_slice %arg14[%add3A_35, %dma_start3A_38] : memref<10240x64xf32, #tpu.memory_space<vmem_shared>> -> memref<128x64xf32, #tpu.memory_space<vmem_shared>>
    tpu.enqueue_dma source(%arg8 : memref<128x64xf32, #tpu.memory_space<vmem>>) target(%dma_start3A_39 : memref<128x64xf32, #tpu.memory_space<vmem_shared>>) target_semaphore(%arg15 : memref<!tpu.dma_semaphore, #tpu.memory_space<semaphore_mem>>)
    %add3A_40 = arith.constant 384 : i32
    %add3A_41 = arith.addi %mul3A_0, %add3A_40 : i32
    %dma_start3A_42 = arith.constant 0 : i32
    %dma_start3A_43 = tpu.memref_slice %arg14[%add3A_41, %dma_start3A_42] : memref<10240x64xf32, #tpu.memory_space<vmem_shared>> -> memref<128x64xf32, #tpu.memory_space<vmem_shared>>
    %dma_start3A_44 = arith.constant 0 : i32
    %dma_start3A_45 = tpu.memref_slice %arg14[%add3A_41, %dma_start3A_44] : memref<10240x64xf32, #tpu.memory_space<vmem_shared>> -> memref<128x64xf32, #tpu.memory_space<vmem_shared>>
    tpu.enqueue_dma source(%arg8 : memref<128x64xf32, #tpu.memory_space<vmem>>) target(%dma_start3A_45 : memref<128x64xf32, #tpu.memory_space<vmem_shared>>) target_semaphore(%arg15 : memref<!tpu.dma_semaphore, #tpu.memory_space<semaphore_mem>>)
    %add3A_46 = arith.constant 512 : i32
    %add3A_47 = arith.addi %mul3A_0, %add3A_46 : i32
    %dma_start3A_48 = arith.constant 0 : i32
    %dma_start3A_49 = tpu.memref_slice %arg14[%add3A_47, %dma_start3A_48] : memref<10240x64xf32, #tpu.memory_space<vmem_shared>> -> memref<128x64xf32, #tpu.memory_space<vmem_shared>>
    %dma_start3A_50 = arith.constant 0 : i32
    %dma_start3A_51 = tpu.memref_slice %arg14[%add3A_47, %dma_start3A_50] : memref<10240x64xf32, #tpu.memory_space<vmem_shared>> -> memref<128x64xf32, #tpu.memory_space<vmem_shared>>
    tpu.enqueue_dma source(%arg8 : memref<128x64xf32, #tpu.memory_space<vmem>>) target(%dma_start3A_51 : memref<128x64xf32, #tpu.memory_space<vmem_shared>>) target_semaphore(%arg15 : memref<!tpu.dma_semaphore, #tpu.memory_space<semaphore_mem>>)
    %dma_wait3A = arith.constant 0 : i32
    %dma_wait3A_52 = tpu.memref_slice %arg14[%add3A_23, %dma_wait3A] : memref<10240x64xf32, #tpu.memory_space<vmem_shared>> -> memref<128x64xf32, #tpu.memory_space<vmem_shared>>
    %dma_wait3A_53 = arith.constant 0 : i32
    %dma_wait3A_54 = tpu.memref_slice %arg14[%add3A_23, %dma_wait3A_53] : memref<10240x64xf32, #tpu.memory_space<vmem_shared>> -> memref<128x64xf32, #tpu.memory_space<vmem_shared>>
    tpu.wait_dma2 semaphore(%arg15 : memref<!tpu.dma_semaphore, #tpu.memory_space<semaphore_mem>>) src(%arg8 : memref<128x64xf32, #tpu.memory_space<vmem>>) dst(%dma_wait3A_54 : memref<128x64xf32, #tpu.memory_space<vmem_shared>>)
    %dma_wait3A_55 = arith.constant 0 : i32
    %dma_wait3A_56 = tpu.memref_slice %arg14[%add3A_29, %dma_wait3A_55] : memref<10240x64xf32, #tpu.memory_space<vmem_shared>> -> memref<128x64xf32, #tpu.memory_space<vmem_shared>>
    %dma_wait3A_57 = arith.constant 0 : i32
    %dma_wait3A_58 = tpu.memref_slice %arg14[%add3A_29, %dma_wait3A_57] : memref<10240x64xf32, #tpu.memory_space<vmem_shared>> -> memref<128x64xf32, #tpu.memory_space<vmem_shared>>
    tpu.wait_dma2 semaphore(%arg15 : memref<!tpu.dma_semaphore, #tpu.memory_space<semaphore_mem>>) src(%arg8 : memref<128x64xf32, #tpu.memory_space<vmem>>) dst(%dma_wait3A_58 : memref<128x64xf32, #tpu.memory_space<vmem_shared>>)
    %dma_wait3A_59 = arith.constant 0 : i32
    %dma_wait3A_60 = tpu.memref_slice %arg14[%add3A_35, %dma_wait3A_59] : memref<10240x64xf32, #tpu.memory_space<vmem_shared>> -> memref<128x64xf32, #tpu.memory_space<vmem_shared>>
    %dma_wait3A_61 = arith.constant 0 : i32
    %dma_wait3A_62 = tpu.memref_slice %arg14[%add3A_35, %dma_wait3A_61] : memref<10240x64xf32, #tpu.memory_space<vmem_shared>> -> memref<128x64xf32, #tpu.memory_space<vmem_shared>>
    tpu.wait_dma2 semaphore(%arg15 : memref<!tpu.dma_semaphore, #tpu.memory_space<semaphore_mem>>) src(%arg8 : memref<128x64xf32, #tpu.memory_space<vmem>>) dst(%dma_wait3A_62 : memref<128x64xf32, #tpu.memory_space<vmem_shared>>)
    %dma_wait3A_63 = arith.constant 0 : i32
    %dma_wait3A_64 = tpu.memref_slice %arg14[%add3A_41, %dma_wait3A_63] : memref<10240x64xf32, #tpu.memory_space<vmem_shared>> -> memref<128x64xf32, #tpu.memory_space<vmem_shared>>
    %dma_wait3A_65 = arith.constant 0 : i32
    %dma_wait3A_66 = tpu.memref_slice %arg14[%add3A_41, %dma_wait3A_65] : memref<10240x64xf32, #tpu.memory_space<vmem_shared>> -> memref<128x64xf32, #tpu.memory_space<vmem_shared>>
    tpu.wait_dma2 semaphore(%arg15 : memref<!tpu.dma_semaphore, #tpu.memory_space<semaphore_mem>>) src(%arg8 : memref<128x64xf32, #tpu.memory_space<vmem>>) dst(%dma_wait3A_66 : memref<128x64xf32, #tpu.memory_space<vmem_shared>>)
    %dma_wait3A_67 = arith.constant 0 : i32
    %dma_wait3A_68 = tpu.memref_slice %arg14[%add3A_47, %dma_wait3A_67] : memref<10240x64xf32, #tpu.memory_space<vmem_shared>> -> memref<128x64xf32, #tpu.memory_space<vmem_shared>>
    %dma_wait3A_69 = arith.constant 0 : i32
    %dma_wait3A_70 = tpu.memref_slice %arg14[%add3A_47, %dma_wait3A_69] : memref<10240x64xf32, #tpu.memory_space<vmem_shared>> -> memref<128x64xf32, #tpu.memory_space<vmem_shared>>
    tpu.wait_dma2 semaphore(%arg15 : memref<!tpu.dma_semaphore, #tpu.memory_space<semaphore_mem>>) src(%arg8 : memref<128x64xf32, #tpu.memory_space<vmem>>) dst(%dma_wait3A_70 : memref<128x64xf32, #tpu.memory_space<vmem_shared>>)
    %dma_wait3A_71 = arith.constant 0 : i32
    %dma_wait3A_72 = arith.constant 0 : i32
    %dma_wait3A_73 = tpu.memref_slice %arg3[%arg1, %dma_wait3A_71, %dma_wait3A_72] : memref<16x158x128xi32, #tpu.memory_space<hbm>> -> memref<1x158x128xi32, #tpu.memory_space<hbm>>
    %dma_wait3A_74 = tpu.memref_squeeze %dma_wait3A_73 : memref<1x158x128xi32, #tpu.memory_space<hbm>> -> memref<158x128xi32, #tpu.memory_space<hbm>>
    %dma_wait3A_75 = arith.constant 0 : i32
    %dma_wait3A_76 = arith.constant 0 : i32
    %dma_wait3A_77 = tpu.memref_slice %arg3[%arg1, %dma_wait3A_75, %dma_wait3A_76] : memref<16x158x128xi32, #tpu.memory_space<hbm>> -> memref<1x158x128xi32, #tpu.memory_space<hbm>>
    %dma_wait3A_78 = tpu.memref_squeeze %dma_wait3A_77 : memref<1x158x128xi32, #tpu.memory_space<hbm>> -> memref<158x128xi32, #tpu.memory_space<hbm>>
    tpu.wait_dma2 semaphore(%arg16 : memref<!tpu.dma_semaphore, #tpu.memory_space<semaphore_mem>>) src(%dma_wait3A_78 : memref<158x128xi32, #tpu.memory_space<hbm>>) dst(%arg6 : memref<158x128xi32, #tpu.memory_space<vmem>>)
    %dma_wait3A_79 = arith.constant 0 : i32
    %dma_wait3A_80 = arith.constant 0 : i32
    %dma_wait3A_81 = tpu.memref_slice %arg4[%arg1, %dma_wait3A_79, %dma_wait3A_80] : memref<16x158x128xi32, #tpu.memory_space<hbm>> -> memref<1x158x128xi32, #tpu.memory_space<hbm>>
    %dma_wait3A_82 = tpu.memref_squeeze %dma_wait3A_81 : memref<1x158x128xi32, #tpu.memory_space<hbm>> -> memref<158x128xi32, #tpu.memory_space<hbm>>
    %dma_wait3A_83 = arith.constant 0 : i32
    %dma_wait3A_84 = arith.constant 0 : i32
    %dma_wait3A_85 = tpu.memref_slice %arg4[%arg1, %dma_wait3A_83, %dma_wait3A_84] : memref<16x158x128xi32, #tpu.memory_space<hbm>> -> memref<1x158x128xi32, #tpu.memory_space<hbm>>
    %dma_wait3A_86 = tpu.memref_squeeze %dma_wait3A_85 : memref<1x158x128xi32, #tpu.memory_space<hbm>> -> memref<158x128xi32, #tpu.memory_space<hbm>>
    tpu.wait_dma2 semaphore(%arg17 : memref<!tpu.dma_semaphore, #tpu.memory_space<semaphore_mem>>) src(%dma_wait3A_86 : memref<158x128xi32, #tpu.memory_space<hbm>>) dst(%arg7 : memref<158x128xi32, #tpu.memory_space<vmem>>)
    %broadcast_in_dim3A_87 = arith.constant 0 : i32
    %broadcast_in_dim3A_88 = vector.broadcast %broadcast_in_dim3A_87 : i32 to vector<16xi32>
    %mul3A_89 = arith.constant 10240 : i32
    %mul3A_90 = arith.muli %arg0, %mul3A_89 : i32
    %add3A_91 = vector.broadcast %mul3A_90 : i32 to vector<16xi32>
    %add3A_92 = arith.addi %broadcast_in_dim3A_88, %add3A_91 : vector<16xi32>
    %scan3A_93 = arith.constant 0 : i32
    %scan3A_94 = arith.constant 0 : i32
    %scan3A_95 = arith.constant 158 : i32
    %scan3A_96 = arith.addi %scan3A_94, %scan3A_95 : i32
    %scan3A_97 = arith.constant 1 : i32
    %scan3A_98 = scf.for %scan3A_171 = %scan3A_94 to %scan3A_96 step %scan3A_97 iter_args(%scan3A_172 = %scan3A_93) -> (i32)  : i32 {
      %get3A = arith.index_cast %scan3A_171 : i32 to index
      %get3A_173 = arith.constant 0 : index
      %get3A_174 = tpu.vector_load %arg6[%get3A, %get3A_173] {strides = array<i32>} : memref<158x128xi32, #tpu.memory_space<vmem>>, vector<1x16xi32>,
      %get3A_175 = vector.shape_cast %get3A_174 : vector<1x16xi32> to vector<16xi32>
      %add3A_176 = arith.addi %get3A_175, %add3A_92 : vector<16xi32>
      %swap3A = arith.index_cast %scan3A_171 : i32 to index
      %swap3A_177 = arith.constant 0 : index
      %swap3A_178 = tpu.vector_load %arg6[%swap3A, %swap3A_177] {strides = array<i32>} : memref<158x128xi32, #tpu.memory_space<vmem>>, vector<1x16xi32>,
      %swap3A_179 = vector.shape_cast %swap3A_178 : vector<1x16xi32> to vector<16xi32>
      %swap3A_180 = vector.shape_cast %add3A_176 : vector<16xi32> to vector<1x16xi32>
      tpu.vector_store %arg6[%swap3A, %swap3A_177], %swap3A_180 {strides = array<i32>} : memref<158x128xi32, #tpu.memory_space<vmem>>, vector<1x16xi32>,
      %get3A_181 = arith.index_cast %scan3A_171 : i32 to index
      %get3A_182 = arith.constant 16 : index
      %get3A_183 = tpu.vector_load %arg6[%get3A_181, %get3A_182] {strides = array<i32>} : memref<158x128xi32, #tpu.memory_space<vmem>>, vector<1x16xi32>,
      %get3A_184 = vector.shape_cast %get3A_183 : vector<1x16xi32> to vector<16xi32>
      %add3A_185 = arith.addi %get3A_184, %add3A_92 : vector<16xi32>
      %swap3A_186 = arith.index_cast %scan3A_171 : i32 to index
      %swap3A_187 = arith.constant 16 : index
      %swap3A_188 = tpu.vector_load %arg6[%swap3A_186, %swap3A_187] {strides = array<i32>} : memref<158x128xi32, #tpu.memory_space<vmem>>, vector<1x16xi32>,
      %swap3A_189 = vector.shape_cast %swap3A_188 : vector<1x16xi32> to vector<16xi32>
      %swap3A_190 = vector.shape_cast %add3A_185 : vector<16xi32> to vector<1x16xi32>
      tpu.vector_store %arg6[%swap3A_186, %swap3A_187], %swap3A_190 {strides = array<i32>} : memref<158x128xi32, #tpu.memory_space<vmem>>, vector<1x16xi32>,
      %get3A_191 = arith.index_cast %scan3A_171 : i32 to index
      %get3A_192 = arith.constant 32 : index
      %get3A_193 = tpu.vector_load %arg6[%get3A_191, %get3A_192] {strides = array<i32>} : memref<158x128xi32, #tpu.memory_space<vmem>>, vector<1x16xi32>,
      %get3A_194 = vector.shape_cast %get3A_193 : vector<1x16xi32> to vector<16xi32>
      %add3A_195 = arith.addi %get3A_194, %add3A_92 : vector<16xi32>
      %swap3A_196 = arith.index_cast %scan3A_171 : i32 to index
      %swap3A_197 = arith.constant 32 : index
      %swap3A_198 = tpu.vector_load %arg6[%swap3A_196, %swap3A_197] {strides = array<i32>} : memref<158x128xi32, #tpu.memory_space<vmem>>, vector<1x16xi32>,
      %swap3A_199 = vector.shape_cast %swap3A_198 : vector<1x16xi32> to vector<16xi32>
      %swap3A_200 = vector.shape_cast %add3A_195 : vector<16xi32> to vector<1x16xi32>
      tpu.vector_store %arg6[%swap3A_196, %swap3A_197], %swap3A_200 {strides = array<i32>} : memref<158x128xi32, #tpu.memory_space<vmem>>, vector<1x16xi32>,
      %get3A_201 = arith.index_cast %scan3A_171 : i32 to index
      %get3A_202 = arith.constant 48 : index
      %get3A_203 = tpu.vector_load %arg6[%get3A_201, %get3A_202] {strides = array<i32>} : memref<158x128xi32, #tpu.memory_space<vmem>>, vector<1x16xi32>,
      %get3A_204 = vector.shape_cast %get3A_203 : vector<1x16xi32> to vector<16xi32>
      %add3A_205 = arith.addi %get3A_204, %add3A_92 : vector<16xi32>
      %swap3A_206 = arith.index_cast %scan3A_171 : i32 to index
      %swap3A_207 = arith.constant 48 : index
      %swap3A_208 = tpu.vector_load %arg6[%swap3A_206, %swap3A_207] {strides = array<i32>} : memref<158x128xi32, #tpu.memory_space<vmem>>, vector<1x16xi32>,
      %swap3A_209 = vector.shape_cast %swap3A_208 : vector<1x16xi32> to vector<16xi32>
      %swap3A_210 = vector.shape_cast %add3A_205 : vector<16xi32> to vector<1x16xi32>
      tpu.vector_store %arg6[%swap3A_206, %swap3A_207], %swap3A_210 {strides = array<i32>} : memref<158x128xi32, #tpu.memory_space<vmem>>, vector<1x16xi32>,
      %get3A_211 = arith.index_cast %scan3A_171 : i32 to index
      %get3A_212 = arith.constant 64 : index
      %get3A_213 = tpu.vector_load %arg6[%get3A_211, %get3A_212] {strides = array<i32>} : memref<158x128xi32, #tpu.memory_space<vmem>>, vector<1x16xi32>,
      %get3A_214 = vector.shape_cast %get3A_213 : vector<1x16xi32> to vector<16xi32>
      %add3A_215 = arith.addi %get3A_214, %add3A_92 : vector<16xi32>
      %swap3A_216 = arith.index_cast %scan3A_171 : i32 to index
      %swap3A_217 = arith.constant 64 : index
      %swap3A_218 = tpu.vector_load %arg6[%swap3A_216, %swap3A_217] {strides = array<i32>} : memref<158x128xi32, #tpu.memory_space<vmem>>, vector<1x16xi32>,
      %swap3A_219 = vector.shape_cast %swap3A_218 : vector<1x16xi32> to vector<16xi32>
      %swap3A_220 = vector.shape_cast %add3A_215 : vector<16xi32> to vector<1x16xi32>
      tpu.vector_store %arg6[%swap3A_216, %swap3A_217], %swap3A_220 {strides = array<i32>} : memref<158x128xi32, #tpu.memory_space<vmem>>, vector<1x16xi32>,
      %get3A_221 = arith.index_cast %scan3A_171 : i32 to index
      %get3A_222 = arith.constant 80 : index
      %get3A_223 = tpu.vector_load %arg6[%get3A_221, %get3A_222] {strides = array<i32>} : memref<158x128xi32, #tpu.memory_space<vmem>>, vector<1x16xi32>,
      %get3A_224 = vector.shape_cast %get3A_223 : vector<1x16xi32> to vector<16xi32>
      %add3A_225 = arith.addi %get3A_224, %add3A_92 : vector<16xi32>
      %swap3A_226 = arith.index_cast %scan3A_171 : i32 to index
      %swap3A_227 = arith.constant 80 : index
      %swap3A_228 = tpu.vector_load %arg6[%swap3A_226, %swap3A_227] {strides = array<i32>} : memref<158x128xi32, #tpu.memory_space<vmem>>, vector<1x16xi32>,
      %swap3A_229 = vector.shape_cast %swap3A_228 : vector<1x16xi32> to vector<16xi32>
      %swap3A_230 = vector.shape_cast %add3A_225 : vector<16xi32> to vector<1x16xi32>
      tpu.vector_store %arg6[%swap3A_226, %swap3A_227], %swap3A_230 {strides = array<i32>} : memref<158x128xi32, #tpu.memory_space<vmem>>, vector<1x16xi32>,
      %get3A_231 = arith.index_cast %scan3A_171 : i32 to index
      %get3A_232 = arith.constant 96 : index
      %get3A_233 = tpu.vector_load %arg6[%get3A_231, %get3A_232] {strides = array<i32>} : memref<158x128xi32, #tpu.memory_space<vmem>>, vector<1x16xi32>,
      %get3A_234 = vector.shape_cast %get3A_233 : vector<1x16xi32> to vector<16xi32>
      %add3A_235 = arith.addi %get3A_234, %add3A_92 : vector<16xi32>
      %swap3A_236 = arith.index_cast %scan3A_171 : i32 to index
      %swap3A_237 = arith.constant 96 : index
      %swap3A_238 = tpu.vector_load %arg6[%swap3A_236, %swap3A_237] {strides = array<i32>} : memref<158x128xi32, #tpu.memory_space<vmem>>, vector<1x16xi32>,
      %swap3A_239 = vector.shape_cast %swap3A_238 : vector<1x16xi32> to vector<16xi32>
      %swap3A_240 = vector.shape_cast %add3A_235 : vector<16xi32> to vector<1x16xi32>
      tpu.vector_store %arg6[%swap3A_236, %swap3A_237], %swap3A_240 {strides = array<i32>} : memref<158x128xi32, #tpu.memory_space<vmem>>, vector<1x16xi32>,
      %get3A_241 = arith.index_cast %scan3A_171 : i32 to index
      %get3A_242 = arith.constant 112 : index
      %get3A_243 = tpu.vector_load %arg6[%get3A_241, %get3A_242] {strides = array<i32>} : memref<158x128xi32, #tpu.memory_space<vmem>>, vector<1x16xi32>,
      %get3A_244 = vector.shape_cast %get3A_243 : vector<1x16xi32> to vector<16xi32>
      %add3A_245 = arith.addi %get3A_244, %add3A_92 : vector<16xi32>
      %swap3A_246 = arith.index_cast %scan3A_171 : i32 to index
      %swap3A_247 = arith.constant 112 : index
      %swap3A_248 = tpu.vector_load %arg6[%swap3A_246, %swap3A_247] {strides = array<i32>} : memref<158x128xi32, #tpu.memory_space<vmem>>, vector<1x16xi32>,
      %swap3A_249 = vector.shape_cast %swap3A_248 : vector<1x16xi32> to vector<16xi32>
      %swap3A_250 = vector.shape_cast %add3A_245 : vector<16xi32> to vector<1x16xi32>
      tpu.vector_store %arg6[%swap3A_246, %swap3A_247], %swap3A_250 {strides = array<i32>} : memref<158x128xi32, #tpu.memory_space<vmem>>, vector<1x16xi32>,
      %scan3A_251 = arith.constant 0 : i32
      scf.yield %scan3A_251 : i32
    }
    %scan3A_99 = arith.constant 158 : i32
    %barrier3A = arith.constant 0 : index
    tpu.barrier barrier_id(%barrier3A)
    %dma_start3A_100 = arith.constant 0 : i32
    %dma_start3A_101 = arith.constant 0 : i32
    %dma_start3A_102 = tpu.memref_slice %arg6[%dma_start3A_100, %dma_start3A_101] : memref<158x128xi32, #tpu.memory_space<vmem>> -> memref<1x128xi32, #tpu.memory_space<vmem>>
    %dma_start3A_103 = tpu.memref_squeeze %dma_start3A_102 : memref<1x128xi32, #tpu.memory_space<vmem>> -> memref<128xi32, #tpu.memory_space<vmem>>
    %dma_start3A_104 = arith.constant 0 : i32
    %dma_start3A_105 = arith.constant 0 : i32
    %dma_start3A_106 = tpu.memref_slice %arg2[%dma_start3A_104, %dma_start3A_105] : memref<20480x64xf32, #tpu.memory_space<hbm>> -> memref<20480x64xf32, #tpu.memory_space<hbm>>
    tpu.enqueue_indirect_dma source(%dma_start3A_106 : memref<20480x64xf32, #tpu.memory_space<hbm>>) target(%arg8 : memref<128x64xf32, #tpu.memory_space<vmem>>) offsets(%dma_start3A_103 : memref<128xi32, #tpu.memory_space<vmem>>) semaphore(%arg15 : memref<!tpu.dma_semaphore, #tpu.memory_space<semaphore_mem>>)
    %dma_start3A_107 = arith.constant 1 : i32
    %dma_start3A_108 = arith.constant 0 : i32
    %dma_start3A_109 = tpu.memref_slice %arg6[%dma_start3A_107, %dma_start3A_108] : memref<158x128xi32, #tpu.memory_space<vmem>> -> memref<1x128xi32, #tpu.memory_space<vmem>>
    %dma_start3A_110 = tpu.memref_squeeze %dma_start3A_109 : memref<1x128xi32, #tpu.memory_space<vmem>> -> memref<128xi32, #tpu.memory_space<vmem>>
    %dma_start3A_111 = arith.constant 0 : i32
    %dma_start3A_112 = arith.constant 0 : i32
    %dma_start3A_113 = tpu.memref_slice %arg2[%dma_start3A_111, %dma_start3A_112] : memref<20480x64xf32, #tpu.memory_space<hbm>> -> memref<20480x64xf32, #tpu.memory_space<hbm>>
    tpu.enqueue_indirect_dma source(%dma_start3A_113 : memref<20480x64xf32, #tpu.memory_space<hbm>>) target(%arg9 : memref<128x64xf32, #tpu.memory_space<vmem>>) offsets(%dma_start3A_110 : memref<128xi32, #tpu.memory_space<vmem>>) semaphore(%arg16 : memref<!tpu.dma_semaphore, #tpu.memory_space<semaphore_mem>>)
    %dma_start3A_114 = arith.constant 2 : i32
    %dma_start3A_115 = arith.constant 0 : i32
    %dma_start3A_116 = tpu.memref_slice %arg6[%dma_start3A_114, %dma_start3A_115] : memref<158x128xi32, #tpu.memory_space<vmem>> -> memref<1x128xi32, #tpu.memory_space<vmem>>
    %dma_start3A_117 = tpu.memref_squeeze %dma_start3A_116 : memref<1x128xi32, #tpu.memory_space<vmem>> -> memref<128xi32, #tpu.memory_space<vmem>>
    %dma_start3A_118 = arith.constant 0 : i32
    %dma_start3A_119 = arith.constant 0 : i32
    %dma_start3A_120 = tpu.memref_slice %arg2[%dma_start3A_118, %dma_start3A_119] : memref<20480x64xf32, #tpu.memory_space<hbm>> -> memref<20480x64xf32, #tpu.memory_space<hbm>>
    tpu.enqueue_indirect_dma source(%dma_start3A_120 : memref<20480x64xf32, #tpu.memory_space<hbm>>) target(%arg10 : memref<128x64xf32, #tpu.memory_space<vmem>>) offsets(%dma_start3A_117 : memref<128xi32, #tpu.memory_space<vmem>>) semaphore(%arg17 : memref<!tpu.dma_semaphore, #tpu.memory_space<semaphore_mem>>)
    %scan3A_121 = arith.constant 0 : i32
    %scan3A_122 = arith.constant 0 : i32
    %scan3A_123 = arith.constant 27 : i32
    %scan3A_124 = arith.addi %scan3A_122, %scan3A_123 : i32
    %scan3A_125 = arith.constant 1 : i32
    %scan3A_126 = scf.for %scan3A_171 = %scan3A_122 to %scan3A_124 step %scan3A_125 iter_args(%scan3A_172 = %scan3A_121) -> (i32)  : i32 {
      %mul3A_173 = arith.constant 6 : i32
      %mul3A_174 = arith.muli %scan3A_171, %mul3A_173 : i32
      %add3A_175 = arith.constant 0 : i32
      %add3A_176 = arith.addi %mul3A_174, %add3A_175 : i32
      %lt3A = arith.constant 158 : i32
      %lt3A_177 = arith.cmpi slt, %add3A_176, %lt3A : i32
      %convert_element_type3A = arith.extui %lt3A_177 : i1 to i32
      %cond3A = arith.constant 0 : i32
      %cond3A_178 = arith.cmpi ne, %convert_element_type3A, %cond3A : i32
      scf.if %cond3A_178 {
        %dma_wait3A_225 = arith.constant 0 : i32
        %dma_wait3A_226 = tpu.memref_slice %arg6[%add3A_176, %dma_wait3A_225] : memref<158x128xi32, #tpu.memory_space<vmem>> -> memref<1x128xi32, #tpu.memory_space<vmem>>
        %dma_wait3A_227 = tpu.memref_squeeze %dma_wait3A_226 : memref<1x128xi32, #tpu.memory_space<vmem>> -> memref<128xi32, #tpu.memory_space<vmem>>
        %dma_wait3A_228 = arith.constant 0 : i32
        %dma_wait3A_229 = arith.constant 0 : i32
        %dma_wait3A_230 = tpu.memref_slice %arg2[%dma_wait3A_228, %dma_wait3A_229] : memref<20480x64xf32, #tpu.memory_space<hbm>> -> memref<20480x64xf32, #tpu.memory_space<hbm>>
        tpu.wait_indirect_dma semaphore(%arg15 : memref<!tpu.dma_semaphore, #tpu.memory_space<semaphore_mem>>) src(%dma_wait3A_230 : memref<20480x64xf32, #tpu.memory_space<hbm>>) dst(%arg8 : memref<128x64xf32, #tpu.memory_space<vmem>>)
        %dma_start3A_231 = arith.constant 0 : i32
        %dma_start3A_232 = tpu.memref_slice %arg7[%add3A_176, %dma_start3A_231] : memref<158x128xi32, #tpu.memory_space<vmem>> -> memref<1x128xi32, #tpu.memory_space<vmem>>
        %dma_start3A_233 = tpu.memref_squeeze %dma_start3A_232 : memref<1x128xi32, #tpu.memory_space<vmem>> -> memref<128xi32, #tpu.memory_space<vmem>>
        %dma_start3A_234 = arith.constant 0 : i32
        %dma_start3A_235 = arith.constant 0 : i32
        %dma_start3A_236 = tpu.memref_slice %arg14[%dma_start3A_234, %dma_start3A_235] : memref<10240x64xf32, #tpu.memory_space<vmem_shared>> -> memref<10240x64xf32, #tpu.memory_space<vmem_shared>>
        tpu.enqueue_indirect_dma source(%arg8 : memref<128x64xf32, #tpu.memory_space<vmem>>) target(%dma_start3A_236 : memref<10240x64xf32, #tpu.memory_space<vmem_shared>>) offsets(%dma_start3A_233 : memref<128xi32, #tpu.memory_space<vmem>>) semaphore(%arg21 : memref<!tpu.dma_semaphore, #tpu.memory_space<semaphore_mem>>) {add = true}
        %add3A_237 = arith.constant 3 : i32
        %add3A_238 = arith.addi %add3A_176, %add3A_237 : i32
        %lt3A_239 = arith.constant 158 : i32
        %lt3A_240 = arith.cmpi slt, %add3A_238, %lt3A_239 : i32
        %convert_element_type3A_241 = arith.extui %lt3A_240 : i1 to i32
        %cond3A_242 = arith.constant 0 : i32
        %cond3A_243 = arith.cmpi ne, %convert_element_type3A_241, %cond3A_242 : i32
        scf.if %cond3A_243 {
          %ge3A = arith.constant 3 : i32
          %ge3A_244 = arith.cmpi sge, %add3A_176, %ge3A : i32
          %convert_element_type3A_245 = arith.extui %ge3A_244 : i1 to i32
          %cond3A_246 = arith.constant 0 : i32
          %cond3A_247 = arith.cmpi ne, %convert_element_type3A_245, %cond3A_246 : i32
          scf.if %cond3A_247 {
            %dma_wait3A_256 = arith.constant 0 : i32
            %dma_wait3A_257 = arith.constant 0 : i32
            %dma_wait3A_258 = tpu.memref_slice %arg7[%dma_wait3A_256, %dma_wait3A_257] : memref<158x128xi32, #tpu.memory_space<vmem>> -> memref<1x128xi32, #tpu.memory_space<vmem>>
            %dma_wait3A_259 = tpu.memref_squeeze %dma_wait3A_258 : memref<1x128xi32, #tpu.memory_space<vmem>> -> memref<128xi32, #tpu.memory_space<vmem>>
            %dma_wait3A_260 = arith.constant 0 : i32
            %dma_wait3A_261 = arith.constant 0 : i32
            %dma_wait3A_262 = tpu.memref_slice %arg14[%dma_wait3A_260, %dma_wait3A_261] : memref<10240x64xf32, #tpu.memory_space<vmem_shared>> -> memref<10240x64xf32, #tpu.memory_space<vmem_shared>>
            tpu.wait_indirect_dma semaphore(%arg24 : memref<!tpu.dma_semaphore, #tpu.memory_space<semaphore_mem>>) src(%arg11 : memref<128x64xf32, #tpu.memory_space<vmem>>) dst(%dma_wait3A_262 : memref<10240x64xf32, #tpu.memory_space<vmem_shared>>)
          } else {
          }
          %add3A_248 = arith.constant 3 : i32
          %add3A_249 = arith.addi %add3A_176, %add3A_248 : i32
          %dma_start3A_250 = arith.constant 0 : i32
          %dma_start3A_251 = tpu.memref_slice %arg6[%add3A_249, %dma_start3A_250] : memref<158x128xi32, #tpu.memory_space<vmem>> -> memref<1x128xi32, #tpu.memory_space<vmem>>
          %dma_start3A_252 = tpu.memref_squeeze %dma_start3A_251 : memref<1x128xi32, #tpu.memory_space<vmem>> -> memref<128xi32, #tpu.memory_space<vmem>>
          %dma_start3A_253 = arith.constant 0 : i32
          %dma_start3A_254 = arith.constant 0 : i32
          %dma_start3A_255 = tpu.memref_slice %arg2[%dma_start3A_253, %dma_start3A_254] : memref<20480x64xf32, #tpu.memory_space<hbm>> -> memref<20480x64xf32, #tpu.memory_space<hbm>>
          tpu.enqueue_indirect_dma source(%dma_start3A_255 : memref<20480x64xf32, #tpu.memory_space<hbm>>) target(%arg11 : memref<128x64xf32, #tpu.memory_space<vmem>>) offsets(%dma_start3A_252 : memref<128xi32, #tpu.memory_space<vmem>>) semaphore(%arg18 : memref<!tpu.dma_semaphore, #tpu.memory_space<semaphore_mem>>)
        } else {
        }
      } else {
      }
      %mul3A_179 = arith.constant 6 : i32
      %mul3A_180 = arith.muli %scan3A_171, %mul3A_179 : i32
      %add3A_181 = arith.constant 1 : i32
      %add3A_182 = arith.addi %mul3A_180, %add3A_181 : i32
      %lt3A_183 = arith.constant 158 : i32
      %lt3A_184 = arith.cmpi slt, %add3A_182, %lt3A_183 : i32
      %convert_element_type3A_185 = arith.extui %lt3A_184 : i1 to i32
      %cond3A_186 = arith.constant 0 : i32
      %cond3A_187 = arith.cmpi ne, %convert_element_type3A_185, %cond3A_186 : i32
      scf.if %cond3A_187 {
        %dma_wait3A_225 = arith.constant 0 : i32
        %dma_wait3A_226 = tpu.memref_slice %arg6[%add3A_182, %dma_wait3A_225] : memref<158x128xi32, #tpu.memory_space<vmem>> -> memref<1x128xi32, #tpu.memory_space<vmem>>
        %dma_wait3A_227 = tpu.memref_squeeze %dma_wait3A_226 : memref<1x128xi32, #tpu.memory_space<vmem>> -> memref<128xi32, #tpu.memory_space<vmem>>
        %dma_wait3A_228 = arith.constant 0 : i32
        %dma_wait3A_229 = arith.constant 0 : i32
        %dma_wait3A_230 = tpu.memref_slice %arg2[%dma_wait3A_228, %dma_wait3A_229] : memref<20480x64xf32, #tpu.memory_space<hbm>> -> memref<20480x64xf32, #tpu.memory_space<hbm>>
        tpu.wait_indirect_dma semaphore(%arg16 : memref<!tpu.dma_semaphore, #tpu.memory_space<semaphore_mem>>) src(%dma_wait3A_230 : memref<20480x64xf32, #tpu.memory_space<hbm>>) dst(%arg9 : memref<128x64xf32, #tpu.memory_space<vmem>>)
        %dma_start3A_231 = arith.constant 0 : i32
        %dma_start3A_232 = tpu.memref_slice %arg7[%add3A_182, %dma_start3A_231] : memref<158x128xi32, #tpu.memory_space<vmem>> -> memref<1x128xi32, #tpu.memory_space<vmem>>
        %dma_start3A_233 = tpu.memref_squeeze %dma_start3A_232 : memref<1x128xi32, #tpu.memory_space<vmem>> -> memref<128xi32, #tpu.memory_space<vmem>>
        %dma_start3A_234 = arith.constant 0 : i32
        %dma_start3A_235 = arith.constant 0 : i32
        %dma_start3A_236 = tpu.memref_slice %arg14[%dma_start3A_234, %dma_start3A_235] : memref<10240x64xf32, #tpu.memory_space<vmem_shared>> -> memref<10240x64xf32, #tpu.memory_space<vmem_shared>>
        tpu.enqueue_indirect_dma source(%arg9 : memref<128x64xf32, #tpu.memory_space<vmem>>) target(%dma_start3A_236 : memref<10240x64xf32, #tpu.memory_space<vmem_shared>>) offsets(%dma_start3A_233 : memref<128xi32, #tpu.memory_space<vmem>>) semaphore(%arg22 : memref<!tpu.dma_semaphore, #tpu.memory_space<semaphore_mem>>) {add = true}
        %add3A_237 = arith.constant 3 : i32
        %add3A_238 = arith.addi %add3A_182, %add3A_237 : i32
        %lt3A_239 = arith.constant 158 : i32
        %lt3A_240 = arith.cmpi slt, %add3A_238, %lt3A_239 : i32
        %convert_element_type3A_241 = arith.extui %lt3A_240 : i1 to i32
        %cond3A_242 = arith.constant 0 : i32
        %cond3A_243 = arith.cmpi ne, %convert_element_type3A_241, %cond3A_242 : i32
        scf.if %cond3A_243 {
          %ge3A = arith.constant 3 : i32
          %ge3A_244 = arith.cmpi sge, %add3A_182, %ge3A : i32
          %convert_element_type3A_245 = arith.extui %ge3A_244 : i1 to i32
          %cond3A_246 = arith.constant 0 : i32
          %cond3A_247 = arith.cmpi ne, %convert_element_type3A_245, %cond3A_246 : i32
          scf.if %cond3A_247 {
            %dma_wait3A_256 = arith.constant 0 : i32
            %dma_wait3A_257 = arith.constant 0 : i32
            %dma_wait3A_258 = tpu.memref_slice %arg7[%dma_wait3A_256, %dma_wait3A_257] : memref<158x128xi32, #tpu.memory_space<vmem>> -> memref<1x128xi32, #tpu.memory_space<vmem>>
            %dma_wait3A_259 = tpu.memref_squeeze %dma_wait3A_258 : memref<1x128xi32, #tpu.memory_space<vmem>> -> memref<128xi32, #tpu.memory_space<vmem>>
            %dma_wait3A_260 = arith.constant 0 : i32
            %dma_wait3A_261 = arith.constant 0 : i32
            %dma_wait3A_262 = tpu.memref_slice %arg14[%dma_wait3A_260, %dma_wait3A_261] : memref<10240x64xf32, #tpu.memory_space<vmem_shared>> -> memref<10240x64xf32, #tpu.memory_space<vmem_shared>>
            tpu.wait_indirect_dma semaphore(%arg25 : memref<!tpu.dma_semaphore, #tpu.memory_space<semaphore_mem>>) src(%arg12 : memref<128x64xf32, #tpu.memory_space<vmem>>) dst(%dma_wait3A_262 : memref<10240x64xf32, #tpu.memory_space<vmem_shared>>)
          } else {
          }
          %add3A_248 = arith.constant 3 : i32
          %add3A_249 = arith.addi %add3A_182, %add3A_248 : i32
          %dma_start3A_250 = arith.constant 0 : i32
          %dma_start3A_251 = tpu.memref_slice %arg6[%add3A_249, %dma_start3A_250] : memref<158x128xi32, #tpu.memory_space<vmem>> -> memref<1x128xi32, #tpu.memory_space<vmem>>
          %dma_start3A_252 = tpu.memref_squeeze %dma_start3A_251 : memref<1x128xi32, #tpu.memory_space<vmem>> -> memref<128xi32, #tpu.memory_space<vmem>>
          %dma_start3A_253 = arith.constant 0 : i32
          %dma_start3A_254 = arith.constant 0 : i32
          %dma_start3A_255 = tpu.memref_slice %arg2[%dma_start3A_253, %dma_start3A_254] : memref<20480x64xf32, #tpu.memory_space<hbm>> -> memref<20480x64xf32, #tpu.memory_space<hbm>>
          tpu.enqueue_indirect_dma source(%dma_start3A_255 : memref<20480x64xf32, #tpu.memory_space<hbm>>) target(%arg12 : memref<128x64xf32, #tpu.memory_space<vmem>>) offsets(%dma_start3A_252 : memref<128xi32, #tpu.memory_space<vmem>>) semaphore(%arg19 : memref<!tpu.dma_semaphore, #tpu.memory_space<semaphore_mem>>)
        } else {
        }
      } else {
      }
      %mul3A_188 = arith.constant 6 : i32
      %mul3A_189 = arith.muli %scan3A_171, %mul3A_188 : i32
      %add3A_190 = arith.constant 2 : i32
      %add3A_191 = arith.addi %mul3A_189, %add3A_190 : i32
      %lt3A_192 = arith.constant 158 : i32
      %lt3A_193 = arith.cmpi slt, %add3A_191, %lt3A_192 : i32
      %convert_element_type3A_194 = arith.extui %lt3A_193 : i1 to i32
      %cond3A_195 = arith.constant 0 : i32
      %cond3A_196 = arith.cmpi ne, %convert_element_type3A_194, %cond3A_195 : i32
      scf.if %cond3A_196 {
        %dma_wait3A_225 = arith.constant 0 : i32
        %dma_wait3A_226 = tpu.memref_slice %arg6[%add3A_191, %dma_wait3A_225] : memref<158x128xi32, #tpu.memory_space<vmem>> -> memref<1x128xi32, #tpu.memory_space<vmem>>
        %dma_wait3A_227 = tpu.memref_squeeze %dma_wait3A_226 : memref<1x128xi32, #tpu.memory_space<vmem>> -> memref<128xi32, #tpu.memory_space<vmem>>
        %dma_wait3A_228 = arith.constant 0 : i32
        %dma_wait3A_229 = arith.constant 0 : i32
        %dma_wait3A_230 = tpu.memref_slice %arg2[%dma_wait3A_228, %dma_wait3A_229] : memref<20480x64xf32, #tpu.memory_space<hbm>> -> memref<20480x64xf32, #tpu.memory_space<hbm>>
        tpu.wait_indirect_dma semaphore(%arg17 : memref<!tpu.dma_semaphore, #tpu.memory_space<semaphore_mem>>) src(%dma_wait3A_230 : memref<20480x64xf32, #tpu.memory_space<hbm>>) dst(%arg10 : memref<128x64xf32, #tpu.memory_space<vmem>>)
        %dma_start3A_231 = arith.constant 0 : i32
        %dma_start3A_232 = tpu.memref_slice %arg7[%add3A_191, %dma_start3A_231] : memref<158x128xi32, #tpu.memory_space<vmem>> -> memref<1x128xi32, #tpu.memory_space<vmem>>
        %dma_start3A_233 = tpu.memref_squeeze %dma_start3A_232 : memref<1x128xi32, #tpu.memory_space<vmem>> -> memref<128xi32, #tpu.memory_space<vmem>>
        %dma_start3A_234 = arith.constant 0 : i32
        %dma_start3A_235 = arith.constant 0 : i32
        %dma_start3A_236 = tpu.memref_slice %arg14[%dma_start3A_234, %dma_start3A_235] : memref<10240x64xf32, #tpu.memory_space<vmem_shared>> -> memref<10240x64xf32, #tpu.memory_space<vmem_shared>>
        tpu.enqueue_indirect_dma source(%arg10 : memref<128x64xf32, #tpu.memory_space<vmem>>) target(%dma_start3A_236 : memref<10240x64xf32, #tpu.memory_space<vmem_shared>>) offsets(%dma_start3A_233 : memref<128xi32, #tpu.memory_space<vmem>>) semaphore(%arg23 : memref<!tpu.dma_semaphore, #tpu.memory_space<semaphore_mem>>) {add = true}
        %add3A_237 = arith.constant 3 : i32
        %add3A_238 = arith.addi %add3A_191, %add3A_237 : i32
        %lt3A_239 = arith.constant 158 : i32
        %lt3A_240 = arith.cmpi slt, %add3A_238, %lt3A_239 : i32
        %convert_element_type3A_241 = arith.extui %lt3A_240 : i1 to i32
        %cond3A_242 = arith.constant 0 : i32
        %cond3A_243 = arith.cmpi ne, %convert_element_type3A_241, %cond3A_242 : i32
        scf.if %cond3A_243 {
          %ge3A = arith.constant 3 : i32
          %ge3A_244 = arith.cmpi sge, %add3A_191, %ge3A : i32
          %convert_element_type3A_245 = arith.extui %ge3A_244 : i1 to i32
          %cond3A_246 = arith.constant 0 : i32
          %cond3A_247 = arith.cmpi ne, %convert_element_type3A_245, %cond3A_246 : i32
          scf.if %cond3A_247 {
            %dma_wait3A_256 = arith.constant 0 : i32
            %dma_wait3A_257 = arith.constant 0 : i32
            %dma_wait3A_258 = tpu.memref_slice %arg7[%dma_wait3A_256, %dma_wait3A_257] : memref<158x128xi32, #tpu.memory_space<vmem>> -> memref<1x128xi32, #tpu.memory_space<vmem>>
            %dma_wait3A_259 = tpu.memref_squeeze %dma_wait3A_258 : memref<1x128xi32, #tpu.memory_space<vmem>> -> memref<128xi32, #tpu.memory_space<vmem>>
            %dma_wait3A_260 = arith.constant 0 : i32
            %dma_wait3A_261 = arith.constant 0 : i32
            %dma_wait3A_262 = tpu.memref_slice %arg14[%dma_wait3A_260, %dma_wait3A_261] : memref<10240x64xf32, #tpu.memory_space<vmem_shared>> -> memref<10240x64xf32, #tpu.memory_space<vmem_shared>>
            tpu.wait_indirect_dma semaphore(%arg26 : memref<!tpu.dma_semaphore, #tpu.memory_space<semaphore_mem>>) src(%arg13 : memref<128x64xf32, #tpu.memory_space<vmem>>) dst(%dma_wait3A_262 : memref<10240x64xf32, #tpu.memory_space<vmem_shared>>)
          } else {
          }
          %add3A_248 = arith.constant 3 : i32
          %add3A_249 = arith.addi %add3A_191, %add3A_248 : i32
          %dma_start3A_250 = arith.constant 0 : i32
          %dma_start3A_251 = tpu.memref_slice %arg6[%add3A_249, %dma_start3A_250] : memref<158x128xi32, #tpu.memory_space<vmem>> -> memref<1x128xi32, #tpu.memory_space<vmem>>
          %dma_start3A_252 = tpu.memref_squeeze %dma_start3A_251 : memref<1x128xi32, #tpu.memory_space<vmem>> -> memref<128xi32, #tpu.memory_space<vmem>>
          %dma_start3A_253 = arith.constant 0 : i32
          %dma_start3A_254 = arith.constant 0 : i32
          %dma_start3A_255 = tpu.memref_slice %arg2[%dma_start3A_253, %dma_start3A_254] : memref<20480x64xf32, #tpu.memory_space<hbm>> -> memref<20480x64xf32, #tpu.memory_space<hbm>>
          tpu.enqueue_indirect_dma source(%dma_start3A_255 : memref<20480x64xf32, #tpu.memory_space<hbm>>) target(%arg13 : memref<128x64xf32, #tpu.memory_space<vmem>>) offsets(%dma_start3A_252 : memref<128xi32, #tpu.memory_space<vmem>>) semaphore(%arg20 : memref<!tpu.dma_semaphore, #tpu.memory_space<semaphore_mem>>)
        } else {
        }
      } else {
      }
      %mul3A_197 = arith.constant 6 : i32
      %mul3A_198 = arith.muli %scan3A_171, %mul3A_197 : i32
      %add3A_199 = arith.constant 3 : i32
      %add3A_200 = arith.addi %mul3A_198, %add3A_199 : i32
      %lt3A_201 = arith.constant 158 : i32
      %lt3A_202 = arith.cmpi slt, %add3A_200, %lt3A_201 : i32
      %convert_element_type3A_203 = arith.extui %lt3A_202 : i1 to i32
      %cond3A_204 = arith.constant 0 : i32
      %cond3A_205 = arith.cmpi ne, %convert_element_type3A_203, %cond3A_204 : i32
      scf.if %cond3A_205 {
        %dma_wait3A_225 = arith.constant 0 : i32
        %dma_wait3A_226 = tpu.memref_slice %arg6[%add3A_200, %dma_wait3A_225] : memref<158x128xi32, #tpu.memory_space<vmem>> -> memref<1x128xi32, #tpu.memory_space<vmem>>
        %dma_wait3A_227 = tpu.memref_squeeze %dma_wait3A_226 : memref<1x128xi32, #tpu.memory_space<vmem>> -> memref<128xi32, #tpu.memory_space<vmem>>
        %dma_wait3A_228 = arith.constant 0 : i32
        %dma_wait3A_229 = arith.constant 0 : i32
        %dma_wait3A_230 = tpu.memref_slice %arg2[%dma_wait3A_228, %dma_wait3A_229] : memref<20480x64xf32, #tpu.memory_space<hbm>> -> memref<20480x64xf32, #tpu.memory_space<hbm>>
        tpu.wait_indirect_dma semaphore(%arg18 : memref<!tpu.dma_semaphore, #tpu.memory_space<semaphore_mem>>) src(%dma_wait3A_230 : memref<20480x64xf32, #tpu.memory_space<hbm>>) dst(%arg11 : memref<128x64xf32, #tpu.memory_space<vmem>>)
        %dma_start3A_231 = arith.constant 0 : i32
        %dma_start3A_232 = tpu.memref_slice %arg7[%add3A_200, %dma_start3A_231] : memref<158x128xi32, #tpu.memory_space<vmem>> -> memref<1x128xi32, #tpu.memory_space<vmem>>
        %dma_start3A_233 = tpu.memref_squeeze %dma_start3A_232 : memref<1x128xi32, #tpu.memory_space<vmem>> -> memref<128xi32, #tpu.memory_space<vmem>>
        %dma_start3A_234 = arith.constant 0 : i32
        %dma_start3A_235 = arith.constant 0 : i32
        %dma_start3A_236 = tpu.memref_slice %arg14[%dma_start3A_234, %dma_start3A_235] : memref<10240x64xf32, #tpu.memory_space<vmem_shared>> -> memref<10240x64xf32, #tpu.memory_space<vmem_shared>>
        tpu.enqueue_indirect_dma source(%arg11 : memref<128x64xf32, #tpu.memory_space<vmem>>) target(%dma_start3A_236 : memref<10240x64xf32, #tpu.memory_space<vmem_shared>>) offsets(%dma_start3A_233 : memref<128xi32, #tpu.memory_space<vmem>>) semaphore(%arg24 : memref<!tpu.dma_semaphore, #tpu.memory_space<semaphore_mem>>) {add = true}
        %add3A_237 = arith.constant 3 : i32
        %add3A_238 = arith.addi %add3A_200, %add3A_237 : i32
        %lt3A_239 = arith.constant 158 : i32
        %lt3A_240 = arith.cmpi slt, %add3A_238, %lt3A_239 : i32
        %convert_element_type3A_241 = arith.extui %lt3A_240 : i1 to i32
        %cond3A_242 = arith.constant 0 : i32
        %cond3A_243 = arith.cmpi ne, %convert_element_type3A_241, %cond3A_242 : i32
        scf.if %cond3A_243 {
          %ge3A = arith.constant 3 : i32
          %ge3A_244 = arith.cmpi sge, %add3A_200, %ge3A : i32
          %convert_element_type3A_245 = arith.extui %ge3A_244 : i1 to i32
          %cond3A_246 = arith.constant 0 : i32
          %cond3A_247 = arith.cmpi ne, %convert_element_type3A_245, %cond3A_246 : i32
          scf.if %cond3A_247 {
            %dma_wait3A_256 = arith.constant 0 : i32
            %dma_wait3A_257 = arith.constant 0 : i32
            %dma_wait3A_258 = tpu.memref_slice %arg7[%dma_wait3A_256, %dma_wait3A_257] : memref<158x128xi32, #tpu.memory_space<vmem>> -> memref<1x128xi32, #tpu.memory_space<vmem>>
            %dma_wait3A_259 = tpu.memref_squeeze %dma_wait3A_258 : memref<1x128xi32, #tpu.memory_space<vmem>> -> memref<128xi32, #tpu.memory_space<vmem>>
            %dma_wait3A_260 = arith.constant 0 : i32
            %dma_wait3A_261 = arith.constant 0 : i32
            %dma_wait3A_262 = tpu.memref_slice %arg14[%dma_wait3A_260, %dma_wait3A_261] : memref<10240x64xf32, #tpu.memory_space<vmem_shared>> -> memref<10240x64xf32, #tpu.memory_space<vmem_shared>>
            tpu.wait_indirect_dma semaphore(%arg21 : memref<!tpu.dma_semaphore, #tpu.memory_space<semaphore_mem>>) src(%arg8 : memref<128x64xf32, #tpu.memory_space<vmem>>) dst(%dma_wait3A_262 : memref<10240x64xf32, #tpu.memory_space<vmem_shared>>)
          } else {
          }
          %add3A_248 = arith.constant 3 : i32
          %add3A_249 = arith.addi %add3A_200, %add3A_248 : i32
          %dma_start3A_250 = arith.constant 0 : i32
          %dma_start3A_251 = tpu.memref_slice %arg6[%add3A_249, %dma_start3A_250] : memref<158x128xi32, #tpu.memory_space<vmem>> -> memref<1x128xi32, #tpu.memory_space<vmem>>
          %dma_start3A_252 = tpu.memref_squeeze %dma_start3A_251 : memref<1x128xi32, #tpu.memory_space<vmem>> -> memref<128xi32, #tpu.memory_space<vmem>>
          %dma_start3A_253 = arith.constant 0 : i32
          %dma_start3A_254 = arith.constant 0 : i32
          %dma_start3A_255 = tpu.memref_slice %arg2[%dma_start3A_253, %dma_start3A_254] : memref<20480x64xf32, #tpu.memory_space<hbm>> -> memref<20480x64xf32, #tpu.memory_space<hbm>>
          tpu.enqueue_indirect_dma source(%dma_start3A_255 : memref<20480x64xf32, #tpu.memory_space<hbm>>) target(%arg8 : memref<128x64xf32, #tpu.memory_space<vmem>>) offsets(%dma_start3A_252 : memref<128xi32, #tpu.memory_space<vmem>>) semaphore(%arg15 : memref<!tpu.dma_semaphore, #tpu.memory_space<semaphore_mem>>)
        } else {
        }
      } else {
      }
      %mul3A_206 = arith.constant 6 : i32
      %mul3A_207 = arith.muli %scan3A_171, %mul3A_206 : i32
      %add3A_208 = arith.constant 4 : i32
      %add3A_209 = arith.addi %mul3A_207, %add3A_208 : i32
      %lt3A_210 = arith.constant 158 : i32
      %lt3A_211 = arith.cmpi slt, %add3A_209, %lt3A_210 : i32
      %convert_element_type3A_212 = arith.extui %lt3A_211 : i1 to i32
      %cond3A_213 = arith.constant 0 : i32
      %cond3A_214 = arith.cmpi ne, %convert_element_type3A_212, %cond3A_213 : i32
      scf.if %cond3A_214 {
        %dma_wait3A_225 = arith.constant 0 : i32
        %dma_wait3A_226 = tpu.memref_slice %arg6[%add3A_209, %dma_wait3A_225] : memref<158x128xi32, #tpu.memory_space<vmem>> -> memref<1x128xi32, #tpu.memory_space<vmem>>
        %dma_wait3A_227 = tpu.memref_squeeze %dma_wait3A_226 : memref<1x128xi32, #tpu.memory_space<vmem>> -> memref<128xi32, #tpu.memory_space<vmem>>
        %dma_wait3A_228 = arith.constant 0 : i32
        %dma_wait3A_229 = arith.constant 0 : i32
        %dma_wait3A_230 = tpu.memref_slice %arg2[%dma_wait3A_228, %dma_wait3A_229] : memref<20480x64xf32, #tpu.memory_space<hbm>> -> memref<20480x64xf32, #tpu.memory_space<hbm>>
        tpu.wait_indirect_dma semaphore(%arg19 : memref<!tpu.dma_semaphore, #tpu.memory_space<semaphore_mem>>) src(%dma_wait3A_230 : memref<20480x64xf32, #tpu.memory_space<hbm>>) dst(%arg12 : memref<128x64xf32, #tpu.memory_space<vmem>>)
        %dma_start3A_231 = arith.constant 0 : i32
        %dma_start3A_232 = tpu.memref_slice %arg7[%add3A_209, %dma_start3A_231] : memref<158x128xi32, #tpu.memory_space<vmem>> -> memref<1x128xi32, #tpu.memory_space<vmem>>
        %dma_start3A_233 = tpu.memref_squeeze %dma_start3A_232 : memref<1x128xi32, #tpu.memory_space<vmem>> -> memref<128xi32, #tpu.memory_space<vmem>>
        %dma_start3A_234 = arith.constant 0 : i32
        %dma_start3A_235 = arith.constant 0 : i32
        %dma_start3A_236 = tpu.memref_slice %arg14[%dma_start3A_234, %dma_start3A_235] : memref<10240x64xf32, #tpu.memory_space<vmem_shared>> -> memref<10240x64xf32, #tpu.memory_space<vmem_shared>>
        tpu.enqueue_indirect_dma source(%arg12 : memref<128x64xf32, #tpu.memory_space<vmem>>) target(%dma_start3A_236 : memref<10240x64xf32, #tpu.memory_space<vmem_shared>>) offsets(%dma_start3A_233 : memref<128xi32, #tpu.memory_space<vmem>>) semaphore(%arg25 : memref<!tpu.dma_semaphore, #tpu.memory_space<semaphore_mem>>) {add = true}
        %add3A_237 = arith.constant 3 : i32
        %add3A_238 = arith.addi %add3A_209, %add3A_237 : i32
        %lt3A_239 = arith.constant 158 : i32
        %lt3A_240 = arith.cmpi slt, %add3A_238, %lt3A_239 : i32
        %convert_element_type3A_241 = arith.extui %lt3A_240 : i1 to i32
        %cond3A_242 = arith.constant 0 : i32
        %cond3A_243 = arith.cmpi ne, %convert_element_type3A_241, %cond3A_242 : i32
        scf.if %cond3A_243 {
          %ge3A = arith.constant 3 : i32
          %ge3A_244 = arith.cmpi sge, %add3A_209, %ge3A : i32
          %convert_element_type3A_245 = arith.extui %ge3A_244 : i1 to i32
          %cond3A_246 = arith.constant 0 : i32
          %cond3A_247 = arith.cmpi ne, %convert_element_type3A_245, %cond3A_246 : i32
          scf.if %cond3A_247 {
            %dma_wait3A_256 = arith.constant 0 : i32
            %dma_wait3A_257 = arith.constant 0 : i32
            %dma_wait3A_258 = tpu.memref_slice %arg7[%dma_wait3A_256, %dma_wait3A_257] : memref<158x128xi32, #tpu.memory_space<vmem>> -> memref<1x128xi32, #tpu.memory_space<vmem>>
            %dma_wait3A_259 = tpu.memref_squeeze %dma_wait3A_258 : memref<1x128xi32, #tpu.memory_space<vmem>> -> memref<128xi32, #tpu.memory_space<vmem>>
            %dma_wait3A_260 = arith.constant 0 : i32
            %dma_wait3A_261 = arith.constant 0 : i32
            %dma_wait3A_262 = tpu.memref_slice %arg14[%dma_wait3A_260, %dma_wait3A_261] : memref<10240x64xf32, #tpu.memory_space<vmem_shared>> -> memref<10240x64xf32, #tpu.memory_space<vmem_shared>>
            tpu.wait_indirect_dma semaphore(%arg22 : memref<!tpu.dma_semaphore, #tpu.memory_space<semaphore_mem>>) src(%arg9 : memref<128x64xf32, #tpu.memory_space<vmem>>) dst(%dma_wait3A_262 : memref<10240x64xf32, #tpu.memory_space<vmem_shared>>)
          } else {
          }
          %add3A_248 = arith.constant 3 : i32
          %add3A_249 = arith.addi %add3A_209, %add3A_248 : i32
          %dma_start3A_250 = arith.constant 0 : i32
          %dma_start3A_251 = tpu.memref_slice %arg6[%add3A_249, %dma_start3A_250] : memref<158x128xi32, #tpu.memory_space<vmem>> -> memref<1x128xi32, #tpu.memory_space<vmem>>
          %dma_start3A_252 = tpu.memref_squeeze %dma_start3A_251 : memref<1x128xi32, #tpu.memory_space<vmem>> -> memref<128xi32, #tpu.memory_space<vmem>>
          %dma_start3A_253 = arith.constant 0 : i32
          %dma_start3A_254 = arith.constant 0 : i32
          %dma_start3A_255 = tpu.memref_slice %arg2[%dma_start3A_253, %dma_start3A_254] : memref<20480x64xf32, #tpu.memory_space<hbm>> -> memref<20480x64xf32, #tpu.memory_space<hbm>>
          tpu.enqueue_indirect_dma source(%dma_start3A_255 : memref<20480x64xf32, #tpu.memory_space<hbm>>) target(%arg9 : memref<128x64xf32, #tpu.memory_space<vmem>>) offsets(%dma_start3A_252 : memref<128xi32, #tpu.memory_space<vmem>>) semaphore(%arg16 : memref<!tpu.dma_semaphore, #tpu.memory_space<semaphore_mem>>)
        } else {
        }
      } else {
      }
      %mul3A_215 = arith.constant 6 : i32
      %mul3A_216 = arith.muli %scan3A_171, %mul3A_215 : i32
      %add3A_217 = arith.constant 5 : i32
      %add3A_218 = arith.addi %mul3A_216, %add3A_217 : i32
      %lt3A_219 = arith.constant 158 : i32
      %lt3A_220 = arith.cmpi slt, %add3A_218, %lt3A_219 : i32
      %convert_element_type3A_221 = arith.extui %lt3A_220 : i1 to i32
      %cond3A_222 = arith.constant 0 : i32
      %cond3A_223 = arith.cmpi ne, %convert_element_type3A_221, %cond3A_222 : i32
      scf.if %cond3A_223 {
        %dma_wait3A_225 = arith.constant 0 : i32
        %dma_wait3A_226 = tpu.memref_slice %arg6[%add3A_218, %dma_wait3A_225] : memref<158x128xi32, #tpu.memory_space<vmem>> -> memref<1x128xi32, #tpu.memory_space<vmem>>
        %dma_wait3A_227 = tpu.memref_squeeze %dma_wait3A_226 : memref<1x128xi32, #tpu.memory_space<vmem>> -> memref<128xi32, #tpu.memory_space<vmem>>
        %dma_wait3A_228 = arith.constant 0 : i32
        %dma_wait3A_229 = arith.constant 0 : i32
        %dma_wait3A_230 = tpu.memref_slice %arg2[%dma_wait3A_228, %dma_wait3A_229] : memref<20480x64xf32, #tpu.memory_space<hbm>> -> memref<20480x64xf32, #tpu.memory_space<hbm>>
        tpu.wait_indirect_dma semaphore(%arg20 : memref<!tpu.dma_semaphore, #tpu.memory_space<semaphore_mem>>) src(%dma_wait3A_230 : memref<20480x64xf32, #tpu.memory_space<hbm>>) dst(%arg13 : memref<128x64xf32, #tpu.memory_space<vmem>>)
        %dma_start3A_231 = arith.constant 0 : i32
        %dma_start3A_232 = tpu.memref_slice %arg7[%add3A_218, %dma_start3A_231] : memref<158x128xi32, #tpu.memory_space<vmem>> -> memref<1x128xi32, #tpu.memory_space<vmem>>
        %dma_start3A_233 = tpu.memref_squeeze %dma_start3A_232 : memref<1x128xi32, #tpu.memory_space<vmem>> -> memref<128xi32, #tpu.memory_space<vmem>>
        %dma_start3A_234 = arith.constant 0 : i32
        %dma_start3A_235 = arith.constant 0 : i32
        %dma_start3A_236 = tpu.memref_slice %arg14[%dma_start3A_234, %dma_start3A_235] : memref<10240x64xf32, #tpu.memory_space<vmem_shared>> -> memref<10240x64xf32, #tpu.memory_space<vmem_shared>>
        tpu.enqueue_indirect_dma source(%arg13 : memref<128x64xf32, #tpu.memory_space<vmem>>) target(%dma_start3A_236 : memref<10240x64xf32, #tpu.memory_space<vmem_shared>>) offsets(%dma_start3A_233 : memref<128xi32, #tpu.memory_space<vmem>>) semaphore(%arg26 : memref<!tpu.dma_semaphore, #tpu.memory_space<semaphore_mem>>) {add = true}
        %add3A_237 = arith.constant 3 : i32
        %add3A_238 = arith.addi %add3A_218, %add3A_237 : i32
        %lt3A_239 = arith.constant 158 : i32
        %lt3A_240 = arith.cmpi slt, %add3A_238, %lt3A_239 : i32
        %convert_element_type3A_241 = arith.extui %lt3A_240 : i1 to i32
        %cond3A_242 = arith.constant 0 : i32
        %cond3A_243 = arith.cmpi ne, %convert_element_type3A_241, %cond3A_242 : i32
        scf.if %cond3A_243 {
          %ge3A = arith.constant 3 : i32
          %ge3A_244 = arith.cmpi sge, %add3A_218, %ge3A : i32
          %convert_element_type3A_245 = arith.extui %ge3A_244 : i1 to i32
          %cond3A_246 = arith.constant 0 : i32
          %cond3A_247 = arith.cmpi ne, %convert_element_type3A_245, %cond3A_246 : i32
          scf.if %cond3A_247 {
            %dma_wait3A_256 = arith.constant 0 : i32
            %dma_wait3A_257 = arith.constant 0 : i32
            %dma_wait3A_258 = tpu.memref_slice %arg7[%dma_wait3A_256, %dma_wait3A_257] : memref<158x128xi32, #tpu.memory_space<vmem>> -> memref<1x128xi32, #tpu.memory_space<vmem>>
            %dma_wait3A_259 = tpu.memref_squeeze %dma_wait3A_258 : memref<1x128xi32, #tpu.memory_space<vmem>> -> memref<128xi32, #tpu.memory_space<vmem>>
            %dma_wait3A_260 = arith.constant 0 : i32
            %dma_wait3A_261 = arith.constant 0 : i32
            %dma_wait3A_262 = tpu.memref_slice %arg14[%dma_wait3A_260, %dma_wait3A_261] : memref<10240x64xf32, #tpu.memory_space<vmem_shared>> -> memref<10240x64xf32, #tpu.memory_space<vmem_shared>>
            tpu.wait_indirect_dma semaphore(%arg23 : memref<!tpu.dma_semaphore, #tpu.memory_space<semaphore_mem>>) src(%arg10 : memref<128x64xf32, #tpu.memory_space<vmem>>) dst(%dma_wait3A_262 : memref<10240x64xf32, #tpu.memory_space<vmem_shared>>)
          } else {
          }
          %add3A_248 = arith.constant 3 : i32
          %add3A_249 = arith.addi %add3A_218, %add3A_248 : i32
          %dma_start3A_250 = arith.constant 0 : i32
          %dma_start3A_251 = tpu.memref_slice %arg6[%add3A_249, %dma_start3A_250] : memref<158x128xi32, #tpu.memory_space<vmem>> -> memref<1x128xi32, #tpu.memory_space<vmem>>
          %dma_start3A_252 = tpu.memref_squeeze %dma_start3A_251 : memref<1x128xi32, #tpu.memory_space<vmem>> -> memref<128xi32, #tpu.memory_space<vmem>>
          %dma_start3A_253 = arith.constant 0 : i32
          %dma_start3A_254 = arith.constant 0 : i32
          %dma_start3A_255 = tpu.memref_slice %arg2[%dma_start3A_253, %dma_start3A_254] : memref<20480x64xf32, #tpu.memory_space<hbm>> -> memref<20480x64xf32, #tpu.memory_space<hbm>>
          tpu.enqueue_indirect_dma source(%dma_start3A_255 : memref<20480x64xf32, #tpu.memory_space<hbm>>) target(%arg10 : memref<128x64xf32, #tpu.memory_space<vmem>>) offsets(%dma_start3A_252 : memref<128xi32, #tpu.memory_space<vmem>>) semaphore(%arg17 : memref<!tpu.dma_semaphore, #tpu.memory_space<semaphore_mem>>)
        } else {
        }
      } else {
      }
      %scan3A_224 = arith.constant 0 : i32
      scf.yield %scan3A_224 : i32
    }
    %scan3A_127 = arith.constant 27 : i32
    %dma_wait3A_128 = arith.constant 0 : i32
    %dma_wait3A_129 = arith.constant 0 : i32
    %dma_wait3A_130 = tpu.memref_slice %arg7[%dma_wait3A_128, %dma_wait3A_129] : memref<158x128xi32, #tpu.memory_space<vmem>> -> memref<1x128xi32, #tpu.memory_space<vmem>>
    %dma_wait3A_131 = tpu.memref_squeeze %dma_wait3A_130 : memref<1x128xi32, #tpu.memory_space<vmem>> -> memref<128xi32, #tpu.memory_space<vmem>>
    %dma_wait3A_132 = arith.constant 0 : i32
    %dma_wait3A_133 = arith.constant 0 : i32
    %dma_wait3A_134 = tpu.memref_slice %arg14[%dma_wait3A_132, %dma_wait3A_133] : memref<10240x64xf32, #tpu.memory_space<vmem_shared>> -> memref<10240x64xf32, #tpu.memory_space<vmem_shared>>
    tpu.wait_indirect_dma semaphore(%arg21 : memref<!tpu.dma_semaphore, #tpu.memory_space<semaphore_mem>>) src(%arg8 : memref<128x64xf32, #tpu.memory_space<vmem>>) dst(%dma_wait3A_134 : memref<10240x64xf32, #tpu.memory_space<vmem_shared>>)
    %dma_wait3A_135 = arith.constant 0 : i32
    %dma_wait3A_136 = arith.constant 0 : i32
    %dma_wait3A_137 = tpu.memref_slice %arg7[%dma_wait3A_135, %dma_wait3A_136] : memref<158x128xi32, #tpu.memory_space<vmem>> -> memref<1x128xi32, #tpu.memory_space<vmem>>
    %dma_wait3A_138 = tpu.memref_squeeze %dma_wait3A_137 : memref<1x128xi32, #tpu.memory_space<vmem>> -> memref<128xi32, #tpu.memory_space<vmem>>
    %dma_wait3A_139 = arith.constant 0 : i32
    %dma_wait3A_140 = arith.constant 0 : i32
    %dma_wait3A_141 = tpu.memref_slice %arg14[%dma_wait3A_139, %dma_wait3A_140] : memref<10240x64xf32, #tpu.memory_space<vmem_shared>> -> memref<10240x64xf32, #tpu.memory_space<vmem_shared>>
    tpu.wait_indirect_dma semaphore(%arg22 : memref<!tpu.dma_semaphore, #tpu.memory_space<semaphore_mem>>) src(%arg9 : memref<128x64xf32, #tpu.memory_space<vmem>>) dst(%dma_wait3A_141 : memref<10240x64xf32, #tpu.memory_space<vmem_shared>>)
    %dma_wait3A_142 = arith.constant 0 : i32
    %dma_wait3A_143 = arith.constant 0 : i32
    %dma_wait3A_144 = tpu.memref_slice %arg7[%dma_wait3A_142, %dma_wait3A_143] : memref<158x128xi32, #tpu.memory_space<vmem>> -> memref<1x128xi32, #tpu.memory_space<vmem>>
    %dma_wait3A_145 = tpu.memref_squeeze %dma_wait3A_144 : memref<1x128xi32, #tpu.memory_space<vmem>> -> memref<128xi32, #tpu.memory_space<vmem>>
    %dma_wait3A_146 = arith.constant 0 : i32
    %dma_wait3A_147 = arith.constant 0 : i32
    %dma_wait3A_148 = tpu.memref_slice %arg14[%dma_wait3A_146, %dma_wait3A_147] : memref<10240x64xf32, #tpu.memory_space<vmem_shared>> -> memref<10240x64xf32, #tpu.memory_space<vmem_shared>>
    tpu.wait_indirect_dma semaphore(%arg23 : memref<!tpu.dma_semaphore, #tpu.memory_space<semaphore_mem>>) src(%arg10 : memref<128x64xf32, #tpu.memory_space<vmem>>) dst(%dma_wait3A_148 : memref<10240x64xf32, #tpu.memory_space<vmem_shared>>)
    %dma_wait3A_149 = arith.constant 0 : i32
    %dma_wait3A_150 = arith.constant 0 : i32
    %dma_wait3A_151 = tpu.memref_slice %arg7[%dma_wait3A_149, %dma_wait3A_150] : memref<158x128xi32, #tpu.memory_space<vmem>> -> memref<1x128xi32, #tpu.memory_space<vmem>>
    %dma_wait3A_152 = tpu.memref_squeeze %dma_wait3A_151 : memref<1x128xi32, #tpu.memory_space<vmem>> -> memref<128xi32, #tpu.memory_space<vmem>>
    %dma_wait3A_153 = arith.constant 0 : i32
    %dma_wait3A_154 = arith.constant 0 : i32
    %dma_wait3A_155 = tpu.memref_slice %arg14[%dma_wait3A_153, %dma_wait3A_154] : memref<10240x64xf32, #tpu.memory_space<vmem_shared>> -> memref<10240x64xf32, #tpu.memory_space<vmem_shared>>
    tpu.wait_indirect_dma semaphore(%arg24 : memref<!tpu.dma_semaphore, #tpu.memory_space<semaphore_mem>>) src(%arg11 : memref<128x64xf32, #tpu.memory_space<vmem>>) dst(%dma_wait3A_155 : memref<10240x64xf32, #tpu.memory_space<vmem_shared>>)
    %dma_wait3A_156 = arith.constant 0 : i32
    %dma_wait3A_157 = arith.constant 0 : i32
    %dma_wait3A_158 = tpu.memref_slice %arg7[%dma_wait3A_156, %dma_wait3A_157] : memref<158x128xi32, #tpu.memory_space<vmem>> -> memref<1x128xi32, #tpu.memory_space<vmem>>
    %dma_wait3A_159 = tpu.memref_squeeze %dma_wait3A_158 : memref<1x128xi32, #tpu.memory_space<vmem>> -> memref<128xi32, #tpu.memory_space<vmem>>
    %dma_wait3A_160 = arith.constant 0 : i32
    %dma_wait3A_161 = arith.constant 0 : i32
    %dma_wait3A_162 = tpu.memref_slice %arg14[%dma_wait3A_160, %dma_wait3A_161] : memref<10240x64xf32, #tpu.memory_space<vmem_shared>> -> memref<10240x64xf32, #tpu.memory_space<vmem_shared>>
    tpu.wait_indirect_dma semaphore(%arg25 : memref<!tpu.dma_semaphore, #tpu.memory_space<semaphore_mem>>) src(%arg12 : memref<128x64xf32, #tpu.memory_space<vmem>>) dst(%dma_wait3A_162 : memref<10240x64xf32, #tpu.memory_space<vmem_shared>>)
    %dma_wait3A_163 = arith.constant 0 : i32
    %dma_wait3A_164 = arith.constant 0 : i32
    %dma_wait3A_165 = tpu.memref_slice %arg7[%dma_wait3A_163, %dma_wait3A_164] : memref<158x128xi32, #tpu.memory_space<vmem>> -> memref<1x128xi32, #tpu.memory_space<vmem>>
    %dma_wait3A_166 = tpu.memref_squeeze %dma_wait3A_165 : memref<1x128xi32, #tpu.memory_space<vmem>> -> memref<128xi32, #tpu.memory_space<vmem>>
    %dma_wait3A_167 = arith.constant 0 : i32
    %dma_wait3A_168 = arith.constant 0 : i32
    %dma_wait3A_169 = tpu.memref_slice %arg14[%dma_wait3A_167, %dma_wait3A_168] : memref<10240x64xf32, #tpu.memory_space<vmem_shared>> -> memref<10240x64xf32, #tpu.memory_space<vmem_shared>>
    tpu.wait_indirect_dma semaphore(%arg26 : memref<!tpu.dma_semaphore, #tpu.memory_space<semaphore_mem>>) src(%arg13 : memref<128x64xf32, #tpu.memory_space<vmem>>) dst(%dma_wait3A_169 : memref<10240x64xf32, #tpu.memory_space<vmem_shared>>)
    %barrier3A_170 = arith.constant 0 : index
    tpu.barrier barrier_id(%barrier3A_170)
    "tpu.region"() ({
      %run_scoped3A = tpu.sem_alloc : memref<!tpu.dma_semaphore, #tpu.memory_space<semaphore_mem>>
      %dma_start3A_171 = arith.constant 0 : i32
      %dma_start3A_172 = tpu.memref_slice %arg5[%arg0, %mul3A_0, %dma_start3A_171] : memref<2x10240x64xf32, #tpu.memory_space<hbm>> -> memref<1x640x64xf32, #tpu.memory_space<hbm>>
      %dma_start3A_173 = tpu.memref_squeeze %dma_start3A_172 : memref<1x640x64xf32, #tpu.memory_space<hbm>> -> memref<640x64xf32, #tpu.memory_space<hbm>>
      %dma_start3A_174 = arith.constant 0 : i32
      %dma_start3A_175 = tpu.memref_slice %arg14[%mul3A_0, %dma_start3A_174] : memref<10240x64xf32, #tpu.memory_space<vmem_shared>> -> memref<640x64xf32, #tpu.memory_space<vmem_shared>>
      tpu.enqueue_dma source(%dma_start3A_175 : memref<640x64xf32, #tpu.memory_space<vmem_shared>>) target(%dma_start3A_173 : memref<640x64xf32, #tpu.memory_space<hbm>>) target_semaphore(%run_scoped3A : memref<!tpu.dma_semaphore, #tpu.memory_space<semaphore_mem>>)
      %dma_wait3A_176 = arith.constant 0 : i32
      %dma_wait3A_177 = tpu.memref_slice %arg5[%arg0, %mul3A_0, %dma_wait3A_176] : memref<2x10240x64xf32, #tpu.memory_space<hbm>> -> memref<1x640x64xf32, #tpu.memory_space<hbm>>
      %dma_wait3A_178 = tpu.memref_squeeze %dma_wait3A_177 : memref<1x640x64xf32, #tpu.memory_space<hbm>> -> memref<640x64xf32, #tpu.memory_space<hbm>>
      %dma_wait3A_179 = arith.constant 0 : i32
      %dma_wait3A_180 = tpu.memref_slice %arg14[%mul3A_0, %dma_wait3A_179] : memref<10240x64xf32, #tpu.memory_space<vmem_shared>> -> memref<640x64xf32, #tpu.memory_space<vmem_shared>>
      tpu.wait_dma2 semaphore(%run_scoped3A : memref<!tpu.dma_semaphore, #tpu.memory_space<semaphore_mem>>) src(%dma_wait3A_180 : memref<640x64xf32, #tpu.memory_space<vmem_shared>>) dst(%dma_wait3A_178 : memref<640x64xf32, #tpu.memory_space<hbm>>)
      tpu.yield
    }) : () -> ()
    return
  }
}

#map = affine_map<(d0, d1) -> (0, 0)>
#map1 = affine_map<(d0, d1) -> (0, 0, 0)>
module attributes {stable_mosaic.version = 14 : i64} {
  func.func @_prop(%arg0: i32, %arg1: i32, %arg2: memref<10240x64xf32, #tpu.memory_space<hbm>>, %arg3: memref<32x79x128xi32, #tpu.memory_space<hbm>>, %arg4: memref<32x79x128xi32, #tpu.memory_space<hbm>>, %arg5: memref<2x10240x64xf32, #tpu.memory_space<hbm>>, %arg6: memref<79x128xi32, #tpu.memory_space<vmem>>, %arg7: memref<79x128xi32, #tpu.memory_space<vmem>>, %arg8: memref<128x64xf32, #tpu.memory_space<vmem>>, %arg9: memref<128x64xf32, #tpu.memory_space<vmem>>, %arg10: memref<128x64xf32, #tpu.memory_space<vmem>>, %arg11: memref<128x64xf32, #tpu.memory_space<vmem>>, %arg12: memref<128x64xf32, #tpu.memory_space<vmem>>, %arg13: memref<128x64xf32, #tpu.memory_space<vmem>>, %arg14: memref<10240x64xf32, #tpu.memory_space<vmem_shared>>, %arg15: memref<!tpu.dma_semaphore, #tpu.memory_space<semaphore_mem>>, %arg16: memref<!tpu.dma_semaphore, #tpu.memory_space<semaphore_mem>>, %arg17: memref<!tpu.dma_semaphore, #tpu.memory_space<semaphore_mem>>, %arg18: memref<!tpu.dma_semaphore, #tpu.memory_space<semaphore_mem>>, %arg19: memref<!tpu.dma_semaphore, #tpu.memory_space<semaphore_mem>>, %arg20: memref<!tpu.dma_semaphore, #tpu.memory_space<semaphore_mem>>, %arg21: memref<!tpu.dma_semaphore, #tpu.memory_space<semaphore_mem>>, %arg22: memref<!tpu.dma_semaphore, #tpu.memory_space<semaphore_mem>>, %arg23: memref<!tpu.dma_semaphore, #tpu.memory_space<semaphore_mem>>, %arg24: memref<!tpu.dma_semaphore, #tpu.memory_space<semaphore_mem>>, %arg25: memref<!tpu.dma_semaphore, #tpu.memory_space<semaphore_mem>>, %arg26: memref<!tpu.dma_semaphore, #tpu.memory_space<semaphore_mem>>) attributes {dimension_semantics = [#tpu.dimension_semantics<core_parallel>, #tpu.dimension_semantics<subcore_parallel>], iteration_bounds = array<i64: 2, 16>, scalar_prefetch = 0 : i64, scratch_operands = 21 : i64, tpu.core_type = #tpu.core_type<sc_vector_subcore>, window_params = [{transform_indices = #map}, {transform_indices = #map1}, {transform_indices = #map1}, {transform_indices = #map1}]} {
    %mul3A = arith.constant 2 : i32
    %mul3A_0 = arith.muli %arg1, %mul3A : i32
    %add3A = arith.addi %mul3A_0, %arg0 : i32
    %mul3A_1 = arith.constant 640 : i32
    %mul3A_2 = arith.muli %arg1, %mul3A_1 : i32
    %dma_start3A = arith.constant 0 : i32
    %dma_start3A_3 = arith.constant 0 : i32
    %dma_start3A_4 = tpu.memref_slice %arg3[%add3A, %dma_start3A, %dma_start3A_3] : memref<32x79x128xi32, #tpu.memory_space<hbm>> -> memref<1x79x128xi32, #tpu.memory_space<hbm>>
    %dma_start3A_5 = tpu.memref_squeeze %dma_start3A_4 : memref<1x79x128xi32, #tpu.memory_space<hbm>> -> memref<79x128xi32, #tpu.memory_space<hbm>>
    %dma_start3A_6 = arith.constant 0 : i32
    %dma_start3A_7 = arith.constant 0 : i32
    %dma_start3A_8 = tpu.memref_slice %arg3[%add3A, %dma_start3A_6, %dma_start3A_7] : memref<32x79x128xi32, #tpu.memory_space<hbm>> -> memref<1x79x128xi32, #tpu.memory_space<hbm>>
    %dma_start3A_9 = tpu.memref_squeeze %dma_start3A_8 : memref<1x79x128xi32, #tpu.memory_space<hbm>> -> memref<79x128xi32, #tpu.memory_space<hbm>>
    tpu.enqueue_dma source(%dma_start3A_9 : memref<79x128xi32, #tpu.memory_space<hbm>>) target(%arg6 : memref<79x128xi32, #tpu.memory_space<vmem>>) target_semaphore(%arg16 : memref<!tpu.dma_semaphore, #tpu.memory_space<semaphore_mem>>)
    %dma_start3A_10 = arith.constant 0 : i32
    %dma_start3A_11 = arith.constant 0 : i32
    %dma_start3A_12 = tpu.memref_slice %arg4[%add3A, %dma_start3A_10, %dma_start3A_11] : memref<32x79x128xi32, #tpu.memory_space<hbm>> -> memref<1x79x128xi32, #tpu.memory_space<hbm>>
    %dma_start3A_13 = tpu.memref_squeeze %dma_start3A_12 : memref<1x79x128xi32, #tpu.memory_space<hbm>> -> memref<79x128xi32, #tpu.memory_space<hbm>>
    %dma_start3A_14 = arith.constant 0 : i32
    %dma_start3A_15 = arith.constant 0 : i32
    %dma_start3A_16 = tpu.memref_slice %arg4[%add3A, %dma_start3A_14, %dma_start3A_15] : memref<32x79x128xi32, #tpu.memory_space<hbm>> -> memref<1x79x128xi32, #tpu.memory_space<hbm>>
    %dma_start3A_17 = tpu.memref_squeeze %dma_start3A_16 : memref<1x79x128xi32, #tpu.memory_space<hbm>> -> memref<79x128xi32, #tpu.memory_space<hbm>>
    tpu.enqueue_dma source(%dma_start3A_17 : memref<79x128xi32, #tpu.memory_space<hbm>>) target(%arg7 : memref<79x128xi32, #tpu.memory_space<vmem>>) target_semaphore(%arg17 : memref<!tpu.dma_semaphore, #tpu.memory_space<semaphore_mem>>)
    %broadcast_in_dim3A = arith.constant 0.000000e+00 : f32
    %broadcast_in_dim3A_18 = vector.broadcast %broadcast_in_dim3A : f32 to vector<16xf32>
    %scan3A = arith.constant 0 : i32
    %scan3A_19 = arith.constant 0 : i32
    %scan3A_20 = arith.constant 128 : i32
    %scan3A_21 = arith.addi %scan3A_19, %scan3A_20 : i32
    %scan3A_22 = arith.constant 1 : i32
    %scan3A_23 = scf.for %scan3A_161 = %scan3A_19 to %scan3A_21 step %scan3A_22 iter_args(%scan3A_162 = %scan3A) -> (i32)  : i32 {
      %swap3A = arith.index_cast %scan3A_161 : i32 to index
      %swap3A_163 = arith.constant 0 : index
      %swap3A_164 = tpu.vector_load %arg8[%swap3A, %swap3A_163] {strides = array<i32>} : memref<128x64xf32, #tpu.memory_space<vmem>>, vector<1x16xf32>,
      %swap3A_165 = vector.shape_cast %swap3A_164 : vector<1x16xf32> to vector<16xf32>
      %swap3A_166 = vector.shape_cast %broadcast_in_dim3A_18 : vector<16xf32> to vector<1x16xf32>
      tpu.vector_store %arg8[%swap3A, %swap3A_163], %swap3A_166 {strides = array<i32>} : memref<128x64xf32, #tpu.memory_space<vmem>>, vector<1x16xf32>,
      %swap3A_167 = arith.index_cast %scan3A_161 : i32 to index
      %swap3A_168 = arith.constant 16 : index
      %swap3A_169 = tpu.vector_load %arg8[%swap3A_167, %swap3A_168] {strides = array<i32>} : memref<128x64xf32, #tpu.memory_space<vmem>>, vector<1x16xf32>,
      %swap3A_170 = vector.shape_cast %swap3A_169 : vector<1x16xf32> to vector<16xf32>
      %swap3A_171 = vector.shape_cast %broadcast_in_dim3A_18 : vector<16xf32> to vector<1x16xf32>
      tpu.vector_store %arg8[%swap3A_167, %swap3A_168], %swap3A_171 {strides = array<i32>} : memref<128x64xf32, #tpu.memory_space<vmem>>, vector<1x16xf32>,
      %swap3A_172 = arith.index_cast %scan3A_161 : i32 to index
      %swap3A_173 = arith.constant 32 : index
      %swap3A_174 = tpu.vector_load %arg8[%swap3A_172, %swap3A_173] {strides = array<i32>} : memref<128x64xf32, #tpu.memory_space<vmem>>, vector<1x16xf32>,
      %swap3A_175 = vector.shape_cast %swap3A_174 : vector<1x16xf32> to vector<16xf32>
      %swap3A_176 = vector.shape_cast %broadcast_in_dim3A_18 : vector<16xf32> to vector<1x16xf32>
      tpu.vector_store %arg8[%swap3A_172, %swap3A_173], %swap3A_176 {strides = array<i32>} : memref<128x64xf32, #tpu.memory_space<vmem>>, vector<1x16xf32>,
      %swap3A_177 = arith.index_cast %scan3A_161 : i32 to index
      %swap3A_178 = arith.constant 48 : index
      %swap3A_179 = tpu.vector_load %arg8[%swap3A_177, %swap3A_178] {strides = array<i32>} : memref<128x64xf32, #tpu.memory_space<vmem>>, vector<1x16xf32>,
      %swap3A_180 = vector.shape_cast %swap3A_179 : vector<1x16xf32> to vector<16xf32>
      %swap3A_181 = vector.shape_cast %broadcast_in_dim3A_18 : vector<16xf32> to vector<1x16xf32>
      tpu.vector_store %arg8[%swap3A_177, %swap3A_178], %swap3A_181 {strides = array<i32>} : memref<128x64xf32, #tpu.memory_space<vmem>>, vector<1x16xf32>,
      %scan3A_182 = arith.constant 0 : i32
      scf.yield %scan3A_182 : i32
    }
    %scan3A_24 = arith.constant 128 : i32
    %add3A_25 = arith.constant 0 : i32
    %add3A_26 = arith.addi %mul3A_2, %add3A_25 : i32
    %dma_start3A_27 = arith.constant 0 : i32
    %dma_start3A_28 = tpu.memref_slice %arg14[%add3A_26, %dma_start3A_27] : memref<10240x64xf32, #tpu.memory_space<vmem_shared>> -> memref<128x64xf32, #tpu.memory_space<vmem_shared>>
    %dma_start3A_29 = arith.constant 0 : i32
    %dma_start3A_30 = tpu.memref_slice %arg14[%add3A_26, %dma_start3A_29] : memref<10240x64xf32, #tpu.memory_space<vmem_shared>> -> memref<128x64xf32, #tpu.memory_space<vmem_shared>>
    tpu.enqueue_dma source(%arg8 : memref<128x64xf32, #tpu.memory_space<vmem>>) target(%dma_start3A_30 : memref<128x64xf32, #tpu.memory_space<vmem_shared>>) target_semaphore(%arg15 : memref<!tpu.dma_semaphore, #tpu.memory_space<semaphore_mem>>)
    %add3A_31 = arith.constant 128 : i32
    %add3A_32 = arith.addi %mul3A_2, %add3A_31 : i32
    %dma_start3A_33 = arith.constant 0 : i32
    %dma_start3A_34 = tpu.memref_slice %arg14[%add3A_32, %dma_start3A_33] : memref<10240x64xf32, #tpu.memory_space<vmem_shared>> -> memref<128x64xf32, #tpu.memory_space<vmem_shared>>
    %dma_start3A_35 = arith.constant 0 : i32
    %dma_start3A_36 = tpu.memref_slice %arg14[%add3A_32, %dma_start3A_35] : memref<10240x64xf32, #tpu.memory_space<vmem_shared>> -> memref<128x64xf32, #tpu.memory_space<vmem_shared>>
    tpu.enqueue_dma source(%arg8 : memref<128x64xf32, #tpu.memory_space<vmem>>) target(%dma_start3A_36 : memref<128x64xf32, #tpu.memory_space<vmem_shared>>) target_semaphore(%arg15 : memref<!tpu.dma_semaphore, #tpu.memory_space<semaphore_mem>>)
    %add3A_37 = arith.constant 256 : i32
    %add3A_38 = arith.addi %mul3A_2, %add3A_37 : i32
    %dma_start3A_39 = arith.constant 0 : i32
    %dma_start3A_40 = tpu.memref_slice %arg14[%add3A_38, %dma_start3A_39] : memref<10240x64xf32, #tpu.memory_space<vmem_shared>> -> memref<128x64xf32, #tpu.memory_space<vmem_shared>>
    %dma_start3A_41 = arith.constant 0 : i32
    %dma_start3A_42 = tpu.memref_slice %arg14[%add3A_38, %dma_start3A_41] : memref<10240x64xf32, #tpu.memory_space<vmem_shared>> -> memref<128x64xf32, #tpu.memory_space<vmem_shared>>
    tpu.enqueue_dma source(%arg8 : memref<128x64xf32, #tpu.memory_space<vmem>>) target(%dma_start3A_42 : memref<128x64xf32, #tpu.memory_space<vmem_shared>>) target_semaphore(%arg15 : memref<!tpu.dma_semaphore, #tpu.memory_space<semaphore_mem>>)
    %add3A_43 = arith.constant 384 : i32
    %add3A_44 = arith.addi %mul3A_2, %add3A_43 : i32
    %dma_start3A_45 = arith.constant 0 : i32
    %dma_start3A_46 = tpu.memref_slice %arg14[%add3A_44, %dma_start3A_45] : memref<10240x64xf32, #tpu.memory_space<vmem_shared>> -> memref<128x64xf32, #tpu.memory_space<vmem_shared>>
    %dma_start3A_47 = arith.constant 0 : i32
    %dma_start3A_48 = tpu.memref_slice %arg14[%add3A_44, %dma_start3A_47] : memref<10240x64xf32, #tpu.memory_space<vmem_shared>> -> memref<128x64xf32, #tpu.memory_space<vmem_shared>>
    tpu.enqueue_dma source(%arg8 : memref<128x64xf32, #tpu.memory_space<vmem>>) target(%dma_start3A_48 : memref<128x64xf32, #tpu.memory_space<vmem_shared>>) target_semaphore(%arg15 : memref<!tpu.dma_semaphore, #tpu.memory_space<semaphore_mem>>)
    %add3A_49 = arith.constant 512 : i32
    %add3A_50 = arith.addi %mul3A_2, %add3A_49 : i32
    %dma_start3A_51 = arith.constant 0 : i32
    %dma_start3A_52 = tpu.memref_slice %arg14[%add3A_50, %dma_start3A_51] : memref<10240x64xf32, #tpu.memory_space<vmem_shared>> -> memref<128x64xf32, #tpu.memory_space<vmem_shared>>
    %dma_start3A_53 = arith.constant 0 : i32
    %dma_start3A_54 = tpu.memref_slice %arg14[%add3A_50, %dma_start3A_53] : memref<10240x64xf32, #tpu.memory_space<vmem_shared>> -> memref<128x64xf32, #tpu.memory_space<vmem_shared>>
    tpu.enqueue_dma source(%arg8 : memref<128x64xf32, #tpu.memory_space<vmem>>) target(%dma_start3A_54 : memref<128x64xf32, #tpu.memory_space<vmem_shared>>) target_semaphore(%arg15 : memref<!tpu.dma_semaphore, #tpu.memory_space<semaphore_mem>>)
    %dma_wait3A = arith.constant 0 : i32
    %dma_wait3A_55 = tpu.memref_slice %arg14[%add3A_26, %dma_wait3A] : memref<10240x64xf32, #tpu.memory_space<vmem_shared>> -> memref<128x64xf32, #tpu.memory_space<vmem_shared>>
    %dma_wait3A_56 = arith.constant 0 : i32
    %dma_wait3A_57 = tpu.memref_slice %arg14[%add3A_26, %dma_wait3A_56] : memref<10240x64xf32, #tpu.memory_space<vmem_shared>> -> memref<128x64xf32, #tpu.memory_space<vmem_shared>>
    tpu.wait_dma2 semaphore(%arg15 : memref<!tpu.dma_semaphore, #tpu.memory_space<semaphore_mem>>) src(%arg8 : memref<128x64xf32, #tpu.memory_space<vmem>>) dst(%dma_wait3A_57 : memref<128x64xf32, #tpu.memory_space<vmem_shared>>)
    %dma_wait3A_58 = arith.constant 0 : i32
    %dma_wait3A_59 = tpu.memref_slice %arg14[%add3A_32, %dma_wait3A_58] : memref<10240x64xf32, #tpu.memory_space<vmem_shared>> -> memref<128x64xf32, #tpu.memory_space<vmem_shared>>
    %dma_wait3A_60 = arith.constant 0 : i32
    %dma_wait3A_61 = tpu.memref_slice %arg14[%add3A_32, %dma_wait3A_60] : memref<10240x64xf32, #tpu.memory_space<vmem_shared>> -> memref<128x64xf32, #tpu.memory_space<vmem_shared>>
    tpu.wait_dma2 semaphore(%arg15 : memref<!tpu.dma_semaphore, #tpu.memory_space<semaphore_mem>>) src(%arg8 : memref<128x64xf32, #tpu.memory_space<vmem>>) dst(%dma_wait3A_61 : memref<128x64xf32, #tpu.memory_space<vmem_shared>>)
    %dma_wait3A_62 = arith.constant 0 : i32
    %dma_wait3A_63 = tpu.memref_slice %arg14[%add3A_38, %dma_wait3A_62] : memref<10240x64xf32, #tpu.memory_space<vmem_shared>> -> memref<128x64xf32, #tpu.memory_space<vmem_shared>>
    %dma_wait3A_64 = arith.constant 0 : i32
    %dma_wait3A_65 = tpu.memref_slice %arg14[%add3A_38, %dma_wait3A_64] : memref<10240x64xf32, #tpu.memory_space<vmem_shared>> -> memref<128x64xf32, #tpu.memory_space<vmem_shared>>
    tpu.wait_dma2 semaphore(%arg15 : memref<!tpu.dma_semaphore, #tpu.memory_space<semaphore_mem>>) src(%arg8 : memref<128x64xf32, #tpu.memory_space<vmem>>) dst(%dma_wait3A_65 : memref<128x64xf32, #tpu.memory_space<vmem_shared>>)
    %dma_wait3A_66 = arith.constant 0 : i32
    %dma_wait3A_67 = tpu.memref_slice %arg14[%add3A_44, %dma_wait3A_66] : memref<10240x64xf32, #tpu.memory_space<vmem_shared>> -> memref<128x64xf32, #tpu.memory_space<vmem_shared>>
    %dma_wait3A_68 = arith.constant 0 : i32
    %dma_wait3A_69 = tpu.memref_slice %arg14[%add3A_44, %dma_wait3A_68] : memref<10240x64xf32, #tpu.memory_space<vmem_shared>> -> memref<128x64xf32, #tpu.memory_space<vmem_shared>>
    tpu.wait_dma2 semaphore(%arg15 : memref<!tpu.dma_semaphore, #tpu.memory_space<semaphore_mem>>) src(%arg8 : memref<128x64xf32, #tpu.memory_space<vmem>>) dst(%dma_wait3A_69 : memref<128x64xf32, #tpu.memory_space<vmem_shared>>)
    %dma_wait3A_70 = arith.constant 0 : i32
    %dma_wait3A_71 = tpu.memref_slice %arg14[%add3A_50, %dma_wait3A_70] : memref<10240x64xf32, #tpu.memory_space<vmem_shared>> -> memref<128x64xf32, #tpu.memory_space<vmem_shared>>
    %dma_wait3A_72 = arith.constant 0 : i32
    %dma_wait3A_73 = tpu.memref_slice %arg14[%add3A_50, %dma_wait3A_72] : memref<10240x64xf32, #tpu.memory_space<vmem_shared>> -> memref<128x64xf32, #tpu.memory_space<vmem_shared>>
    tpu.wait_dma2 semaphore(%arg15 : memref<!tpu.dma_semaphore, #tpu.memory_space<semaphore_mem>>) src(%arg8 : memref<128x64xf32, #tpu.memory_space<vmem>>) dst(%dma_wait3A_73 : memref<128x64xf32, #tpu.memory_space<vmem_shared>>)
    %dma_wait3A_74 = arith.constant 0 : i32
    %dma_wait3A_75 = arith.constant 0 : i32
    %dma_wait3A_76 = tpu.memref_slice %arg3[%add3A, %dma_wait3A_74, %dma_wait3A_75] : memref<32x79x128xi32, #tpu.memory_space<hbm>> -> memref<1x79x128xi32, #tpu.memory_space<hbm>>
    %dma_wait3A_77 = tpu.memref_squeeze %dma_wait3A_76 : memref<1x79x128xi32, #tpu.memory_space<hbm>> -> memref<79x128xi32, #tpu.memory_space<hbm>>
    %dma_wait3A_78 = arith.constant 0 : i32
    %dma_wait3A_79 = arith.constant 0 : i32
    %dma_wait3A_80 = tpu.memref_slice %arg3[%add3A, %dma_wait3A_78, %dma_wait3A_79] : memref<32x79x128xi32, #tpu.memory_space<hbm>> -> memref<1x79x128xi32, #tpu.memory_space<hbm>>
    %dma_wait3A_81 = tpu.memref_squeeze %dma_wait3A_80 : memref<1x79x128xi32, #tpu.memory_space<hbm>> -> memref<79x128xi32, #tpu.memory_space<hbm>>
    tpu.wait_dma2 semaphore(%arg16 : memref<!tpu.dma_semaphore, #tpu.memory_space<semaphore_mem>>) src(%dma_wait3A_81 : memref<79x128xi32, #tpu.memory_space<hbm>>) dst(%arg6 : memref<79x128xi32, #tpu.memory_space<vmem>>)
    %dma_wait3A_82 = arith.constant 0 : i32
    %dma_wait3A_83 = arith.constant 0 : i32
    %dma_wait3A_84 = tpu.memref_slice %arg4[%add3A, %dma_wait3A_82, %dma_wait3A_83] : memref<32x79x128xi32, #tpu.memory_space<hbm>> -> memref<1x79x128xi32, #tpu.memory_space<hbm>>
    %dma_wait3A_85 = tpu.memref_squeeze %dma_wait3A_84 : memref<1x79x128xi32, #tpu.memory_space<hbm>> -> memref<79x128xi32, #tpu.memory_space<hbm>>
    %dma_wait3A_86 = arith.constant 0 : i32
    %dma_wait3A_87 = arith.constant 0 : i32
    %dma_wait3A_88 = tpu.memref_slice %arg4[%add3A, %dma_wait3A_86, %dma_wait3A_87] : memref<32x79x128xi32, #tpu.memory_space<hbm>> -> memref<1x79x128xi32, #tpu.memory_space<hbm>>
    %dma_wait3A_89 = tpu.memref_squeeze %dma_wait3A_88 : memref<1x79x128xi32, #tpu.memory_space<hbm>> -> memref<79x128xi32, #tpu.memory_space<hbm>>
    tpu.wait_dma2 semaphore(%arg17 : memref<!tpu.dma_semaphore, #tpu.memory_space<semaphore_mem>>) src(%dma_wait3A_89 : memref<79x128xi32, #tpu.memory_space<hbm>>) dst(%arg7 : memref<79x128xi32, #tpu.memory_space<vmem>>)
    %barrier3A = arith.constant 0 : index
    tpu.barrier barrier_id(%barrier3A)
    %dma_start3A_90 = arith.constant 0 : i32
    %dma_start3A_91 = arith.constant 0 : i32
    %dma_start3A_92 = tpu.memref_slice %arg6[%dma_start3A_90, %dma_start3A_91] : memref<79x128xi32, #tpu.memory_space<vmem>> -> memref<1x128xi32, #tpu.memory_space<vmem>>
    %dma_start3A_93 = tpu.memref_squeeze %dma_start3A_92 : memref<1x128xi32, #tpu.memory_space<vmem>> -> memref<128xi32, #tpu.memory_space<vmem>>
    %dma_start3A_94 = arith.constant 0 : i32
    %dma_start3A_95 = arith.constant 0 : i32
    %dma_start3A_96 = tpu.memref_slice %arg2[%dma_start3A_94, %dma_start3A_95] : memref<10240x64xf32, #tpu.memory_space<hbm>> -> memref<10240x64xf32, #tpu.memory_space<hbm>>
    tpu.enqueue_indirect_dma source(%dma_start3A_96 : memref<10240x64xf32, #tpu.memory_space<hbm>>) target(%arg8 : memref<128x64xf32, #tpu.memory_space<vmem>>) offsets(%dma_start3A_93 : memref<128xi32, #tpu.memory_space<vmem>>) semaphore(%arg15 : memref<!tpu.dma_semaphore, #tpu.memory_space<semaphore_mem>>)
    %dma_start3A_97 = arith.constant 1 : i32
    %dma_start3A_98 = arith.constant 0 : i32
    %dma_start3A_99 = tpu.memref_slice %arg6[%dma_start3A_97, %dma_start3A_98] : memref<79x128xi32, #tpu.memory_space<vmem>> -> memref<1x128xi32, #tpu.memory_space<vmem>>
    %dma_start3A_100 = tpu.memref_squeeze %dma_start3A_99 : memref<1x128xi32, #tpu.memory_space<vmem>> -> memref<128xi32, #tpu.memory_space<vmem>>
    %dma_start3A_101 = arith.constant 0 : i32
    %dma_start3A_102 = arith.constant 0 : i32
    %dma_start3A_103 = tpu.memref_slice %arg2[%dma_start3A_101, %dma_start3A_102] : memref<10240x64xf32, #tpu.memory_space<hbm>> -> memref<10240x64xf32, #tpu.memory_space<hbm>>
    tpu.enqueue_indirect_dma source(%dma_start3A_103 : memref<10240x64xf32, #tpu.memory_space<hbm>>) target(%arg9 : memref<128x64xf32, #tpu.memory_space<vmem>>) offsets(%dma_start3A_100 : memref<128xi32, #tpu.memory_space<vmem>>) semaphore(%arg16 : memref<!tpu.dma_semaphore, #tpu.memory_space<semaphore_mem>>)
    %dma_start3A_104 = arith.constant 2 : i32
    %dma_start3A_105 = arith.constant 0 : i32
    %dma_start3A_106 = tpu.memref_slice %arg6[%dma_start3A_104, %dma_start3A_105] : memref<79x128xi32, #tpu.memory_space<vmem>> -> memref<1x128xi32, #tpu.memory_space<vmem>>
    %dma_start3A_107 = tpu.memref_squeeze %dma_start3A_106 : memref<1x128xi32, #tpu.memory_space<vmem>> -> memref<128xi32, #tpu.memory_space<vmem>>
    %dma_start3A_108 = arith.constant 0 : i32
    %dma_start3A_109 = arith.constant 0 : i32
    %dma_start3A_110 = tpu.memref_slice %arg2[%dma_start3A_108, %dma_start3A_109] : memref<10240x64xf32, #tpu.memory_space<hbm>> -> memref<10240x64xf32, #tpu.memory_space<hbm>>
    tpu.enqueue_indirect_dma source(%dma_start3A_110 : memref<10240x64xf32, #tpu.memory_space<hbm>>) target(%arg10 : memref<128x64xf32, #tpu.memory_space<vmem>>) offsets(%dma_start3A_107 : memref<128xi32, #tpu.memory_space<vmem>>) semaphore(%arg17 : memref<!tpu.dma_semaphore, #tpu.memory_space<semaphore_mem>>)
    %scan3A_111 = arith.constant 0 : i32
    %scan3A_112 = arith.constant 0 : i32
    %scan3A_113 = arith.constant 14 : i32
    %scan3A_114 = arith.addi %scan3A_112, %scan3A_113 : i32
    %scan3A_115 = arith.constant 1 : i32
    %scan3A_116 = scf.for %scan3A_161 = %scan3A_112 to %scan3A_114 step %scan3A_115 iter_args(%scan3A_162 = %scan3A_111) -> (i32)  : i32 {
      %mul3A_163 = arith.constant 6 : i32
      %mul3A_164 = arith.muli %scan3A_161, %mul3A_163 : i32
      %add3A_165 = arith.constant 0 : i32
      %add3A_166 = arith.addi %mul3A_164, %add3A_165 : i32
      %lt3A = arith.constant 79 : i32
      %lt3A_167 = arith.cmpi slt, %add3A_166, %lt3A : i32
      %convert_element_type3A = arith.extui %lt3A_167 : i1 to i32
      %cond3A = arith.constant 0 : i32
      %cond3A_168 = arith.cmpi ne, %convert_element_type3A, %cond3A : i32
      scf.if %cond3A_168 {
        %dma_wait3A_215 = arith.constant 0 : i32
        %dma_wait3A_216 = tpu.memref_slice %arg6[%add3A_166, %dma_wait3A_215] : memref<79x128xi32, #tpu.memory_space<vmem>> -> memref<1x128xi32, #tpu.memory_space<vmem>>
        %dma_wait3A_217 = tpu.memref_squeeze %dma_wait3A_216 : memref<1x128xi32, #tpu.memory_space<vmem>> -> memref<128xi32, #tpu.memory_space<vmem>>
        %dma_wait3A_218 = arith.constant 0 : i32
        %dma_wait3A_219 = arith.constant 0 : i32
        %dma_wait3A_220 = tpu.memref_slice %arg2[%dma_wait3A_218, %dma_wait3A_219] : memref<10240x64xf32, #tpu.memory_space<hbm>> -> memref<10240x64xf32, #tpu.memory_space<hbm>>
        tpu.wait_indirect_dma semaphore(%arg15 : memref<!tpu.dma_semaphore, #tpu.memory_space<semaphore_mem>>) src(%dma_wait3A_220 : memref<10240x64xf32, #tpu.memory_space<hbm>>) dst(%arg8 : memref<128x64xf32, #tpu.memory_space<vmem>>)
        %dma_start3A_221 = arith.constant 0 : i32
        %dma_start3A_222 = tpu.memref_slice %arg7[%add3A_166, %dma_start3A_221] : memref<79x128xi32, #tpu.memory_space<vmem>> -> memref<1x128xi32, #tpu.memory_space<vmem>>
        %dma_start3A_223 = tpu.memref_squeeze %dma_start3A_222 : memref<1x128xi32, #tpu.memory_space<vmem>> -> memref<128xi32, #tpu.memory_space<vmem>>
        %dma_start3A_224 = arith.constant 0 : i32
        %dma_start3A_225 = arith.constant 0 : i32
        %dma_start3A_226 = tpu.memref_slice %arg14[%dma_start3A_224, %dma_start3A_225] : memref<10240x64xf32, #tpu.memory_space<vmem_shared>> -> memref<10240x64xf32, #tpu.memory_space<vmem_shared>>
        tpu.enqueue_indirect_dma source(%arg8 : memref<128x64xf32, #tpu.memory_space<vmem>>) target(%dma_start3A_226 : memref<10240x64xf32, #tpu.memory_space<vmem_shared>>) offsets(%dma_start3A_223 : memref<128xi32, #tpu.memory_space<vmem>>) semaphore(%arg21 : memref<!tpu.dma_semaphore, #tpu.memory_space<semaphore_mem>>) {add = true}
        %add3A_227 = arith.constant 3 : i32
        %add3A_228 = arith.addi %add3A_166, %add3A_227 : i32
        %lt3A_229 = arith.constant 79 : i32
        %lt3A_230 = arith.cmpi slt, %add3A_228, %lt3A_229 : i32
        %convert_element_type3A_231 = arith.extui %lt3A_230 : i1 to i32
        %cond3A_232 = arith.constant 0 : i32
        %cond3A_233 = arith.cmpi ne, %convert_element_type3A_231, %cond3A_232 : i32
        scf.if %cond3A_233 {
          %ge3A = arith.constant 3 : i32
          %ge3A_234 = arith.cmpi sge, %add3A_166, %ge3A : i32
          %convert_element_type3A_235 = arith.extui %ge3A_234 : i1 to i32
          %cond3A_236 = arith.constant 0 : i32
          %cond3A_237 = arith.cmpi ne, %convert_element_type3A_235, %cond3A_236 : i32
          scf.if %cond3A_237 {
            %dma_wait3A_246 = arith.constant 0 : i32
            %dma_wait3A_247 = arith.constant 0 : i32
            %dma_wait3A_248 = tpu.memref_slice %arg7[%dma_wait3A_246, %dma_wait3A_247] : memref<79x128xi32, #tpu.memory_space<vmem>> -> memref<1x128xi32, #tpu.memory_space<vmem>>
            %dma_wait3A_249 = tpu.memref_squeeze %dma_wait3A_248 : memref<1x128xi32, #tpu.memory_space<vmem>> -> memref<128xi32, #tpu.memory_space<vmem>>
            %dma_wait3A_250 = arith.constant 0 : i32
            %dma_wait3A_251 = arith.constant 0 : i32
            %dma_wait3A_252 = tpu.memref_slice %arg14[%dma_wait3A_250, %dma_wait3A_251] : memref<10240x64xf32, #tpu.memory_space<vmem_shared>> -> memref<10240x64xf32, #tpu.memory_space<vmem_shared>>
            tpu.wait_indirect_dma semaphore(%arg24 : memref<!tpu.dma_semaphore, #tpu.memory_space<semaphore_mem>>) src(%arg11 : memref<128x64xf32, #tpu.memory_space<vmem>>) dst(%dma_wait3A_252 : memref<10240x64xf32, #tpu.memory_space<vmem_shared>>)
          } else {
          }
          %add3A_238 = arith.constant 3 : i32
          %add3A_239 = arith.addi %add3A_166, %add3A_238 : i32
          %dma_start3A_240 = arith.constant 0 : i32
          %dma_start3A_241 = tpu.memref_slice %arg6[%add3A_239, %dma_start3A_240] : memref<79x128xi32, #tpu.memory_space<vmem>> -> memref<1x128xi32, #tpu.memory_space<vmem>>
          %dma_start3A_242 = tpu.memref_squeeze %dma_start3A_241 : memref<1x128xi32, #tpu.memory_space<vmem>> -> memref<128xi32, #tpu.memory_space<vmem>>
          %dma_start3A_243 = arith.constant 0 : i32
          %dma_start3A_244 = arith.constant 0 : i32
          %dma_start3A_245 = tpu.memref_slice %arg2[%dma_start3A_243, %dma_start3A_244] : memref<10240x64xf32, #tpu.memory_space<hbm>> -> memref<10240x64xf32, #tpu.memory_space<hbm>>
          tpu.enqueue_indirect_dma source(%dma_start3A_245 : memref<10240x64xf32, #tpu.memory_space<hbm>>) target(%arg11 : memref<128x64xf32, #tpu.memory_space<vmem>>) offsets(%dma_start3A_242 : memref<128xi32, #tpu.memory_space<vmem>>) semaphore(%arg18 : memref<!tpu.dma_semaphore, #tpu.memory_space<semaphore_mem>>)
        } else {
        }
      } else {
      }
      %mul3A_169 = arith.constant 6 : i32
      %mul3A_170 = arith.muli %scan3A_161, %mul3A_169 : i32
      %add3A_171 = arith.constant 1 : i32
      %add3A_172 = arith.addi %mul3A_170, %add3A_171 : i32
      %lt3A_173 = arith.constant 79 : i32
      %lt3A_174 = arith.cmpi slt, %add3A_172, %lt3A_173 : i32
      %convert_element_type3A_175 = arith.extui %lt3A_174 : i1 to i32
      %cond3A_176 = arith.constant 0 : i32
      %cond3A_177 = arith.cmpi ne, %convert_element_type3A_175, %cond3A_176 : i32
      scf.if %cond3A_177 {
        %dma_wait3A_215 = arith.constant 0 : i32
        %dma_wait3A_216 = tpu.memref_slice %arg6[%add3A_172, %dma_wait3A_215] : memref<79x128xi32, #tpu.memory_space<vmem>> -> memref<1x128xi32, #tpu.memory_space<vmem>>
        %dma_wait3A_217 = tpu.memref_squeeze %dma_wait3A_216 : memref<1x128xi32, #tpu.memory_space<vmem>> -> memref<128xi32, #tpu.memory_space<vmem>>
        %dma_wait3A_218 = arith.constant 0 : i32
        %dma_wait3A_219 = arith.constant 0 : i32
        %dma_wait3A_220 = tpu.memref_slice %arg2[%dma_wait3A_218, %dma_wait3A_219] : memref<10240x64xf32, #tpu.memory_space<hbm>> -> memref<10240x64xf32, #tpu.memory_space<hbm>>
        tpu.wait_indirect_dma semaphore(%arg16 : memref<!tpu.dma_semaphore, #tpu.memory_space<semaphore_mem>>) src(%dma_wait3A_220 : memref<10240x64xf32, #tpu.memory_space<hbm>>) dst(%arg9 : memref<128x64xf32, #tpu.memory_space<vmem>>)
        %dma_start3A_221 = arith.constant 0 : i32
        %dma_start3A_222 = tpu.memref_slice %arg7[%add3A_172, %dma_start3A_221] : memref<79x128xi32, #tpu.memory_space<vmem>> -> memref<1x128xi32, #tpu.memory_space<vmem>>
        %dma_start3A_223 = tpu.memref_squeeze %dma_start3A_222 : memref<1x128xi32, #tpu.memory_space<vmem>> -> memref<128xi32, #tpu.memory_space<vmem>>
        %dma_start3A_224 = arith.constant 0 : i32
        %dma_start3A_225 = arith.constant 0 : i32
        %dma_start3A_226 = tpu.memref_slice %arg14[%dma_start3A_224, %dma_start3A_225] : memref<10240x64xf32, #tpu.memory_space<vmem_shared>> -> memref<10240x64xf32, #tpu.memory_space<vmem_shared>>
        tpu.enqueue_indirect_dma source(%arg9 : memref<128x64xf32, #tpu.memory_space<vmem>>) target(%dma_start3A_226 : memref<10240x64xf32, #tpu.memory_space<vmem_shared>>) offsets(%dma_start3A_223 : memref<128xi32, #tpu.memory_space<vmem>>) semaphore(%arg22 : memref<!tpu.dma_semaphore, #tpu.memory_space<semaphore_mem>>) {add = true}
        %add3A_227 = arith.constant 3 : i32
        %add3A_228 = arith.addi %add3A_172, %add3A_227 : i32
        %lt3A_229 = arith.constant 79 : i32
        %lt3A_230 = arith.cmpi slt, %add3A_228, %lt3A_229 : i32
        %convert_element_type3A_231 = arith.extui %lt3A_230 : i1 to i32
        %cond3A_232 = arith.constant 0 : i32
        %cond3A_233 = arith.cmpi ne, %convert_element_type3A_231, %cond3A_232 : i32
        scf.if %cond3A_233 {
          %ge3A = arith.constant 3 : i32
          %ge3A_234 = arith.cmpi sge, %add3A_172, %ge3A : i32
          %convert_element_type3A_235 = arith.extui %ge3A_234 : i1 to i32
          %cond3A_236 = arith.constant 0 : i32
          %cond3A_237 = arith.cmpi ne, %convert_element_type3A_235, %cond3A_236 : i32
          scf.if %cond3A_237 {
            %dma_wait3A_246 = arith.constant 0 : i32
            %dma_wait3A_247 = arith.constant 0 : i32
            %dma_wait3A_248 = tpu.memref_slice %arg7[%dma_wait3A_246, %dma_wait3A_247] : memref<79x128xi32, #tpu.memory_space<vmem>> -> memref<1x128xi32, #tpu.memory_space<vmem>>
            %dma_wait3A_249 = tpu.memref_squeeze %dma_wait3A_248 : memref<1x128xi32, #tpu.memory_space<vmem>> -> memref<128xi32, #tpu.memory_space<vmem>>
            %dma_wait3A_250 = arith.constant 0 : i32
            %dma_wait3A_251 = arith.constant 0 : i32
            %dma_wait3A_252 = tpu.memref_slice %arg14[%dma_wait3A_250, %dma_wait3A_251] : memref<10240x64xf32, #tpu.memory_space<vmem_shared>> -> memref<10240x64xf32, #tpu.memory_space<vmem_shared>>
            tpu.wait_indirect_dma semaphore(%arg25 : memref<!tpu.dma_semaphore, #tpu.memory_space<semaphore_mem>>) src(%arg12 : memref<128x64xf32, #tpu.memory_space<vmem>>) dst(%dma_wait3A_252 : memref<10240x64xf32, #tpu.memory_space<vmem_shared>>)
          } else {
          }
          %add3A_238 = arith.constant 3 : i32
          %add3A_239 = arith.addi %add3A_172, %add3A_238 : i32
          %dma_start3A_240 = arith.constant 0 : i32
          %dma_start3A_241 = tpu.memref_slice %arg6[%add3A_239, %dma_start3A_240] : memref<79x128xi32, #tpu.memory_space<vmem>> -> memref<1x128xi32, #tpu.memory_space<vmem>>
          %dma_start3A_242 = tpu.memref_squeeze %dma_start3A_241 : memref<1x128xi32, #tpu.memory_space<vmem>> -> memref<128xi32, #tpu.memory_space<vmem>>
          %dma_start3A_243 = arith.constant 0 : i32
          %dma_start3A_244 = arith.constant 0 : i32
          %dma_start3A_245 = tpu.memref_slice %arg2[%dma_start3A_243, %dma_start3A_244] : memref<10240x64xf32, #tpu.memory_space<hbm>> -> memref<10240x64xf32, #tpu.memory_space<hbm>>
          tpu.enqueue_indirect_dma source(%dma_start3A_245 : memref<10240x64xf32, #tpu.memory_space<hbm>>) target(%arg12 : memref<128x64xf32, #tpu.memory_space<vmem>>) offsets(%dma_start3A_242 : memref<128xi32, #tpu.memory_space<vmem>>) semaphore(%arg19 : memref<!tpu.dma_semaphore, #tpu.memory_space<semaphore_mem>>)
        } else {
        }
      } else {
      }
      %mul3A_178 = arith.constant 6 : i32
      %mul3A_179 = arith.muli %scan3A_161, %mul3A_178 : i32
      %add3A_180 = arith.constant 2 : i32
      %add3A_181 = arith.addi %mul3A_179, %add3A_180 : i32
      %lt3A_182 = arith.constant 79 : i32
      %lt3A_183 = arith.cmpi slt, %add3A_181, %lt3A_182 : i32
      %convert_element_type3A_184 = arith.extui %lt3A_183 : i1 to i32
      %cond3A_185 = arith.constant 0 : i32
      %cond3A_186 = arith.cmpi ne, %convert_element_type3A_184, %cond3A_185 : i32
      scf.if %cond3A_186 {
        %dma_wait3A_215 = arith.constant 0 : i32
        %dma_wait3A_216 = tpu.memref_slice %arg6[%add3A_181, %dma_wait3A_215] : memref<79x128xi32, #tpu.memory_space<vmem>> -> memref<1x128xi32, #tpu.memory_space<vmem>>
        %dma_wait3A_217 = tpu.memref_squeeze %dma_wait3A_216 : memref<1x128xi32, #tpu.memory_space<vmem>> -> memref<128xi32, #tpu.memory_space<vmem>>
        %dma_wait3A_218 = arith.constant 0 : i32
        %dma_wait3A_219 = arith.constant 0 : i32
        %dma_wait3A_220 = tpu.memref_slice %arg2[%dma_wait3A_218, %dma_wait3A_219] : memref<10240x64xf32, #tpu.memory_space<hbm>> -> memref<10240x64xf32, #tpu.memory_space<hbm>>
        tpu.wait_indirect_dma semaphore(%arg17 : memref<!tpu.dma_semaphore, #tpu.memory_space<semaphore_mem>>) src(%dma_wait3A_220 : memref<10240x64xf32, #tpu.memory_space<hbm>>) dst(%arg10 : memref<128x64xf32, #tpu.memory_space<vmem>>)
        %dma_start3A_221 = arith.constant 0 : i32
        %dma_start3A_222 = tpu.memref_slice %arg7[%add3A_181, %dma_start3A_221] : memref<79x128xi32, #tpu.memory_space<vmem>> -> memref<1x128xi32, #tpu.memory_space<vmem>>
        %dma_start3A_223 = tpu.memref_squeeze %dma_start3A_222 : memref<1x128xi32, #tpu.memory_space<vmem>> -> memref<128xi32, #tpu.memory_space<vmem>>
        %dma_start3A_224 = arith.constant 0 : i32
        %dma_start3A_225 = arith.constant 0 : i32
        %dma_start3A_226 = tpu.memref_slice %arg14[%dma_start3A_224, %dma_start3A_225] : memref<10240x64xf32, #tpu.memory_space<vmem_shared>> -> memref<10240x64xf32, #tpu.memory_space<vmem_shared>>
        tpu.enqueue_indirect_dma source(%arg10 : memref<128x64xf32, #tpu.memory_space<vmem>>) target(%dma_start3A_226 : memref<10240x64xf32, #tpu.memory_space<vmem_shared>>) offsets(%dma_start3A_223 : memref<128xi32, #tpu.memory_space<vmem>>) semaphore(%arg23 : memref<!tpu.dma_semaphore, #tpu.memory_space<semaphore_mem>>) {add = true}
        %add3A_227 = arith.constant 3 : i32
        %add3A_228 = arith.addi %add3A_181, %add3A_227 : i32
        %lt3A_229 = arith.constant 79 : i32
        %lt3A_230 = arith.cmpi slt, %add3A_228, %lt3A_229 : i32
        %convert_element_type3A_231 = arith.extui %lt3A_230 : i1 to i32
        %cond3A_232 = arith.constant 0 : i32
        %cond3A_233 = arith.cmpi ne, %convert_element_type3A_231, %cond3A_232 : i32
        scf.if %cond3A_233 {
          %ge3A = arith.constant 3 : i32
          %ge3A_234 = arith.cmpi sge, %add3A_181, %ge3A : i32
          %convert_element_type3A_235 = arith.extui %ge3A_234 : i1 to i32
          %cond3A_236 = arith.constant 0 : i32
          %cond3A_237 = arith.cmpi ne, %convert_element_type3A_235, %cond3A_236 : i32
          scf.if %cond3A_237 {
            %dma_wait3A_246 = arith.constant 0 : i32
            %dma_wait3A_247 = arith.constant 0 : i32
            %dma_wait3A_248 = tpu.memref_slice %arg7[%dma_wait3A_246, %dma_wait3A_247] : memref<79x128xi32, #tpu.memory_space<vmem>> -> memref<1x128xi32, #tpu.memory_space<vmem>>
            %dma_wait3A_249 = tpu.memref_squeeze %dma_wait3A_248 : memref<1x128xi32, #tpu.memory_space<vmem>> -> memref<128xi32, #tpu.memory_space<vmem>>
            %dma_wait3A_250 = arith.constant 0 : i32
            %dma_wait3A_251 = arith.constant 0 : i32
            %dma_wait3A_252 = tpu.memref_slice %arg14[%dma_wait3A_250, %dma_wait3A_251] : memref<10240x64xf32, #tpu.memory_space<vmem_shared>> -> memref<10240x64xf32, #tpu.memory_space<vmem_shared>>
            tpu.wait_indirect_dma semaphore(%arg26 : memref<!tpu.dma_semaphore, #tpu.memory_space<semaphore_mem>>) src(%arg13 : memref<128x64xf32, #tpu.memory_space<vmem>>) dst(%dma_wait3A_252 : memref<10240x64xf32, #tpu.memory_space<vmem_shared>>)
          } else {
          }
          %add3A_238 = arith.constant 3 : i32
          %add3A_239 = arith.addi %add3A_181, %add3A_238 : i32
          %dma_start3A_240 = arith.constant 0 : i32
          %dma_start3A_241 = tpu.memref_slice %arg6[%add3A_239, %dma_start3A_240] : memref<79x128xi32, #tpu.memory_space<vmem>> -> memref<1x128xi32, #tpu.memory_space<vmem>>
          %dma_start3A_242 = tpu.memref_squeeze %dma_start3A_241 : memref<1x128xi32, #tpu.memory_space<vmem>> -> memref<128xi32, #tpu.memory_space<vmem>>
          %dma_start3A_243 = arith.constant 0 : i32
          %dma_start3A_244 = arith.constant 0 : i32
          %dma_start3A_245 = tpu.memref_slice %arg2[%dma_start3A_243, %dma_start3A_244] : memref<10240x64xf32, #tpu.memory_space<hbm>> -> memref<10240x64xf32, #tpu.memory_space<hbm>>
          tpu.enqueue_indirect_dma source(%dma_start3A_245 : memref<10240x64xf32, #tpu.memory_space<hbm>>) target(%arg13 : memref<128x64xf32, #tpu.memory_space<vmem>>) offsets(%dma_start3A_242 : memref<128xi32, #tpu.memory_space<vmem>>) semaphore(%arg20 : memref<!tpu.dma_semaphore, #tpu.memory_space<semaphore_mem>>)
        } else {
        }
      } else {
      }
      %mul3A_187 = arith.constant 6 : i32
      %mul3A_188 = arith.muli %scan3A_161, %mul3A_187 : i32
      %add3A_189 = arith.constant 3 : i32
      %add3A_190 = arith.addi %mul3A_188, %add3A_189 : i32
      %lt3A_191 = arith.constant 79 : i32
      %lt3A_192 = arith.cmpi slt, %add3A_190, %lt3A_191 : i32
      %convert_element_type3A_193 = arith.extui %lt3A_192 : i1 to i32
      %cond3A_194 = arith.constant 0 : i32
      %cond3A_195 = arith.cmpi ne, %convert_element_type3A_193, %cond3A_194 : i32
      scf.if %cond3A_195 {
        %dma_wait3A_215 = arith.constant 0 : i32
        %dma_wait3A_216 = tpu.memref_slice %arg6[%add3A_190, %dma_wait3A_215] : memref<79x128xi32, #tpu.memory_space<vmem>> -> memref<1x128xi32, #tpu.memory_space<vmem>>
        %dma_wait3A_217 = tpu.memref_squeeze %dma_wait3A_216 : memref<1x128xi32, #tpu.memory_space<vmem>> -> memref<128xi32, #tpu.memory_space<vmem>>
        %dma_wait3A_218 = arith.constant 0 : i32
        %dma_wait3A_219 = arith.constant 0 : i32
        %dma_wait3A_220 = tpu.memref_slice %arg2[%dma_wait3A_218, %dma_wait3A_219] : memref<10240x64xf32, #tpu.memory_space<hbm>> -> memref<10240x64xf32, #tpu.memory_space<hbm>>
        tpu.wait_indirect_dma semaphore(%arg18 : memref<!tpu.dma_semaphore, #tpu.memory_space<semaphore_mem>>) src(%dma_wait3A_220 : memref<10240x64xf32, #tpu.memory_space<hbm>>) dst(%arg11 : memref<128x64xf32, #tpu.memory_space<vmem>>)
        %dma_start3A_221 = arith.constant 0 : i32
        %dma_start3A_222 = tpu.memref_slice %arg7[%add3A_190, %dma_start3A_221] : memref<79x128xi32, #tpu.memory_space<vmem>> -> memref<1x128xi32, #tpu.memory_space<vmem>>
        %dma_start3A_223 = tpu.memref_squeeze %dma_start3A_222 : memref<1x128xi32, #tpu.memory_space<vmem>> -> memref<128xi32, #tpu.memory_space<vmem>>
        %dma_start3A_224 = arith.constant 0 : i32
        %dma_start3A_225 = arith.constant 0 : i32
        %dma_start3A_226 = tpu.memref_slice %arg14[%dma_start3A_224, %dma_start3A_225] : memref<10240x64xf32, #tpu.memory_space<vmem_shared>> -> memref<10240x64xf32, #tpu.memory_space<vmem_shared>>
        tpu.enqueue_indirect_dma source(%arg11 : memref<128x64xf32, #tpu.memory_space<vmem>>) target(%dma_start3A_226 : memref<10240x64xf32, #tpu.memory_space<vmem_shared>>) offsets(%dma_start3A_223 : memref<128xi32, #tpu.memory_space<vmem>>) semaphore(%arg24 : memref<!tpu.dma_semaphore, #tpu.memory_space<semaphore_mem>>) {add = true}
        %add3A_227 = arith.constant 3 : i32
        %add3A_228 = arith.addi %add3A_190, %add3A_227 : i32
        %lt3A_229 = arith.constant 79 : i32
        %lt3A_230 = arith.cmpi slt, %add3A_228, %lt3A_229 : i32
        %convert_element_type3A_231 = arith.extui %lt3A_230 : i1 to i32
        %cond3A_232 = arith.constant 0 : i32
        %cond3A_233 = arith.cmpi ne, %convert_element_type3A_231, %cond3A_232 : i32
        scf.if %cond3A_233 {
          %ge3A = arith.constant 3 : i32
          %ge3A_234 = arith.cmpi sge, %add3A_190, %ge3A : i32
          %convert_element_type3A_235 = arith.extui %ge3A_234 : i1 to i32
          %cond3A_236 = arith.constant 0 : i32
          %cond3A_237 = arith.cmpi ne, %convert_element_type3A_235, %cond3A_236 : i32
          scf.if %cond3A_237 {
            %dma_wait3A_246 = arith.constant 0 : i32
            %dma_wait3A_247 = arith.constant 0 : i32
            %dma_wait3A_248 = tpu.memref_slice %arg7[%dma_wait3A_246, %dma_wait3A_247] : memref<79x128xi32, #tpu.memory_space<vmem>> -> memref<1x128xi32, #tpu.memory_space<vmem>>
            %dma_wait3A_249 = tpu.memref_squeeze %dma_wait3A_248 : memref<1x128xi32, #tpu.memory_space<vmem>> -> memref<128xi32, #tpu.memory_space<vmem>>
            %dma_wait3A_250 = arith.constant 0 : i32
            %dma_wait3A_251 = arith.constant 0 : i32
            %dma_wait3A_252 = tpu.memref_slice %arg14[%dma_wait3A_250, %dma_wait3A_251] : memref<10240x64xf32, #tpu.memory_space<vmem_shared>> -> memref<10240x64xf32, #tpu.memory_space<vmem_shared>>
            tpu.wait_indirect_dma semaphore(%arg21 : memref<!tpu.dma_semaphore, #tpu.memory_space<semaphore_mem>>) src(%arg8 : memref<128x64xf32, #tpu.memory_space<vmem>>) dst(%dma_wait3A_252 : memref<10240x64xf32, #tpu.memory_space<vmem_shared>>)
          } else {
          }
          %add3A_238 = arith.constant 3 : i32
          %add3A_239 = arith.addi %add3A_190, %add3A_238 : i32
          %dma_start3A_240 = arith.constant 0 : i32
          %dma_start3A_241 = tpu.memref_slice %arg6[%add3A_239, %dma_start3A_240] : memref<79x128xi32, #tpu.memory_space<vmem>> -> memref<1x128xi32, #tpu.memory_space<vmem>>
          %dma_start3A_242 = tpu.memref_squeeze %dma_start3A_241 : memref<1x128xi32, #tpu.memory_space<vmem>> -> memref<128xi32, #tpu.memory_space<vmem>>
          %dma_start3A_243 = arith.constant 0 : i32
          %dma_start3A_244 = arith.constant 0 : i32
          %dma_start3A_245 = tpu.memref_slice %arg2[%dma_start3A_243, %dma_start3A_244] : memref<10240x64xf32, #tpu.memory_space<hbm>> -> memref<10240x64xf32, #tpu.memory_space<hbm>>
          tpu.enqueue_indirect_dma source(%dma_start3A_245 : memref<10240x64xf32, #tpu.memory_space<hbm>>) target(%arg8 : memref<128x64xf32, #tpu.memory_space<vmem>>) offsets(%dma_start3A_242 : memref<128xi32, #tpu.memory_space<vmem>>) semaphore(%arg15 : memref<!tpu.dma_semaphore, #tpu.memory_space<semaphore_mem>>)
        } else {
        }
      } else {
      }
      %mul3A_196 = arith.constant 6 : i32
      %mul3A_197 = arith.muli %scan3A_161, %mul3A_196 : i32
      %add3A_198 = arith.constant 4 : i32
      %add3A_199 = arith.addi %mul3A_197, %add3A_198 : i32
      %lt3A_200 = arith.constant 79 : i32
      %lt3A_201 = arith.cmpi slt, %add3A_199, %lt3A_200 : i32
      %convert_element_type3A_202 = arith.extui %lt3A_201 : i1 to i32
      %cond3A_203 = arith.constant 0 : i32
      %cond3A_204 = arith.cmpi ne, %convert_element_type3A_202, %cond3A_203 : i32
      scf.if %cond3A_204 {
        %dma_wait3A_215 = arith.constant 0 : i32
        %dma_wait3A_216 = tpu.memref_slice %arg6[%add3A_199, %dma_wait3A_215] : memref<79x128xi32, #tpu.memory_space<vmem>> -> memref<1x128xi32, #tpu.memory_space<vmem>>
        %dma_wait3A_217 = tpu.memref_squeeze %dma_wait3A_216 : memref<1x128xi32, #tpu.memory_space<vmem>> -> memref<128xi32, #tpu.memory_space<vmem>>
        %dma_wait3A_218 = arith.constant 0 : i32
        %dma_wait3A_219 = arith.constant 0 : i32
        %dma_wait3A_220 = tpu.memref_slice %arg2[%dma_wait3A_218, %dma_wait3A_219] : memref<10240x64xf32, #tpu.memory_space<hbm>> -> memref<10240x64xf32, #tpu.memory_space<hbm>>
        tpu.wait_indirect_dma semaphore(%arg19 : memref<!tpu.dma_semaphore, #tpu.memory_space<semaphore_mem>>) src(%dma_wait3A_220 : memref<10240x64xf32, #tpu.memory_space<hbm>>) dst(%arg12 : memref<128x64xf32, #tpu.memory_space<vmem>>)
        %dma_start3A_221 = arith.constant 0 : i32
        %dma_start3A_222 = tpu.memref_slice %arg7[%add3A_199, %dma_start3A_221] : memref<79x128xi32, #tpu.memory_space<vmem>> -> memref<1x128xi32, #tpu.memory_space<vmem>>
        %dma_start3A_223 = tpu.memref_squeeze %dma_start3A_222 : memref<1x128xi32, #tpu.memory_space<vmem>> -> memref<128xi32, #tpu.memory_space<vmem>>
        %dma_start3A_224 = arith.constant 0 : i32
        %dma_start3A_225 = arith.constant 0 : i32
        %dma_start3A_226 = tpu.memref_slice %arg14[%dma_start3A_224, %dma_start3A_225] : memref<10240x64xf32, #tpu.memory_space<vmem_shared>> -> memref<10240x64xf32, #tpu.memory_space<vmem_shared>>
        tpu.enqueue_indirect_dma source(%arg12 : memref<128x64xf32, #tpu.memory_space<vmem>>) target(%dma_start3A_226 : memref<10240x64xf32, #tpu.memory_space<vmem_shared>>) offsets(%dma_start3A_223 : memref<128xi32, #tpu.memory_space<vmem>>) semaphore(%arg25 : memref<!tpu.dma_semaphore, #tpu.memory_space<semaphore_mem>>) {add = true}
        %add3A_227 = arith.constant 3 : i32
        %add3A_228 = arith.addi %add3A_199, %add3A_227 : i32
        %lt3A_229 = arith.constant 79 : i32
        %lt3A_230 = arith.cmpi slt, %add3A_228, %lt3A_229 : i32
        %convert_element_type3A_231 = arith.extui %lt3A_230 : i1 to i32
        %cond3A_232 = arith.constant 0 : i32
        %cond3A_233 = arith.cmpi ne, %convert_element_type3A_231, %cond3A_232 : i32
        scf.if %cond3A_233 {
          %ge3A = arith.constant 3 : i32
          %ge3A_234 = arith.cmpi sge, %add3A_199, %ge3A : i32
          %convert_element_type3A_235 = arith.extui %ge3A_234 : i1 to i32
          %cond3A_236 = arith.constant 0 : i32
          %cond3A_237 = arith.cmpi ne, %convert_element_type3A_235, %cond3A_236 : i32
          scf.if %cond3A_237 {
            %dma_wait3A_246 = arith.constant 0 : i32
            %dma_wait3A_247 = arith.constant 0 : i32
            %dma_wait3A_248 = tpu.memref_slice %arg7[%dma_wait3A_246, %dma_wait3A_247] : memref<79x128xi32, #tpu.memory_space<vmem>> -> memref<1x128xi32, #tpu.memory_space<vmem>>
            %dma_wait3A_249 = tpu.memref_squeeze %dma_wait3A_248 : memref<1x128xi32, #tpu.memory_space<vmem>> -> memref<128xi32, #tpu.memory_space<vmem>>
            %dma_wait3A_250 = arith.constant 0 : i32
            %dma_wait3A_251 = arith.constant 0 : i32
            %dma_wait3A_252 = tpu.memref_slice %arg14[%dma_wait3A_250, %dma_wait3A_251] : memref<10240x64xf32, #tpu.memory_space<vmem_shared>> -> memref<10240x64xf32, #tpu.memory_space<vmem_shared>>
            tpu.wait_indirect_dma semaphore(%arg22 : memref<!tpu.dma_semaphore, #tpu.memory_space<semaphore_mem>>) src(%arg9 : memref<128x64xf32, #tpu.memory_space<vmem>>) dst(%dma_wait3A_252 : memref<10240x64xf32, #tpu.memory_space<vmem_shared>>)
          } else {
          }
          %add3A_238 = arith.constant 3 : i32
          %add3A_239 = arith.addi %add3A_199, %add3A_238 : i32
          %dma_start3A_240 = arith.constant 0 : i32
          %dma_start3A_241 = tpu.memref_slice %arg6[%add3A_239, %dma_start3A_240] : memref<79x128xi32, #tpu.memory_space<vmem>> -> memref<1x128xi32, #tpu.memory_space<vmem>>
          %dma_start3A_242 = tpu.memref_squeeze %dma_start3A_241 : memref<1x128xi32, #tpu.memory_space<vmem>> -> memref<128xi32, #tpu.memory_space<vmem>>
          %dma_start3A_243 = arith.constant 0 : i32
          %dma_start3A_244 = arith.constant 0 : i32
          %dma_start3A_245 = tpu.memref_slice %arg2[%dma_start3A_243, %dma_start3A_244] : memref<10240x64xf32, #tpu.memory_space<hbm>> -> memref<10240x64xf32, #tpu.memory_space<hbm>>
          tpu.enqueue_indirect_dma source(%dma_start3A_245 : memref<10240x64xf32, #tpu.memory_space<hbm>>) target(%arg9 : memref<128x64xf32, #tpu.memory_space<vmem>>) offsets(%dma_start3A_242 : memref<128xi32, #tpu.memory_space<vmem>>) semaphore(%arg16 : memref<!tpu.dma_semaphore, #tpu.memory_space<semaphore_mem>>)
        } else {
        }
      } else {
      }
      %mul3A_205 = arith.constant 6 : i32
      %mul3A_206 = arith.muli %scan3A_161, %mul3A_205 : i32
      %add3A_207 = arith.constant 5 : i32
      %add3A_208 = arith.addi %mul3A_206, %add3A_207 : i32
      %lt3A_209 = arith.constant 79 : i32
      %lt3A_210 = arith.cmpi slt, %add3A_208, %lt3A_209 : i32
      %convert_element_type3A_211 = arith.extui %lt3A_210 : i1 to i32
      %cond3A_212 = arith.constant 0 : i32
      %cond3A_213 = arith.cmpi ne, %convert_element_type3A_211, %cond3A_212 : i32
      scf.if %cond3A_213 {
        %dma_wait3A_215 = arith.constant 0 : i32
        %dma_wait3A_216 = tpu.memref_slice %arg6[%add3A_208, %dma_wait3A_215] : memref<79x128xi32, #tpu.memory_space<vmem>> -> memref<1x128xi32, #tpu.memory_space<vmem>>
        %dma_wait3A_217 = tpu.memref_squeeze %dma_wait3A_216 : memref<1x128xi32, #tpu.memory_space<vmem>> -> memref<128xi32, #tpu.memory_space<vmem>>
        %dma_wait3A_218 = arith.constant 0 : i32
        %dma_wait3A_219 = arith.constant 0 : i32
        %dma_wait3A_220 = tpu.memref_slice %arg2[%dma_wait3A_218, %dma_wait3A_219] : memref<10240x64xf32, #tpu.memory_space<hbm>> -> memref<10240x64xf32, #tpu.memory_space<hbm>>
        tpu.wait_indirect_dma semaphore(%arg20 : memref<!tpu.dma_semaphore, #tpu.memory_space<semaphore_mem>>) src(%dma_wait3A_220 : memref<10240x64xf32, #tpu.memory_space<hbm>>) dst(%arg13 : memref<128x64xf32, #tpu.memory_space<vmem>>)
        %dma_start3A_221 = arith.constant 0 : i32
        %dma_start3A_222 = tpu.memref_slice %arg7[%add3A_208, %dma_start3A_221] : memref<79x128xi32, #tpu.memory_space<vmem>> -> memref<1x128xi32, #tpu.memory_space<vmem>>
        %dma_start3A_223 = tpu.memref_squeeze %dma_start3A_222 : memref<1x128xi32, #tpu.memory_space<vmem>> -> memref<128xi32, #tpu.memory_space<vmem>>
        %dma_start3A_224 = arith.constant 0 : i32
        %dma_start3A_225 = arith.constant 0 : i32
        %dma_start3A_226 = tpu.memref_slice %arg14[%dma_start3A_224, %dma_start3A_225] : memref<10240x64xf32, #tpu.memory_space<vmem_shared>> -> memref<10240x64xf32, #tpu.memory_space<vmem_shared>>
        tpu.enqueue_indirect_dma source(%arg13 : memref<128x64xf32, #tpu.memory_space<vmem>>) target(%dma_start3A_226 : memref<10240x64xf32, #tpu.memory_space<vmem_shared>>) offsets(%dma_start3A_223 : memref<128xi32, #tpu.memory_space<vmem>>) semaphore(%arg26 : memref<!tpu.dma_semaphore, #tpu.memory_space<semaphore_mem>>) {add = true}
        %add3A_227 = arith.constant 3 : i32
        %add3A_228 = arith.addi %add3A_208, %add3A_227 : i32
        %lt3A_229 = arith.constant 79 : i32
        %lt3A_230 = arith.cmpi slt, %add3A_228, %lt3A_229 : i32
        %convert_element_type3A_231 = arith.extui %lt3A_230 : i1 to i32
        %cond3A_232 = arith.constant 0 : i32
        %cond3A_233 = arith.cmpi ne, %convert_element_type3A_231, %cond3A_232 : i32
        scf.if %cond3A_233 {
          %ge3A = arith.constant 3 : i32
          %ge3A_234 = arith.cmpi sge, %add3A_208, %ge3A : i32
          %convert_element_type3A_235 = arith.extui %ge3A_234 : i1 to i32
          %cond3A_236 = arith.constant 0 : i32
          %cond3A_237 = arith.cmpi ne, %convert_element_type3A_235, %cond3A_236 : i32
          scf.if %cond3A_237 {
            %dma_wait3A_246 = arith.constant 0 : i32
            %dma_wait3A_247 = arith.constant 0 : i32
            %dma_wait3A_248 = tpu.memref_slice %arg7[%dma_wait3A_246, %dma_wait3A_247] : memref<79x128xi32, #tpu.memory_space<vmem>> -> memref<1x128xi32, #tpu.memory_space<vmem>>
            %dma_wait3A_249 = tpu.memref_squeeze %dma_wait3A_248 : memref<1x128xi32, #tpu.memory_space<vmem>> -> memref<128xi32, #tpu.memory_space<vmem>>
            %dma_wait3A_250 = arith.constant 0 : i32
            %dma_wait3A_251 = arith.constant 0 : i32
            %dma_wait3A_252 = tpu.memref_slice %arg14[%dma_wait3A_250, %dma_wait3A_251] : memref<10240x64xf32, #tpu.memory_space<vmem_shared>> -> memref<10240x64xf32, #tpu.memory_space<vmem_shared>>
            tpu.wait_indirect_dma semaphore(%arg23 : memref<!tpu.dma_semaphore, #tpu.memory_space<semaphore_mem>>) src(%arg10 : memref<128x64xf32, #tpu.memory_space<vmem>>) dst(%dma_wait3A_252 : memref<10240x64xf32, #tpu.memory_space<vmem_shared>>)
          } else {
          }
          %add3A_238 = arith.constant 3 : i32
          %add3A_239 = arith.addi %add3A_208, %add3A_238 : i32
          %dma_start3A_240 = arith.constant 0 : i32
          %dma_start3A_241 = tpu.memref_slice %arg6[%add3A_239, %dma_start3A_240] : memref<79x128xi32, #tpu.memory_space<vmem>> -> memref<1x128xi32, #tpu.memory_space<vmem>>
          %dma_start3A_242 = tpu.memref_squeeze %dma_start3A_241 : memref<1x128xi32, #tpu.memory_space<vmem>> -> memref<128xi32, #tpu.memory_space<vmem>>
          %dma_start3A_243 = arith.constant 0 : i32
          %dma_start3A_244 = arith.constant 0 : i32
          %dma_start3A_245 = tpu.memref_slice %arg2[%dma_start3A_243, %dma_start3A_244] : memref<10240x64xf32, #tpu.memory_space<hbm>> -> memref<10240x64xf32, #tpu.memory_space<hbm>>
          tpu.enqueue_indirect_dma source(%dma_start3A_245 : memref<10240x64xf32, #tpu.memory_space<hbm>>) target(%arg10 : memref<128x64xf32, #tpu.memory_space<vmem>>) offsets(%dma_start3A_242 : memref<128xi32, #tpu.memory_space<vmem>>) semaphore(%arg17 : memref<!tpu.dma_semaphore, #tpu.memory_space<semaphore_mem>>)
        } else {
        }
      } else {
      }
      %scan3A_214 = arith.constant 0 : i32
      scf.yield %scan3A_214 : i32
    }
    %scan3A_117 = arith.constant 14 : i32
    %dma_wait3A_118 = arith.constant 0 : i32
    %dma_wait3A_119 = arith.constant 0 : i32
    %dma_wait3A_120 = tpu.memref_slice %arg7[%dma_wait3A_118, %dma_wait3A_119] : memref<79x128xi32, #tpu.memory_space<vmem>> -> memref<1x128xi32, #tpu.memory_space<vmem>>
    %dma_wait3A_121 = tpu.memref_squeeze %dma_wait3A_120 : memref<1x128xi32, #tpu.memory_space<vmem>> -> memref<128xi32, #tpu.memory_space<vmem>>
    %dma_wait3A_122 = arith.constant 0 : i32
    %dma_wait3A_123 = arith.constant 0 : i32
    %dma_wait3A_124 = tpu.memref_slice %arg14[%dma_wait3A_122, %dma_wait3A_123] : memref<10240x64xf32, #tpu.memory_space<vmem_shared>> -> memref<10240x64xf32, #tpu.memory_space<vmem_shared>>
    tpu.wait_indirect_dma semaphore(%arg21 : memref<!tpu.dma_semaphore, #tpu.memory_space<semaphore_mem>>) src(%arg8 : memref<128x64xf32, #tpu.memory_space<vmem>>) dst(%dma_wait3A_124 : memref<10240x64xf32, #tpu.memory_space<vmem_shared>>)
    %dma_wait3A_125 = arith.constant 0 : i32
    %dma_wait3A_126 = arith.constant 0 : i32
    %dma_wait3A_127 = tpu.memref_slice %arg7[%dma_wait3A_125, %dma_wait3A_126] : memref<79x128xi32, #tpu.memory_space<vmem>> -> memref<1x128xi32, #tpu.memory_space<vmem>>
    %dma_wait3A_128 = tpu.memref_squeeze %dma_wait3A_127 : memref<1x128xi32, #tpu.memory_space<vmem>> -> memref<128xi32, #tpu.memory_space<vmem>>
    %dma_wait3A_129 = arith.constant 0 : i32
    %dma_wait3A_130 = arith.constant 0 : i32
    %dma_wait3A_131 = tpu.memref_slice %arg14[%dma_wait3A_129, %dma_wait3A_130] : memref<10240x64xf32, #tpu.memory_space<vmem_shared>> -> memref<10240x64xf32, #tpu.memory_space<vmem_shared>>
    tpu.wait_indirect_dma semaphore(%arg22 : memref<!tpu.dma_semaphore, #tpu.memory_space<semaphore_mem>>) src(%arg9 : memref<128x64xf32, #tpu.memory_space<vmem>>) dst(%dma_wait3A_131 : memref<10240x64xf32, #tpu.memory_space<vmem_shared>>)
    %dma_wait3A_132 = arith.constant 0 : i32
    %dma_wait3A_133 = arith.constant 0 : i32
    %dma_wait3A_134 = tpu.memref_slice %arg7[%dma_wait3A_132, %dma_wait3A_133] : memref<79x128xi32, #tpu.memory_space<vmem>> -> memref<1x128xi32, #tpu.memory_space<vmem>>
    %dma_wait3A_135 = tpu.memref_squeeze %dma_wait3A_134 : memref<1x128xi32, #tpu.memory_space<vmem>> -> memref<128xi32, #tpu.memory_space<vmem>>
    %dma_wait3A_136 = arith.constant 0 : i32
    %dma_wait3A_137 = arith.constant 0 : i32
    %dma_wait3A_138 = tpu.memref_slice %arg14[%dma_wait3A_136, %dma_wait3A_137] : memref<10240x64xf32, #tpu.memory_space<vmem_shared>> -> memref<10240x64xf32, #tpu.memory_space<vmem_shared>>
    tpu.wait_indirect_dma semaphore(%arg23 : memref<!tpu.dma_semaphore, #tpu.memory_space<semaphore_mem>>) src(%arg10 : memref<128x64xf32, #tpu.memory_space<vmem>>) dst(%dma_wait3A_138 : memref<10240x64xf32, #tpu.memory_space<vmem_shared>>)
    %dma_wait3A_139 = arith.constant 0 : i32
    %dma_wait3A_140 = arith.constant 0 : i32
    %dma_wait3A_141 = tpu.memref_slice %arg7[%dma_wait3A_139, %dma_wait3A_140] : memref<79x128xi32, #tpu.memory_space<vmem>> -> memref<1x128xi32, #tpu.memory_space<vmem>>
    %dma_wait3A_142 = tpu.memref_squeeze %dma_wait3A_141 : memref<1x128xi32, #tpu.memory_space<vmem>> -> memref<128xi32, #tpu.memory_space<vmem>>
    %dma_wait3A_143 = arith.constant 0 : i32
    %dma_wait3A_144 = arith.constant 0 : i32
    %dma_wait3A_145 = tpu.memref_slice %arg14[%dma_wait3A_143, %dma_wait3A_144] : memref<10240x64xf32, #tpu.memory_space<vmem_shared>> -> memref<10240x64xf32, #tpu.memory_space<vmem_shared>>
    tpu.wait_indirect_dma semaphore(%arg24 : memref<!tpu.dma_semaphore, #tpu.memory_space<semaphore_mem>>) src(%arg11 : memref<128x64xf32, #tpu.memory_space<vmem>>) dst(%dma_wait3A_145 : memref<10240x64xf32, #tpu.memory_space<vmem_shared>>)
    %dma_wait3A_146 = arith.constant 0 : i32
    %dma_wait3A_147 = arith.constant 0 : i32
    %dma_wait3A_148 = tpu.memref_slice %arg7[%dma_wait3A_146, %dma_wait3A_147] : memref<79x128xi32, #tpu.memory_space<vmem>> -> memref<1x128xi32, #tpu.memory_space<vmem>>
    %dma_wait3A_149 = tpu.memref_squeeze %dma_wait3A_148 : memref<1x128xi32, #tpu.memory_space<vmem>> -> memref<128xi32, #tpu.memory_space<vmem>>
    %dma_wait3A_150 = arith.constant 0 : i32
    %dma_wait3A_151 = arith.constant 0 : i32
    %dma_wait3A_152 = tpu.memref_slice %arg14[%dma_wait3A_150, %dma_wait3A_151] : memref<10240x64xf32, #tpu.memory_space<vmem_shared>> -> memref<10240x64xf32, #tpu.memory_space<vmem_shared>>
    tpu.wait_indirect_dma semaphore(%arg25 : memref<!tpu.dma_semaphore, #tpu.memory_space<semaphore_mem>>) src(%arg12 : memref<128x64xf32, #tpu.memory_space<vmem>>) dst(%dma_wait3A_152 : memref<10240x64xf32, #tpu.memory_space<vmem_shared>>)
    %dma_wait3A_153 = arith.constant 0 : i32
    %dma_wait3A_154 = arith.constant 0 : i32
    %dma_wait3A_155 = tpu.memref_slice %arg7[%dma_wait3A_153, %dma_wait3A_154] : memref<79x128xi32, #tpu.memory_space<vmem>> -> memref<1x128xi32, #tpu.memory_space<vmem>>
    %dma_wait3A_156 = tpu.memref_squeeze %dma_wait3A_155 : memref<1x128xi32, #tpu.memory_space<vmem>> -> memref<128xi32, #tpu.memory_space<vmem>>
    %dma_wait3A_157 = arith.constant 0 : i32
    %dma_wait3A_158 = arith.constant 0 : i32
    %dma_wait3A_159 = tpu.memref_slice %arg14[%dma_wait3A_157, %dma_wait3A_158] : memref<10240x64xf32, #tpu.memory_space<vmem_shared>> -> memref<10240x64xf32, #tpu.memory_space<vmem_shared>>
    tpu.wait_indirect_dma semaphore(%arg26 : memref<!tpu.dma_semaphore, #tpu.memory_space<semaphore_mem>>) src(%arg13 : memref<128x64xf32, #tpu.memory_space<vmem>>) dst(%dma_wait3A_159 : memref<10240x64xf32, #tpu.memory_space<vmem_shared>>)
    %barrier3A_160 = arith.constant 0 : index
    tpu.barrier barrier_id(%barrier3A_160)
    "tpu.region"() ({
      %run_scoped3A = tpu.sem_alloc : memref<!tpu.dma_semaphore, #tpu.memory_space<semaphore_mem>>
      %dma_start3A_161 = arith.constant 0 : i32
      %dma_start3A_162 = tpu.memref_slice %arg5[%arg0, %mul3A_2, %dma_start3A_161] : memref<2x10240x64xf32, #tpu.memory_space<hbm>> -> memref<1x640x64xf32, #tpu.memory_space<hbm>>
      %dma_start3A_163 = tpu.memref_squeeze %dma_start3A_162 : memref<1x640x64xf32, #tpu.memory_space<hbm>> -> memref<640x64xf32, #tpu.memory_space<hbm>>
      %dma_start3A_164 = arith.constant 0 : i32
      %dma_start3A_165 = tpu.memref_slice %arg14[%mul3A_2, %dma_start3A_164] : memref<10240x64xf32, #tpu.memory_space<vmem_shared>> -> memref<640x64xf32, #tpu.memory_space<vmem_shared>>
      tpu.enqueue_dma source(%dma_start3A_165 : memref<640x64xf32, #tpu.memory_space<vmem_shared>>) target(%dma_start3A_163 : memref<640x64xf32, #tpu.memory_space<hbm>>) target_semaphore(%run_scoped3A : memref<!tpu.dma_semaphore, #tpu.memory_space<semaphore_mem>>)
      %dma_wait3A_166 = arith.constant 0 : i32
      %dma_wait3A_167 = tpu.memref_slice %arg5[%arg0, %mul3A_2, %dma_wait3A_166] : memref<2x10240x64xf32, #tpu.memory_space<hbm>> -> memref<1x640x64xf32, #tpu.memory_space<hbm>>
      %dma_wait3A_168 = tpu.memref_squeeze %dma_wait3A_167 : memref<1x640x64xf32, #tpu.memory_space<hbm>> -> memref<640x64xf32, #tpu.memory_space<hbm>>
      %dma_wait3A_169 = arith.constant 0 : i32
      %dma_wait3A_170 = tpu.memref_slice %arg14[%mul3A_2, %dma_wait3A_169] : memref<10240x64xf32, #tpu.memory_space<vmem_shared>> -> memref<640x64xf32, #tpu.memory_space<vmem_shared>>
      tpu.wait_dma2 semaphore(%run_scoped3A : memref<!tpu.dma_semaphore, #tpu.memory_space<semaphore_mem>>) src(%dma_wait3A_170 : memref<640x64xf32, #tpu.memory_space<vmem_shared>>) dst(%dma_wait3A_168 : memref<640x64xf32, #tpu.memory_space<hbm>>)
      tpu.yield
    }) : () -> ()
    return
  }
}

module attributes {stable_mosaic.version = 14 : i64} {
  func.func @_tc_pre_body(%arg0: i32, %arg1: memref<2000x128xf32, #tpu.memory_space<vmem>>, %arg2: memref<2x2000x16xf32, #tpu.memory_space<vmem>>, %arg3: memref<2x2000x64xf32, #tpu.memory_space<vmem>>) attributes {dimension_semantics = [#tpu.dimension_semantics<arbitrary>], iteration_bounds = array<i64: 5>, scalar_prefetch = 0 : i64, scratch_operands = 0 : i64, tpu.core_type = #tpu.core_type<tc>, window_params = [{transform_indices = @transform_0, window_bounds = array<i64: 2000, 128>}, {transform_indices = @transform_1, window_bounds = array<i64: 2, 2000, 16>}, {transform_indices = @transform_2, window_bounds = array<i64: 2, 2000, 64>}]} {
    %get3A = arith.constant 0 : index
    %get3A_0 = arith.constant 0 : index
    %get3A_1 = vector.load %arg1[%get3A, %get3A_0] : memref<2000x128xf32, #tpu.memory_space<vmem>>, vector<2000x128xf32>
    %get3A_2 = arith.constant 0 : index
    %get3A_3 = arith.constant 0 : index
    %get3A_4 = arith.constant 0 : index
    %get3A_5 = vector.load %arg2[%get3A_2, %get3A_3, %get3A_4] : memref<2x2000x16xf32, #tpu.memory_space<vmem>>, vector<1x2000x1xf32>
    %get3A_6 = vector.shape_cast %get3A_5 : vector<1x2000x1xf32> to vector<2000x1xf32>
    %get3A_7 = arith.constant 1 : index
    %get3A_8 = arith.constant 0 : index
    %get3A_9 = arith.constant 0 : index
    %get3A_10 = vector.load %arg2[%get3A_7, %get3A_8, %get3A_9] : memref<2x2000x16xf32, #tpu.memory_space<vmem>>, vector<1x2000x1xf32>
    %get3A_11 = vector.shape_cast %get3A_10 : vector<1x2000x1xf32> to vector<2000x1xf32>
    %add3A = arith.addf %get3A_6, %get3A_11 : vector<2000x1xf32>
    %max3A = arith.constant 1.000000e+00 : f32
    %max3A_12 = vector.broadcast %max3A : f32 to vector<2000x1xf32>
    %max3A_13 = arith.maximumf %add3A, %max3A_12 : vector<2000x1xf32>
    %rsqrt3A = math.rsqrt %max3A_13 : vector<2000x1xf32>
    %mul3A = vector.broadcast %rsqrt3A : vector<2000x1xf32> to vector<2000x128xf32>
    %mul3A_14 = arith.mulf %get3A_1, %mul3A : vector<2000x128xf32>
    %slice3A = vector.extract_strided_slice %mul3A_14 {offsets = [0, 0], sizes = [2000, 64], strides = [1, 1]} : vector<2000x128xf32> to vector<2000x64xf32>
    %swap3A = arith.constant 0 : index
    %swap3A_15 = arith.constant 0 : index
    %swap3A_16 = arith.constant 0 : index
    %swap3A_17 = vector.load %arg3[%swap3A, %swap3A_15, %swap3A_16] : memref<2x2000x64xf32, #tpu.memory_space<vmem>>, vector<1x2000x64xf32>
    %swap3A_18 = vector.shape_cast %swap3A_17 : vector<1x2000x64xf32> to vector<2000x64xf32>
    %swap3A_19 = vector.shape_cast %slice3A : vector<2000x64xf32> to vector<1x2000x64xf32>
    tpu.vector_store %arg3[%swap3A, %swap3A_15, %swap3A_16], %swap3A_19 {strides = array<i32>} : memref<2x2000x64xf32, #tpu.memory_space<vmem>>, vector<1x2000x64xf32>,
    %slice3A_20 = vector.extract_strided_slice %mul3A_14 {offsets = [0, 64], sizes = [2000, 64], strides = [1, 1]} : vector<2000x128xf32> to vector<2000x64xf32>
    %swap3A_21 = arith.constant 1 : index
    %swap3A_22 = arith.constant 0 : index
    %swap3A_23 = arith.constant 0 : index
    %swap3A_24 = vector.load %arg3[%swap3A_21, %swap3A_22, %swap3A_23] : memref<2x2000x64xf32, #tpu.memory_space<vmem>>, vector<1x2000x64xf32>
    %swap3A_25 = vector.shape_cast %swap3A_24 : vector<1x2000x64xf32> to vector<2000x64xf32>
    %swap3A_26 = vector.shape_cast %slice3A_20 : vector<2000x64xf32> to vector<1x2000x64xf32>
    tpu.vector_store %arg3[%swap3A_21, %swap3A_22, %swap3A_23], %swap3A_26 {strides = array<i32>} : memref<2x2000x64xf32, #tpu.memory_space<vmem>>, vector<1x2000x64xf32>,
    return
  }
  func.func @transform_0(%arg0: i32) -> (i32, i32) {
    %c0_i32 = arith.constant 0 : i32
    %c0_i32_0 = arith.constant 0 : i32
    return %arg0, %c0_i32 : i32, i32
  }
  func.func @transform_1(%arg0: i32) -> (i32, i32, i32) {
    %c0_i32 = arith.constant 0 : i32
    %c0_i32_0 = arith.constant 0 : i32
    %c0_i32_1 = arith.constant 0 : i32
    return %c0_i32, %arg0, %c0_i32_0 : i32, i32, i32
  }
  func.func @transform_2(%arg0: i32) -> (i32, i32, i32) {
    %c0_i32 = arith.constant 0 : i32
    %c0_i32_0 = arith.constant 0 : i32
    %c0_i32_1 = arith.constant 0 : i32
    return %c0_i32, %arg0, %c0_i32_0 : i32, i32, i32
  }
}

module attributes {stable_mosaic.version = 14 : i64} {
  func.func @_tc_layer1_body(%arg0: i32, %arg1: memref<2x1024x64xf32, #tpu.memory_space<vmem>>, %arg2: memref<2x1024x16xf32, #tpu.memory_space<vmem>>, %arg3: memref<2x1024x16xf32, #tpu.memory_space<vmem>>, %arg4: memref<128x128xf32, #tpu.memory_space<vmem>>, %arg5: memref<1x128xf32, #tpu.memory_space<vmem>>, %arg6: memref<2x1024x64xf32, #tpu.memory_space<vmem>>) attributes {dimension_semantics = [#tpu.dimension_semantics<arbitrary>], iteration_bounds = array<i64: 10>, scalar_prefetch = 0 : i64, scratch_operands = 0 : i64, tpu.core_type = #tpu.core_type<tc>, window_params = [{transform_indices = @transform_0, window_bounds = array<i64: 2, 1024, 64>}, {transform_indices = @transform_1, window_bounds = array<i64: 2, 1024, 16>}, {transform_indices = @transform_2, window_bounds = array<i64: 2, 1024, 16>}, {pipeline_mode = #tpu.pipeline_mode<synchronous>, transform_indices = @transform_3, window_bounds = array<i64: 128, 128>}, {pipeline_mode = #tpu.pipeline_mode<synchronous>, transform_indices = @transform_4, window_bounds = array<i64: 1, 128>}, {transform_indices = @transform_5, window_bounds = array<i64: 2, 1024, 64>}]} {
    %get3A = arith.constant 0 : index
    %get3A_0 = arith.constant 0 : index
    %get3A_1 = arith.constant 0 : index
    %get3A_2 = vector.load %arg2[%get3A, %get3A_0, %get3A_1] : memref<2x1024x16xf32, #tpu.memory_space<vmem>>, vector<1x1024x1xf32>
    %get3A_3 = vector.shape_cast %get3A_2 : vector<1x1024x1xf32> to vector<1024x1xf32>
    %get3A_4 = arith.constant 1 : index
    %get3A_5 = arith.constant 0 : index
    %get3A_6 = arith.constant 0 : index
    %get3A_7 = vector.load %arg2[%get3A_4, %get3A_5, %get3A_6] : memref<2x1024x16xf32, #tpu.memory_space<vmem>>, vector<1x1024x1xf32>
    %get3A_8 = vector.shape_cast %get3A_7 : vector<1x1024x1xf32> to vector<1024x1xf32>
    %add3A = arith.addf %get3A_3, %get3A_8 : vector<1024x1xf32>
    %max3A = arith.constant 1.000000e+00 : f32
    %max3A_9 = vector.broadcast %max3A : f32 to vector<1024x1xf32>
    %max3A_10 = arith.maximumf %add3A, %max3A_9 : vector<1024x1xf32>
    %rsqrt3A = math.rsqrt %max3A_10 : vector<1024x1xf32>
    %get3A_11 = arith.constant 0 : index
    %get3A_12 = arith.constant 0 : index
    %get3A_13 = arith.constant 0 : index
    %get3A_14 = vector.load %arg1[%get3A_11, %get3A_12, %get3A_13] : memref<2x1024x64xf32, #tpu.memory_space<vmem>>, vector<1x1024x64xf32>
    %get3A_15 = vector.shape_cast %get3A_14 : vector<1x1024x64xf32> to vector<1024x64xf32>
    %mul3A = vector.broadcast %rsqrt3A : vector<1024x1xf32> to vector<1024x64xf32>
    %mul3A_16 = arith.mulf %get3A_15, %mul3A : vector<1024x64xf32>
    %get3A_17 = arith.constant 0 : index
    %get3A_18 = arith.constant 0 : index
    %get3A_19 = vector.load %arg4[%get3A_17, %get3A_18] : memref<128x128xf32, #tpu.memory_space<vmem>>, vector<64x128xf32>
    %dot_general3A = arith.constant dense<0.000000e+00> : vector<1024x128xf32>
    %dot_general3A_20 = tpu.matmul %mul3A_16, %get3A_19, %dot_general3A {dimension_numbers = #tpu.dot_dimension_numbers<[1], [0], [0], [1], [0, 0, 1, 1], [], []>, precision = #tpu.contract_precision<fp32>, transpose_lhs_hint = false} : vector<1024x64xf32>, vector<64x128xf32>, vector<1024x128xf32> -> vector<1024x128xf32>
    %get3A_21 = arith.constant 1 : index
    %get3A_22 = arith.constant 0 : index
    %get3A_23 = arith.constant 0 : index
    %get3A_24 = vector.load %arg1[%get3A_21, %get3A_22, %get3A_23] : memref<2x1024x64xf32, #tpu.memory_space<vmem>>, vector<1x1024x64xf32>
    %get3A_25 = vector.shape_cast %get3A_24 : vector<1x1024x64xf32> to vector<1024x64xf32>
    %mul3A_26 = vector.broadcast %rsqrt3A : vector<1024x1xf32> to vector<1024x64xf32>
    %mul3A_27 = arith.mulf %get3A_25, %mul3A_26 : vector<1024x64xf32>
    %get3A_28 = arith.constant 64 : index
    %get3A_29 = arith.constant 0 : index
    %get3A_30 = vector.load %arg4[%get3A_28, %get3A_29] : memref<128x128xf32, #tpu.memory_space<vmem>>, vector<64x128xf32>
    %dot_general3A_31 = arith.constant dense<0.000000e+00> : vector<1024x128xf32>
    %dot_general3A_32 = tpu.matmul %mul3A_27, %get3A_30, %dot_general3A_31 {dimension_numbers = #tpu.dot_dimension_numbers<[1], [0], [0], [1], [0, 0, 1, 1], [], []>, precision = #tpu.contract_precision<fp32>, transpose_lhs_hint = false} : vector<1024x64xf32>, vector<64x128xf32>, vector<1024x128xf32> -> vector<1024x128xf32>
    %add3A_33 = arith.addf %dot_general3A_20, %dot_general3A_32 : vector<1024x128xf32>
    %get3A_34 = arith.constant 0 : index
    %get3A_35 = arith.constant 0 : index
    %get3A_36 = vector.load %arg5[%get3A_34, %get3A_35] : memref<1x128xf32, #tpu.memory_space<vmem>>, vector<1x128xf32>
    %add3A_37 = vector.broadcast %get3A_36 : vector<1x128xf32> to vector<1024x128xf32>
    %add3A_38 = arith.addf %add3A_33, %add3A_37 : vector<1024x128xf32>
    %max3A_39 = arith.constant 0.000000e+00 : f32
    %max3A_40 = vector.broadcast %max3A_39 : f32 to vector<1024x128xf32>
    %max3A_41 = arith.maximumf %add3A_38, %max3A_40 : vector<1024x128xf32>
    %get3A_42 = arith.constant 0 : index
    %get3A_43 = arith.constant 0 : index
    %get3A_44 = arith.constant 0 : index
    %get3A_45 = vector.load %arg3[%get3A_42, %get3A_43, %get3A_44] : memref<2x1024x16xf32, #tpu.memory_space<vmem>>, vector<1x1024x1xf32>
    %get3A_46 = vector.shape_cast %get3A_45 : vector<1x1024x1xf32> to vector<1024x1xf32>
    %get3A_47 = arith.constant 1 : index
    %get3A_48 = arith.constant 0 : index
    %get3A_49 = arith.constant 0 : index
    %get3A_50 = vector.load %arg3[%get3A_47, %get3A_48, %get3A_49] : memref<2x1024x16xf32, #tpu.memory_space<vmem>>, vector<1x1024x1xf32>
    %get3A_51 = vector.shape_cast %get3A_50 : vector<1x1024x1xf32> to vector<1024x1xf32>
    %add3A_52 = arith.addf %get3A_46, %get3A_51 : vector<1024x1xf32>
    %max3A_53 = arith.constant 1.000000e+00 : f32
    %max3A_54 = vector.broadcast %max3A_53 : f32 to vector<1024x1xf32>
    %max3A_55 = arith.maximumf %add3A_52, %max3A_54 : vector<1024x1xf32>
    %rsqrt3A_56 = math.rsqrt %max3A_55 : vector<1024x1xf32>
    %mul3A_57 = vector.broadcast %rsqrt3A_56 : vector<1024x1xf32> to vector<1024x128xf32>
    %mul3A_58 = arith.mulf %max3A_41, %mul3A_57 : vector<1024x128xf32>
    %slice3A = vector.extract_strided_slice %mul3A_58 {offsets = [0, 0], sizes = [1024, 64], strides = [1, 1]} : vector<1024x128xf32> to vector<1024x64xf32>
    %swap3A = arith.constant 0 : index
    %swap3A_59 = arith.constant 0 : index
    %swap3A_60 = arith.constant 0 : index
    %swap3A_61 = vector.load %arg6[%swap3A, %swap3A_59, %swap3A_60] : memref<2x1024x64xf32, #tpu.memory_space<vmem>>, vector<1x1024x64xf32>
    %swap3A_62 = vector.shape_cast %swap3A_61 : vector<1x1024x64xf32> to vector<1024x64xf32>
    %swap3A_63 = vector.shape_cast %slice3A : vector<1024x64xf32> to vector<1x1024x64xf32>
    tpu.vector_store %arg6[%swap3A, %swap3A_59, %swap3A_60], %swap3A_63 {strides = array<i32>} : memref<2x1024x64xf32, #tpu.memory_space<vmem>>, vector<1x1024x64xf32>,
    %slice3A_64 = vector.extract_strided_slice %mul3A_58 {offsets = [0, 64], sizes = [1024, 64], strides = [1, 1]} : vector<1024x128xf32> to vector<1024x64xf32>
    %swap3A_65 = arith.constant 1 : index
    %swap3A_66 = arith.constant 0 : index
    %swap3A_67 = arith.constant 0 : index
    %swap3A_68 = vector.load %arg6[%swap3A_65, %swap3A_66, %swap3A_67] : memref<2x1024x64xf32, #tpu.memory_space<vmem>>, vector<1x1024x64xf32>
    %swap3A_69 = vector.shape_cast %swap3A_68 : vector<1x1024x64xf32> to vector<1024x64xf32>
    %swap3A_70 = vector.shape_cast %slice3A_64 : vector<1024x64xf32> to vector<1x1024x64xf32>
    tpu.vector_store %arg6[%swap3A_65, %swap3A_66, %swap3A_67], %swap3A_70 {strides = array<i32>} : memref<2x1024x64xf32, #tpu.memory_space<vmem>>, vector<1x1024x64xf32>,
    return
  }
  func.func @transform_0(%arg0: i32) -> (i32, i32, i32) {
    %c0_i32 = arith.constant 0 : i32
    %c0_i32_0 = arith.constant 0 : i32
    %c0_i32_1 = arith.constant 0 : i32
    return %c0_i32, %arg0, %c0_i32_0 : i32, i32, i32
  }
  func.func @transform_1(%arg0: i32) -> (i32, i32, i32) {
    %c0_i32 = arith.constant 0 : i32
    %c0_i32_0 = arith.constant 0 : i32
    %c0_i32_1 = arith.constant 0 : i32
    return %c0_i32, %arg0, %c0_i32_0 : i32, i32, i32
  }
  func.func @transform_2(%arg0: i32) -> (i32, i32, i32) {
    %c0_i32 = arith.constant 0 : i32
    %c0_i32_0 = arith.constant 0 : i32
    %c0_i32_1 = arith.constant 0 : i32
    return %c0_i32, %arg0, %c0_i32_0 : i32, i32, i32
  }
  func.func @transform_3(%arg0: i32) -> (i32, i32) {
    %c0_i32 = arith.constant 0 : i32
    %c0_i32_0 = arith.constant 0 : i32
    %c0_i32_1 = arith.constant 0 : i32
    return %c0_i32, %c0_i32_0 : i32, i32
  }
  func.func @transform_4(%arg0: i32) -> (i32, i32) {
    %c0_i32 = arith.constant 0 : i32
    %c0_i32_0 = arith.constant 0 : i32
    %c0_i32_1 = arith.constant 0 : i32
    return %c0_i32, %c0_i32_0 : i32, i32
  }
  func.func @transform_5(%arg0: i32) -> (i32, i32, i32) {
    %c0_i32 = arith.constant 0 : i32
    %c0_i32_0 = arith.constant 0 : i32
    %c0_i32_1 = arith.constant 0 : i32
    return %c0_i32, %arg0, %c0_i32_0 : i32, i32, i32
  }
}

module attributes {stable_mosaic.version = 14 : i64} {
  func.func @_tc_layer2_body(%arg0: i32, %arg1: memref<2x1024x64xf32, #tpu.memory_space<vmem>>, %arg2: memref<2x1024x16xf32, #tpu.memory_space<vmem>>, %arg3: memref<2x1024x16xf32, #tpu.memory_space<vmem>>, %arg4: memref<128x128xf32, #tpu.memory_space<vmem>>, %arg5: memref<1x128xf32, #tpu.memory_space<vmem>>, %arg6: memref<128x64xf32, #tpu.memory_space<vmem>>, %arg7: memref<1024x64xf32, #tpu.memory_space<vmem>>) attributes {dimension_semantics = [#tpu.dimension_semantics<arbitrary>], iteration_bounds = array<i64: 10>, scalar_prefetch = 0 : i64, scratch_operands = 0 : i64, tpu.core_type = #tpu.core_type<tc>, window_params = [{transform_indices = @transform_0, window_bounds = array<i64: 2, 1024, 64>}, {transform_indices = @transform_1, window_bounds = array<i64: 2, 1024, 16>}, {transform_indices = @transform_2, window_bounds = array<i64: 2, 1024, 16>}, {pipeline_mode = #tpu.pipeline_mode<synchronous>, transform_indices = @transform_3, window_bounds = array<i64: 128, 128>}, {pipeline_mode = #tpu.pipeline_mode<synchronous>, transform_indices = @transform_4, window_bounds = array<i64: 1, 128>}, {pipeline_mode = #tpu.pipeline_mode<synchronous>, transform_indices = @transform_5, window_bounds = array<i64: 128, 64>}, {transform_indices = @transform_6, window_bounds = array<i64: 1024, 64>}]} {
    %get3A = arith.constant 0 : index
    %get3A_0 = arith.constant 0 : index
    %get3A_1 = arith.constant 0 : index
    %get3A_2 = vector.load %arg2[%get3A, %get3A_0, %get3A_1] : memref<2x1024x16xf32, #tpu.memory_space<vmem>>, vector<1x1024x1xf32>
    %get3A_3 = vector.shape_cast %get3A_2 : vector<1x1024x1xf32> to vector<1024x1xf32>
    %get3A_4 = arith.constant 1 : index
    %get3A_5 = arith.constant 0 : index
    %get3A_6 = arith.constant 0 : index
    %get3A_7 = vector.load %arg2[%get3A_4, %get3A_5, %get3A_6] : memref<2x1024x16xf32, #tpu.memory_space<vmem>>, vector<1x1024x1xf32>
    %get3A_8 = vector.shape_cast %get3A_7 : vector<1x1024x1xf32> to vector<1024x1xf32>
    %add3A = arith.addf %get3A_3, %get3A_8 : vector<1024x1xf32>
    %max3A = arith.constant 1.000000e+00 : f32
    %max3A_9 = vector.broadcast %max3A : f32 to vector<1024x1xf32>
    %max3A_10 = arith.maximumf %add3A, %max3A_9 : vector<1024x1xf32>
    %rsqrt3A = math.rsqrt %max3A_10 : vector<1024x1xf32>
    %get3A_11 = arith.constant 0 : index
    %get3A_12 = arith.constant 0 : index
    %get3A_13 = arith.constant 0 : index
    %get3A_14 = vector.load %arg1[%get3A_11, %get3A_12, %get3A_13] : memref<2x1024x64xf32, #tpu.memory_space<vmem>>, vector<1x1024x64xf32>
    %get3A_15 = vector.shape_cast %get3A_14 : vector<1x1024x64xf32> to vector<1024x64xf32>
    %mul3A = vector.broadcast %rsqrt3A : vector<1024x1xf32> to vector<1024x64xf32>
    %mul3A_16 = arith.mulf %get3A_15, %mul3A : vector<1024x64xf32>
    %get3A_17 = arith.constant 0 : index
    %get3A_18 = arith.constant 0 : index
    %get3A_19 = vector.load %arg4[%get3A_17, %get3A_18] : memref<128x128xf32, #tpu.memory_space<vmem>>, vector<64x128xf32>
    %dot_general3A = arith.constant dense<0.000000e+00> : vector<1024x128xf32>
    %dot_general3A_20 = tpu.matmul %mul3A_16, %get3A_19, %dot_general3A {dimension_numbers = #tpu.dot_dimension_numbers<[1], [0], [0], [1], [0, 0, 1, 1], [], []>, precision = #tpu.contract_precision<fp32>, transpose_lhs_hint = false} : vector<1024x64xf32>, vector<64x128xf32>, vector<1024x128xf32> -> vector<1024x128xf32>
    %get3A_21 = arith.constant 1 : index
    %get3A_22 = arith.constant 0 : index
    %get3A_23 = arith.constant 0 : index
    %get3A_24 = vector.load %arg1[%get3A_21, %get3A_22, %get3A_23] : memref<2x1024x64xf32, #tpu.memory_space<vmem>>, vector<1x1024x64xf32>
    %get3A_25 = vector.shape_cast %get3A_24 : vector<1x1024x64xf32> to vector<1024x64xf32>
    %mul3A_26 = vector.broadcast %rsqrt3A : vector<1024x1xf32> to vector<1024x64xf32>
    %mul3A_27 = arith.mulf %get3A_25, %mul3A_26 : vector<1024x64xf32>
    %get3A_28 = arith.constant 64 : index
    %get3A_29 = arith.constant 0 : index
    %get3A_30 = vector.load %arg4[%get3A_28, %get3A_29] : memref<128x128xf32, #tpu.memory_space<vmem>>, vector<64x128xf32>
    %dot_general3A_31 = arith.constant dense<0.000000e+00> : vector<1024x128xf32>
    %dot_general3A_32 = tpu.matmul %mul3A_27, %get3A_30, %dot_general3A_31 {dimension_numbers = #tpu.dot_dimension_numbers<[1], [0], [0], [1], [0, 0, 1, 1], [], []>, precision = #tpu.contract_precision<fp32>, transpose_lhs_hint = false} : vector<1024x64xf32>, vector<64x128xf32>, vector<1024x128xf32> -> vector<1024x128xf32>
    %add3A_33 = arith.addf %dot_general3A_20, %dot_general3A_32 : vector<1024x128xf32>
    %get3A_34 = arith.constant 0 : index
    %get3A_35 = arith.constant 0 : index
    %get3A_36 = vector.load %arg5[%get3A_34, %get3A_35] : memref<1x128xf32, #tpu.memory_space<vmem>>, vector<1x128xf32>
    %add3A_37 = vector.broadcast %get3A_36 : vector<1x128xf32> to vector<1024x128xf32>
    %add3A_38 = arith.addf %add3A_33, %add3A_37 : vector<1024x128xf32>
    %max3A_39 = arith.constant 0.000000e+00 : f32
    %max3A_40 = vector.broadcast %max3A_39 : f32 to vector<1024x128xf32>
    %max3A_41 = arith.maximumf %add3A_38, %max3A_40 : vector<1024x128xf32>
    %get3A_42 = arith.constant 0 : index
    %get3A_43 = arith.constant 0 : index
    %get3A_44 = vector.load %arg6[%get3A_42, %get3A_43] : memref<128x64xf32, #tpu.memory_space<vmem>>, vector<128x64xf32>
    %dot_general3A_45 = arith.constant dense<0.000000e+00> : vector<1024x64xf32>
    %dot_general3A_46 = tpu.matmul %max3A_41, %get3A_44, %dot_general3A_45 {dimension_numbers = #tpu.dot_dimension_numbers<[1], [0], [0], [1], [0, 0, 1, 1], [], []>, precision = #tpu.contract_precision<fp32>, transpose_lhs_hint = false} : vector<1024x128xf32>, vector<128x64xf32>, vector<1024x64xf32> -> vector<1024x64xf32>
    %get3A_47 = arith.constant 0 : index
    %get3A_48 = arith.constant 0 : index
    %get3A_49 = arith.constant 0 : index
    %get3A_50 = vector.load %arg3[%get3A_47, %get3A_48, %get3A_49] : memref<2x1024x16xf32, #tpu.memory_space<vmem>>, vector<1x1024x1xf32>
    %get3A_51 = vector.shape_cast %get3A_50 : vector<1x1024x1xf32> to vector<1024x1xf32>
    %get3A_52 = arith.constant 1 : index
    %get3A_53 = arith.constant 0 : index
    %get3A_54 = arith.constant 0 : index
    %get3A_55 = vector.load %arg3[%get3A_52, %get3A_53, %get3A_54] : memref<2x1024x16xf32, #tpu.memory_space<vmem>>, vector<1x1024x1xf32>
    %get3A_56 = vector.shape_cast %get3A_55 : vector<1x1024x1xf32> to vector<1024x1xf32>
    %add3A_57 = arith.addf %get3A_51, %get3A_56 : vector<1024x1xf32>
    %max3A_58 = arith.constant 1.000000e+00 : f32
    %max3A_59 = vector.broadcast %max3A_58 : f32 to vector<1024x1xf32>
    %max3A_60 = arith.maximumf %add3A_57, %max3A_59 : vector<1024x1xf32>
    %rsqrt3A_61 = math.rsqrt %max3A_60 : vector<1024x1xf32>
    %mul3A_62 = vector.broadcast %rsqrt3A_61 : vector<1024x1xf32> to vector<1024x64xf32>
    %mul3A_63 = arith.mulf %dot_general3A_46, %mul3A_62 : vector<1024x64xf32>
    %swap3A = arith.constant 0 : index
    %swap3A_64 = arith.constant 0 : index
    %swap3A_65 = vector.load %arg7[%swap3A, %swap3A_64] : memref<1024x64xf32, #tpu.memory_space<vmem>>, vector<1024x64xf32>
    tpu.vector_store %arg7[%swap3A, %swap3A_64], %mul3A_63 {strides = array<i32>} : memref<1024x64xf32, #tpu.memory_space<vmem>>, vector<1024x64xf32>,
    return
  }
  func.func @transform_0(%arg0: i32) -> (i32, i32, i32) {
    %c0_i32 = arith.constant 0 : i32
    %c0_i32_0 = arith.constant 0 : i32
    %c0_i32_1 = arith.constant 0 : i32
    return %c0_i32, %arg0, %c0_i32_0 : i32, i32, i32
  }
  func.func @transform_1(%arg0: i32) -> (i32, i32, i32) {
    %c0_i32 = arith.constant 0 : i32
    %c0_i32_0 = arith.constant 0 : i32
    %c0_i32_1 = arith.constant 0 : i32
    return %c0_i32, %arg0, %c0_i32_0 : i32, i32, i32
  }
  func.func @transform_2(%arg0: i32) -> (i32, i32, i32) {
    %c0_i32 = arith.constant 0 : i32
    %c0_i32_0 = arith.constant 0 : i32
    %c0_i32_1 = arith.constant 0 : i32
    return %c0_i32, %arg0, %c0_i32_0 : i32, i32, i32
  }
  func.func @transform_3(%arg0: i32) -> (i32, i32) {
    %c0_i32 = arith.constant 0 : i32
    %c0_i32_0 = arith.constant 0 : i32
    %c0_i32_1 = arith.constant 0 : i32
    return %c0_i32, %c0_i32_0 : i32, i32
  }
  func.func @transform_4(%arg0: i32) -> (i32, i32) {
    %c0_i32 = arith.constant 0 : i32
    %c0_i32_0 = arith.constant 0 : i32
    %c0_i32_1 = arith.constant 0 : i32
    return %c0_i32, %c0_i32_0 : i32, i32
  }
  func.func @transform_5(%arg0: i32) -> (i32, i32) {
    %c0_i32 = arith.constant 0 : i32
    %c0_i32_0 = arith.constant 0 : i32
    %c0_i32_1 = arith.constant 0 : i32
    return %c0_i32, %c0_i32_0 : i32, i32
  }
  func.func @transform_6(%arg0: i32) -> (i32, i32) {
    %c0_i32 = arith.constant 0 : i32
    %c0_i32_0 = arith.constant 0 : i32
    return %arg0, %c0_i32 : i32, i32
  }
}

module attributes {stable_mosaic.version = 14 : i64} {
  func.func @_tc_fin_body(%arg0: i32, %arg1: memref<2x2000x64xf32, #tpu.memory_space<vmem>>, %arg2: memref<2x2000x16xf32, #tpu.memory_space<vmem>>, %arg3: memref<1x64xf32, #tpu.memory_space<vmem>>, %arg4: memref<2000x64xf32, #tpu.memory_space<vmem>>) attributes {dimension_semantics = [#tpu.dimension_semantics<arbitrary>], iteration_bounds = array<i64: 5>, scalar_prefetch = 0 : i64, scratch_operands = 0 : i64, tpu.core_type = #tpu.core_type<tc>, window_params = [{transform_indices = @transform_0, window_bounds = array<i64: 2, 2000, 64>}, {transform_indices = @transform_1, window_bounds = array<i64: 2, 2000, 16>}, {pipeline_mode = #tpu.pipeline_mode<synchronous>, transform_indices = @transform_2, window_bounds = array<i64: 1, 64>}, {transform_indices = @transform_3, window_bounds = array<i64: 2000, 64>}]} {
    %get3A = arith.constant 0 : index
    %get3A_0 = arith.constant 0 : index
    %get3A_1 = arith.constant 0 : index
    %get3A_2 = vector.load %arg1[%get3A, %get3A_0, %get3A_1] : memref<2x2000x64xf32, #tpu.memory_space<vmem>>, vector<1x2000x64xf32>
    %get3A_3 = vector.shape_cast %get3A_2 : vector<1x2000x64xf32> to vector<2000x64xf32>
    %get3A_4 = arith.constant 1 : index
    %get3A_5 = arith.constant 0 : index
    %get3A_6 = arith.constant 0 : index
    %get3A_7 = vector.load %arg1[%get3A_4, %get3A_5, %get3A_6] : memref<2x2000x64xf32, #tpu.memory_space<vmem>>, vector<1x2000x64xf32>
    %get3A_8 = vector.shape_cast %get3A_7 : vector<1x2000x64xf32> to vector<2000x64xf32>
    %add3A = arith.addf %get3A_3, %get3A_8 : vector<2000x64xf32>
    %get3A_9 = arith.constant 0 : index
    %get3A_10 = arith.constant 0 : index
    %get3A_11 = arith.constant 0 : index
    %get3A_12 = vector.load %arg2[%get3A_9, %get3A_10, %get3A_11] : memref<2x2000x16xf32, #tpu.memory_space<vmem>>, vector<1x2000x1xf32>
    %get3A_13 = vector.shape_cast %get3A_12 : vector<1x2000x1xf32> to vector<2000x1xf32>
    %get3A_14 = arith.constant 1 : index
    %get3A_15 = arith.constant 0 : index
    %get3A_16 = arith.constant 0 : index
    %get3A_17 = vector.load %arg2[%get3A_14, %get3A_15, %get3A_16] : memref<2x2000x16xf32, #tpu.memory_space<vmem>>, vector<1x2000x1xf32>
    %get3A_18 = vector.shape_cast %get3A_17 : vector<1x2000x1xf32> to vector<2000x1xf32>
    %add3A_19 = arith.addf %get3A_13, %get3A_18 : vector<2000x1xf32>
    %max3A = arith.constant 1.000000e+00 : f32
    %max3A_20 = vector.broadcast %max3A : f32 to vector<2000x1xf32>
    %max3A_21 = arith.maximumf %add3A_19, %max3A_20 : vector<2000x1xf32>
    %rsqrt3A = math.rsqrt %max3A_21 : vector<2000x1xf32>
    %mul3A = vector.broadcast %rsqrt3A : vector<2000x1xf32> to vector<2000x64xf32>
    %mul3A_22 = arith.mulf %add3A, %mul3A : vector<2000x64xf32>
    %get3A_23 = arith.constant 0 : index
    %get3A_24 = arith.constant 0 : index
    %get3A_25 = vector.load %arg3[%get3A_23, %get3A_24] : memref<1x64xf32, #tpu.memory_space<vmem>>, vector<1x64xf32>
    %add3A_26 = vector.broadcast %get3A_25 : vector<1x64xf32> to vector<2000x64xf32>
    %add3A_27 = arith.addf %mul3A_22, %add3A_26 : vector<2000x64xf32>
    %swap3A = arith.constant 0 : index
    %swap3A_28 = arith.constant 0 : index
    %swap3A_29 = vector.load %arg4[%swap3A, %swap3A_28] : memref<2000x64xf32, #tpu.memory_space<vmem>>, vector<2000x64xf32>
    tpu.vector_store %arg4[%swap3A, %swap3A_28], %add3A_27 {strides = array<i32>} : memref<2000x64xf32, #tpu.memory_space<vmem>>, vector<2000x64xf32>,
    return
  }
  func.func @transform_0(%arg0: i32) -> (i32, i32, i32) {
    %c0_i32 = arith.constant 0 : i32
    %c0_i32_0 = arith.constant 0 : i32
    %c0_i32_1 = arith.constant 0 : i32
    return %c0_i32, %arg0, %c0_i32_0 : i32, i32, i32
  }
  func.func @transform_1(%arg0: i32) -> (i32, i32, i32) {
    %c0_i32 = arith.constant 0 : i32
    %c0_i32_0 = arith.constant 0 : i32
    %c0_i32_1 = arith.constant 0 : i32
    return %c0_i32, %arg0, %c0_i32_0 : i32, i32, i32
  }
  func.func @transform_2(%arg0: i32) -> (i32, i32) {
    %c0_i32 = arith.constant 0 : i32
    %c0_i32_0 = arith.constant 0 : i32
    %c0_i32_1 = arith.constant 0 : i32
    return %c0_i32, %c0_i32_0 : i32, i32
  }
  func.func @transform_3(%arg0: i32) -> (i32, i32) {
    %c0_i32 = arith.constant 0 : i32
    %c0_i32_0 = arith.constant 0 : i32
    return %arg0, %c0_i32 : i32, i32
  }
}

</mosaic_0001>

<sc_bundles>
// kernel: kernel.10.cloned.1.call-start
scs
__scs_entry_jumppad:
0x0: {  	(pc) =	sbr.rel $0x88, $3  }
0x1: {  	(tag) =	ssettag $0x0;
	lr =	simm.s32 $0x1  }
0x2: {  	[smem:$0x3F99] =	sst lr;
	_ =	strace $0xD0000000  }
0x3: {  	_ = 	snop  }
0x4: {  	_ = 	snop  }
0x5: {  	_ = 	snop  }
0x6: {  	_ = 	snop  }
0x7: {  	_ = 	snop  }
__scs_overlays_trampoline_lowered:
0x8: {  	[smem:$0x3FA8] =	sst s0  }
0x9: {  	[smem:$0x3FA9] =	sst s1  }
0xa: {  	[smem:$0x3FAA] =	sst s2  }
0xb: {  	[smem:$0x3FAB] =	sst s3  }
0xc: {  	[smem:$0x3FAC] =	sst s4  }
0xd: {  	[smem:$0x3FAD] =	sst s5  }
0xe: {  	[smem:$0x3FAE] =	sst s6  }
0xf: {  	[smem:$0x3FAF] =	sst s7  }
0x10: {  	[smem:$0x3FB0] =	sst s8  }
0x11: {  	[smem:$0x3FB1] =	sst s9;
	s0 =	simm.s32 @!p0 $0x0  }
0x12: {  	s1 =	sld [smem:$0x3F97];
	s0 =	simm.s32 @p0 $0x1  }
0x13: {  	[smem:$0x3FB2] =	sst s0;
	s0 =	simm.s32 @!p1 $0x0  }
0x14: {  	s2 =	sld [smem:$0x3F96];
	s0 =	simm.s32 @p1 $0x1  }
0x15: {  	[smem:$0x3FB3] =	sst s0;
	s0 =	simm.s32 @!p2 $0x0  }
0x16: {  	s3 =	sld [smem:$0x3FDB];
	s0 =	simm.s32 @p2 $0x1  }
0x17: {  	s4 =	simm.s32 $0x1BF5;
	[smem:$0x3FB5] =	sst s0  }
0x18: {  	s0 =	sld [smem:$0x3F98];
	_ =	swait.ge [sflag:s4], $0x0  }
0x19: {  	s7 =	sld [smem:$0x3F99]  }
0x1a: {  	s8 =	sadd.s32 $0xFFFFE003, lr  }
0x1b: {  	s9 =	sadd.s32 $0xFFFFFEF7, lr;
	s5 =	simm.s32 $0xFFFFFFFF;
	p2 =	slt.u32 s8, $0xFFFFF086  }
0x1c: {  	p1 =	slt.u32 s9, $0xF7A;
	s5 =	simm.s32 @!p2 $0x0  }
0x1d: {  	s5 =	simm.s32 @p1 $0x1;
	p0 =	seq.s32 s7, s2  }
0x1e: {  	s7 =	smul.u32 @!p0 $0xF7A, s2;
	p2 =	seq.s32 @!p0 s5, $0x0  }
0x1f: {  	s9 =	smul.u32 $0xF7A, s1;
	s8 =	simm.s32 @!p0 $0x1BF5;
	p2 =	por !p2, p0  }
0x20: {  	[sflag:s8] =	ssyncset.s32 @!p0 $0xFFFFF086;
	s6 =	sadd.s32 @!p0 s3, s7;
	s7 =	simm.s32 @!p0 $0x108  }
0x21: {  	s3 =	sadd.s32 s3, s9;
	s6 =	sadd.s32 @!p0 $0x88, s6;
	s7 =	simm.s32 @p2 $0x1082  }
0x22: {  	[simem:s7], [sflag:s8] =	dma.local @!p0 [hbm:s6], $0xF7A  }
0x23: {  	s9 =	sor.u32 $0xD0000000, s2;
	s6 =	simm.s32 $0x108;
	_ =	swait.ge @!p0 [sflag:s8], $0x0  }
0x24: {  	s3 =	sadd.s32 $0x88, s3;
	s6 =	simm.s32 @!p1 $0x1082;
	[sflag:s4] =	ssyncset.s32 $0xFFFFF086  }
0x25: {  	[simem:s6], [sflag:s4] =	dma.local [hbm:s3], $0xF7A  }
0x26: {  	[smem:$0x3F99] =	sst s1;
	(tag) =	ssettag s2;
	_ =	strace s9  }
0x27: {  	s1 =	sld [smem:$0x3FA9]  }
0x28: {  	s2 =	sld [smem:$0x3FAA]  }
0x29: {  	s4 =	sld [smem:$0x3FAC]  }
0x2a: {  	p0 =	seq.s32 s5, $0x0;
	s5 =	sld [smem:$0x3FAD]  }
0x2b: {  	s6 =	sld [smem:$0x3FAE]  }
0x2c: {  	s7 =	sld [smem:$0x3FAF]  }
0x2d: {  	s3 =	simm.s32 $0x108;
	s8 =	sld [smem:$0x3FB0]  }
0x2e: {  	s3 =	simm.s32 @!p0 $0x1082;
	s9 =	sld [smem:$0x3FB1]  }
0x2f: {  	lr =	sadd.s32 s0, s3;
	s0 =	sld [smem:$0x3FA8]  }
0x30: {  	s3 =	sld [smem:$0x3FAB]  }
0x31: {  	[smem:$0x3FB4] =	sst s10  }
0x32: {  	s10 =	sld [smem:$0x3FB2];
	_ =	sdelay $0x3  }
0x33: {  	p0 =	seq.s32 s10, $0x1;
	s10 =	sld [smem:$0x3FB4];
	_ =	sdelay $0x3  }
0x34: {  	[smem:$0x3FB4] =	sst s10  }
0x35: {  	s10 =	sld [smem:$0x3FB3];
	_ =	sdelay $0x3  }
0x36: {  	p1 =	seq.s32 s10, $0x1;
	s10 =	sld [smem:$0x3FB4];
	_ =	sdelay $0x3  }
0x37: {  	[smem:$0x3FB4] =	sst s10  }
0x38: {  	s10 =	sld [smem:$0x3FB5]  }
0x39: {  	_ = 	snop;
	(pc) =	sbr.ind lr, $3  }
0x3a: {  	_ = 	snop  }
0x3b: {  	_ = 	snop  }
0x3c: {  	p2 =	seq.s32 s10, $0x1;
	s10 =	sld [smem:$0x3FB4]  }
0x3d: {  	_ =	shalt  }
0x3e: {  	_ =	shalt  }
0x3f: {  	_ =	shalt  }
0x40: {  	_ =	shalt  }
0x41: {  	_ =	shalt  }
0x42: {  	_ =	shalt  }
0x43: {  	_ =	shalt  }
0x44: {  	_ =	shalt  }
0x45: {  	_ =	shalt  }
0x46: {  	_ =	shalt  }
0x47: {  	_ =	shalt  }
0x48: {  	_ =	shalt  }
0x49: {  	_ =	shalt  }
0x4a: {  	_ =	shalt  }
0x4b: {  	_ =	shalt  }
0x4c: {  	_ =	shalt  }
0x4d: {  	_ =	shalt  }
0x4e: {  	_ =	shalt  }
0x4f: {  	_ =	shalt  }
0x50: {  	_ =	shalt  }
0x51: {  	_ =	shalt  }
0x52: {  	_ =	shalt  }
0x53: {  	_ =	shalt  }
0x54: {  	_ =	shalt  }
0x55: {  	_ =	shalt  }
0x56: {  	_ =	shalt  }
0x57: {  	_ =	shalt  }
0x58: {  	_ =	shalt  }
0x59: {  	_ =	shalt  }
0x5a: {  	_ =	shalt  }
0x5b: {  	_ =	shalt  }
0x5c: {  	_ =	shalt  }
0x5d: {  	_ =	shalt  }
0x5e: {  	_ =	shalt  }
0x5f: {  	_ =	shalt  }
0x60: {  	_ =	shalt  }
0x61: {  	_ =	shalt  }
0x62: {  	_ =	shalt  }
0x63: {  	_ =	shalt  }
0x64: {  	_ =	shalt  }
0x65: {  	_ =	shalt  }
0x66: {  	_ =	shalt  }
0x67: {  	_ =	shalt  }
0x68: {  	_ =	shalt  }
0x69: {  	_ =	shalt  }
0x6a: {  	_ =	shalt  }
0x6b: {  	_ =	shalt  }
0x6c: {  	_ =	shalt  }
0x6d: {  	_ =	shalt  }
0x6e: {  	_ =	shalt  }
0x6f: {  	_ =	shalt  }
0x70: {  	_ =	shalt  }
0x71: {  	_ =	shalt  }
0x72: {  	_ =	shalt  }
0x73: {  	_ =	shalt  }
0x74: {  	_ =	shalt  }
0x75: {  	_ =	shalt  }
0x76: {  	_ =	shalt  }
0x77: {  	_ =	shalt  }
0x78: {  	_ =	shalt  }
0x79: {  	_ =	shalt  }
0x7a: {  	_ =	shalt  }
0x7b: {  	_ =	shalt  }
0x7c: {  	_ =	shalt  }
0x7d: {  	_ =	shalt  }
0x7e: {  	_ =	shalt  }
0x7f: {  	_ =	shalt  }
0x80: {  	_ =	shalt  }
0x81: {  	_ =	shalt  }
0x82: {  	_ =	shalt  }
0x83: {  	_ =	shalt  }
0x84: {  	_ =	shalt  }
0x85: {  	_ =	shalt  }
0x86: {  	_ =	shalt  }
0x87: {  	_ =	shalt  }
.Lfunc_end0:
.L_simem_size_0:
called_computation_lowered:
.L_overlay_start_0:
0x88: {  	s2 =	sld [smem:$0x3FD9]  }
0x89: {  	s3 =	sld [smem:$0x3FFE];
	_ =	sdelay $0x1  }
0x8a: {  	s1 =	srdreg.scid  }
0x8b: {  	s0 =	sand.u32 $0x1, s1  }
0x8c: {  	s17 =	sshll.u32 s0, $0xA;
	s2 =	sadd.s32 s3, s2  }
0x8d: {  	s2 =	sadd.s32 s2, s17  }
0x8e: {  	[smem:$0x3FC0] =	sst s2  }
0x8f: {  	_ = 	snop  }
0x90: {  	s2 =	sld [smem:$0x3FD0];
	(tm) =	ssettm $0x1  }
0x91: {  	s18 =	sld [smem:$0x3FFB];
	_ =	sdelay $0x3  }
0x92: {  	_ =	strace s18  }
0x93: {  	s3 =	sld [smem:$0x3FFC];
	_ =	sdelay $0x3  }
0x94: {  	_ =	strace s3  }
0x95: {  	s3 =	sld [smem:$0x3FFD];
	_ =	sdelay $0x3  }
0x96: {  	_ =	strace s3  }
0x97: {  	_ =	strace $0x8FFFFFFF  }
0x98: {  	s19 =	sld [smem:$0x3FDB];
	_ =	sdelay $0x1  }
0x99: {  	s4 =	simm.s32 $_scs_section_size  }
0x9a: {  	s5 =	simm.s32 $_size__tile_overlayer_lowered;
	s6 =	simm.s32 $_tile_overlayer_lowered  }
0x9b: {  	s22 =	simm.s32 $0x1BFF;
	s21 =	sshll.u32 s6, $0x1;
	s3 =	sadd.s32 s4, s19  }
0x9c: {  	s7 =	simm.s32 $0x0;
	s20 =	sshll.u32 s5, $0x1;
	s5 =	sadd.s32 s21, s3  }
0x9d: {  	[timem:s7], [sflag:s22] =	dma.local [hbm:s5], s20  }
0x9e: {  	_ =	swait.ge [sflag:s22], s20  }
0x9f: {  	s4 =	ssub.s32 $0x0, s20;
	[sflag:s22] =	ssyncset.done $0x0  }
0xa0: {  	[sflag:s22] =	ssyncadd.s32 s4;
	_ =	sdelay $0x1  }
0xa1: {  	s23 =	simm.s32 $0x1B8B  }
0xa2: {  	_ =	swait.ge [sflag:s23], $0x1  }
0xa3: {  	[sflag:s23] =	ssyncset.done $0x0  }
0xa4: {  	s25 =	simm.s32 $0x1B8E;
	s24 =	sld [smem:$0x3FFE];
	[sflag:s23] =	ssyncadd.s32 $0xFFFFFFFF  }
0xa5: {  	s26 =	simm.s32 $execute0_lowered;
	[smem:$0x3FD2] =	sst s25  }
0xa6: {  	s5 =	sshll.u32 s26, $0x1;
	_ =	strace $0x80000046;
	[dreg:$0x1] =	wrdreg $0xFFFFFFFF  }
0xa7: {  	s28 =	simm.s32 $_size_execute0_lowered;
	s3 =	sadd.s32 s3, s5;
	[dreg:$0x0] =	wrdreg $0x0  }
0xa8: {  	s5 =	sshll.u32 s28, $0x1;
	[dreg:$0x2] =	wrdreg s3  }
0xa9: {  	[dreg:$0x3] =	wrdreg s5  }
0xaa: {  	[dreg:$0x4] =	wrdreg $0xC0  }
0xab: {  	_ =	task [dreg:s7], $0x5FFFF  }
0xac: {  	[dreg:$0x1] =	wrdreg $0xFFFFFFFF  }
0xad: {  	[dreg:$0x0] =	wrdreg $0x60  }
0xae: {  	[dreg:$0x2] =	wrdreg s24  }
0xaf: {  	[dreg:$0x3] =	wrdreg s2  }
0xb0: {  	[dreg:$0x4] =	wrdreg $0x57000  }
0xb1: {  	[dreg:$0x5] =	wrdreg $0x7F000  }
0xb2: {  	[dreg:$0x6] =	wrdreg $0x9  }
0xb3: {  	_ =	task.clear_ibuf [dreg:s7], $0x7FFFF;
	_ =	strace $0x90000046  }
0xb4: {  	s29 =	simm.s32 $0x9;
	_ =	strace $0x80000048  }
0xb5: {  	_ =	swait.ge [sflag:s29], $0x1  }
0xb6: {  	[sflag:s29] =	ssyncadd.s32 $0xFFFFFFFF  }
0xb7: {  	_ =	strace $0x90000048  }
0xb8: {  	_ =	sfence  }
0xb9: {  	s30 =	sld [smem:$0x0];
	_ =	sdelay $0x2  }
0xba: {  	s31 =	sshll.u32 s1, $0xD;
	s1 =	sshrl.u32 s1, $0x2  }
0xbb: {  	s3 =	sand.u32 $0x4000, s31;
	s1 =	sadd.s32 s1, s30  }
0xbc: {  	s0 =	sor.u32 s3, s0;
	s1 =	sshll.u32 s1, $0x11  }
0xbd: {  	s0 =	sor.u32 s1, s0  }
0xbe: {  	s0 =	sadd.s32 $0x8F2B, s0  }
0xbf: {  	[sflag:s0] =	ssyncadd.remote.s32 $0x1  }
0xc0: {  	_ =	sfence.sel $0xFFFF  }
0xc1: {  	[dreg:$0x0] =	wrdreg $0xFFFFFFFF;
	(pc) =	sbr.abs _section_cstart, $3  }
0xc2: {  	[dreg:$0x1] =	wrdreg $0xFFFFFFFF  }
0xc3: {  	_ =	task.clear_ibuf [dreg:s7], $0x2FFFF;
	_ =	strace $0x9FFFFFFF  }
0xc4: {  	(tm) =	ssettm $0x7FFFFFFF  }
0xc5: {  	_ =	shalt  }
tec
execute0_lowered:
.L_overlay_start_1:
0x0: {  	(tag) =	ssettag $0x1  }
0x1: {  	s5 =	rddreg [dreg:$0x0]  }
0x2: {  	s17 =	rddreg [dreg:$0x1]  }
0x3: {  	s1 =	srdreg.scid;
	s2 =	rddreg [dreg:$0x2]  }
0x4: {  	s0 =	stileid.u32;
	s3 =	rddreg [dreg:$0x3];
	s4 =	simm.s32 $0x0  }
0x5: {  	s21 =	simm.s32 $0x3;
	s22 =	simm.s32 $0x2780;
	s23 =	simm.s32 $0x80  }
0x6: {  	s24 =	simm.s32 $0x1;
	s25 =	simm.s32 $0x2;
	s26 =	simm.s32 $0x0  }
0x7: {  	s6 =	sand.u32 $0x1, s1;
	s12 =	smul.u32 $0x2800, s0;
	s1 =	rddreg [dreg:$0x4]  }
0x8: {  	s7 =	sshll.u32 s0, $0x1;
	[smem:$0x7FF] =	sst s4;
	s8 =	smul.u32 $0x28000, s6  }
0x9: {  	s7 =	sor.u32 s6, s7;
	_ =	strace $0x80000047;
	s6 =	ssub.s32 $0x2, s6  }
0xa: {  	s7 =	smul.u32 $0x4F0, s7;
	s30 =	sshrl.u32 s6, $0x1;
	s31 =	sadd.s32 $0x800, s12  }
0xb: {  	s10 =	sadd.s32 $0x1000, s12;
	s13 =	sadd.s32 $0x1800, s12;
	s14 =	sadd.s32 $0x2000, s12  }
0xc: {  	s8 =	sadd.s32 s12, s8;
	s20 =	ssub.s32 s6, s30;
	s6 =	sadd.s32 s12, s3  }
0xd: {  	s9 =	sadd.s32 s10, s2;
	s10 =	sadd.s32 s10, s3;
	s11 =	sadd.s32 s13, s2  }
0xe: {  	s18 =	sshrl.u32 s8, $0x3;
	s16 =	sadd.s32 s7, s5;
	s7 =	sadd.s32 s31, s2  }
0xf: {  	s8 =	sadd.s32 s31, s3;
	s19 =	sadd.s32 s18, s5;
	s5 =	sadd.s32 s12, s2  }
0x10: {  	s12 =	sadd.s32 s13, s3;
	s13 =	sadd.s32 s14, s2;
	s14 =	sadd.s32 s14, s3  }
0x11: {  	s15 =	sadd.s32 $0xC200, s16;
	s16 =	sadd.s32 $0x2400, s16;
	s17 =	sadd.s32 s17, s18  }
0x12: {  	v0 =	vimm.f32 $0.0e+00;
	v1 =	vimm.f32 $1.000000000e+00;
	s18 =	sadd.s32 $0x16000, s19;
	s19 =	smax.u32 s20, $0x1;
	s20 =	simm.s32 $0x4F00  }
.LBB2_1:
0x13: {  	s28 =	simm.s32 $0x40;
	s29 =	simm.s32 $0x0  }
.LBB2_2:
0x14: {  	p0 =	sne.s32 s28, $0x1FC0;
	[tilespmem:s29+$0x4F00] =	vst v0;
	s29 =	smov.u32 s28;
	s28 =	sadd.s32 $0x40, s28  }
.Ltmp0:
0x15: {  	(pc) =	sbr.rel @p0 .LBB2_2-.Ltmp0, $2  }
0x16: {  	_ =	sdelay $0x2  }
0x17: {  	s29 =	sshra.s32 s29, $0x2  }
0x18: {  	[tilespmem:s29+$0x4F00] =	vst v0  }
0x19: {  	[spmem:s5] =	stream.linear.scatter [tilespmem:s20], [sflag:$0x3], $0x800, $0x38;
	[tilespmem:$0xA700] =	vst v63  }
0x1a: {  	_ =	swait.ge [sflag:s21], $0x800  }
0x1b: {  	[sflag:s21] =	ssyncset.done $0x0  }
0x1c: {  	[sflag:s21] =	ssyncadd.s32 $0xFFFFF800  }
0x1d: {  	[spmem:s6] =	stream.linear.scatter [tilespmem:s20], [sflag:$0x3], $0x800, $0x38;
	[tilespmem:$0xA700] =	vst v63  }
0x1e: {  	_ =	swait.ge [sflag:s21], $0x800  }
0x1f: {  	[sflag:s21] =	ssyncset.done $0x0  }
0x20: {  	[sflag:s21] =	ssyncadd.s32 $0xFFFFF800  }
0x21: {  	[spmem:s7] =	stream.linear.scatter [tilespmem:s20], [sflag:$0x3], $0x800, $0x38;
	[tilespmem:$0xA700] =	vst v63  }
0x22: {  	_ =	swait.ge [sflag:s21], $0x800  }
0x23: {  	[sflag:s21] =	ssyncset.done $0x0  }
0x24: {  	[sflag:s21] =	ssyncadd.s32 $0xFFFFF800  }
0x25: {  	[spmem:s8] =	stream.linear.scatter [tilespmem:s20], [sflag:$0x3], $0x800, $0x38;
	[tilespmem:$0xA700] =	vst v63  }
0x26: {  	_ =	swait.ge [sflag:s21], $0x800  }
0x27: {  	[sflag:s21] =	ssyncset.done $0x0  }
0x28: {  	[sflag:s21] =	ssyncadd.s32 $0xFFFFF800  }
0x29: {  	[spmem:s9] =	stream.linear.scatter [tilespmem:s20], [sflag:$0x3], $0x800, $0x38;
	[tilespmem:$0xA700] =	vst v63  }
0x2a: {  	_ =	swait.ge [sflag:s21], $0x800  }
0x2b: {  	[sflag:s21] =	ssyncset.done $0x0  }
0x2c: {  	[sflag:s21] =	ssyncadd.s32 $0xFFFFF800  }
0x2d: {  	[spmem:s10] =	stream.linear.scatter [tilespmem:s20], [sflag:$0x3], $0x800, $0x38;
	[tilespmem:$0xA700] =	vst v63  }
0x2e: {  	_ =	swait.ge [sflag:s21], $0x800  }
0x2f: {  	[sflag:s21] =	ssyncset.done $0x0  }
0x30: {  	[sflag:s21] =	ssyncadd.s32 $0xFFFFF800  }
0x31: {  	[spmem:s11] =	stream.linear.scatter [tilespmem:s20], [sflag:$0x3], $0x800, $0x38;
	[tilespmem:$0xA700] =	vst v63  }
0x32: {  	_ =	swait.ge [sflag:s21], $0x800  }
0x33: {  	[sflag:s21] =	ssyncset.done $0x0  }
0x34: {  	[sflag:s21] =	ssyncadd.s32 $0xFFFFF800  }
0x35: {  	[spmem:s12] =	stream.linear.scatter [tilespmem:s20], [sflag:$0x3], $0x800, $0x38;
	[tilespmem:$0xA700] =	vst v63  }
0x36: {  	_ =	swait.ge [sflag:s21], $0x800  }
0x37: {  	[sflag:s21] =	ssyncset.done $0x0  }
0x38: {  	[sflag:s21] =	ssyncadd.s32 $0xFFFFF800  }
0x39: {  	[spmem:s13] =	stream.linear.scatter [tilespmem:s20], [sflag:$0x3], $0x800, $0x38;
	[tilespmem:$0xA700] =	vst v63  }
0x3a: {  	_ =	swait.ge [sflag:s21], $0x800  }
0x3b: {  	[sflag:s21] =	ssyncset.done $0x0  }
0x3c: {  	[sflag:s21] =	ssyncadd.s32 $0xFFFFF800  }
0x3d: {  	[spmem:s14] =	stream.linear.scatter [tilespmem:s20], [sflag:$0x3], $0x800, $0x38;
	[tilespmem:$0xA700] =	vst v63  }
0x3e: {  	_ =	swait.ge [sflag:s21], $0x800  }
0x3f: {  	[sflag:s21] =	ssyncset.done $0x0  }
0x40: {  	s28 =	simm.s32 $0x40;
	s29 =	simm.s32 $0x0;
	[sflag:s21] =	ssyncadd.s32 $0xFFFFF800  }
.LBB2_4:
0x41: {  	p0 =	sne.s32 s28, $0x1FC0;
	[tilespmem:s29+$0x4F00] =	vst v1;
	s29 =	smov.u32 s28;
	s28 =	sadd.s32 $0x40, s28  }
.Ltmp1:
0x42: {  	(pc) =	sbr.rel @p0 .LBB2_4-.Ltmp1, $2  }
0x43: {  	_ =	sdelay $0x2  }
0x44: {  	s29 =	sshra.s32 s29, $0x2  }
0x45: {  	[tilespmem:s29+$0x4F00] =	vst v1  }
0x46: {  	[bflag:$0x0] =	sbarrier.arrive $0xFFFF  }
0x47: {  	[tilespmem:s4], [sflag:$0x3] =	stream.linear.gather [hbm4b:s15+s4], $0x2780, $0x38;
	[tilespmem:$0xA700] =	vst v63  }
0x48: {  	_ =	swait.ge [sflag:s21], $0x2780  }
0x49: {  	[sflag:s21] =	ssyncset.done $0x0  }
0x4a: {  	[sflag:s21] =	ssyncadd.s32 $0xFFFFD880  }
0x4b: {  	[tilespmem:s22], [sflag:$0x3] =	stream.linear.gather [hbm4b:s16+s4], $0x2780, $0x38;
	[tilespmem:$0xA700] =	vst v63  }
0x4c: {  	_ =	swait.ge [sflag:s21], $0x2780  }
0x4d: {  	[sflag:s21] =	ssyncset.done $0x0  }
0x4e: {  	[sflag:s21] =	ssyncadd.s32 $0xFFFFD880  }
0x4f: {  	[spmem:s2] =	stream.indirect.scatter.add.f32 [tilespmem:s20], [sflag:$0x1], $0x10, s4, s23, $0xb8;
	[tilespmem:$0xA700] =	vst v63  }
0x50: {  	_ = 	snop  }
0x51: {  	[spmem:s3] =	stream.indirect.scatter.add.f32 [tilespmem:s20], [sflag:$0x2], $0x10, s22, s23, $0xb8;
	[tilespmem:$0xA700] =	vst v63  }
0x52: {  	_ =	swait.ge [sflag:s24], $0x800  }
0x53: {  	[sflag:s24] =	ssyncset.done $0x0  }
0x54: {  	[sflag:s24] =	ssyncadd.s32 $0xFFFFF800  }
0x55: {  	_ =	swait.ge [sflag:s25], $0x800  }
0x56: {  	[sflag:s25] =	ssyncset.done $0x0  }
0x57: {  	s28 =	simm.s32 $0x80;
	[sflag:s25] =	ssyncadd.s32 $0xFFFFF800  }
0x58: {  	[spmem:s2] =	stream.indirect.scatter.add.f32 [tilespmem:s20], [sflag:$0x1], $0x10, s28, s23, $0xb8;
	[tilespmem:$0xA700] =	vst v63  }
0x59: {  	s29 =	simm.s32 $0x2800;
	s28 =	simm.s32 $0x400  }
.LBB2_6:
0x5a: {  	[spmem:s3] =	stream.indirect.scatter.add.f32 [tilespmem:s20], [sflag:$0x2], $0x10, s29, s23, $0xb8;
	[tilespmem:$0xA700] =	vst v63  }
0x5b: {  	s29 =	smov.u32 s28  }
0x5c: {  	p0 =	sne.s32 s28, $0x9C00;
	s28 =	sadd.s32 $0x200, s28;
	_ =	swait.ge [sflag:s24], $0x800  }
0x5d: {  	[sflag:s24] =	ssyncset.done $0x0  }
0x5e: {  	[sflag:s24] =	ssyncadd.s32 $0xFFFFF800  }
.Ltmp2:
0x5f: {  	_ =	swait.ge [sflag:s25], $0x800;
	(pc) =	sbr.rel @p0 .LBB2_6-.Ltmp2, $4  }
0x60: {  	[sflag:s25] =	ssyncset.done $0x0  }
0x61: {  	s29 =	sshra.s32 s29, $0x2;
	[sflag:s25] =	ssyncadd.s32 $0xFFFFF800  }
0x62: {  	[spmem:s2] =	stream.indirect.scatter.add.f32 [tilespmem:s20], [sflag:$0x1], $0x10, s29, s23, $0xb8;
	[tilespmem:$0xA700] =	vst v63  }
0x63: {  	s29 =	sadd.s32 $0x2780, s29  }
0x64: {  	[spmem:s3] =	stream.indirect.scatter.add.f32 [tilespmem:s20], [sflag:$0x2], $0x10, s29, s23, $0xb8;
	[tilespmem:$0xA700] =	vst v63  }
0x65: {  	_ =	swait.ge [sflag:s24], $0x800  }
0x66: {  	[sflag:s24] =	ssyncset.done $0x0  }
0x67: {  	[sflag:s24] =	ssyncadd.s32 $0xFFFFF800  }
0x68: {  	_ =	swait.ge [sflag:s25], $0x800  }
0x69: {  	[sflag:s25] =	ssyncset.done $0x0  }
0x6a: {  	s28 =	sshll.u32 s0, $0x6;
	[sflag:s25] =	ssyncadd.s32 $0xFFFFF800  }
0x6b: {  	s30 =	sshrl.u32 s5, $0x3;
	s28 =	sor.u32 $0x1C03, s28;
	[bflag:$0x0] =	sbarrier.arrive $0xFFFF  }
0x6c: {  	[hbm:s17], [sflag:s28] =	dma.local [spmem:s30], $0x500  }
0x6d: {  	s26 =	sadd.s32 $0x1, s26;
	_ =	swait.ge [sflag:s21], $0x500  }
0x6e: {  	p0 =	sne.s32 s26, s19;
	[sflag:s21] =	ssyncset.done $0x0  }
.Ltmp3:
0x6f: {  	s31 =	sshrl.u32 s6, $0x3;
	[sflag:s21] =	ssyncadd.s32 $0xFFFFFB00;
	(pc) =	sbr.rel @p0 .LBB2_1-.Ltmp3, $4  }
0x70: {  	[hbm:s18], [sflag:s28] =	dma.local [spmem:s31], $0x500  }
0x71: {  	_ =	swait.ge [sflag:s21], $0x500  }
0x72: {  	[sflag:s21] =	ssyncset.done $0x0  }
0x73: {  	[sflag:s21] =	ssyncadd.s32 $0xFFFFFB00  }
0x74: {  	_ =	sfence.sel $0x180000  }
0x75: {  	[bflag:$0x0] =	sbarrier.arrive $0xFFFF  }
0x76: {  	p0 =	sne.s32 s0, $0x0;
	_ =	strace $0x90000047  }
0x77: {  	s0 =	sadd.s32 @!p0 $0x100000, s1;
	[bflag:$0x2] =	sbarrier.arrive $0xFFFF  }
0x78: {  	[sflag:s0] =	ssyncadd.tile.s32 @!p0 $0x1;
	_ =	shalt  }
.Lfunc_end2:
_tile_overlayer_lowered:
.L_overlay_start_2:
0x79: {  	(tag) =	ssettag $0x2  }
0x7a: {  	s0 =	rddreg [dreg:$0x0];
	s2 =	stileid.u32  }
0x7b: {  	s1 =	rddreg [dreg:$0x1];
	p0 =	sne.s32 s2, $0x0  }
0x7c: {  	s3 =	rddreg [dreg:$0x2];
	[bflag:$0x3] =	sbarrier.arrive $0xFFFF;
	s2 =	simm.s32 @!p0 $0x1C03  }
0x7d: {  	[timem:s3], [sflag:s2] =	dma.local @!p0 [hbm:s0], s1  }
0x7e: {  	s0 =	simm.s32 @!p0 $0x3  }
0x7f: {  	_ =	swait.ge @!p0 [sflag:s0], s1  }
0x80: {  	s1 =	ssub.s32 @!p0 $0x0, s1;
	[sflag:s0] =	ssyncset.done @!p0 $0x0  }
0x81: {  	[sflag:s0] =	ssyncadd.s32 @!p0 s1  }
0x82: {  	[bflag:$0x3] =	sbarrier.arrive $0xFFFF  }
0x83: {  	_ =	shalt  }

// kernel: kernel.13.cloned.1.call-start
scs
__scs_entry_jumppad:
0x0: {  	(pc) =	sbr.rel $0x88, $3  }
0x1: {  	(tag) =	ssettag $0x0;
	lr =	simm.s32 $0x1  }
0x2: {  	[smem:$0x3F99] =	sst lr;
	_ =	strace $0xD0000000  }
0x3: {  	_ = 	snop  }
0x4: {  	_ = 	snop  }
0x5: {  	_ = 	snop  }
0x6: {  	_ = 	snop  }
0x7: {  	_ = 	snop  }
__scs_overlays_trampoline_lowered:
0x8: {  	[smem:$0x3FA8] =	sst s0  }
0x9: {  	[smem:$0x3FA9] =	sst s1  }
0xa: {  	[smem:$0x3FAA] =	sst s2  }
0xb: {  	[smem:$0x3FAB] =	sst s3  }
0xc: {  	[smem:$0x3FAC] =	sst s4  }
0xd: {  	[smem:$0x3FAD] =	sst s5  }
0xe: {  	[smem:$0x3FAE] =	sst s6  }
0xf: {  	[smem:$0x3FAF] =	sst s7  }
0x10: {  	[smem:$0x3FB0] =	sst s8  }
0x11: {  	[smem:$0x3FB1] =	sst s9;
	s0 =	simm.s32 @!p0 $0x0  }
0x12: {  	s1 =	sld [smem:$0x3F97];
	s0 =	simm.s32 @p0 $0x1  }
0x13: {  	[smem:$0x3FB2] =	sst s0;
	s0 =	simm.s32 @!p1 $0x0  }
0x14: {  	s2 =	sld [smem:$0x3F96];
	s0 =	simm.s32 @p1 $0x1  }
0x15: {  	[smem:$0x3FB3] =	sst s0;
	s0 =	simm.s32 @!p2 $0x0  }
0x16: {  	s3 =	sld [smem:$0x3FDB];
	s0 =	simm.s32 @p2 $0x1  }
0x17: {  	s4 =	simm.s32 $0x1BF5;
	[smem:$0x3FB5] =	sst s0  }
0x18: {  	s0 =	sld [smem:$0x3F98];
	_ =	swait.ge [sflag:s4], $0x0  }
0x19: {  	s7 =	sld [smem:$0x3F99]  }
0x1a: {  	s8 =	sadd.s32 $0xFFFFE003, lr  }
0x1b: {  	s9 =	sadd.s32 $0xFFFFFEF7, lr;
	s5 =	simm.s32 $0xFFFFFFFF;
	p2 =	slt.u32 s8, $0xFFFFF086  }
0x1c: {  	p1 =	slt.u32 s9, $0xF7A;
	s5 =	simm.s32 @!p2 $0x0  }
0x1d: {  	s5 =	simm.s32 @p1 $0x1;
	p0 =	seq.s32 s7, s2  }
0x1e: {  	s7 =	smul.u32 @!p0 $0xF7A, s2;
	p2 =	seq.s32 @!p0 s5, $0x0  }
0x1f: {  	s9 =	smul.u32 $0xF7A, s1;
	s8 =	simm.s32 @!p0 $0x1BF5;
	p2 =	por !p2, p0  }
0x20: {  	[sflag:s8] =	ssyncset.s32 @!p0 $0xFFFFF086;
	s6 =	sadd.s32 @!p0 s3, s7;
	s7 =	simm.s32 @!p0 $0x108  }
0x21: {  	s3 =	sadd.s32 s3, s9;
	s6 =	sadd.s32 @!p0 $0x88, s6;
	s7 =	simm.s32 @p2 $0x1082  }
0x22: {  	[simem:s7], [sflag:s8] =	dma.local @!p0 [hbm:s6], $0xF7A  }
0x23: {  	s9 =	sor.u32 $0xD0000000, s2;
	s6 =	simm.s32 $0x108;
	_ =	swait.ge @!p0 [sflag:s8], $0x0  }
0x24: {  	s3 =	sadd.s32 $0x88, s3;
	s6 =	simm.s32 @!p1 $0x1082;
	[sflag:s4] =	ssyncset.s32 $0xFFFFF086  }
0x25: {  	[simem:s6], [sflag:s4] =	dma.local [hbm:s3], $0xF7A  }
0x26: {  	[smem:$0x3F99] =	sst s1;
	(tag) =	ssettag s2;
	_ =	strace s9  }
0x27: {  	s1 =	sld [smem:$0x3FA9]  }
0x28: {  	s2 =	sld [smem:$0x3FAA]  }
0x29: {  	s4 =	sld [smem:$0x3FAC]  }
0x2a: {  	p0 =	seq.s32 s5, $0x0;
	s5 =	sld [smem:$0x3FAD]  }
0x2b: {  	s6 =	sld [smem:$0x3FAE]  }
0x2c: {  	s7 =	sld [smem:$0x3FAF]  }
0x2d: {  	s3 =	simm.s32 $0x108;
	s8 =	sld [smem:$0x3FB0]  }
0x2e: {  	s3 =	simm.s32 @!p0 $0x1082;
	s9 =	sld [smem:$0x3FB1]  }
0x2f: {  	lr =	sadd.s32 s0, s3;
	s0 =	sld [smem:$0x3FA8]  }
0x30: {  	s3 =	sld [smem:$0x3FAB]  }
0x31: {  	[smem:$0x3FB4] =	sst s10  }
0x32: {  	s10 =	sld [smem:$0x3FB2];
	_ =	sdelay $0x3  }
0x33: {  	p0 =	seq.s32 s10, $0x1;
	s10 =	sld [smem:$0x3FB4];
	_ =	sdelay $0x3  }
0x34: {  	[smem:$0x3FB4] =	sst s10  }
0x35: {  	s10 =	sld [smem:$0x3FB3];
	_ =	sdelay $0x3  }
0x36: {  	p1 =	seq.s32 s10, $0x1;
	s10 =	sld [smem:$0x3FB4];
	_ =	sdelay $0x3  }
0x37: {  	[smem:$0x3FB4] =	sst s10  }
0x38: {  	s10 =	sld [smem:$0x3FB5]  }
0x39: {  	_ = 	snop;
	(pc) =	sbr.ind lr, $3  }
0x3a: {  	_ = 	snop  }
0x3b: {  	_ = 	snop  }
0x3c: {  	p2 =	seq.s32 s10, $0x1;
	s10 =	sld [smem:$0x3FB4]  }
0x3d: {  	_ =	shalt  }
0x3e: {  	_ =	shalt  }
0x3f: {  	_ =	shalt  }
0x40: {  	_ =	shalt  }
0x41: {  	_ =	shalt  }
0x42: {  	_ =	shalt  }
0x43: {  	_ =	shalt  }
0x44: {  	_ =	shalt  }
0x45: {  	_ =	shalt  }
0x46: {  	_ =	shalt  }
0x47: {  	_ =	shalt  }
0x48: {  	_ =	shalt  }
0x49: {  	_ =	shalt  }
0x4a: {  	_ =	shalt  }
0x4b: {  	_ =	shalt  }
0x4c: {  	_ =	shalt  }
0x4d: {  	_ =	shalt  }
0x4e: {  	_ =	shalt  }
0x4f: {  	_ =	shalt  }
0x50: {  	_ =	shalt  }
0x51: {  	_ =	shalt  }
0x52: {  	_ =	shalt  }
0x53: {  	_ =	shalt  }
0x54: {  	_ =	shalt  }
0x55: {  	_ =	shalt  }
0x56: {  	_ =	shalt  }
0x57: {  	_ =	shalt  }
0x58: {  	_ =	shalt  }
0x59: {  	_ =	shalt  }
0x5a: {  	_ =	shalt  }
0x5b: {  	_ =	shalt  }
0x5c: {  	_ =	shalt  }
0x5d: {  	_ =	shalt  }
0x5e: {  	_ =	shalt  }
0x5f: {  	_ =	shalt  }
0x60: {  	_ =	shalt  }
0x61: {  	_ =	shalt  }
0x62: {  	_ =	shalt  }
0x63: {  	_ =	shalt  }
0x64: {  	_ =	shalt  }
0x65: {  	_ =	shalt  }
0x66: {  	_ =	shalt  }
0x67: {  	_ =	shalt  }
0x68: {  	_ =	shalt  }
0x69: {  	_ =	shalt  }
0x6a: {  	_ =	shalt  }
0x6b: {  	_ =	shalt  }
0x6c: {  	_ =	shalt  }
0x6d: {  	_ =	shalt  }
0x6e: {  	_ =	shalt  }
0x6f: {  	_ =	shalt  }
0x70: {  	_ =	shalt  }
0x71: {  	_ =	shalt  }
0x72: {  	_ =	shalt  }
0x73: {  	_ =	shalt  }
0x74: {  	_ =	shalt  }
0x75: {  	_ =	shalt  }
0x76: {  	_ =	shalt  }
0x77: {  	_ =	shalt  }
0x78: {  	_ =	shalt  }
0x79: {  	_ =	shalt  }
0x7a: {  	_ =	shalt  }
0x7b: {  	_ =	shalt  }
0x7c: {  	_ =	shalt  }
0x7d: {  	_ =	shalt  }
0x7e: {  	_ =	shalt  }
0x7f: {  	_ =	shalt  }
0x80: {  	_ =	shalt  }
0x81: {  	_ =	shalt  }
0x82: {  	_ =	shalt  }
0x83: {  	_ =	shalt  }
0x84: {  	_ =	shalt  }
0x85: {  	_ =	shalt  }
0x86: {  	_ =	shalt  }
0x87: {  	_ =	shalt  }
.Lfunc_end0:
.L_simem_size_0:
called_computation.1_lowered:
.L_overlay_start_0:
0x88: {  	s2 =	sld [smem:$0x3FD9]  }
0x89: {  	s3 =	sld [smem:$0x3FFE];
	_ =	sdelay $0x1  }
0x8a: {  	s1 =	srdreg.scid  }
0x8b: {  	s0 =	sand.u32 $0x1, s1  }
0x8c: {  	s16 =	sshll.u32 s0, $0xA;
	s2 =	sadd.s32 s3, s2  }
0x8d: {  	s2 =	sadd.s32 s2, s16  }
0x8e: {  	[smem:$0x3FC0] =	sst s2  }
0x8f: {  	_ = 	snop  }
0x90: {  	(tm) =	ssettm $0x1  }
0x91: {  	s17 =	sld [smem:$0x3FFB];
	_ =	sdelay $0x3  }
0x92: {  	_ =	strace s17  }
0x93: {  	s2 =	sld [smem:$0x3FFC];
	_ =	sdelay $0x3  }
0x94: {  	_ =	strace s2  }
0x95: {  	s2 =	sld [smem:$0x3FFD];
	_ =	sdelay $0x3  }
0x96: {  	_ =	strace s2  }
0x97: {  	_ =	strace $0x8FFFFFFF  }
0x98: {  	s18 =	sld [smem:$0x3FDB];
	_ =	sdelay $0x1  }
0x99: {  	s19 =	simm.s32 $_scs_section_size  }
0x9a: {  	s4 =	simm.s32 $_size__tile_overlayer_lowered;
	s5 =	simm.s32 $_tile_overlayer_lowered  }
0x9b: {  	s22 =	simm.s32 $0x1BFF;
	s21 =	sshll.u32 s5, $0x1;
	s2 =	sadd.s32 s19, s18  }
0x9c: {  	s6 =	simm.s32 $0x0;
	s20 =	sshll.u32 s4, $0x1;
	s4 =	sadd.s32 s21, s2  }
0x9d: {  	[timem:s6], [sflag:s22] =	dma.local [hbm:s4], s20  }
0x9e: {  	_ =	swait.ge [sflag:s22], s20  }
0x9f: {  	s3 =	ssub.s32 $0x0, s20;
	[sflag:s22] =	ssyncset.done $0x0  }
0xa0: {  	[sflag:s22] =	ssyncadd.s32 s3;
	_ =	sdelay $0x1  }
0xa1: {  	s23 =	simm.s32 $0x1B8B  }
0xa2: {  	_ =	swait.ge [sflag:s23], $0x1  }
0xa3: {  	[sflag:s23] =	ssyncset.done $0x0  }
0xa4: {  	s25 =	simm.s32 $0x1B8E;
	s24 =	sld [smem:$0x3FFE];
	[sflag:s23] =	ssyncadd.s32 $0xFFFFFFFF  }
0xa5: {  	s26 =	simm.s32 $execute0_lowered;
	[smem:$0x3FD2] =	sst s25  }
0xa6: {  	s4 =	sshll.u32 s26, $0x1;
	_ =	strace $0x80000049;
	[dreg:$0x1] =	wrdreg $0xFFFFFFFF  }
0xa7: {  	s28 =	simm.s32 $_size_execute0_lowered;
	s2 =	sadd.s32 s2, s4;
	[dreg:$0x0] =	wrdreg $0x0  }
0xa8: {  	s4 =	sshll.u32 s28, $0x1;
	[dreg:$0x2] =	wrdreg s2  }
0xa9: {  	[dreg:$0x3] =	wrdreg s4  }
0xaa: {  	[dreg:$0x4] =	wrdreg $0xC0  }
0xab: {  	_ =	task [dreg:s6], $0x5FFFF  }
0xac: {  	[dreg:$0x1] =	wrdreg $0xFFFFFFFF  }
0xad: {  	[dreg:$0x0] =	wrdreg $0x60  }
0xae: {  	[dreg:$0x2] =	wrdreg s24  }
0xaf: {  	[dreg:$0x3] =	wrdreg $0x15E000  }
0xb0: {  	[dreg:$0x4] =	wrdreg $0x9  }
0xb1: {  	_ =	task.clear_ibuf [dreg:s6], $0x5FFFF;
	_ =	strace $0x90000049  }
0xb2: {  	s29 =	simm.s32 $0x9;
	_ =	strace $0x8000004B  }
0xb3: {  	_ =	swait.ge [sflag:s29], $0x1  }
0xb4: {  	[sflag:s29] =	ssyncadd.s32 $0xFFFFFFFF  }
0xb5: {  	_ =	strace $0x9000004B  }
0xb6: {  	_ =	sfence  }
0xb7: {  	s30 =	sld [smem:$0x0];
	_ =	sdelay $0x2  }
0xb8: {  	s31 =	sshll.u32 s1, $0xD;
	s1 =	sshrl.u32 s1, $0x2  }
0xb9: {  	s3 =	sand.u32 $0x4000, s31;
	s1 =	sadd.s32 s1, s30  }
0xba: {  	s0 =	sor.u32 s3, s0;
	s1 =	sshll.u32 s1, $0x11  }
0xbb: {  	s0 =	sor.u32 s1, s0  }
0xbc: {  	s0 =	sadd.s32 $0x8F2B, s0  }
0xbd: {  	[sflag:s0] =	ssyncadd.remote.s32 $0x1  }
0xbe: {  	_ =	sfence.sel $0xFFFF  }
0xbf: {  	[dreg:$0x0] =	wrdreg $0xFFFFFFFF;
	(pc) =	sbr.abs _section_cstart, $3  }
0xc0: {  	[dreg:$0x1] =	wrdreg $0xFFFFFFFF  }
0xc1: {  	_ =	task.clear_ibuf [dreg:s6], $0x2FFFF;
	_ =	strace $0x9FFFFFFF  }
0xc2: {  	(tm) =	ssettm $0x7FFFFFFF  }
0xc3: {  	_ =	shalt  }
tec
execute0_lowered:
.L_overlay_start_1:
0x0: {  	(tag) =	ssettag $0x1  }
0x1: {  	s0 =	rddreg [dreg:$0x0]  }
0x2: {  	s2 =	rddreg [dreg:$0x1]  }
0x3: {  	s8 =	stileid.u32;
	s1 =	srdreg.scid  }
0x4: {  	s4 =	simm.s32 $0x0;
	s15 =	simm.s32 $0x9E00;
	s16 =	simm.s32 $0x1  }
0x5: {  	s17 =	simm.s32 $0x2;
	s18 =	simm.s32 $0x3;
	s19 =	simm.s32 $0x80  }
0x6: {  	s20 =	simm.s32 $0xBE00;
	s22 =	simm.s32 $0xDE00;
	s28 =	simm.s32 $0x11E00  }
0x7: {  	s31 =	simm.s32 $0x13E00;
	s21 =	simm.s32 $0x7;
	s3 =	smul.u32 $0xA000, s8  }
0x8: {  	s29 =	simm.s32 $0x8;
	s23 =	simm.s32 $0xA;
	s6 =	smul.u32 $0x9E0, s8  }
0x9: {  	s30 =	simm.s32 $0xB;
	s1 =	sand.u32 $0x1, s1;
	s8 =	smul.u32 $0x28000, s8  }
0xa: {  	[smem:$0x7FF] =	sst s4;
	s4 =	sadd.s32 $0x70000, s0;
	s5 =	smul.u32 $0xA0000, s1  }
0xb: {  	_ =	strace $0x8000004A;
	s7 =	ssub.s32 $0x2, s1;
	s14 =	smul.u32 $0x2800, s1  }
0xc: {  	s1 =	simm.s32 $0x6;
	s6 =	sadd.s32 s6, s0;
	s9 =	sshrl.u32 s7, $0x1  }
0xd: {  	s25 =	sshrl.u32 s8, $0x2;
	s5 =	sadd.s32 s3, s5;
	s24 =	ssub.s32 s7, s9  }
0xe: {  	s26 =	sadd.s32 $0xC200, s6;
	s6 =	sadd.s32 $0x2400, s6;
	s9 =	sadd.s32 s25, s2  }
0xf: {  	s7 =	sadd.s32 s3, s2;
	s25 =	simm.s32 $0x5;
	[dreg:$0x3] =	wrdreg s26  }
0x10: {  	s3 =	simm.s32 $0xC;
	[dreg:$0x4] =	wrdreg s6;
	s10 =	sadd.s32 $0x2000, s9  }
0x11: {  	s5 =	sshrl.u32 s5, $0x3;
	s11 =	sadd.s32 $0x4000, s9;
	[dreg:$0x5] =	wrdreg s10  }
.Ltmp0:
0x12: {  	s12 =	sadd.s32 $0x6000, s9;
	[dreg:$0x6] =	wrdreg s11;
	(pc) =	sbr.rel .LBB2_1-.Ltmp0, $4  }
0x13: {  	s13 =	sadd.s32 $0x8000, s9;
	s26 =	simm.s32 $0x9;
	[dreg:$0x7] =	wrdreg s12  }
0x14: {  	s6 =	simm.s32 $0x0;
	s0 =	sadd.s32 s5, s0;
	[dreg:$0x8] =	wrdreg s13  }
0x15: {  	s13 =	smax.u32 s24, $0x1;
	s10 =	simm.s32 $0x4F00;
	s24 =	simm.s32 $0xFE00  }
0x16: {  	v1 =	vimm.f32 $0.0e+00;
	v0 =	vmov s14;
	s5 =	simm.s32 $0xD;
	s12 =	sadd.s32 $0x98000, s0;
	s0 =	simm.s32 $0x4  }
.LBB2_7:
0x17: {  	_ =	swait.ge [sflag:s17], $0x2000  }
0x18: {  	[sflag:s17] =	ssyncset.done $0x0  }
0x19: {  	s8 =	sadd.s32 $0x5280, s14;
	[sflag:s17] =	ssyncadd.s32 $0xFFFFE000  }
0x1a: {  	[spmem:s2] =	stream.indirect.scatter.add.f32 [tilespmem:s20], [sflag:$0x8], $0x40, s8, s19, $0xb8;
	[tilespmem:$0x1FE00] =	vst v63  }
.LBB2_9:
0x1b: {  	_ =	swait.ge [sflag:s21], $0x2000  }
0x1c: {  	[sflag:s21] =	ssyncset.done $0x0  }
0x1d: {  	[sflag:s21] =	ssyncadd.s32 $0xFFFFE000  }
0x1e: {  	_ =	swait.ge [sflag:s29], $0x2000  }
0x1f: {  	[sflag:s29] =	ssyncset.done $0x0  }
0x20: {  	[sflag:s29] =	ssyncadd.s32 $0xFFFFE000  }
0x21: {  	_ =	swait.ge [sflag:s26], $0x2000  }
0x22: {  	[sflag:s26] =	ssyncset.done $0x0  }
0x23: {  	[sflag:s26] =	ssyncadd.s32 $0xFFFFE000  }
0x24: {  	_ =	swait.ge [sflag:s23], $0x2000  }
0x25: {  	[sflag:s23] =	ssyncset.done $0x0  }
0x26: {  	[sflag:s23] =	ssyncadd.s32 $0xFFFFE000  }
0x27: {  	_ =	swait.ge [sflag:s30], $0x2000  }
0x28: {  	[sflag:s30] =	ssyncset.done $0x0  }
0x29: {  	[sflag:s30] =	ssyncadd.s32 $0xFFFFE000  }
0x2a: {  	s8 =	stileid.u32;
	_ =	swait.ge [sflag:s3], $0x2000  }
0x2b: {  	s9 =	sshrl.u32 s7, $0x3;
	s6 =	sadd.s32 $0x1, s6;
	[sflag:s3] =	ssyncset.done $0x0  }
0x2c: {  	s8 =	sshll.u32 s8, $0x6;
	p0 =	sne.s32 s6, s13;
	[sflag:s3] =	ssyncadd.s32 $0xFFFFE000  }
.Ltmp1:
0x2d: {  	s8 =	sor.u32 $0x1C0D, s8;
	[bflag:$0x0] =	sbarrier.arrive $0xFFFF;
	(pc) =	sbr.rel @!p0 .LBB2_10-.Ltmp1, $4  }
0x2e: {  	[hbm:s12], [sflag:s8] =	dma.local [spmem:s9], $0x1400  }
0x2f: {  	_ =	swait.ge [sflag:s5], $0x1400  }
0x30: {  	[sflag:s5] =	ssyncset.done $0x0  }
0x31: {  	s10 =	simm.s32 $0x4F00;
	[sflag:s5] =	ssyncadd.s32 $0xFFFFEC00  }
.LBB2_1:
0x32: {  	s8 =	simm.s32 $0x0;
	s9 =	rddreg [dreg:$0x3]  }
0x33: {  	[tilespmem:s8], [sflag:$0x2] =	stream.linear.gather [hbm4b:s9+s8], $0x4F00, $0x38;
	[tilespmem:$0x1FE00] =	vst v63  }
0x34: {  	s14 =	rddreg [dreg:$0x4]  }
0x35: {  	[tilespmem:s10], [sflag:$0x3] =	stream.linear.gather [hbm4b:s14+s8], $0x4F00, $0x38;
	[tilespmem:$0x1FE00] =	vst v63  }
0x36: {  	s9 =	simm.s32 $0x100;
	s8 =	simm.s32 $0x0  }
.LBB2_2:
0x37: {  	p0 =	sne.s32 s9, $0x7F00;
	[tilespmem:s8+$0x9E30] =	vst v1;
	s14 =	smov.u32 s9;
	s9 =	sadd.s32 $0x100, s9  }
.Ltmp2:
0x38: {  	[tilespmem:s8+$0x9E20] =	vst v1;
	(pc) =	sbr.rel @p0 .LBB2_2-.Ltmp2, $3  }
0x39: {  	[tilespmem:s8+$0x9E00] =	vst v1  }
0x3a: {  	[tilespmem:s8+$0x9E10] =	vst v1;
	_ =	sdelay $0x1  }
0x3b: {  	s8 =	sshra.s32 s14, $0x2  }
0x3c: {  	[tilespmem:s8+$0x9E30] =	vst v1  }
0x3d: {  	[tilespmem:s8+$0x9E20] =	vst v1  }
0x3e: {  	[tilespmem:s8+$0x9E00] =	vst v1  }
0x3f: {  	[tilespmem:s8+$0x9E10] =	vst v1  }
0x40: {  	[spmem:s7] =	stream.linear.scatter [tilespmem:s15], [sflag:$0x1], $0x2000, $0x38;
	[tilespmem:$0x1FE00] =	vst v63  }
0x41: {  	s14 =	rddreg [dreg:$0x5]  }
0x42: {  	[spmem:s14] =	stream.linear.scatter [tilespmem:s15], [sflag:$0x1], $0x2000, $0x38;
	[tilespmem:$0x1FE00] =	vst v63  }
0x43: {  	s9 =	rddreg [dreg:$0x6]  }
0x44: {  	[spmem:s9] =	stream.linear.scatter [tilespmem:s15], [sflag:$0x1], $0x2000, $0x38;
	[tilespmem:$0x1FE00] =	vst v63  }
0x45: {  	s11 =	rddreg [dreg:$0x7]  }
0x46: {  	[spmem:s11] =	stream.linear.scatter [tilespmem:s15], [sflag:$0x1], $0x2000, $0x38;
	[tilespmem:$0x1FE00] =	vst v63  }
0x47: {  	s14 =	rddreg [dreg:$0x8]  }
0x48: {  	[spmem:s14] =	stream.linear.scatter [tilespmem:s15], [sflag:$0x1], $0x2000, $0x38;
	[tilespmem:$0x1FE00] =	vst v63  }
0x49: {  	_ =	swait.ge [sflag:s16], $0x2000  }
0x4a: {  	[sflag:s16] =	ssyncset.done $0x0  }
0x4b: {  	[sflag:s16] =	ssyncadd.s32 $0xFFFFE000  }
0x4c: {  	_ =	swait.ge [sflag:s16], $0x2000  }
0x4d: {  	[sflag:s16] =	ssyncset.done $0x0  }
0x4e: {  	[sflag:s16] =	ssyncadd.s32 $0xFFFFE000  }
0x4f: {  	_ =	swait.ge [sflag:s16], $0x2000  }
0x50: {  	[sflag:s16] =	ssyncset.done $0x0  }
0x51: {  	[sflag:s16] =	ssyncadd.s32 $0xFFFFE000  }
0x52: {  	_ =	swait.ge [sflag:s16], $0x2000  }
0x53: {  	[sflag:s16] =	ssyncset.done $0x0  }
0x54: {  	[sflag:s16] =	ssyncadd.s32 $0xFFFFE000  }
0x55: {  	_ =	swait.ge [sflag:s16], $0x2000  }
0x56: {  	[sflag:s16] =	ssyncset.done $0x0  }
0x57: {  	[sflag:s16] =	ssyncadd.s32 $0xFFFFE000  }
0x58: {  	_ =	swait.ge [sflag:s17], $0x4F00  }
0x59: {  	[sflag:s17] =	ssyncset.done $0x0  }
0x5a: {  	[sflag:s17] =	ssyncadd.s32 $0xFFFFB100  }
0x5b: {  	_ =	swait.ge [sflag:s18], $0x4F00  }
0x5c: {  	[sflag:s18] =	ssyncset.done $0x0  }
0x5d: {  	s8 =	simm.s32 $0x0;
	[sflag:s18] =	ssyncadd.s32 $0xFFFFB100  }
0x5e: {  	v4 =	vld [tilespmem:s8+$0x0]  }
0x5f: {  	v6 =	vld [tilespmem:s8+$0x10]  }
0x60: {  	v5 =	vld [tilespmem:s8+$0x20]  }
0x61: {  	v3 =	vld [tilespmem:s8+$0x30]  }
0x62: {  	v2 =	vld [tilespmem:s8+$0x40]  }
0x63: {  	v7 =	vadd.s32 v0, v4;
	v4 =	vld [tilespmem:s8+$0x50]  }
0x64: {  	s9 =	simm.s32 $0x200;
	[tilespmem:s8+$0x0] =	vst v7;
	v7 =	vadd.s32 v0, v6;
	v6 =	vld [tilespmem:s8+$0x60]  }
.LBB2_4:
0x65: {  	s14 =	sshra.s32 s9, $0x2;
	p0 =	sne.s32 s9, $0x13A00;
	[tilespmem:s8+$0x10] =	vst v7;
	v5 =	vadd.s32 v0, v5;
	v7 =	vld [tilespmem:s8+$0x70]  }
0x66: {  	v8 =	vld [tilespmem:s14+$0x0];
	[tilespmem:s8+$0x20] =	vst v5;
	v3 =	vadd.s32 v0, v3  }
0x67: {  	v9 =	vld [tilespmem:s14+$0x10];
	[tilespmem:s8+$0x30] =	vst v3;
	v2 =	vadd.s32 v0, v2  }
.Ltmp3:
0x68: {  	v5 =	vld [tilespmem:s14+$0x20];
	[tilespmem:s8+$0x40] =	vst v2;
	v2 =	vadd.s32 v0, v4;
	(pc) =	sbr.rel @p0 .LBB2_4-.Ltmp3, $4  }
0x69: {  	v3 =	vld [tilespmem:s14+$0x30];
	[tilespmem:s8+$0x50] =	vst v2;
	v4 =	vadd.s32 v0, v6  }
0x6a: {  	v2 =	vld [tilespmem:s14+$0x40];
	[tilespmem:s8+$0x60] =	vst v4;
	v6 =	vadd.s32 v0, v7  }
0x6b: {  	v7 =	vadd.s32 v0, v8;
	v4 =	vld [tilespmem:s14+$0x50];
	[tilespmem:s8+$0x70] =	vst v6;
	s8 =	smov.u32 s14  }
0x6c: {  	s9 =	sadd.s32 $0x200, s9;
	[tilespmem:s8+$0x0] =	vst v7;
	v7 =	vadd.s32 v0, v9;
	v6 =	vld [tilespmem:s8+$0x60]  }
0x6d: {  	[tilespmem:s8+$0x10] =	vst v7;
	v5 =	vadd.s32 v0, v5;
	v63 =	vld [tilespmem:s8+$0x70]  }
0x6e: {  	[tilespmem:s8+$0x20] =	vst v5;
	v3 =	vadd.s32 v0, v3  }
0x6f: {  	[tilespmem:s8+$0x30] =	vst v3;
	v2 =	vadd.s32 v0, v2  }
0x70: {  	[tilespmem:s8+$0x40] =	vst v2;
	v2 =	vadd.s32 v0, v4  }
0x71: {  	[tilespmem:s8+$0x50] =	vst v2;
	v2 =	vadd.s32 v0, v6  }
0x72: {  	[tilespmem:s8+$0x60] =	vst v2;
	v2 =	vadd.s32 v0, v63  }
0x73: {  	[tilespmem:s8+$0x70] =	vst v2  }
0x74: {  	s8 =	simm.s32 $0x0;
	[bflag:$0x0] =	sbarrier.arrive $0xFFFF  }
0x75: {  	[tilespmem:s15], [sflag:$0x1] =	stream.indirect.gather [hbm4b:s4+s19], $0x40, s8, s19, $0xb8;
	[tilespmem:$0x1FE00] =	vst v63  }
0x76: {  	_ = 	snop  }
0x77: {  	[tilespmem:s20], [sflag:$0x2] =	stream.indirect.gather [hbm4b:s4+s19], $0x40, s19, s19, $0xb8;
	[tilespmem:$0x1FE00] =	vst v63  }
0x78: {  	s9 =	simm.s32 $0x100  }
0x79: {  	[tilespmem:s22], [sflag:$0x3] =	stream.indirect.gather [hbm4b:s4+s19], $0x40, s9, s19, $0xb8;
	[tilespmem:$0x1FE00] =	vst v63  }
0x7a: {  	s9 =	simm.s32 $0x1  }
0x7b: {  	_ =	swait.ge [sflag:s9], $0x2000  }
0x7c: {  	[sflag:s9] =	ssyncset.done $0x0  }
0x7d: {  	[sflag:s9] =	ssyncadd.s32 $0xFFFFE000  }
0x7e: {  	[spmem:s2] =	stream.indirect.scatter.add.f32 [tilespmem:s15], [sflag:$0x7], $0x40, s10, s19, $0xb8;
	[tilespmem:$0x1FE00] =	vst v63  }
0x7f: {  	s14 =	simm.s32 $0x180  }
0x80: {  	[tilespmem:s24], [sflag:$0x4] =	stream.indirect.gather [hbm4b:s4+s19], $0x40, s14, s19, $0xb8;
	[tilespmem:$0x1FE00] =	vst v63  }
0x81: {  	_ =	swait.ge [sflag:s17], $0x2000  }
0x82: {  	[sflag:s17] =	ssyncset.done $0x0  }
0x83: {  	s11 =	simm.s32 $0x4F80;
	[sflag:s17] =	ssyncadd.s32 $0xFFFFE000  }
0x84: {  	[spmem:s2] =	stream.indirect.scatter.add.f32 [tilespmem:s20], [sflag:$0x8], $0x40, s11, s19, $0xb8;
	[tilespmem:$0x1FE00] =	vst v63  }
0x85: {  	s14 =	simm.s32 $0x200  }
0x86: {  	[tilespmem:s28], [sflag:$0x5] =	stream.indirect.gather [hbm4b:s4+s19], $0x40, s14, s19, $0xb8;
	[tilespmem:$0x1FE00] =	vst v63  }
0x87: {  	_ =	swait.ge [sflag:s18], $0x2000  }
0x88: {  	[sflag:s18] =	ssyncset.done $0x0  }
0x89: {  	s11 =	simm.s32 $0x5000;
	[sflag:s18] =	ssyncadd.s32 $0xFFFFE000  }
0x8a: {  	[spmem:s2] =	stream.indirect.scatter.add.f32 [tilespmem:s22], [sflag:$0x9], $0x40, s11, s19, $0xb8;
	[tilespmem:$0x1FE00] =	vst v63  }
0x8b: {  	s14 =	simm.s32 $0x280  }
0x8c: {  	[tilespmem:s31], [sflag:$0x6] =	stream.indirect.gather [hbm4b:s4+s19], $0x40, s14, s19, $0xb8;
	[tilespmem:$0x1FE00] =	vst v63  }
0x8d: {  	_ =	swait.ge [sflag:s0], $0x2000  }
0x8e: {  	[sflag:s0] =	ssyncset.done $0x0  }
0x8f: {  	s11 =	simm.s32 $0x5080;
	[sflag:s0] =	ssyncadd.s32 $0xFFFFE000  }
0x90: {  	[spmem:s2] =	stream.indirect.scatter.add.f32 [tilespmem:s24], [sflag:$0xA], $0x40, s11, s19, $0xb8;
	[tilespmem:$0x1FE00] =	vst v63  }
0x91: {  	_ =	swait.ge [sflag:s21], $0x2000  }
0x92: {  	[sflag:s21] =	ssyncset.done $0x0  }
0x93: {  	s14 =	simm.s32 $0x300;
	[sflag:s21] =	ssyncadd.s32 $0xFFFFE000  }
0x94: {  	[tilespmem:s15], [sflag:$0x1] =	stream.indirect.gather [hbm4b:s4+s19], $0x40, s14, s19, $0xb8;
	[tilespmem:$0x1FE00] =	vst v63  }
0x95: {  	_ =	swait.ge [sflag:s25], $0x2000  }
0x96: {  	[sflag:s25] =	ssyncset.done $0x0  }
0x97: {  	s11 =	simm.s32 $0x5100;
	[sflag:s25] =	ssyncadd.s32 $0xFFFFE000  }
0x98: {  	[spmem:s2] =	stream.indirect.scatter.add.f32 [tilespmem:s28], [sflag:$0xB], $0x40, s11, s19, $0xb8;
	[tilespmem:$0x1FE00] =	vst v63  }
0x99: {  	_ =	swait.ge [sflag:s29], $0x2000  }
0x9a: {  	[sflag:s29] =	ssyncset.done $0x0  }
0x9b: {  	s14 =	simm.s32 $0x380;
	[sflag:s29] =	ssyncadd.s32 $0xFFFFE000  }
0x9c: {  	[tilespmem:s20], [sflag:$0x2] =	stream.indirect.gather [hbm4b:s4+s19], $0x40, s14, s19, $0xb8;
	[tilespmem:$0x1FE00] =	vst v63  }
0x9d: {  	_ =	swait.ge [sflag:s1], $0x2000  }
0x9e: {  	[sflag:s1] =	ssyncset.done $0x0  }
0x9f: {  	s11 =	simm.s32 $0x5180;
	[sflag:s1] =	ssyncadd.s32 $0xFFFFE000  }
0xa0: {  	[spmem:s2] =	stream.indirect.scatter.add.f32 [tilespmem:s31], [sflag:$0xC], $0x40, s11, s19, $0xb8;
	[tilespmem:$0x1FE00] =	vst v63  }
0xa1: {  	_ =	swait.ge [sflag:s26], $0x2000  }
0xa2: {  	[sflag:s26] =	ssyncset.done $0x0  }
0xa3: {  	s14 =	simm.s32 $0x400;
	[sflag:s26] =	ssyncadd.s32 $0xFFFFE000  }
0xa4: {  	[tilespmem:s22], [sflag:$0x3] =	stream.indirect.gather [hbm4b:s4+s19], $0x40, s14, s19, $0xb8;
	[tilespmem:$0x1FE00] =	vst v63  }
.LBB2_6:
0xa5: {  	p0 =	sne.s32 s8, $0x12C00  }
.Ltmp4:
0xa6: {  	_ = 	snop;
	(pc) =	sbr.rel @!p0 .LBB2_7-.Ltmp4, $4  }
0xa7: {  	_ =	swait.ge [sflag:s16], $0x2000  }
0xa8: {  	s14 =	sshra.s32 s8, $0x2;
	[sflag:s16] =	ssyncset.done $0x0  }
0xa9: {  	s10 =	sadd.s32 $0x5200, s14;
	[sflag:s16] =	ssyncadd.s32 $0xFFFFE000  }
0xaa: {  	[spmem:s2] =	stream.indirect.scatter.add.f32 [tilespmem:s15], [sflag:$0x7], $0x40, s10, s19, $0xb8;
	[tilespmem:$0x1FE00] =	vst v63  }
0xab: {  	_ =	swait.ge [sflag:s23], $0x2000  }
0xac: {  	[sflag:s23] =	ssyncset.done $0x0  }
0xad: {  	s10 =	sadd.s32 $0x480, s14;
	[sflag:s23] =	ssyncadd.s32 $0xFFFFE000  }
0xae: {  	[tilespmem:s24], [sflag:$0x4] =	stream.indirect.gather [hbm4b:s4+s19], $0x40, s10, s19, $0xb8;
	[tilespmem:$0x1FE00] =	vst v63  }
0xaf: {  	_ =	swait.ge [sflag:s17], $0x2000  }
0xb0: {  	[sflag:s17] =	ssyncset.done $0x0  }
0xb1: {  	s11 =	sadd.s32 $0x5280, s14;
	[sflag:s17] =	ssyncadd.s32 $0xFFFFE000  }
0xb2: {  	[spmem:s2] =	stream.indirect.scatter.add.f32 [tilespmem:s20], [sflag:$0x8], $0x40, s11, s19, $0xb8;
	[tilespmem:$0x1FE00] =	vst v63  }
0xb3: {  	_ =	swait.ge [sflag:s30], $0x2000  }
0xb4: {  	[sflag:s30] =	ssyncset.done $0x0  }
0xb5: {  	s11 =	sadd.s32 $0x500, s14;
	[sflag:s30] =	ssyncadd.s32 $0xFFFFE000  }
0xb6: {  	[tilespmem:s28], [sflag:$0x5] =	stream.indirect.gather [hbm4b:s4+s19], $0x40, s11, s19, $0xb8;
	[tilespmem:$0x1FE00] =	vst v63  }
0xb7: {  	_ =	swait.ge [sflag:s18], $0x2000  }
0xb8: {  	[sflag:s18] =	ssyncset.done $0x0  }
0xb9: {  	s11 =	sadd.s32 $0x5300, s14;
	[sflag:s18] =	ssyncadd.s32 $0xFFFFE000  }
0xba: {  	[spmem:s2] =	stream.indirect.scatter.add.f32 [tilespmem:s22], [sflag:$0x9], $0x40, s11, s19, $0xb8;
	[tilespmem:$0x1FE00] =	vst v63  }
0xbb: {  	_ =	swait.ge [sflag:s3], $0x2000  }
0xbc: {  	[sflag:s3] =	ssyncset.done $0x0  }
0xbd: {  	s11 =	sadd.s32 $0x580, s14;
	[sflag:s3] =	ssyncadd.s32 $0xFFFFE000  }
0xbe: {  	[tilespmem:s31], [sflag:$0x6] =	stream.indirect.gather [hbm4b:s4+s19], $0x40, s11, s19, $0xb8;
	[tilespmem:$0x1FE00] =	vst v63  }
0xbf: {  	_ =	swait.ge [sflag:s0], $0x2000  }
0xc0: {  	[sflag:s0] =	ssyncset.done $0x0  }
0xc1: {  	s11 =	sadd.s32 $0x5380, s14;
	[sflag:s0] =	ssyncadd.s32 $0xFFFFE000  }
0xc2: {  	[spmem:s2] =	stream.indirect.scatter.add.f32 [tilespmem:s24], [sflag:$0xA], $0x40, s11, s19, $0xb8;
	[tilespmem:$0x1FE00] =	vst v63  }
0xc3: {  	_ =	swait.ge [sflag:s21], $0x2000  }
0xc4: {  	[sflag:s21] =	ssyncset.done $0x0  }
0xc5: {  	s11 =	sadd.s32 $0x600, s14;
	[sflag:s21] =	ssyncadd.s32 $0xFFFFE000  }
0xc6: {  	[tilespmem:s15], [sflag:$0x1] =	stream.indirect.gather [hbm4b:s4+s19], $0x40, s11, s19, $0xb8;
	[tilespmem:$0x1FE00] =	vst v63  }
0xc7: {  	_ =	swait.ge [sflag:s25], $0x2000  }
0xc8: {  	[sflag:s25] =	ssyncset.done $0x0  }
0xc9: {  	s11 =	sadd.s32 $0x5400, s14;
	[sflag:s25] =	ssyncadd.s32 $0xFFFFE000  }
0xca: {  	[spmem:s2] =	stream.indirect.scatter.add.f32 [tilespmem:s28], [sflag:$0xB], $0x40, s11, s19, $0xb8;
	[tilespmem:$0x1FE00] =	vst v63  }
0xcb: {  	_ =	swait.ge [sflag:s29], $0x2000  }
0xcc: {  	[sflag:s29] =	ssyncset.done $0x0  }
0xcd: {  	s11 =	sadd.s32 $0x680, s14;
	[sflag:s29] =	ssyncadd.s32 $0xFFFFE000  }
0xce: {  	[tilespmem:s20], [sflag:$0x2] =	stream.indirect.gather [hbm4b:s4+s19], $0x40, s11, s19, $0xb8;
	[tilespmem:$0x1FE00] =	vst v63  }
0xcf: {  	_ =	swait.ge [sflag:s1], $0x2000  }
0xd0: {  	p0 =	sgt.u32 s9, $0x18;
	[sflag:s1] =	ssyncset.done $0x0  }
0xd1: {  	s10 =	simm.s32 @!p0 $0x9;
	s14 =	sadd.s32 $0x5480, s14;
	[sflag:s1] =	ssyncadd.s32 $0xFFFFE000  }
0xd2: {  	[spmem:s2] =	stream.indirect.scatter.add.f32 [tilespmem:s31], [sflag:$0xC], $0x40, s14, s19, $0xb8;
	[tilespmem:$0x1FE00] =	vst v63  }
0xd3: {  	_ =	swait.ge @!p0 [sflag:s10], $0x2000  }
0xd4: {  	[sflag:s10] =	ssyncset.done @!p0 $0x0  }
0xd5: {  	s11 =	simm.s32 @!p0 $0xDE00;
	[sflag:s10] =	ssyncadd.s32 @!p0 $0xFFFFE000;
	s10 =	sshra.s32 @!p0 s8, $0x2  }
0xd6: {  	s14 =	simm.s32 @!p0 $0x80;
	s8 =	sadd.s32 $0xC00, s8;
	s10 =	sadd.s32 @!p0 $0x700, s10  }
0xd7: {  	[tilespmem:s11], [sflag:$0x3] =	stream.indirect.gather @!p0 [hbm4b:s4+s14], $0x40, s10, s14, $0xb8;
	[tilespmem:$0x1FE00] =	vst v63  }
0xd8: {  	p0 =	sne.s32 s8, $0x13800  }
.Ltmp5:
0xd9: {  	_ = 	snop;
	(pc) =	sbr.rel @p0 .LBB2_6-.Ltmp5, $4  }
.Ltmp6:
0xda: {  	_ = 	snop;
	(pc) =	sbr.rel @!p0 .LBB2_9-.Ltmp6, $4  }
0xdb: {  	_ = 	snop  }
0xdc: {  	_ = 	snop  }
0xdd: {  	s9 =	sadd.s32 $0x1, s9  }
0xde: {  	_ = 	snop  }
.LBB2_10:
0xdf: {  	_ =	sfence.sel $0x180000  }
0xe0: {  	[bflag:$0x0] =	sbarrier.arrive $0xFFFF  }
0xe1: {  	_ =	strace $0x9000004A  }
0xe2: {  	s0 =	stileid.u32;
	[bflag:$0x2] =	sbarrier.arrive $0xFFFF  }
0xe3: {  	p0 =	sne.s32 s0, $0x0;
	s0 =	rddreg [dreg:$0x2]  }
0xe4: {  	s0 =	sadd.s32 @!p0 $0x100000, s0  }
0xe5: {  	[sflag:s0] =	ssyncadd.tile.s32 @!p0 $0x1;
	_ =	shalt  }
.Lfunc_end2:
_tile_overlayer_lowered:
.L_overlay_start_2:
0xe6: {  	(tag) =	ssettag $0x2  }
0xe7: {  	s0 =	rddreg [dreg:$0x0];
	s2 =	stileid.u32  }
0xe8: {  	s1 =	rddreg [dreg:$0x1];
	p0 =	sne.s32 s2, $0x0  }
0xe9: {  	s3 =	rddreg [dreg:$0x2];
	[bflag:$0x3] =	sbarrier.arrive $0xFFFF;
	s2 =	simm.s32 @!p0 $0x1C0D  }
0xea: {  	[timem:s3], [sflag:s2] =	dma.local @!p0 [hbm:s0], s1  }
0xeb: {  	s0 =	simm.s32 @!p0 $0xD  }
0xec: {  	_ =	swait.ge @!p0 [sflag:s0], s1  }
0xed: {  	s1 =	ssub.s32 @!p0 $0x0, s1;
	[sflag:s0] =	ssyncset.done @!p0 $0x0  }
0xee: {  	[sflag:s0] =	ssyncadd.s32 @!p0 s1  }
0xef: {  	[bflag:$0x3] =	sbarrier.arrive $0xFFFF  }
0xf0: {  	_ =	shalt  }

// kernel: kernel.16.cloned.1.call-start
scs
__scs_entry_jumppad:
0x0: {  	(pc) =	sbr.rel $0x88, $3  }
0x1: {  	(tag) =	ssettag $0x0;
	lr =	simm.s32 $0x1  }
0x2: {  	[smem:$0x3F99] =	sst lr;
	_ =	strace $0xD0000000  }
0x3: {  	_ = 	snop  }
0x4: {  	_ = 	snop  }
0x5: {  	_ = 	snop  }
0x6: {  	_ = 	snop  }
0x7: {  	_ = 	snop  }
__scs_overlays_trampoline_lowered:
0x8: {  	[smem:$0x3FA8] =	sst s0  }
0x9: {  	[smem:$0x3FA9] =	sst s1  }
0xa: {  	[smem:$0x3FAA] =	sst s2  }
0xb: {  	[smem:$0x3FAB] =	sst s3  }
0xc: {  	[smem:$0x3FAC] =	sst s4  }
0xd: {  	[smem:$0x3FAD] =	sst s5  }
0xe: {  	[smem:$0x3FAE] =	sst s6  }
0xf: {  	[smem:$0x3FAF] =	sst s7  }
0x10: {  	[smem:$0x3FB0] =	sst s8  }
0x11: {  	[smem:$0x3FB1] =	sst s9;
	s0 =	simm.s32 @!p0 $0x0  }
0x12: {  	s1 =	sld [smem:$0x3F97];
	s0 =	simm.s32 @p0 $0x1  }
0x13: {  	[smem:$0x3FB2] =	sst s0;
	s0 =	simm.s32 @!p1 $0x0  }
0x14: {  	s2 =	sld [smem:$0x3F96];
	s0 =	simm.s32 @p1 $0x1  }
0x15: {  	[smem:$0x3FB3] =	sst s0;
	s0 =	simm.s32 @!p2 $0x0  }
0x16: {  	s3 =	sld [smem:$0x3FDB];
	s0 =	simm.s32 @p2 $0x1  }
0x17: {  	s4 =	simm.s32 $0x1BF5;
	[smem:$0x3FB5] =	sst s0  }
0x18: {  	s0 =	sld [smem:$0x3F98];
	_ =	swait.ge [sflag:s4], $0x0  }
0x19: {  	s7 =	sld [smem:$0x3F99]  }
0x1a: {  	s8 =	sadd.s32 $0xFFFFE003, lr  }
0x1b: {  	s9 =	sadd.s32 $0xFFFFFEF7, lr;
	s5 =	simm.s32 $0xFFFFFFFF;
	p2 =	slt.u32 s8, $0xFFFFF086  }
0x1c: {  	p1 =	slt.u32 s9, $0xF7A;
	s5 =	simm.s32 @!p2 $0x0  }
0x1d: {  	s5 =	simm.s32 @p1 $0x1;
	p0 =	seq.s32 s7, s2  }
0x1e: {  	s7 =	smul.u32 @!p0 $0xF7A, s2;
	p2 =	seq.s32 @!p0 s5, $0x0  }
0x1f: {  	s9 =	smul.u32 $0xF7A, s1;
	s8 =	simm.s32 @!p0 $0x1BF5;
	p2 =	por !p2, p0  }
0x20: {  	[sflag:s8] =	ssyncset.s32 @!p0 $0xFFFFF086;
	s6 =	sadd.s32 @!p0 s3, s7;
	s7 =	simm.s32 @!p0 $0x108  }
0x21: {  	s3 =	sadd.s32 s3, s9;
	s6 =	sadd.s32 @!p0 $0x88, s6;
	s7 =	simm.s32 @p2 $0x1082  }
0x22: {  	[simem:s7], [sflag:s8] =	dma.local @!p0 [hbm:s6], $0xF7A  }
0x23: {  	s9 =	sor.u32 $0xD0000000, s2;
	s6 =	simm.s32 $0x108;
	_ =	swait.ge @!p0 [sflag:s8], $0x0  }
0x24: {  	s3 =	sadd.s32 $0x88, s3;
	s6 =	simm.s32 @!p1 $0x1082;
	[sflag:s4] =	ssyncset.s32 $0xFFFFF086  }
0x25: {  	[simem:s6], [sflag:s4] =	dma.local [hbm:s3], $0xF7A  }
0x26: {  	[smem:$0x3F99] =	sst s1;
	(tag) =	ssettag s2;
	_ =	strace s9  }
0x27: {  	s1 =	sld [smem:$0x3FA9]  }
0x28: {  	s2 =	sld [smem:$0x3FAA]  }
0x29: {  	s4 =	sld [smem:$0x3FAC]  }
0x2a: {  	p0 =	seq.s32 s5, $0x0;
	s5 =	sld [smem:$0x3FAD]  }
0x2b: {  	s6 =	sld [smem:$0x3FAE]  }
0x2c: {  	s7 =	sld [smem:$0x3FAF]  }
0x2d: {  	s3 =	simm.s32 $0x108;
	s8 =	sld [smem:$0x3FB0]  }
0x2e: {  	s3 =	simm.s32 @!p0 $0x1082;
	s9 =	sld [smem:$0x3FB1]  }
0x2f: {  	lr =	sadd.s32 s0, s3;
	s0 =	sld [smem:$0x3FA8]  }
0x30: {  	s3 =	sld [smem:$0x3FAB]  }
0x31: {  	[smem:$0x3FB4] =	sst s10  }
0x32: {  	s10 =	sld [smem:$0x3FB2];
	_ =	sdelay $0x3  }
0x33: {  	p0 =	seq.s32 s10, $0x1;
	s10 =	sld [smem:$0x3FB4];
	_ =	sdelay $0x3  }
0x34: {  	[smem:$0x3FB4] =	sst s10  }
0x35: {  	s10 =	sld [smem:$0x3FB3];
	_ =	sdelay $0x3  }
0x36: {  	p1 =	seq.s32 s10, $0x1;
	s10 =	sld [smem:$0x3FB4];
	_ =	sdelay $0x3  }
0x37: {  	[smem:$0x3FB4] =	sst s10  }
0x38: {  	s10 =	sld [smem:$0x3FB5]  }
0x39: {  	_ = 	snop;
	(pc) =	sbr.ind lr, $3  }
0x3a: {  	_ = 	snop  }
0x3b: {  	_ = 	snop  }
0x3c: {  	p2 =	seq.s32 s10, $0x1;
	s10 =	sld [smem:$0x3FB4]  }
0x3d: {  	_ =	shalt  }
0x3e: {  	_ =	shalt  }
0x3f: {  	_ =	shalt  }
0x40: {  	_ =	shalt  }
0x41: {  	_ =	shalt  }
0x42: {  	_ =	shalt  }
0x43: {  	_ =	shalt  }
0x44: {  	_ =	shalt  }
0x45: {  	_ =	shalt  }
0x46: {  	_ =	shalt  }
0x47: {  	_ =	shalt  }
0x48: {  	_ =	shalt  }
0x49: {  	_ =	shalt  }
0x4a: {  	_ =	shalt  }
0x4b: {  	_ =	shalt  }
0x4c: {  	_ =	shalt  }
0x4d: {  	_ =	shalt  }
0x4e: {  	_ =	shalt  }
0x4f: {  	_ =	shalt  }
0x50: {  	_ =	shalt  }
0x51: {  	_ =	shalt  }
0x52: {  	_ =	shalt  }
0x53: {  	_ =	shalt  }
0x54: {  	_ =	shalt  }
0x55: {  	_ =	shalt  }
0x56: {  	_ =	shalt  }
0x57: {  	_ =	shalt  }
0x58: {  	_ =	shalt  }
0x59: {  	_ =	shalt  }
0x5a: {  	_ =	shalt  }
0x5b: {  	_ =	shalt  }
0x5c: {  	_ =	shalt  }
0x5d: {  	_ =	shalt  }
0x5e: {  	_ =	shalt  }
0x5f: {  	_ =	shalt  }
0x60: {  	_ =	shalt  }
0x61: {  	_ =	shalt  }
0x62: {  	_ =	shalt  }
0x63: {  	_ =	shalt  }
0x64: {  	_ =	shalt  }
0x65: {  	_ =	shalt  }
0x66: {  	_ =	shalt  }
0x67: {  	_ =	shalt  }
0x68: {  	_ =	shalt  }
0x69: {  	_ =	shalt  }
0x6a: {  	_ =	shalt  }
0x6b: {  	_ =	shalt  }
0x6c: {  	_ =	shalt  }
0x6d: {  	_ =	shalt  }
0x6e: {  	_ =	shalt  }
0x6f: {  	_ =	shalt  }
0x70: {  	_ =	shalt  }
0x71: {  	_ =	shalt  }
0x72: {  	_ =	shalt  }
0x73: {  	_ =	shalt  }
0x74: {  	_ =	shalt  }
0x75: {  	_ =	shalt  }
0x76: {  	_ =	shalt  }
0x77: {  	_ =	shalt  }
0x78: {  	_ =	shalt  }
0x79: {  	_ =	shalt  }
0x7a: {  	_ =	shalt  }
0x7b: {  	_ =	shalt  }
0x7c: {  	_ =	shalt  }
0x7d: {  	_ =	shalt  }
0x7e: {  	_ =	shalt  }
0x7f: {  	_ =	shalt  }
0x80: {  	_ =	shalt  }
0x81: {  	_ =	shalt  }
0x82: {  	_ =	shalt  }
0x83: {  	_ =	shalt  }
0x84: {  	_ =	shalt  }
0x85: {  	_ =	shalt  }
0x86: {  	_ =	shalt  }
0x87: {  	_ =	shalt  }
.Lfunc_end0:
.L_simem_size_0:
called_computation.2_lowered:
.L_overlay_start_0:
0x88: {  	s2 =	sld [smem:$0x3FD9]  }
0x89: {  	s3 =	sld [smem:$0x3FFE];
	_ =	sdelay $0x1  }
0x8a: {  	s1 =	srdreg.scid  }
0x8b: {  	s0 =	sand.u32 $0x1, s1  }
0x8c: {  	s16 =	sshll.u32 s0, $0xA;
	s2 =	sadd.s32 s3, s2  }
0x8d: {  	s2 =	sadd.s32 s2, s16  }
0x8e: {  	[smem:$0x3FC0] =	sst s2  }
0x8f: {  	_ = 	snop  }
0x90: {  	(tm) =	ssettm $0x1  }
0x91: {  	s17 =	sld [smem:$0x3FFB];
	_ =	sdelay $0x3  }
0x92: {  	_ =	strace s17  }
0x93: {  	s2 =	sld [smem:$0x3FFC];
	_ =	sdelay $0x3  }
0x94: {  	_ =	strace s2  }
0x95: {  	s2 =	sld [smem:$0x3FFD];
	_ =	sdelay $0x3  }
0x96: {  	_ =	strace s2  }
0x97: {  	_ =	strace $0x8FFFFFFF  }
0x98: {  	s18 =	sld [smem:$0x3FDB];
	_ =	sdelay $0x1  }
0x99: {  	s19 =	simm.s32 $_scs_section_size  }
0x9a: {  	s4 =	simm.s32 $_size__tile_overlayer_lowered;
	s5 =	simm.s32 $_tile_overlayer_lowered  }
0x9b: {  	s22 =	simm.s32 $0x1BFF;
	s21 =	sshll.u32 s5, $0x1;
	s2 =	sadd.s32 s19, s18  }
0x9c: {  	s6 =	simm.s32 $0x0;
	s20 =	sshll.u32 s4, $0x1;
	s4 =	sadd.s32 s21, s2  }
0x9d: {  	[timem:s6], [sflag:s22] =	dma.local [hbm:s4], s20  }
0x9e: {  	_ =	swait.ge [sflag:s22], s20  }
0x9f: {  	s3 =	ssub.s32 $0x0, s20;
	[sflag:s22] =	ssyncset.done $0x0  }
0xa0: {  	[sflag:s22] =	ssyncadd.s32 s3;
	_ =	sdelay $0x1  }
0xa1: {  	s23 =	simm.s32 $0x1B8B  }
0xa2: {  	_ =	swait.ge [sflag:s23], $0x1  }
0xa3: {  	[sflag:s23] =	ssyncset.done $0x0  }
0xa4: {  	s25 =	simm.s32 $0x1B8E;
	s24 =	sld [smem:$0x3FFE];
	[sflag:s23] =	ssyncadd.s32 $0xFFFFFFFF  }
0xa5: {  	s26 =	simm.s32 $execute0_lowered;
	[smem:$0x3FD2] =	sst s25  }
0xa6: {  	s4 =	sshll.u32 s26, $0x1;
	_ =	strace $0x8000004C;
	[dreg:$0x1] =	wrdreg $0xFFFFFFFF  }
0xa7: {  	s28 =	simm.s32 $_size_execute0_lowered;
	s2 =	sadd.s32 s2, s4;
	[dreg:$0x0] =	wrdreg $0x0  }
0xa8: {  	s4 =	sshll.u32 s28, $0x1;
	[dreg:$0x2] =	wrdreg s2  }
0xa9: {  	[dreg:$0x3] =	wrdreg s4  }
0xaa: {  	[dreg:$0x4] =	wrdreg $0xC0  }
0xab: {  	_ =	task [dreg:s6], $0x5FFFF  }
0xac: {  	[dreg:$0x1] =	wrdreg $0xFFFFFFFF  }
0xad: {  	[dreg:$0x0] =	wrdreg $0x60  }
0xae: {  	[dreg:$0x2] =	wrdreg s24  }
0xaf: {  	[dreg:$0x3] =	wrdreg $0x15E000  }
0xb0: {  	[dreg:$0x4] =	wrdreg $0x9  }
0xb1: {  	_ =	task.clear_ibuf [dreg:s6], $0x5FFFF;
	_ =	strace $0x9000004C  }
0xb2: {  	s29 =	simm.s32 $0x9;
	_ =	strace $0x8000004E  }
0xb3: {  	_ =	swait.ge [sflag:s29], $0x1  }
0xb4: {  	[sflag:s29] =	ssyncadd.s32 $0xFFFFFFFF  }
0xb5: {  	_ =	strace $0x9000004E  }
0xb6: {  	_ =	sfence  }
0xb7: {  	s30 =	sld [smem:$0x0];
	_ =	sdelay $0x2  }
0xb8: {  	s31 =	sshll.u32 s1, $0xD;
	s1 =	sshrl.u32 s1, $0x2  }
0xb9: {  	s3 =	sand.u32 $0x4000, s31;
	s1 =	sadd.s32 s1, s30  }
0xba: {  	s0 =	sor.u32 s3, s0;
	s1 =	sshll.u32 s1, $0x11  }
0xbb: {  	s0 =	sor.u32 s1, s0  }
0xbc: {  	s0 =	sadd.s32 $0x8F2B, s0  }
0xbd: {  	[sflag:s0] =	ssyncadd.remote.s32 $0x1  }
0xbe: {  	_ =	sfence.sel $0xFFFF  }
0xbf: {  	[dreg:$0x0] =	wrdreg $0xFFFFFFFF;
	(pc) =	sbr.abs _section_cstart, $3  }
0xc0: {  	[dreg:$0x1] =	wrdreg $0xFFFFFFFF  }
0xc1: {  	_ =	task.clear_ibuf [dreg:s6], $0x2FFFF;
	_ =	strace $0x9FFFFFFF  }
0xc2: {  	(tm) =	ssettm $0x7FFFFFFF  }
0xc3: {  	_ =	shalt  }
tec
execute0_lowered:
.L_overlay_start_1:
0x0: {  	(tag) =	ssettag $0x1  }
0x1: {  	s0 =	rddreg [dreg:$0x0]  }
0x2: {  	s2 =	rddreg [dreg:$0x1]  }
0x3: {  	s8 =	stileid.u32;
	s1 =	srdreg.scid  }
0x4: {  	s4 =	simm.s32 $0x0;
	s15 =	simm.s32 $0x9E00;
	s16 =	simm.s32 $0x1  }
0x5: {  	s17 =	simm.s32 $0x2;
	s18 =	simm.s32 $0x3;
	s19 =	simm.s32 $0x80  }
0x6: {  	s20 =	simm.s32 $0xBE00;
	s22 =	simm.s32 $0xDE00;
	s28 =	simm.s32 $0x11E00  }
0x7: {  	s31 =	simm.s32 $0x13E00;
	s21 =	simm.s32 $0x7;
	s3 =	smul.u32 $0xA000, s8  }
0x8: {  	s29 =	simm.s32 $0x8;
	s23 =	simm.s32 $0xA;
	s6 =	smul.u32 $0x9E0, s8  }
0x9: {  	s30 =	simm.s32 $0xB;
	s1 =	sand.u32 $0x1, s1;
	s8 =	smul.u32 $0x28000, s8  }
0xa: {  	[smem:$0x7FF] =	sst s4;
	s4 =	sadd.s32 $0x70000, s0;
	s5 =	smul.u32 $0xA0000, s1  }
0xb: {  	_ =	strace $0x8000004D;
	s7 =	ssub.s32 $0x2, s1;
	s14 =	smul.u32 $0x2800, s1  }
0xc: {  	s1 =	simm.s32 $0x6;
	s6 =	sadd.s32 s6, s0;
	s9 =	sshrl.u32 s7, $0x1  }
0xd: {  	s25 =	sshrl.u32 s8, $0x2;
	s5 =	sadd.s32 s3, s5;
	s24 =	ssub.s32 s7, s9  }
0xe: {  	s26 =	sadd.s32 $0xC200, s6;
	s6 =	sadd.s32 $0x2400, s6;
	s9 =	sadd.s32 s25, s2  }
0xf: {  	s7 =	sadd.s32 s3, s2;
	s25 =	simm.s32 $0x5;
	[dreg:$0x3] =	wrdreg s26  }
0x10: {  	s3 =	simm.s32 $0xC;
	[dreg:$0x4] =	wrdreg s6;
	s10 =	sadd.s32 $0x2000, s9  }
0x11: {  	s5 =	sshrl.u32 s5, $0x3;
	s11 =	sadd.s32 $0x4000, s9;
	[dreg:$0x5] =	wrdreg s10  }
.Ltmp0:
0x12: {  	s12 =	sadd.s32 $0x6000, s9;
	[dreg:$0x6] =	wrdreg s11;
	(pc) =	sbr.rel .LBB2_1-.Ltmp0, $4  }
0x13: {  	s13 =	sadd.s32 $0x8000, s9;
	s26 =	simm.s32 $0x9;
	[dreg:$0x7] =	wrdreg s12  }
0x14: {  	s6 =	simm.s32 $0x0;
	s0 =	sadd.s32 s5, s0;
	[dreg:$0x8] =	wrdreg s13  }
0x15: {  	s13 =	smax.u32 s24, $0x1;
	s10 =	simm.s32 $0x4F00;
	s24 =	simm.s32 $0xFE00  }
0x16: {  	v1 =	vimm.f32 $0.0e+00;
	v0 =	vmov s14;
	s5 =	simm.s32 $0xD;
	s12 =	sadd.s32 $0x98000, s0;
	s0 =	simm.s32 $0x4  }
.LBB2_7:
0x17: {  	_ =	swait.ge [sflag:s17], $0x2000  }
0x18: {  	[sflag:s17] =	ssyncset.done $0x0  }
0x19: {  	s8 =	sadd.s32 $0x5280, s14;
	[sflag:s17] =	ssyncadd.s32 $0xFFFFE000  }
0x1a: {  	[spmem:s2] =	stream.indirect.scatter.add.f32 [tilespmem:s20], [sflag:$0x8], $0x40, s8, s19, $0xb8;
	[tilespmem:$0x1FE00] =	vst v63  }
.LBB2_9:
0x1b: {  	_ =	swait.ge [sflag:s21], $0x2000  }
0x1c: {  	[sflag:s21] =	ssyncset.done $0x0  }
0x1d: {  	[sflag:s21] =	ssyncadd.s32 $0xFFFFE000  }
0x1e: {  	_ =	swait.ge [sflag:s29], $0x2000  }
0x1f: {  	[sflag:s29] =	ssyncset.done $0x0  }
0x20: {  	[sflag:s29] =	ssyncadd.s32 $0xFFFFE000  }
0x21: {  	_ =	swait.ge [sflag:s26], $0x2000  }
0x22: {  	[sflag:s26] =	ssyncset.done $0x0  }
0x23: {  	[sflag:s26] =	ssyncadd.s32 $0xFFFFE000  }
0x24: {  	_ =	swait.ge [sflag:s23], $0x2000  }
0x25: {  	[sflag:s23] =	ssyncset.done $0x0  }
0x26: {  	[sflag:s23] =	ssyncadd.s32 $0xFFFFE000  }
0x27: {  	_ =	swait.ge [sflag:s30], $0x2000  }
0x28: {  	[sflag:s30] =	ssyncset.done $0x0  }
0x29: {  	[sflag:s30] =	ssyncadd.s32 $0xFFFFE000  }
0x2a: {  	s8 =	stileid.u32;
	_ =	swait.ge [sflag:s3], $0x2000  }
0x2b: {  	s9 =	sshrl.u32 s7, $0x3;
	s6 =	sadd.s32 $0x1, s6;
	[sflag:s3] =	ssyncset.done $0x0  }
0x2c: {  	s8 =	sshll.u32 s8, $0x6;
	p0 =	sne.s32 s6, s13;
	[sflag:s3] =	ssyncadd.s32 $0xFFFFE000  }
.Ltmp1:
0x2d: {  	s8 =	sor.u32 $0x1C0D, s8;
	[bflag:$0x0] =	sbarrier.arrive $0xFFFF;
	(pc) =	sbr.rel @!p0 .LBB2_10-.Ltmp1, $4  }
0x2e: {  	[hbm:s12], [sflag:s8] =	dma.local [spmem:s9], $0x1400  }
0x2f: {  	_ =	swait.ge [sflag:s5], $0x1400  }
0x30: {  	[sflag:s5] =	ssyncset.done $0x0  }
0x31: {  	s10 =	simm.s32 $0x4F00;
	[sflag:s5] =	ssyncadd.s32 $0xFFFFEC00  }
.LBB2_1:
0x32: {  	s8 =	simm.s32 $0x0;
	s9 =	rddreg [dreg:$0x3]  }
0x33: {  	[tilespmem:s8], [sflag:$0x2] =	stream.linear.gather [hbm4b:s9+s8], $0x4F00, $0x38;
	[tilespmem:$0x1FE00] =	vst v63  }
0x34: {  	s14 =	rddreg [dreg:$0x4]  }
0x35: {  	[tilespmem:s10], [sflag:$0x3] =	stream.linear.gather [hbm4b:s14+s8], $0x4F00, $0x38;
	[tilespmem:$0x1FE00] =	vst v63  }
0x36: {  	s9 =	simm.s32 $0x100;
	s8 =	simm.s32 $0x0  }
.LBB2_2:
0x37: {  	p0 =	sne.s32 s9, $0x7F00;
	[tilespmem:s8+$0x9E30] =	vst v1;
	s14 =	smov.u32 s9;
	s9 =	sadd.s32 $0x100, s9  }
.Ltmp2:
0x38: {  	[tilespmem:s8+$0x9E20] =	vst v1;
	(pc) =	sbr.rel @p0 .LBB2_2-.Ltmp2, $3  }
0x39: {  	[tilespmem:s8+$0x9E00] =	vst v1  }
0x3a: {  	[tilespmem:s8+$0x9E10] =	vst v1;
	_ =	sdelay $0x1  }
0x3b: {  	s8 =	sshra.s32 s14, $0x2  }
0x3c: {  	[tilespmem:s8+$0x9E30] =	vst v1  }
0x3d: {  	[tilespmem:s8+$0x9E20] =	vst v1  }
0x3e: {  	[tilespmem:s8+$0x9E00] =	vst v1  }
0x3f: {  	[tilespmem:s8+$0x9E10] =	vst v1  }
0x40: {  	[spmem:s7] =	stream.linear.scatter [tilespmem:s15], [sflag:$0x1], $0x2000, $0x38;
	[tilespmem:$0x1FE00] =	vst v63  }
0x41: {  	s14 =	rddreg [dreg:$0x5]  }
0x42: {  	[spmem:s14] =	stream.linear.scatter [tilespmem:s15], [sflag:$0x1], $0x2000, $0x38;
	[tilespmem:$0x1FE00] =	vst v63  }
0x43: {  	s9 =	rddreg [dreg:$0x6]  }
0x44: {  	[spmem:s9] =	stream.linear.scatter [tilespmem:s15], [sflag:$0x1], $0x2000, $0x38;
	[tilespmem:$0x1FE00] =	vst v63  }
0x45: {  	s11 =	rddreg [dreg:$0x7]  }
0x46: {  	[spmem:s11] =	stream.linear.scatter [tilespmem:s15], [sflag:$0x1], $0x2000, $0x38;
	[tilespmem:$0x1FE00] =	vst v63  }
0x47: {  	s14 =	rddreg [dreg:$0x8]  }
0x48: {  	[spmem:s14] =	stream.linear.scatter [tilespmem:s15], [sflag:$0x1], $0x2000, $0x38;
	[tilespmem:$0x1FE00] =	vst v63  }
0x49: {  	_ =	swait.ge [sflag:s16], $0x2000  }
0x4a: {  	[sflag:s16] =	ssyncset.done $0x0  }
0x4b: {  	[sflag:s16] =	ssyncadd.s32 $0xFFFFE000  }
0x4c: {  	_ =	swait.ge [sflag:s16], $0x2000  }
0x4d: {  	[sflag:s16] =	ssyncset.done $0x0  }
0x4e: {  	[sflag:s16] =	ssyncadd.s32 $0xFFFFE000  }
0x4f: {  	_ =	swait.ge [sflag:s16], $0x2000  }
0x50: {  	[sflag:s16] =	ssyncset.done $0x0  }
0x51: {  	[sflag:s16] =	ssyncadd.s32 $0xFFFFE000  }
0x52: {  	_ =	swait.ge [sflag:s16], $0x2000  }
0x53: {  	[sflag:s16] =	ssyncset.done $0x0  }
0x54: {  	[sflag:s16] =	ssyncadd.s32 $0xFFFFE000  }
0x55: {  	_ =	swait.ge [sflag:s16], $0x2000  }
0x56: {  	[sflag:s16] =	ssyncset.done $0x0  }
0x57: {  	[sflag:s16] =	ssyncadd.s32 $0xFFFFE000  }
0x58: {  	_ =	swait.ge [sflag:s17], $0x4F00  }
0x59: {  	[sflag:s17] =	ssyncset.done $0x0  }
0x5a: {  	[sflag:s17] =	ssyncadd.s32 $0xFFFFB100  }
0x5b: {  	_ =	swait.ge [sflag:s18], $0x4F00  }
0x5c: {  	[sflag:s18] =	ssyncset.done $0x0  }
0x5d: {  	s8 =	simm.s32 $0x0;
	[sflag:s18] =	ssyncadd.s32 $0xFFFFB100  }
0x5e: {  	v4 =	vld [tilespmem:s8+$0x0]  }
0x5f: {  	v6 =	vld [tilespmem:s8+$0x10]  }
0x60: {  	v5 =	vld [tilespmem:s8+$0x20]  }
0x61: {  	v3 =	vld [tilespmem:s8+$0x30]  }
0x62: {  	v2 =	vld [tilespmem:s8+$0x40]  }
0x63: {  	v7 =	vadd.s32 v0, v4;
	v4 =	vld [tilespmem:s8+$0x50]  }
0x64: {  	s9 =	simm.s32 $0x200;
	[tilespmem:s8+$0x0] =	vst v7;
	v7 =	vadd.s32 v0, v6;
	v6 =	vld [tilespmem:s8+$0x60]  }
.LBB2_4:
0x65: {  	s14 =	sshra.s32 s9, $0x2;
	p0 =	sne.s32 s9, $0x13A00;
	[tilespmem:s8+$0x10] =	vst v7;
	v5 =	vadd.s32 v0, v5;
	v7 =	vld [tilespmem:s8+$0x70]  }
0x66: {  	v8 =	vld [tilespmem:s14+$0x0];
	[tilespmem:s8+$0x20] =	vst v5;
	v3 =	vadd.s32 v0, v3  }
0x67: {  	v9 =	vld [tilespmem:s14+$0x10];
	[tilespmem:s8+$0x30] =	vst v3;
	v2 =	vadd.s32 v0, v2  }
.Ltmp3:
0x68: {  	v5 =	vld [tilespmem:s14+$0x20];
	[tilespmem:s8+$0x40] =	vst v2;
	v2 =	vadd.s32 v0, v4;
	(pc) =	sbr.rel @p0 .LBB2_4-.Ltmp3, $4  }
0x69: {  	v3 =	vld [tilespmem:s14+$0x30];
	[tilespmem:s8+$0x50] =	vst v2;
	v4 =	vadd.s32 v0, v6  }
0x6a: {  	v2 =	vld [tilespmem:s14+$0x40];
	[tilespmem:s8+$0x60] =	vst v4;
	v6 =	vadd.s32 v0, v7  }
0x6b: {  	v7 =	vadd.s32 v0, v8;
	v4 =	vld [tilespmem:s14+$0x50];
	[tilespmem:s8+$0x70] =	vst v6;
	s8 =	smov.u32 s14  }
0x6c: {  	s9 =	sadd.s32 $0x200, s9;
	[tilespmem:s8+$0x0] =	vst v7;
	v7 =	vadd.s32 v0, v9;
	v6 =	vld [tilespmem:s8+$0x60]  }
0x6d: {  	[tilespmem:s8+$0x10] =	vst v7;
	v5 =	vadd.s32 v0, v5;
	v63 =	vld [tilespmem:s8+$0x70]  }
0x6e: {  	[tilespmem:s8+$0x20] =	vst v5;
	v3 =	vadd.s32 v0, v3  }
0x6f: {  	[tilespmem:s8+$0x30] =	vst v3;
	v2 =	vadd.s32 v0, v2  }
0x70: {  	[tilespmem:s8+$0x40] =	vst v2;
	v2 =	vadd.s32 v0, v4  }
0x71: {  	[tilespmem:s8+$0x50] =	vst v2;
	v2 =	vadd.s32 v0, v6  }
0x72: {  	[tilespmem:s8+$0x60] =	vst v2;
	v2 =	vadd.s32 v0, v63  }
0x73: {  	[tilespmem:s8+$0x70] =	vst v2  }
0x74: {  	s8 =	simm.s32 $0x0;
	[bflag:$0x0] =	sbarrier.arrive $0xFFFF  }
0x75: {  	[tilespmem:s15], [sflag:$0x1] =	stream.indirect.gather [hbm4b:s4+s19], $0x40, s8, s19, $0xb8;
	[tilespmem:$0x1FE00] =	vst v63  }
0x76: {  	_ = 	snop  }
0x77: {  	[tilespmem:s20], [sflag:$0x2] =	stream.indirect.gather [hbm4b:s4+s19], $0x40, s19, s19, $0xb8;
	[tilespmem:$0x1FE00] =	vst v63  }
0x78: {  	s9 =	simm.s32 $0x100  }
0x79: {  	[tilespmem:s22], [sflag:$0x3] =	stream.indirect.gather [hbm4b:s4+s19], $0x40, s9, s19, $0xb8;
	[tilespmem:$0x1FE00] =	vst v63  }
0x7a: {  	s9 =	simm.s32 $0x1  }
0x7b: {  	_ =	swait.ge [sflag:s9], $0x2000  }
0x7c: {  	[sflag:s9] =	ssyncset.done $0x0  }
0x7d: {  	[sflag:s9] =	ssyncadd.s32 $0xFFFFE000  }
0x7e: {  	[spmem:s2] =	stream.indirect.scatter.add.f32 [tilespmem:s15], [sflag:$0x7], $0x40, s10, s19, $0xb8;
	[tilespmem:$0x1FE00] =	vst v63  }
0x7f: {  	s14 =	simm.s32 $0x180  }
0x80: {  	[tilespmem:s24], [sflag:$0x4] =	stream.indirect.gather [hbm4b:s4+s19], $0x40, s14, s19, $0xb8;
	[tilespmem:$0x1FE00] =	vst v63  }
0x81: {  	_ =	swait.ge [sflag:s17], $0x2000  }
0x82: {  	[sflag:s17] =	ssyncset.done $0x0  }
0x83: {  	s11 =	simm.s32 $0x4F80;
	[sflag:s17] =	ssyncadd.s32 $0xFFFFE000  }
0x84: {  	[spmem:s2] =	stream.indirect.scatter.add.f32 [tilespmem:s20], [sflag:$0x8], $0x40, s11, s19, $0xb8;
	[tilespmem:$0x1FE00] =	vst v63  }
0x85: {  	s14 =	simm.s32 $0x200  }
0x86: {  	[tilespmem:s28], [sflag:$0x5] =	stream.indirect.gather [hbm4b:s4+s19], $0x40, s14, s19, $0xb8;
	[tilespmem:$0x1FE00] =	vst v63  }
0x87: {  	_ =	swait.ge [sflag:s18], $0x2000  }
0x88: {  	[sflag:s18] =	ssyncset.done $0x0  }
0x89: {  	s11 =	simm.s32 $0x5000;
	[sflag:s18] =	ssyncadd.s32 $0xFFFFE000  }
0x8a: {  	[spmem:s2] =	stream.indirect.scatter.add.f32 [tilespmem:s22], [sflag:$0x9], $0x40, s11, s19, $0xb8;
	[tilespmem:$0x1FE00] =	vst v63  }
0x8b: {  	s14 =	simm.s32 $0x280  }
0x8c: {  	[tilespmem:s31], [sflag:$0x6] =	stream.indirect.gather [hbm4b:s4+s19], $0x40, s14, s19, $0xb8;
	[tilespmem:$0x1FE00] =	vst v63  }
0x8d: {  	_ =	swait.ge [sflag:s0], $0x2000  }
0x8e: {  	[sflag:s0] =	ssyncset.done $0x0  }
0x8f: {  	s11 =	simm.s32 $0x5080;
	[sflag:s0] =	ssyncadd.s32 $0xFFFFE000  }
0x90: {  	[spmem:s2] =	stream.indirect.scatter.add.f32 [tilespmem:s24], [sflag:$0xA], $0x40, s11, s19, $0xb8;
	[tilespmem:$0x1FE00] =	vst v63  }
0x91: {  	_ =	swait.ge [sflag:s21], $0x2000  }
0x92: {  	[sflag:s21] =	ssyncset.done $0x0  }
0x93: {  	s14 =	simm.s32 $0x300;
	[sflag:s21] =	ssyncadd.s32 $0xFFFFE000  }
0x94: {  	[tilespmem:s15], [sflag:$0x1] =	stream.indirect.gather [hbm4b:s4+s19], $0x40, s14, s19, $0xb8;
	[tilespmem:$0x1FE00] =	vst v63  }
0x95: {  	_ =	swait.ge [sflag:s25], $0x2000  }
0x96: {  	[sflag:s25] =	ssyncset.done $0x0  }
0x97: {  	s11 =	simm.s32 $0x5100;
	[sflag:s25] =	ssyncadd.s32 $0xFFFFE000  }
0x98: {  	[spmem:s2] =	stream.indirect.scatter.add.f32 [tilespmem:s28], [sflag:$0xB], $0x40, s11, s19, $0xb8;
	[tilespmem:$0x1FE00] =	vst v63  }
0x99: {  	_ =	swait.ge [sflag:s29], $0x2000  }
0x9a: {  	[sflag:s29] =	ssyncset.done $0x0  }
0x9b: {  	s14 =	simm.s32 $0x380;
	[sflag:s29] =	ssyncadd.s32 $0xFFFFE000  }
0x9c: {  	[tilespmem:s20], [sflag:$0x2] =	stream.indirect.gather [hbm4b:s4+s19], $0x40, s14, s19, $0xb8;
	[tilespmem:$0x1FE00] =	vst v63  }
0x9d: {  	_ =	swait.ge [sflag:s1], $0x2000  }
0x9e: {  	[sflag:s1] =	ssyncset.done $0x0  }
0x9f: {  	s11 =	simm.s32 $0x5180;
	[sflag:s1] =	ssyncadd.s32 $0xFFFFE000  }
0xa0: {  	[spmem:s2] =	stream.indirect.scatter.add.f32 [tilespmem:s31], [sflag:$0xC], $0x40, s11, s19, $0xb8;
	[tilespmem:$0x1FE00] =	vst v63  }
0xa1: {  	_ =	swait.ge [sflag:s26], $0x2000  }
0xa2: {  	[sflag:s26] =	ssyncset.done $0x0  }
0xa3: {  	s14 =	simm.s32 $0x400;
	[sflag:s26] =	ssyncadd.s32 $0xFFFFE000  }
0xa4: {  	[tilespmem:s22], [sflag:$0x3] =	stream.indirect.gather [hbm4b:s4+s19], $0x40, s14, s19, $0xb8;
	[tilespmem:$0x1FE00] =	vst v63  }
.LBB2_6:
0xa5: {  	p0 =	sne.s32 s8, $0x12C00  }
.Ltmp4:
0xa6: {  	_ = 	snop;
	(pc) =	sbr.rel @!p0 .LBB2_7-.Ltmp4, $4  }
0xa7: {  	_ =	swait.ge [sflag:s16], $0x2000  }
0xa8: {  	s14 =	sshra.s32 s8, $0x2;
	[sflag:s16] =	ssyncset.done $0x0  }
0xa9: {  	s10 =	sadd.s32 $0x5200, s14;
	[sflag:s16] =	ssyncadd.s32 $0xFFFFE000  }
0xaa: {  	[spmem:s2] =	stream.indirect.scatter.add.f32 [tilespmem:s15], [sflag:$0x7], $0x40, s10, s19, $0xb8;
	[tilespmem:$0x1FE00] =	vst v63  }
0xab: {  	_ =	swait.ge [sflag:s23], $0x2000  }
0xac: {  	[sflag:s23] =	ssyncset.done $0x0  }
0xad: {  	s10 =	sadd.s32 $0x480, s14;
	[sflag:s23] =	ssyncadd.s32 $0xFFFFE000  }
0xae: {  	[tilespmem:s24], [sflag:$0x4] =	stream.indirect.gather [hbm4b:s4+s19], $0x40, s10, s19, $0xb8;
	[tilespmem:$0x1FE00] =	vst v63  }
0xaf: {  	_ =	swait.ge [sflag:s17], $0x2000  }
0xb0: {  	[sflag:s17] =	ssyncset.done $0x0  }
0xb1: {  	s11 =	sadd.s32 $0x5280, s14;
	[sflag:s17] =	ssyncadd.s32 $0xFFFFE000  }
0xb2: {  	[spmem:s2] =	stream.indirect.scatter.add.f32 [tilespmem:s20], [sflag:$0x8], $0x40, s11, s19, $0xb8;
	[tilespmem:$0x1FE00] =	vst v63  }
0xb3: {  	_ =	swait.ge [sflag:s30], $0x2000  }
0xb4: {  	[sflag:s30] =	ssyncset.done $0x0  }
0xb5: {  	s11 =	sadd.s32 $0x500, s14;
	[sflag:s30] =	ssyncadd.s32 $0xFFFFE000  }
0xb6: {  	[tilespmem:s28], [sflag:$0x5] =	stream.indirect.gather [hbm4b:s4+s19], $0x40, s11, s19, $0xb8;
	[tilespmem:$0x1FE00] =	vst v63  }
0xb7: {  	_ =	swait.ge [sflag:s18], $0x2000  }
0xb8: {  	[sflag:s18] =	ssyncset.done $0x0  }
0xb9: {  	s11 =	sadd.s32 $0x5300, s14;
	[sflag:s18] =	ssyncadd.s32 $0xFFFFE000  }
0xba: {  	[spmem:s2] =	stream.indirect.scatter.add.f32 [tilespmem:s22], [sflag:$0x9], $0x40, s11, s19, $0xb8;
	[tilespmem:$0x1FE00] =	vst v63  }
0xbb: {  	_ =	swait.ge [sflag:s3], $0x2000  }
0xbc: {  	[sflag:s3] =	ssyncset.done $0x0  }
0xbd: {  	s11 =	sadd.s32 $0x580, s14;
	[sflag:s3] =	ssyncadd.s32 $0xFFFFE000  }
0xbe: {  	[tilespmem:s31], [sflag:$0x6] =	stream.indirect.gather [hbm4b:s4+s19], $0x40, s11, s19, $0xb8;
	[tilespmem:$0x1FE00] =	vst v63  }
0xbf: {  	_ =	swait.ge [sflag:s0], $0x2000  }
0xc0: {  	[sflag:s0] =	ssyncset.done $0x0  }
0xc1: {  	s11 =	sadd.s32 $0x5380, s14;
	[sflag:s0] =	ssyncadd.s32 $0xFFFFE000  }
0xc2: {  	[spmem:s2] =	stream.indirect.scatter.add.f32 [tilespmem:s24], [sflag:$0xA], $0x40, s11, s19, $0xb8;
	[tilespmem:$0x1FE00] =	vst v63  }
0xc3: {  	_ =	swait.ge [sflag:s21], $0x2000  }
0xc4: {  	[sflag:s21] =	ssyncset.done $0x0  }
0xc5: {  	s11 =	sadd.s32 $0x600, s14;
	[sflag:s21] =	ssyncadd.s32 $0xFFFFE000  }
0xc6: {  	[tilespmem:s15], [sflag:$0x1] =	stream.indirect.gather [hbm4b:s4+s19], $0x40, s11, s19, $0xb8;
	[tilespmem:$0x1FE00] =	vst v63  }
0xc7: {  	_ =	swait.ge [sflag:s25], $0x2000  }
0xc8: {  	[sflag:s25] =	ssyncset.done $0x0  }
0xc9: {  	s11 =	sadd.s32 $0x5400, s14;
	[sflag:s25] =	ssyncadd.s32 $0xFFFFE000  }
0xca: {  	[spmem:s2] =	stream.indirect.scatter.add.f32 [tilespmem:s28], [sflag:$0xB], $0x40, s11, s19, $0xb8;
	[tilespmem:$0x1FE00] =	vst v63  }
0xcb: {  	_ =	swait.ge [sflag:s29], $0x2000  }
0xcc: {  	[sflag:s29] =	ssyncset.done $0x0  }
0xcd: {  	s11 =	sadd.s32 $0x680, s14;
	[sflag:s29] =	ssyncadd.s32 $0xFFFFE000  }
0xce: {  	[tilespmem:s20], [sflag:$0x2] =	stream.indirect.gather [hbm4b:s4+s19], $0x40, s11, s19, $0xb8;
	[tilespmem:$0x1FE00] =	vst v63  }
0xcf: {  	_ =	swait.ge [sflag:s1], $0x2000  }
0xd0: {  	p0 =	sgt.u32 s9, $0x18;
	[sflag:s1] =	ssyncset.done $0x0  }
0xd1: {  	s10 =	simm.s32 @!p0 $0x9;
	s14 =	sadd.s32 $0x5480, s14;
	[sflag:s1] =	ssyncadd.s32 $0xFFFFE000  }
0xd2: {  	[spmem:s2] =	stream.indirect.scatter.add.f32 [tilespmem:s31], [sflag:$0xC], $0x40, s14, s19, $0xb8;
	[tilespmem:$0x1FE00] =	vst v63  }
0xd3: {  	_ =	swait.ge @!p0 [sflag:s10], $0x2000  }
0xd4: {  	[sflag:s10] =	ssyncset.done @!p0 $0x0  }
0xd5: {  	s11 =	simm.s32 @!p0 $0xDE00;
	[sflag:s10] =	ssyncadd.s32 @!p0 $0xFFFFE000;
	s10 =	sshra.s32 @!p0 s8, $0x2  }
0xd6: {  	s14 =	simm.s32 @!p0 $0x80;
	s8 =	sadd.s32 $0xC00, s8;
	s10 =	sadd.s32 @!p0 $0x700, s10  }
0xd7: {  	[tilespmem:s11], [sflag:$0x3] =	stream.indirect.gather @!p0 [hbm4b:s4+s14], $0x40, s10, s14, $0xb8;
	[tilespmem:$0x1FE00] =	vst v63  }
0xd8: {  	p0 =	sne.s32 s8, $0x13800  }
.Ltmp5:
0xd9: {  	_ = 	snop;
	(pc) =	sbr.rel @p0 .LBB2_6-.Ltmp5, $4  }
.Ltmp6:
0xda: {  	_ = 	snop;
	(pc) =	sbr.rel @!p0 .LBB2_9-.Ltmp6, $4  }
0xdb: {  	_ = 	snop  }
0xdc: {  	_ = 	snop  }
0xdd: {  	s9 =	sadd.s32 $0x1, s9  }
0xde: {  	_ = 	snop  }
.LBB2_10:
0xdf: {  	_ =	sfence.sel $0x180000  }
0xe0: {  	[bflag:$0x0] =	sbarrier.arrive $0xFFFF  }
0xe1: {  	_ =	strace $0x9000004D  }
0xe2: {  	s0 =	stileid.u32;
	[bflag:$0x2] =	sbarrier.arrive $0xFFFF  }
0xe3: {  	p0 =	sne.s32 s0, $0x0;
	s0 =	rddreg [dreg:$0x2]  }
0xe4: {  	s0 =	sadd.s32 @!p0 $0x100000, s0  }
0xe5: {  	[sflag:s0] =	ssyncadd.tile.s32 @!p0 $0x1;
	_ =	shalt  }
.Lfunc_end2:
_tile_overlayer_lowered:
.L_overlay_start_2:
0xe6: {  	(tag) =	ssettag $0x2  }
0xe7: {  	s0 =	rddreg [dreg:$0x0];
	s2 =	stileid.u32  }
0xe8: {  	s1 =	rddreg [dreg:$0x1];
	p0 =	sne.s32 s2, $0x0  }
0xe9: {  	s3 =	rddreg [dreg:$0x2];
	[bflag:$0x3] =	sbarrier.arrive $0xFFFF;
	s2 =	simm.s32 @!p0 $0x1C0D  }
0xea: {  	[timem:s3], [sflag:s2] =	dma.local @!p0 [hbm:s0], s1  }
0xeb: {  	s0 =	simm.s32 @!p0 $0xD  }
0xec: {  	_ =	swait.ge @!p0 [sflag:s0], s1  }
0xed: {  	s1 =	ssub.s32 @!p0 $0x0, s1;
	[sflag:s0] =	ssyncset.done @!p0 $0x0  }
0xee: {  	[sflag:s0] =	ssyncadd.s32 @!p0 s1  }
0xef: {  	[bflag:$0x3] =	sbarrier.arrive $0xFFFF  }
0xf0: {  	_ =	shalt  }

// kernel: kernel.19.cloned.1.call-start
scs
__scs_entry_jumppad:
0x0: {  	(pc) =	sbr.rel $0x88, $3  }
0x1: {  	(tag) =	ssettag $0x0;
	lr =	simm.s32 $0x1  }
0x2: {  	[smem:$0x3F99] =	sst lr;
	_ =	strace $0xD0000000  }
0x3: {  	_ = 	snop  }
0x4: {  	_ = 	snop  }
0x5: {  	_ = 	snop  }
0x6: {  	_ = 	snop  }
0x7: {  	_ = 	snop  }
__scs_overlays_trampoline_lowered:
0x8: {  	[smem:$0x3FA8] =	sst s0  }
0x9: {  	[smem:$0x3FA9] =	sst s1  }
0xa: {  	[smem:$0x3FAA] =	sst s2  }
0xb: {  	[smem:$0x3FAB] =	sst s3  }
0xc: {  	[smem:$0x3FAC] =	sst s4  }
0xd: {  	[smem:$0x3FAD] =	sst s5  }
0xe: {  	[smem:$0x3FAE] =	sst s6  }
0xf: {  	[smem:$0x3FAF] =	sst s7  }
0x10: {  	[smem:$0x3FB0] =	sst s8  }
0x11: {  	[smem:$0x3FB1] =	sst s9;
	s0 =	simm.s32 @!p0 $0x0  }
0x12: {  	s1 =	sld [smem:$0x3F97];
	s0 =	simm.s32 @p0 $0x1  }
0x13: {  	[smem:$0x3FB2] =	sst s0;
	s0 =	simm.s32 @!p1 $0x0  }
0x14: {  	s2 =	sld [smem:$0x3F96];
	s0 =	simm.s32 @p1 $0x1  }
0x15: {  	[smem:$0x3FB3] =	sst s0;
	s0 =	simm.s32 @!p2 $0x0  }
0x16: {  	s3 =	sld [smem:$0x3FDB];
	s0 =	simm.s32 @p2 $0x1  }
0x17: {  	s4 =	simm.s32 $0x1BF5;
	[smem:$0x3FB5] =	sst s0  }
0x18: {  	s0 =	sld [smem:$0x3F98];
	_ =	swait.ge [sflag:s4], $0x0  }
0x19: {  	s7 =	sld [smem:$0x3F99]  }
0x1a: {  	s8 =	sadd.s32 $0xFFFFE003, lr  }
0x1b: {  	s9 =	sadd.s32 $0xFFFFFEF7, lr;
	s5 =	simm.s32 $0xFFFFFFFF;
	p2 =	slt.u32 s8, $0xFFFFF086  }
0x1c: {  	p1 =	slt.u32 s9, $0xF7A;
	s5 =	simm.s32 @!p2 $0x0  }
0x1d: {  	s5 =	simm.s32 @p1 $0x1;
	p0 =	seq.s32 s7, s2  }
0x1e: {  	s7 =	smul.u32 @!p0 $0xF7A, s2;
	p2 =	seq.s32 @!p0 s5, $0x0  }
0x1f: {  	s9 =	smul.u32 $0xF7A, s1;
	s8 =	simm.s32 @!p0 $0x1BF5;
	p2 =	por !p2, p0  }
0x20: {  	[sflag:s8] =	ssyncset.s32 @!p0 $0xFFFFF086;
	s6 =	sadd.s32 @!p0 s3, s7;
	s7 =	simm.s32 @!p0 $0x108  }
0x21: {  	s3 =	sadd.s32 s3, s9;
	s6 =	sadd.s32 @!p0 $0x88, s6;
	s7 =	simm.s32 @p2 $0x1082  }
0x22: {  	[simem:s7], [sflag:s8] =	dma.local @!p0 [hbm:s6], $0xF7A  }
0x23: {  	s9 =	sor.u32 $0xD0000000, s2;
	s6 =	simm.s32 $0x108;
	_ =	swait.ge @!p0 [sflag:s8], $0x0  }
0x24: {  	s3 =	sadd.s32 $0x88, s3;
	s6 =	simm.s32 @!p1 $0x1082;
	[sflag:s4] =	ssyncset.s32 $0xFFFFF086  }
0x25: {  	[simem:s6], [sflag:s4] =	dma.local [hbm:s3], $0xF7A  }
0x26: {  	[smem:$0x3F99] =	sst s1;
	(tag) =	ssettag s2;
	_ =	strace s9  }
0x27: {  	s1 =	sld [smem:$0x3FA9]  }
0x28: {  	s2 =	sld [smem:$0x3FAA]  }
0x29: {  	s4 =	sld [smem:$0x3FAC]  }
0x2a: {  	p0 =	seq.s32 s5, $0x0;
	s5 =	sld [smem:$0x3FAD]  }
0x2b: {  	s6 =	sld [smem:$0x3FAE]  }
0x2c: {  	s7 =	sld [smem:$0x3FAF]  }
0x2d: {  	s3 =	simm.s32 $0x108;
	s8 =	sld [smem:$0x3FB0]  }
0x2e: {  	s3 =	simm.s32 @!p0 $0x1082;
	s9 =	sld [smem:$0x3FB1]  }
0x2f: {  	lr =	sadd.s32 s0, s3;
	s0 =	sld [smem:$0x3FA8]  }
0x30: {  	s3 =	sld [smem:$0x3FAB]  }
0x31: {  	[smem:$0x3FB4] =	sst s10  }
0x32: {  	s10 =	sld [smem:$0x3FB2];
	_ =	sdelay $0x3  }
0x33: {  	p0 =	seq.s32 s10, $0x1;
	s10 =	sld [smem:$0x3FB4];
	_ =	sdelay $0x3  }
0x34: {  	[smem:$0x3FB4] =	sst s10  }
0x35: {  	s10 =	sld [smem:$0x3FB3];
	_ =	sdelay $0x3  }
0x36: {  	p1 =	seq.s32 s10, $0x1;
	s10 =	sld [smem:$0x3FB4];
	_ =	sdelay $0x3  }
0x37: {  	[smem:$0x3FB4] =	sst s10  }
0x38: {  	s10 =	sld [smem:$0x3FB5]  }
0x39: {  	_ = 	snop;
	(pc) =	sbr.ind lr, $3  }
0x3a: {  	_ = 	snop  }
0x3b: {  	_ = 	snop  }
0x3c: {  	p2 =	seq.s32 s10, $0x1;
	s10 =	sld [smem:$0x3FB4]  }
0x3d: {  	_ =	shalt  }
0x3e: {  	_ =	shalt  }
0x3f: {  	_ =	shalt  }
0x40: {  	_ =	shalt  }
0x41: {  	_ =	shalt  }
0x42: {  	_ =	shalt  }
0x43: {  	_ =	shalt  }
0x44: {  	_ =	shalt  }
0x45: {  	_ =	shalt  }
0x46: {  	_ =	shalt  }
0x47: {  	_ =	shalt  }
0x48: {  	_ =	shalt  }
0x49: {  	_ =	shalt  }
0x4a: {  	_ =	shalt  }
0x4b: {  	_ =	shalt  }
0x4c: {  	_ =	shalt  }
0x4d: {  	_ =	shalt  }
0x4e: {  	_ =	shalt  }
0x4f: {  	_ =	shalt  }
0x50: {  	_ =	shalt  }
0x51: {  	_ =	shalt  }
0x52: {  	_ =	shalt  }
0x53: {  	_ =	shalt  }
0x54: {  	_ =	shalt  }
0x55: {  	_ =	shalt  }
0x56: {  	_ =	shalt  }
0x57: {  	_ =	shalt  }
0x58: {  	_ =	shalt  }
0x59: {  	_ =	shalt  }
0x5a: {  	_ =	shalt  }
0x5b: {  	_ =	shalt  }
0x5c: {  	_ =	shalt  }
0x5d: {  	_ =	shalt  }
0x5e: {  	_ =	shalt  }
0x5f: {  	_ =	shalt  }
0x60: {  	_ =	shalt  }
0x61: {  	_ =	shalt  }
0x62: {  	_ =	shalt  }
0x63: {  	_ =	shalt  }
0x64: {  	_ =	shalt  }
0x65: {  	_ =	shalt  }
0x66: {  	_ =	shalt  }
0x67: {  	_ =	shalt  }
0x68: {  	_ =	shalt  }
0x69: {  	_ =	shalt  }
0x6a: {  	_ =	shalt  }
0x6b: {  	_ =	shalt  }
0x6c: {  	_ =	shalt  }
0x6d: {  	_ =	shalt  }
0x6e: {  	_ =	shalt  }
0x6f: {  	_ =	shalt  }
0x70: {  	_ =	shalt  }
0x71: {  	_ =	shalt  }
0x72: {  	_ =	shalt  }
0x73: {  	_ =	shalt  }
0x74: {  	_ =	shalt  }
0x75: {  	_ =	shalt  }
0x76: {  	_ =	shalt  }
0x77: {  	_ =	shalt  }
0x78: {  	_ =	shalt  }
0x79: {  	_ =	shalt  }
0x7a: {  	_ =	shalt  }
0x7b: {  	_ =	shalt  }
0x7c: {  	_ =	shalt  }
0x7d: {  	_ =	shalt  }
0x7e: {  	_ =	shalt  }
0x7f: {  	_ =	shalt  }
0x80: {  	_ =	shalt  }
0x81: {  	_ =	shalt  }
0x82: {  	_ =	shalt  }
0x83: {  	_ =	shalt  }
0x84: {  	_ =	shalt  }
0x85: {  	_ =	shalt  }
0x86: {  	_ =	shalt  }
0x87: {  	_ =	shalt  }
.Lfunc_end0:
.L_simem_size_0:
called_computation.3_lowered:
.L_overlay_start_0:
0x88: {  	s2 =	sld [smem:$0x3FD9]  }
0x89: {  	s3 =	sld [smem:$0x3FFE];
	_ =	sdelay $0x1  }
0x8a: {  	s1 =	srdreg.scid  }
0x8b: {  	s0 =	sand.u32 $0x1, s1  }
0x8c: {  	s16 =	sshll.u32 s0, $0xA;
	s2 =	sadd.s32 s3, s2  }
0x8d: {  	s2 =	sadd.s32 s2, s16  }
0x8e: {  	[smem:$0x3FC0] =	sst s2  }
0x8f: {  	_ = 	snop  }
0x90: {  	(tm) =	ssettm $0x1  }
0x91: {  	s17 =	sld [smem:$0x3FFB];
	_ =	sdelay $0x3  }
0x92: {  	_ =	strace s17  }
0x93: {  	s2 =	sld [smem:$0x3FFC];
	_ =	sdelay $0x3  }
0x94: {  	_ =	strace s2  }
0x95: {  	s2 =	sld [smem:$0x3FFD];
	_ =	sdelay $0x3  }
0x96: {  	_ =	strace s2  }
0x97: {  	_ =	strace $0x8FFFFFFF  }
0x98: {  	s18 =	sld [smem:$0x3FDB];
	_ =	sdelay $0x1  }
0x99: {  	s19 =	simm.s32 $_scs_section_size  }
0x9a: {  	s4 =	simm.s32 $_size__tile_overlayer_lowered;
	s5 =	simm.s32 $_tile_overlayer_lowered  }
0x9b: {  	s22 =	simm.s32 $0x1BFF;
	s21 =	sshll.u32 s5, $0x1;
	s2 =	sadd.s32 s19, s18  }
0x9c: {  	s6 =	simm.s32 $0x0;
	s20 =	sshll.u32 s4, $0x1;
	s4 =	sadd.s32 s21, s2  }
0x9d: {  	[timem:s6], [sflag:s22] =	dma.local [hbm:s4], s20  }
0x9e: {  	_ =	swait.ge [sflag:s22], s20  }
0x9f: {  	s3 =	ssub.s32 $0x0, s20;
	[sflag:s22] =	ssyncset.done $0x0  }
0xa0: {  	[sflag:s22] =	ssyncadd.s32 s3;
	_ =	sdelay $0x1  }
0xa1: {  	s23 =	simm.s32 $0x1B8B  }
0xa2: {  	_ =	swait.ge [sflag:s23], $0x1  }
0xa3: {  	[sflag:s23] =	ssyncset.done $0x0  }
0xa4: {  	s25 =	simm.s32 $0x1B8E;
	s24 =	sld [smem:$0x3FFE];
	[sflag:s23] =	ssyncadd.s32 $0xFFFFFFFF  }
0xa5: {  	s26 =	simm.s32 $execute0_lowered;
	[smem:$0x3FD2] =	sst s25  }
0xa6: {  	s4 =	sshll.u32 s26, $0x1;
	_ =	strace $0x8000004F;
	[dreg:$0x1] =	wrdreg $0xFFFFFFFF  }
0xa7: {  	s28 =	simm.s32 $_size_execute0_lowered;
	s2 =	sadd.s32 s2, s4;
	[dreg:$0x0] =	wrdreg $0x0  }
0xa8: {  	s4 =	sshll.u32 s28, $0x1;
	[dreg:$0x2] =	wrdreg s2  }
0xa9: {  	[dreg:$0x3] =	wrdreg s4  }
0xaa: {  	[dreg:$0x4] =	wrdreg $0xC0  }
0xab: {  	_ =	task [dreg:s6], $0x5FFFF  }
0xac: {  	[dreg:$0x1] =	wrdreg $0xFFFFFFFF  }
0xad: {  	[dreg:$0x0] =	wrdreg $0x60  }
0xae: {  	[dreg:$0x2] =	wrdreg s24  }
0xaf: {  	[dreg:$0x3] =	wrdreg $0x10F000  }
0xb0: {  	[dreg:$0x4] =	wrdreg $0x9  }
0xb1: {  	_ =	task.clear_ibuf [dreg:s6], $0x5FFFF;
	_ =	strace $0x9000004F  }
0xb2: {  	s29 =	simm.s32 $0x9;
	_ =	strace $0x80000051  }
0xb3: {  	_ =	swait.ge [sflag:s29], $0x1  }
0xb4: {  	[sflag:s29] =	ssyncadd.s32 $0xFFFFFFFF  }
0xb5: {  	_ =	strace $0x90000051  }
0xb6: {  	_ =	sfence  }
0xb7: {  	s30 =	sld [smem:$0x0];
	_ =	sdelay $0x2  }
0xb8: {  	s31 =	sshll.u32 s1, $0xD;
	s1 =	sshrl.u32 s1, $0x2  }
0xb9: {  	s3 =	sand.u32 $0x4000, s31;
	s1 =	sadd.s32 s1, s30  }
0xba: {  	s0 =	sor.u32 s3, s0;
	s1 =	sshll.u32 s1, $0x11  }
0xbb: {  	s0 =	sor.u32 s1, s0  }
0xbc: {  	s0 =	sadd.s32 $0x8F2B, s0  }
0xbd: {  	[sflag:s0] =	ssyncadd.remote.s32 $0x1  }
0xbe: {  	_ =	sfence.sel $0xFFFF  }
0xbf: {  	[dreg:$0x0] =	wrdreg $0xFFFFFFFF;
	(pc) =	sbr.abs _section_cstart, $3  }
0xc0: {  	[dreg:$0x1] =	wrdreg $0xFFFFFFFF  }
0xc1: {  	_ =	task.clear_ibuf [dreg:s6], $0x2FFFF;
	_ =	strace $0x9FFFFFFF  }
0xc2: {  	(tm) =	ssettm $0x7FFFFFFF  }
0xc3: {  	_ =	shalt  }
tec
execute0_lowered:
.L_overlay_start_1:
0x0: {  	(tag) =	ssettag $0x1  }
0x1: {  	s0 =	rddreg [dreg:$0x0]  }
0x2: {  	s2 =	rddreg [dreg:$0x1];
	s4 =	simm.s32 $0x0  }
0x3: {  	s1 =	srdreg.scid;
	s7 =	stileid.u32;
	s15 =	simm.s32 $0x4F00  }
0x4: {  	s16 =	simm.s32 $0x2;
	s17 =	simm.s32 $0x3;
	s18 =	simm.s32 $0x80  }
0x5: {  	s19 =	simm.s32 $0x6F00;
	s28 =	simm.s32 $0x4;
	s29 =	simm.s32 $0x7  }
0x6: {  	s30 =	simm.s32 $0x5;
	s31 =	simm.s32 $0x8;
	s14 =	simm.s32 $0xB  }
0x7: {  	s1 =	sand.u32 $0x1, s1;
	s3 =	sshll.u32 s7, $0x1;
	s5 =	smul.u32 $0xA000, s7  }
0x8: {  	[smem:$0x7FF] =	sst s4;
	s4 =	sadd.s32 $0x16000, s0;
	s7 =	smul.u32 $0x28000, s7  }
0x9: {  	s3 =	sor.u32 s1, s3;
	s6 =	smul.u32 $0xA0000, s1;
	s1 =	ssub.s32 $0x2, s1  }
0xa: {  	_ =	strace $0x80000050;
	s3 =	smul.u32 $0x4F0, s3;
	s8 =	sshrl.u32 s1, $0x1  }
0xb: {  	s20 =	sshrl.u32 s7, $0x2;
	s7 =	sadd.s32 s5, s2;
	s6 =	sadd.s32 s5, s6  }
0xc: {  	s1 =	ssub.s32 s1, s8;
	s22 =	sadd.s32 s20, s2;
	s20 =	simm.s32 $0xC  }
0xd: {  	s5 =	simm.s32 $0x0;
	s3 =	sadd.s32 s3, s0;
	s23 =	sadd.s32 $0x2000, s22  }
0xe: {  	s6 =	sshrl.u32 s6, $0x3;
	s24 =	sadd.s32 $0x4000, s22;
	[dreg:$0x5] =	wrdreg s23  }
0xf: {  	s25 =	sadd.s32 $0x6000, s22;
	s26 =	smax.u32 s1, $0x1;
	[dreg:$0x6] =	wrdreg s24  }
0x10: {  	s1 =	simm.s32 $0xA;
	s0 =	sadd.s32 s6, s0;
	[dreg:$0x7] =	wrdreg s25  }
0x11: {  	s21 =	sadd.s32 $0xC200, s3;
	s3 =	sadd.s32 $0x2400, s3;
	[dreg:$0xa] =	wrdreg s26  }
.Ltmp0:
0x12: {  	s23 =	simm.s32 $0xAF00;
	s24 =	simm.s32 $0x2800;
	(pc) =	sbr.rel .LBB2_1-.Ltmp0, $4  }
0x13: {  	s25 =	simm.s32 $0xCF00;
	s26 =	simm.s32 $0xEF00;
	[dreg:$0x3] =	wrdreg s21  }
0x14: {  	[dreg:$0x4] =	wrdreg s3;
	s3 =	sadd.s32 $0x8000, s22;
	s0 =	sadd.s32 $0x2A000, s0  }
0x15: {  	s21 =	simm.s32 $0x8F00;
	s22 =	simm.s32 $0x1;
	[dreg:$0x8] =	wrdreg s3  }
0x16: {  	v0 =	vimm.f32 $0.0e+00;
	[dreg:$0x9] =	wrdreg s0;
	s0 =	simm.s32 $0x9;
	s3 =	simm.s32 $0xD  }
.LBB2_10:
0x17: {  	_ =	swait.ge [sflag:s29], $0x2000  }
0x18: {  	[sflag:s29] =	ssyncset.done $0x0  }
0x19: {  	[sflag:s29] =	ssyncadd.s32 $0xFFFFE000  }
0x1a: {  	_ =	swait.ge [sflag:s31], $0x2000  }
0x1b: {  	[sflag:s31] =	ssyncset.done $0x0  }
0x1c: {  	[sflag:s31] =	ssyncadd.s32 $0xFFFFE000  }
0x1d: {  	_ =	swait.ge [sflag:s0], $0x2000  }
0x1e: {  	[sflag:s0] =	ssyncset.done $0x0  }
0x1f: {  	[sflag:s0] =	ssyncadd.s32 $0xFFFFE000  }
0x20: {  	_ =	swait.ge [sflag:s1], $0x2000  }
0x21: {  	[sflag:s1] =	ssyncset.done $0x0  }
0x22: {  	[sflag:s1] =	ssyncadd.s32 $0xFFFFE000  }
0x23: {  	_ =	swait.ge [sflag:s14], $0x2000  }
0x24: {  	[sflag:s14] =	ssyncset.done $0x0  }
0x25: {  	[sflag:s14] =	ssyncadd.s32 $0xFFFFE000  }
0x26: {  	_ =	swait.ge [sflag:s20], $0x2000  }
0x27: {  	[sflag:s20] =	ssyncset.done $0x0  }
0x28: {  	s6 =	stileid.u32;
	[sflag:s20] =	ssyncadd.s32 $0xFFFFE000  }
0x29: {  	s6 =	sshll.u32 s6, $0x6;
	[bflag:$0x0] =	sbarrier.arrive $0xFFFF  }
0x2a: {  	s8 =	sshrl.u32 s7, $0x3;
	s6 =	sor.u32 $0x1C0D, s6;
	s9 =	rddreg [dreg:$0x9]  }
0x2b: {  	[hbm:s9], [sflag:s6] =	dma.local [spmem:s8], $0x1400  }
0x2c: {  	_ =	swait.ge [sflag:s3], $0x1400  }
0x2d: {  	s5 =	sadd.s32 $0x1, s5;
	s13 =	rddreg [dreg:$0xa]  }
0x2e: {  	p0 =	sne.s32 s5, s13  }
.Ltmp1:
0x2f: {  	_ = 	snop;
	(pc) =	sbr.rel @!p0 .LBB2_11-.Ltmp1, $3  }
0x30: {  	_ =	sdelay $0x1  }
0x31: {  	[sflag:s3] =	ssyncset.done $0x0  }
0x32: {  	[sflag:s3] =	ssyncadd.s32 $0xFFFFEC00  }
.LBB2_1:
0x33: {  	s6 =	simm.s32 $0x0;
	s8 =	rddreg [dreg:$0x3]  }
0x34: {  	[tilespmem:s6], [sflag:$0x2] =	stream.linear.gather [hbm4b:s8+s6], $0x2780, $0x38;
	[tilespmem:$0x1AF00] =	vst v63  }
0x35: {  	s13 =	rddreg [dreg:$0x4];
	s9 =	simm.s32 $0x2780  }
0x36: {  	[tilespmem:s9], [sflag:$0x3] =	stream.linear.gather [hbm4b:s13+s6], $0x2780, $0x38;
	[tilespmem:$0x1AF00] =	vst v63  }
0x37: {  	s8 =	simm.s32 $0x100;
	s6 =	simm.s32 $0x0  }
.LBB2_2:
0x38: {  	p0 =	sne.s32 s8, $0x7F00;
	[tilespmem:s6+$0x4F30] =	vst v0;
	s9 =	smov.u32 s8;
	s8 =	sadd.s32 $0x100, s8  }
.Ltmp2:
0x39: {  	[tilespmem:s6+$0x4F20] =	vst v0;
	(pc) =	sbr.rel @p0 .LBB2_2-.Ltmp2, $3  }
0x3a: {  	[tilespmem:s6+$0x4F00] =	vst v0  }
0x3b: {  	[tilespmem:s6+$0x4F10] =	vst v0;
	_ =	sdelay $0x1  }
0x3c: {  	s6 =	sshra.s32 s9, $0x2  }
0x3d: {  	[tilespmem:s6+$0x4F30] =	vst v0  }
0x3e: {  	[tilespmem:s6+$0x4F20] =	vst v0  }
0x3f: {  	[tilespmem:s6+$0x4F00] =	vst v0  }
0x40: {  	[tilespmem:s6+$0x4F10] =	vst v0  }
0x41: {  	[spmem:s7] =	stream.linear.scatter [tilespmem:s15], [sflag:$0x1], $0x2000, $0x38;
	[tilespmem:$0x1AF00] =	vst v63  }
0x42: {  	s10 =	rddreg [dreg:$0x5]  }
0x43: {  	[spmem:s10] =	stream.linear.scatter [tilespmem:s15], [sflag:$0x1], $0x2000, $0x38;
	[tilespmem:$0x1AF00] =	vst v63  }
0x44: {  	s11 =	rddreg [dreg:$0x6]  }
0x45: {  	[spmem:s11] =	stream.linear.scatter [tilespmem:s15], [sflag:$0x1], $0x2000, $0x38;
	[tilespmem:$0x1AF00] =	vst v63  }
0x46: {  	s12 =	rddreg [dreg:$0x7]  }
0x47: {  	[spmem:s12] =	stream.linear.scatter [tilespmem:s15], [sflag:$0x1], $0x2000, $0x38;
	[tilespmem:$0x1AF00] =	vst v63  }
0x48: {  	s13 =	rddreg [dreg:$0x8];
	s6 =	simm.s32 $0x1  }
0x49: {  	[spmem:s13] =	stream.linear.scatter [tilespmem:s15], [sflag:$0x1], $0x2000, $0x38;
	[tilespmem:$0x1AF00] =	vst v63  }
0x4a: {  	_ =	swait.ge [sflag:s6], $0x2000  }
0x4b: {  	[sflag:s6] =	ssyncset.done $0x0  }
0x4c: {  	[sflag:s6] =	ssyncadd.s32 $0xFFFFE000  }
0x4d: {  	_ =	swait.ge [sflag:s6], $0x2000  }
0x4e: {  	[sflag:s6] =	ssyncset.done $0x0  }
0x4f: {  	[sflag:s6] =	ssyncadd.s32 $0xFFFFE000  }
0x50: {  	_ =	swait.ge [sflag:s6], $0x2000  }
0x51: {  	[sflag:s6] =	ssyncset.done $0x0  }
0x52: {  	[sflag:s6] =	ssyncadd.s32 $0xFFFFE000  }
0x53: {  	_ =	swait.ge [sflag:s6], $0x2000  }
0x54: {  	[sflag:s6] =	ssyncset.done $0x0  }
0x55: {  	[sflag:s6] =	ssyncadd.s32 $0xFFFFE000  }
0x56: {  	_ =	swait.ge [sflag:s6], $0x2000  }
0x57: {  	[sflag:s6] =	ssyncset.done $0x0  }
0x58: {  	[sflag:s6] =	ssyncadd.s32 $0xFFFFE000  }
0x59: {  	_ =	swait.ge [sflag:s16], $0x2780  }
0x5a: {  	[sflag:s16] =	ssyncset.done $0x0  }
0x5b: {  	[sflag:s16] =	ssyncadd.s32 $0xFFFFD880  }
0x5c: {  	_ =	swait.ge [sflag:s17], $0x2780  }
0x5d: {  	[sflag:s17] =	ssyncset.done $0x0  }
0x5e: {  	[sflag:s17] =	ssyncadd.s32 $0xFFFFD880  }
0x5f: {  	s8 =	simm.s32 $0x0;
	[bflag:$0x0] =	sbarrier.arrive $0xFFFF  }
0x60: {  	[tilespmem:s15], [sflag:$0x1] =	stream.indirect.gather [hbm4b:s4+s18], $0x40, s8, s18, $0xb8;
	[tilespmem:$0x1AF00] =	vst v63  }
.Ltmp3:
0x61: {  	_ = 	snop;
	(pc) =	sbr.rel .LBB2_4-.Ltmp3, $4  }
0x62: {  	[tilespmem:s19], [sflag:$0x2] =	stream.indirect.gather [hbm4b:s4+s18], $0x40, s18, s18, $0xb8;
	[tilespmem:$0x1AF00] =	vst v63  }
0x63: {  	s9 =	simm.s32 $0x100  }
0x64: {  	[tilespmem:s21], [sflag:$0x3] =	stream.indirect.gather [hbm4b:s4+s18], $0x40, s9, s18, $0xb8;
	[tilespmem:$0x1AF00] =	vst v63  }
0x65: {  	s9 =	simm.s32 $0x0  }
.LBB2_12:
0x66: {  	s11 =	sadd.s32 $0x180, s10  }
0x67: {  	[tilespmem:s23], [sflag:$0x4] =	stream.indirect.gather [hbm4b:s4+s18], $0x40, s11, s18, $0xb8;
	[tilespmem:$0x1AF00] =	vst v63  }
0x68: {  	_ =	swait.ge [sflag:s16], $0x2000  }
0x69: {  	[sflag:s16] =	ssyncset.done $0x0  }
0x6a: {  	[sflag:s16] =	ssyncadd.s32 $0xFFFFE000  }
0x6b: {  	[spmem:s2] =	stream.indirect.scatter.add.f32 [tilespmem:s19], [sflag:$0x8], $0x40, s24, s18, $0xb8;
	[tilespmem:$0x1AF00] =	vst v63  }
.LBB2_8:
0x6c: {  	s11 =	sadd.s32 $0x200, s10  }
0x6d: {  	[tilespmem:s25], [sflag:$0x5] =	stream.indirect.gather [hbm4b:s4+s18], $0x40, s11, s18, $0xb8;
	[tilespmem:$0x1AF00] =	vst v63  }
0x6e: {  	_ =	swait.ge [sflag:s17], $0x2000  }
0x6f: {  	p0 =	seq.s32 s8, $0x0;
	[sflag:s17] =	ssyncset.done $0x0  }
0x70: {  	s13 =	sadd.s32 $0x2880, s10;
	s11 =	simm.s32 @!p0 $0xC;
	[sflag:s17] =	ssyncadd.s32 $0xFFFFE000  }
0x71: {  	[spmem:s2] =	stream.indirect.scatter.add.f32 [tilespmem:s21], [sflag:$0x9], $0x40, s13, s18, $0xb8;
	[tilespmem:$0x1AF00] =	vst v63  }
0x72: {  	_ =	swait.ge @!p0 [sflag:s11], $0x2000  }
0x73: {  	[sflag:s11] =	ssyncset.done @!p0 $0x0  }
0x74: {  	s12 =	sadd.s32 $0x280, s10;
	[sflag:s11] =	ssyncadd.s32 @!p0 $0xFFFFE000  }
0x75: {  	[tilespmem:s26], [sflag:$0x6] =	stream.indirect.gather [hbm4b:s4+s18], $0x40, s12, s18, $0xb8;
	[tilespmem:$0x1AF00] =	vst v63  }
0x76: {  	_ =	swait.ge [sflag:s28], $0x2000  }
0x77: {  	[sflag:s28] =	ssyncset.done $0x0  }
0x78: {  	s13 =	sadd.s32 $0x2900, s10;
	[sflag:s28] =	ssyncadd.s32 $0xFFFFE000  }
0x79: {  	[spmem:s2] =	stream.indirect.scatter.add.f32 [tilespmem:s23], [sflag:$0xA], $0x40, s13, s18, $0xb8;
	[tilespmem:$0x1AF00] =	vst v63  }
0x7a: {  	_ =	swait.ge [sflag:s29], $0x2000  }
0x7b: {  	[sflag:s29] =	ssyncset.done $0x0  }
0x7c: {  	s12 =	sadd.s32 $0x300, s10;
	[sflag:s29] =	ssyncadd.s32 $0xFFFFE000  }
0x7d: {  	[tilespmem:s15], [sflag:$0x1] =	stream.indirect.gather [hbm4b:s4+s18], $0x40, s12, s18, $0xb8;
	[tilespmem:$0x1AF00] =	vst v63  }
0x7e: {  	_ =	swait.ge [sflag:s30], $0x2000  }
0x7f: {  	p0 =	sgt.u32 s9, $0xB;
	[sflag:s30] =	ssyncset.done $0x0  }
0x80: {  	s13 =	sadd.s32 $0x2980, s10;
	s10 =	simm.s32 @p0 $0x6;
	[sflag:s30] =	ssyncadd.s32 $0xFFFFE000  }
0x81: {  	[spmem:s2] =	stream.indirect.scatter.add.f32 [tilespmem:s25], [sflag:$0xB], $0x40, s13, s18, $0xb8;
	[tilespmem:$0x1AF00] =	vst v63  }
0x82: {  	_ =	swait.ge @p0 [sflag:s10], $0x2000  }
0x83: {  	[sflag:s10] =	ssyncset.done @p0 $0x0  }
0x84: {  	[sflag:s10] =	ssyncadd.s32 @p0 $0xFFFFE000;
	s10 =	sshra.s32 @p0 s8, $0x2  }
0x85: {  	s11 =	simm.s32 @p0 $0x80;
	s12 =	simm.s32 @p0 $0xEF00;
	s10 =	sadd.s32 @p0 $0x2A00, s10  }
0x86: {  	[spmem:s2] =	stream.indirect.scatter.add.f32 @p0 [tilespmem:s12], [sflag:$0xC], $0x40, s10, s11, $0xb8;
	[tilespmem:$0x1AF00] =	vst v63  }
0x87: {  	s10 =	simm.s32 @!p0 $0x8  }
0x88: {  	_ =	swait.ge @!p0 [sflag:s10], $0x2000  }
0x89: {  	[sflag:s10] =	ssyncset.done @!p0 $0x0  }
0x8a: {  	[sflag:s10] =	ssyncadd.s32 @!p0 $0xFFFFE000;
	s10 =	sshra.s32 @!p0 s8, $0x2  }
0x8b: {  	s13 =	simm.s32 @!p0 $0x6F00;
	s12 =	simm.s32 @!p0 $0x80;
	s11 =	sadd.s32 @!p0 $0x380, s10  }
0x8c: {  	[tilespmem:s13], [sflag:$0x2] =	stream.indirect.gather @!p0 [hbm4b:s4+s12], $0x40, s11, s12, $0xb8;
	[tilespmem:$0x1AF00] =	vst v63  }
0x8d: {  	s11 =	simm.s32 @!p0 $0x6  }
0x8e: {  	_ =	swait.ge @!p0 [sflag:s11], $0x2000  }
0x8f: {  	[sflag:s11] =	ssyncset.done @!p0 $0x0  }
0x90: {  	s13 =	simm.s32 @!p0 $0xEF00;
	[sflag:s11] =	ssyncadd.s32 @!p0 $0xFFFFE000;
	s11 =	sadd.s32 @!p0 $0x2A00, s10  }
0x91: {  	[spmem:s2] =	stream.indirect.scatter.add.f32 @!p0 [tilespmem:s13], [sflag:$0xC], $0x40, s11, s12, $0xb8;
	[tilespmem:$0x1AF00] =	vst v63  }
0x92: {  	s11 =	simm.s32 @!p0 $0x9  }
0x93: {  	_ =	swait.ge @!p0 [sflag:s11], $0x2000  }
0x94: {  	[sflag:s11] =	ssyncset.done @!p0 $0x0  }
0x95: {  	s10 =	sadd.s32 @!p0 $0x400, s10;
	[sflag:s11] =	ssyncadd.s32 @!p0 $0xFFFFE000;
	s11 =	simm.s32 @!p0 $0x8F00  }
0x96: {  	[tilespmem:s11], [sflag:$0x3] =	stream.indirect.gather @!p0 [hbm4b:s4+s12], $0x40, s10, s12, $0xb8;
	[tilespmem:$0x1AF00] =	vst v63  }
.LBB2_9:
0x97: {  	s8 =	sadd.s32 $0xC00, s8  }
0x98: {  	p0 =	sne.s32 s8, $0xA800  }
.Ltmp4:
0x99: {  	_ = 	snop;
	(pc) =	sbr.rel @!p0 .LBB2_10-.Ltmp4, $2  }
0x9a: {  	_ =	sdelay $0x2  }
0x9b: {  	s9 =	sadd.s32 $0x1, s9;
	s6 =	sadd.s32 $0x6, s6  }
.LBB2_4:
0x9c: {  	p0 =	seq.s32 s9, $0x0  }
.Ltmp5:
0x9d: {  	_ = 	snop;
	(pc) =	sbr.rel @p0 .LBB2_12-.Ltmp5, $4  }
0x9e: {  	_ =	swait.ge [sflag:s22], $0x2000  }
0x9f: {  	s10 =	sshra.s32 s8, $0x2;
	[sflag:s22] =	ssyncset.done $0x0  }
0xa0: {  	s11 =	sadd.s32 $0x2780, s10;
	[sflag:s22] =	ssyncadd.s32 $0xFFFFE000  }
0xa1: {  	[spmem:s2] =	stream.indirect.scatter.add.f32 [tilespmem:s15], [sflag:$0x7], $0x40, s11, s18, $0xb8;
	[tilespmem:$0x1AF00] =	vst v63  }
0xa2: {  	p0 =	seq.s32 s9, $0xD  }
.Ltmp6:
0xa3: {  	_ = 	snop;
	(pc) =	sbr.rel @p0 .LBB2_10-.Ltmp6, $1  }
0xa4: {  	_ =	sdelay $0x3  }
0xa5: {  	p0 =	sgt.u32 s6, $0x4E  }
.Ltmp7:
0xa6: {  	_ = 	snop;
	(pc) =	sbr.rel @p0 .LBB2_9-.Ltmp7, $4  }
0xa7: {  	_ =	swait.ge [sflag:s1], $0x2000  }
0xa8: {  	[sflag:s1] =	ssyncset.done $0x0  }
0xa9: {  	s11 =	sadd.s32 $0x180, s10;
	[sflag:s1] =	ssyncadd.s32 $0xFFFFE000  }
0xaa: {  	[tilespmem:s23], [sflag:$0x4] =	stream.indirect.gather [hbm4b:s4+s18], $0x40, s11, s18, $0xb8;
	[tilespmem:$0x1AF00] =	vst v63  }
0xab: {  	_ =	swait.ge [sflag:s16], $0x2000  }
0xac: {  	[sflag:s16] =	ssyncset.done $0x0  }
.Ltmp8:
0xad: {  	s11 =	sadd.s32 $0x2800, s10;
	[sflag:s16] =	ssyncadd.s32 $0xFFFFE000;
	(pc) =	sbr.rel .LBB2_8-.Ltmp8, $4  }
0xae: {  	[spmem:s2] =	stream.indirect.scatter.add.f32 [tilespmem:s19], [sflag:$0x8], $0x40, s11, s18, $0xb8;
	[tilespmem:$0x1AF00] =	vst v63  }
0xaf: {  	_ =	swait.ge [sflag:s14], $0x2000  }
0xb0: {  	[sflag:s14] =	ssyncset.done $0x0  }
0xb1: {  	[sflag:s14] =	ssyncadd.s32 $0xFFFFE000  }
.LBB2_11:
0xb2: {  	_ =	sfence.sel $0x180000  }
0xb3: {  	[bflag:$0x0] =	sbarrier.arrive $0xFFFF  }
0xb4: {  	_ =	strace $0x90000050  }
0xb5: {  	s0 =	stileid.u32;
	[bflag:$0x2] =	sbarrier.arrive $0xFFFF  }
0xb6: {  	p0 =	sne.s32 s0, $0x0;
	s0 =	rddreg [dreg:$0x2]  }
0xb7: {  	s0 =	sadd.s32 @!p0 $0x100000, s0  }
0xb8: {  	[sflag:s0] =	ssyncadd.tile.s32 @!p0 $0x1;
	_ =	shalt  }
.Lfunc_end2:
_tile_overlayer_lowered:
.L_overlay_start_2:
0xb9: {  	(tag) =	ssettag $0x2  }
0xba: {  	s0 =	rddreg [dreg:$0x0];
	s2 =	stileid.u32  }
0xbb: {  	s1 =	rddreg [dreg:$0x1];
	p0 =	sne.s32 s2, $0x0  }
0xbc: {  	s3 =	rddreg [dreg:$0x2];
	[bflag:$0x3] =	sbarrier.arrive $0xFFFF;
	s2 =	simm.s32 @!p0 $0x1C0D  }
0xbd: {  	[timem:s3], [sflag:s2] =	dma.local @!p0 [hbm:s0], s1  }
0xbe: {  	s0 =	simm.s32 @!p0 $0xD  }
0xbf: {  	_ =	swait.ge @!p0 [sflag:s0], s1  }
0xc0: {  	s1 =	ssub.s32 @!p0 $0x0, s1;
	[sflag:s0] =	ssyncset.done @!p0 $0x0  }
0xc1: {  	[sflag:s0] =	ssyncadd.s32 @!p0 s1  }
0xc2: {  	[bflag:$0x3] =	sbarrier.arrive $0xFFFF  }
0xc3: {  	_ =	shalt  }

</sc_bundles>
